<compile_context>
chip_gen: v7x
topology: tpu7x:2x2x1
jax: 0.10.2.dev20260603
libtpu: 0.0.44.dev20260713+nightly
codegen_flags: <defaults>
</compile_context>

<pallas_src>
import jax
import jax.numpy as jnp
from jax import lax
from jax.experimental import pallas as pl
from jax.experimental.pallas import tpu as pltpu
from jax.experimental.pallas import tpu_sc as plsc

N = 10000
E = 320000
F_IN = 128
H = 256
C_OUT = 64

NC = 2
NS = 16
NW = NC * NS

CHUNK = 80
N_ROW_CHUNKS = N // CHUNK
RC_PER_TILE = -(-N_ROW_CHUNKS // NS)
DEPTH = 3

_mesh = plsc.VectorSubcoreMesh(core_axis_name="c", subcore_axis_name="s")


def _zero_buf(buf, rows, width):
    lanes = width // 16

    def st(j, carry):
        buf[j // lanes, pl.ds(pl.multiple_of((j % lanes) * 16, 16), 16)] = (
            jnp.zeros((16,), jnp.float32))
        return carry
    lax.fori_loop(0, rows * lanes, st, 0)


def _ones_buf(buf, rows, width):
    lanes = width // 16

    def st(j, carry):
        buf[j // lanes, pl.ds(pl.multiple_of((j % lanes) * 16, 16), 16)] = (
            jnp.ones((16,), jnp.float32))
        return carry
    lax.fori_loop(0, rows * lanes, st, 0)


def _row_chunk0(s, j):
    q = jnp.minimum(s * RC_PER_TILE + j, N_ROW_CHUNKS - 1)
    return pl.multiple_of(q * CHUNK, 8)


def _fill_shared_zero(s, buf, sh_ref, sem):
    for j in range(RC_PER_TILE):
        r = _row_chunk0(s, j)
        pltpu.async_copy(buf, sh_ref.at[pl.ds(r, CHUNK)], sem)
    for j in range(RC_PER_TILE):
        r = _row_chunk0(s, j)
        pltpu.make_async_copy(buf, sh_ref.at[pl.ds(r, CHUNK)], sem).wait()


def _drain_shared(c, s, bufs, sems, sh_ref, out_ref):
    nb = 2

    def pull(q):
        b = q % nb
        r = _row_chunk0(s, q)
        return pltpu.async_copy(sh_ref.at[pl.ds(r, CHUNK)], bufs[b], sems[b])

    def push(q):
        b = q % nb
        r = _row_chunk0(s, q)
        return pltpu.async_copy(bufs[b], out_ref.at[c, pl.ds(r, CHUNK), :],
                                sems[b])

    pend = {}
    pend[0] = pull(0)
    pend[1] = pull(1)
    for q in range(RC_PER_TILE):
        pend.pop(q).wait()
        dsc = push(q)
        if q + nb < RC_PER_TILE:
            dsc.wait()
            pend[q + nb] = pull(q + nb)
        else:
            pend[q] = dsc
    for q in sorted(pend):
        pend[q].wait()


def _edge_pipeline(n, base, dst_ref, dst_bufs, sem_d, acc_sh, scat_src, sem_sc,
                   src_ref=None, src_bufs=None, sem_s=None,
                   table_ref=None, rows_bufs=None, sem_g=None, idx_add=None):
    gather = src_ref is not None

    def off_of(j):
        return pl.multiple_of(base + j * CHUNK, 8)

    def emitB(j, b):
        off = off_of(j)
        if gather:
            pltpu.async_copy(src_ref.at[pl.ds(off, CHUNK)], src_bufs[b], sem_s[b])
        pltpu.async_copy(dst_ref.at[pl.ds(off, CHUNK)], dst_bufs[b], sem_d[b])

    def emitA(b):
        pltpu.make_async_copy(scat_src(b), acc_sh.at[dst_bufs[b]], sem_sc[b]).wait()

    def emitC(j, b):
        off = off_of(j)
        if gather:
            pltpu.make_async_copy(src_ref.at[pl.ds(off, CHUNK)], src_bufs[b],
                                  sem_s[b]).wait()
            if idx_add is not None:
                def addo(k, carry):
                    o = pl.ds(pl.multiple_of(k * 16, 16), 16)
                    src_bufs[b][o] = src_bufs[b][o] + idx_add
                    return carry
                lax.fori_loop(0, CHUNK // 16, addo, 0)
            pltpu.async_copy(table_ref.at[src_bufs[b]], rows_bufs[b], sem_g).wait()
        pltpu.make_async_copy(dst_ref.at[pl.ds(off, CHUNK)], dst_bufs[b],
                              sem_d[b]).wait()
        pltpu.async_copy(scat_src(b), acc_sh.at[dst_bufs[b]], sem_sc[b], add=True)

    M = (n - 2) // DEPTH
    emitB(0, 0)
    emitB(1, 1)
    emitC(0, 0); emitB(2, 2)
    emitC(1, 1); emitA(0); emitB(3, 0)
    emitC(2, 2); emitA(1); emitB(4, 1)

    def body(t, carry):
        for k in range(DEPTH):
            j = t * DEPTH + k
            emitC(j, k)
            emitA((k + 2) % DEPTH)
            emitB(j + 2, (k + 2) % DEPTH)
        return carry
    lax.fori_loop(1, M, body, 0)

    for j in range(DEPTH * M, n):
        if j >= DEPTH * M + 2:
            emitA(j % DEPTH)
            emitB(j, j % DEPTH)
        emitC(j, j % DEPTH)
    for j in range(n - DEPTH, n):
        emitA(j % DEPTH)


def _sc_agg_x_body(src_ref, dst_ref, x_ref,
                   agg_out, cnt_out,
                   si0, si1, si2, di0, di1, di2, rv0, rv1, rv2, acc_sh,
                   sems0, sems1, sems2, semd0, semd1, semd2,
                   semc0, semc1, semc2, semg):
    c = lax.axis_index("c")
    s = lax.axis_index("s")
    w = c * NS + s
    src_bufs = (si0, si1, si2)
    dst_bufs = (di0, di1, di2)
    rows_bufs = (rv0, rv1, rv2)
    sem_s = (sems0, sems1, sems2)
    sem_d = (semd0, semd1, semd2)
    sem_sc = (semc0, semc1, semc2)

    _zero_buf(rv0, CHUNK, F_IN)
    _fill_shared_zero(s, rv0, acc_sh, semg)
    plsc.subcore_barrier()

    base = w * (E // NW)
    n_chunks = (E // NW) // CHUNK

    _edge_pipeline(n_chunks, base, dst_ref, dst_bufs, sem_d, acc_sh,
                   lambda b: rows_bufs[b], sem_sc,
                   src_ref=src_ref, src_bufs=src_bufs, sem_s=sem_s,
                   table_ref=x_ref, rows_bufs=rows_bufs, sem_g=semg)

    plsc.subcore_barrier()
    _drain_shared(c, s, (rv0, rv1), (semg, semc0), acc_sh, agg_out)
    plsc.subcore_barrier()

    _zero_buf(rv0, CHUNK, F_IN)
    _fill_shared_zero(s, rv0, acc_sh, semg)
    plsc.subcore_barrier()

    _ones_buf(rv0, CHUNK, F_IN)
    _edge_pipeline(n_chunks, base, dst_ref, dst_bufs, sem_d, acc_sh,
                   lambda b: rv0, sem_sc)

    plsc.subcore_barrier()
    _drain_shared(c, s, (rv1, rv2), (semg, semc0), acc_sh, cnt_out)


_sc_agg_x = pl.kernel(
    _sc_agg_x_body,
    out_type=[jax.ShapeDtypeStruct((NC, N, F_IN), jnp.float32),
              jax.ShapeDtypeStruct((NC, N, F_IN), jnp.float32)],
    mesh=_mesh,
    scratch_types=(
        [pltpu.VMEM((CHUNK,), jnp.int32)] * 3
        + [pltpu.VMEM((CHUNK,), jnp.int32)] * 3
        + [pltpu.VMEM((CHUNK, F_IN), jnp.float32)] * 3
        + [pltpu.VMEM_SHARED((N, F_IN), jnp.float32)]
        + [pltpu.SemaphoreType.DMA] * 10
    ),
)


def _sc_agg_p_body(src_ref, dst_ref, hp_ref,
                   agg_out,
                   si0, si1, si2, di0, di1, di2, rv0, rv1, rv2, acc_sh,
                   sems0, sems1, sems2, semd0, semd1, semd2,
                   semc0, semc1, semc2, semg):
    c = lax.axis_index("c")
    s = lax.axis_index("s")
    w = c * NS + s
    src_bufs = (si0, si1, si2)
    dst_bufs = (di0, di1, di2)
    rows_bufs = (rv0, rv1, rv2)
    sem_s = (sems0, sems1, sems2)
    sem_d = (semd0, semd1, semd2)
    sem_sc = (semc0, semc1, semc2)

    _zero_buf(rv0, CHUNK, F_IN)
    _fill_shared_zero(s, rv0, acc_sh, semg)
    plsc.subcore_barrier()

    base = w * (E // NW)
    n_chunks = (E // NW) // CHUNK

    _edge_pipeline(n_chunks, base, dst_ref, dst_bufs, sem_d, acc_sh,
                   lambda b: rows_bufs[b], sem_sc,
                   src_ref=src_ref, src_bufs=src_bufs, sem_s=sem_s,
                   table_ref=hp_ref, rows_bufs=rows_bufs, sem_g=semg)

    plsc.subcore_barrier()
    _drain_shared(c, s, (rv0, rv1), (semg, semc0), acc_sh, agg_out)


_sc_agg_p = pl.kernel(
    _sc_agg_p_body,
    out_type=jax.ShapeDtypeStruct((NC, N, F_IN), jnp.float32),
    mesh=_mesh,
    scratch_types=(
        [pltpu.VMEM((CHUNK,), jnp.int32)] * 3
        + [pltpu.VMEM((CHUNK,), jnp.int32)] * 3
        + [pltpu.VMEM((CHUNK, F_IN), jnp.float32)] * 3
        + [pltpu.VMEM_SHARED((N, F_IN), jnp.float32)]
        + [pltpu.SemaphoreType.DMA] * 10
    ),
)


BR = 1000


def _dotT(a, w):
    return lax.dot_general(a, w, (((1,), (1,)), ((), ())),
                           preferred_element_type=jnp.float32)


def _tc_layer1_body(agg_ref, cnt_ref, x_ref, w1l_ref, b1_ref, w1r_ref,
                    w2l_ref, wlin_ref,
                    h_ref, hp_ref):
    cnt = cnt_ref[0, :, 0:1] + cnt_ref[1, :, 0:1]
    denom = jnp.maximum(cnt, 1.0)
    agg = (agg_ref[0] + agg_ref[1]) / denom
    t = _dotT(agg, w1l_ref[...]) + b1_ref[...] + _dotT(x_ref[...], w1r_ref[...])
    h = jnp.maximum(t, 0.0)
    h_ref[0] = h[:, :H // 2]
    h_ref[1] = h[:, H // 2:]
    wcomb = lax.dot_general(wlin_ref[...], w2l_ref[...],
                            (((1,), (0,)), ((), ())),
                            preferred_element_type=jnp.float32)
    hp = _dotT(h, wcomb)
    hp_ref[...] = jnp.concatenate(
        [hp, jnp.zeros((hp.shape[0], F_IN - C_OUT), jnp.float32)], axis=1)


def _tc_layer2_body(agg2p_ref, cnt_ref, h_ref,
                    b2_ref, w2r_ref, wlin_ref, blin_ref,
                    out_ref):
    cnt = cnt_ref[0, :, 0:1] + cnt_ref[1, :, 0:1]
    denom = jnp.maximum(cnt, 1.0)
    aggp = (agg2p_ref[0, :, :C_OUT] + agg2p_ref[1, :, :C_OUT]) / denom
    hcat = jnp.concatenate([h_ref[0], h_ref[1]], axis=1)
    wh = wlin_ref[...] + lax.dot_general(wlin_ref[...], w2r_ref[...],
                                         (((1,), (0,)), ((), ())),
                                         preferred_element_type=jnp.float32)
    bcomb = blin_ref[...] + _dotT(b2_ref[...], wlin_ref[...])
    logits = _dotT(hcat, wh) + aggp + bcomb
    m = jnp.max(logits, axis=1, keepdims=True)
    lse = jnp.log(jnp.sum(jnp.exp(logits - m), axis=1, keepdims=True)) + m
    out_ref[...] = logits - lse


def _whole(shape):
    return pl.BlockSpec(shape, lambda i: tuple(0 for _ in shape))


def kernel(x, edge_index, W1l, b1, W1r, W2l, b2, W2r, Wlin, blin):
    src = edge_index[0].astype(jnp.int32)
    dst = edge_index[1].astype(jnp.int32)

    agg1, cnt1 = _sc_agg_x(src, dst, x)

    b1r = b1.reshape(1, H)
    b2r = b2.reshape(1, H)
    blinr = blin.reshape(1, C_OUT)

    grid = (N // BR,)
    h2, hp = pl.pallas_call(
        _tc_layer1_body,
        grid=grid,
        in_specs=[
            pl.BlockSpec((NC, BR, F_IN), lambda i: (0, i, 0)),
            pl.BlockSpec((NC, BR, F_IN), lambda i: (0, i, 0)),
            pl.BlockSpec((BR, F_IN), lambda i: (i, 0)),
            _whole((H, F_IN)), _whole((1, H)), _whole((H, F_IN)),
            _whole((H, H)), _whole((C_OUT, H)),
        ],
        out_specs=[
            pl.BlockSpec((NC, BR, H // 2), lambda i: (0, i, 0)),
            pl.BlockSpec((BR, F_IN), lambda i: (i, 0)),
        ],
        out_shape=[
            jax.ShapeDtypeStruct((NC, N, H // 2), jnp.float32),
            jax.ShapeDtypeStruct((N, F_IN), jnp.float32),
        ],
    )(agg1, cnt1, x, W1l, b1r, W1r, W2l, Wlin)

    agg2p = _sc_agg_p(src, dst, hp)

    out = pl.pallas_call(
        _tc_layer2_body,
        grid=grid,
        in_specs=[
            pl.BlockSpec((NC, BR, F_IN), lambda i: (0, i, 0)),
            pl.BlockSpec((NC, BR, F_IN), lambda i: (0, i, 0)),
            pl.BlockSpec((NC, BR, H // 2), lambda i: (0, i, 0)),
            _whole((1, H)), _whole((H, H)),
            _whole((C_OUT, H)), _whole((1, C_OUT)),
        ],
        out_specs=pl.BlockSpec((BR, C_OUT), lambda i: (i, 0)),
        out_shape=jax.ShapeDtypeStruct((N, C_OUT), jnp.float32),
    )(agg2p, cnt1, h2, b2r, W2r, Wlin, blinr)

    return (out, edge_index)

# --- scband reference (transcript-rebuilt; emitter-appended) ---
"""Pipeline reference for scband-sageconvolution-lin-skip-72911364817009 (READ-ONLY COPY).

The authoritative reference and input builder live on the scoring server;
editing this copy changes nothing except your own understanding.
"""

import jax, jax.numpy as jnp
import numpy as np

N = 10000
E = 320000
F_IN = 128
H = 256
C = 64


def setup_inputs(seed: int = 0) -> dict:
    key = jax.random.key(seed)
    ks = jax.random.split(key, 12)
    x = jax.random.normal(ks[0], (N, F_IN), dtype=jnp.float32)
    edge_index = jax.random.randint(ks[1], (2, E), 0, N)
    # SAGEConv1: lin_l (aggregated neighbors, with bias), lin_r (root, no bias)
    W1l = jax.random.normal(ks[2], (H, F_IN), dtype=jnp.float32) * (1.0 / np.sqrt(F_IN))
    b1 = jnp.zeros((H,), dtype=jnp.float32)
    W1r = jax.random.normal(ks[3], (H, F_IN), dtype=jnp.float32) * (1.0 / np.sqrt(F_IN))
    # SAGEConv2
    W2l = jax.random.normal(ks[4], (H, H), dtype=jnp.float32) * (1.0 / np.sqrt(H))
    b2 = jnp.zeros((H,), dtype=jnp.float32)
    W2r = jax.random.normal(ks[5], (H, H), dtype=jnp.float32) * (1.0 / np.sqrt(H))
    # final linear
    Wlin = jax.random.normal(ks[6], (C, H), dtype=jnp.float32) * (1.0 / np.sqrt(H))
    blin = jnp.zeros((C,), dtype=jnp.float32)
    return {
        "x": x,
        "edge_index": edge_index,
        "W1l": W1l,
        "b1": b1,
        "W1r": W1r,
        "W2l": W2l,
        "b2": b2,
        "W2r": W2r,
        "Wlin": Wlin,
        "blin": blin,
    }


def _sage_conv(x, edge_index, Wl, bl, Wr):
    # PyG SAGEConv with mean aggregation:
    # out = lin_l(mean_{j in N(i)} x_j) + lin_r(x_i)
    src = edge_index[0]
    dst = edge_index[1]
    msg = x[src]  # gather: [E, d]
    agg_sum = jax.ops.segment_sum(msg, dst, num_segments=N)
    cnt = jax.ops.segment_sum(jnp.ones((msg.shape[0],), dtype=x.dtype), dst, num_segments=N)
    agg_mean = agg_sum / jnp.maximum(cnt, 1.0)[:, None]
    return agg_mean @ Wl.T + bl + x @ Wr.T


def reference(x, edge_index, W1l, b1, W1r, W2l, b2, W2r, Wlin, blin):
    h = jax.nn.relu(_sage_conv(x, edge_index, W1l, b1, W1r))
    # dropout is identity in eval mode (training=False)
    h1 = _sage_conv(h, edge_index, W2l, b2, W2r)
    h = h + h1
    logits = h @ Wlin.T + blin
    out = jax.nn.log_softmax(logits, axis=1)
    return (out, edge_index)

if __name__ == "__main__":
    import jax
    _d = setup_inputs()
    print(jax.jit(kernel)(*tuple(_d.values())))

</pallas_src>

<mosaic_0001>
#map = affine_map<(d0, d1) -> (0)>
#map1 = affine_map<(d0, d1) -> (0, 0)>
#map2 = affine_map<(d0, d1) -> (0, 0, 0)>
module attributes {stable_mosaic.version = 14 : i64} {
  func.func @_sc_agg_x_body(%arg0: i32, %arg1: i32, %arg2: memref<320000xi32, #tpu.memory_space<hbm>>, %arg3: memref<320000xi32, #tpu.memory_space<hbm>>, %arg4: memref<10000x128xf32, #tpu.memory_space<hbm>>, %arg5: memref<2x10000x128xf32, #tpu.memory_space<hbm>>, %arg6: memref<2x10000x128xf32, #tpu.memory_space<hbm>>, %arg7: memref<80xi32, #tpu.memory_space<vmem>>, %arg8: memref<80xi32, #tpu.memory_space<vmem>>, %arg9: memref<80xi32, #tpu.memory_space<vmem>>, %arg10: memref<80xi32, #tpu.memory_space<vmem>>, %arg11: memref<80xi32, #tpu.memory_space<vmem>>, %arg12: memref<80xi32, #tpu.memory_space<vmem>>, %arg13: memref<80x128xf32, #tpu.memory_space<vmem>>, %arg14: memref<80x128xf32, #tpu.memory_space<vmem>>, %arg15: memref<80x128xf32, #tpu.memory_space<vmem>>, %arg16: memref<10000x128xf32, #tpu.memory_space<vmem_shared>>, %arg17: memref<!tpu.dma_semaphore, #tpu.memory_space<semaphore_mem>>, %arg18: memref<!tpu.dma_semaphore, #tpu.memory_space<semaphore_mem>>, %arg19: memref<!tpu.dma_semaphore, #tpu.memory_space<semaphore_mem>>, %arg20: memref<!tpu.dma_semaphore, #tpu.memory_space<semaphore_mem>>, %arg21: memref<!tpu.dma_semaphore, #tpu.memory_space<semaphore_mem>>, %arg22: memref<!tpu.dma_semaphore, #tpu.memory_space<semaphore_mem>>, %arg23: memref<!tpu.dma_semaphore, #tpu.memory_space<semaphore_mem>>, %arg24: memref<!tpu.dma_semaphore, #tpu.memory_space<semaphore_mem>>, %arg25: memref<!tpu.dma_semaphore, #tpu.memory_space<semaphore_mem>>, %arg26: memref<!tpu.dma_semaphore, #tpu.memory_space<semaphore_mem>>) attributes {dimension_semantics = [#tpu.dimension_semantics<core_parallel>, #tpu.dimension_semantics<subcore_parallel>], iteration_bounds = array<i64: 2, 16>, scalar_prefetch = 0 : i64, scratch_operands = 20 : i64, tpu.core_type = #tpu.core_type<sc_vector_subcore>, window_params = [{transform_indices = #map}, {transform_indices = #map}, {transform_indices = #map1}, {transform_indices = #map2}, {transform_indices = #map2}]} {
    %mul3A = arith.constant 16 : i32
    %mul3A_0 = arith.muli %arg0, %mul3A : i32
    %add3A = arith.addi %mul3A_0, %arg1 : i32
    %scan3A = arith.constant 0 : i32
    %scan3A_1 = arith.constant 0 : i32
    %scan3A_2 = arith.constant 640 : i32
    %scan3A_3 = arith.addi %scan3A_1, %scan3A_2 : i32
    %scan3A_4 = arith.constant 1 : i32
    scf.for %scan3A_1266 = %scan3A_1 to %scan3A_3 step %scan3A_4  : i32 {
      %broadcast_in_dim3A = arith.constant 0.000000e+00 : f32
      %broadcast_in_dim3A_1267 = vector.broadcast %broadcast_in_dim3A : f32 to vector<16xf32>
      %jit3A = arith.constant 8 : i32
      %div3A = arith.divsi %scan3A_1266, %jit3A : i32
      %sign3A = arith.constant 0 : i32
      %sign3A_1268 = arith.cmpi sgt, %scan3A_1266, %sign3A : i32
      %sign3A_1269 = arith.extui %sign3A_1268 : i1 to i32
      %sign3A_1270 = arith.constant 0 : i32
      %sign3A_1271 = arith.cmpi slt, %scan3A_1266, %sign3A_1270 : i32
      %sign3A_1272 = arith.extui %sign3A_1271 : i1 to i32
      %sign3A_1273 = arith.subi %sign3A_1269, %sign3A_1272 : i32
      %sign3A_1274 = arith.constant 0 : i32
      %sign3A_1275 = arith.cmpi sgt, %jit3A, %sign3A_1274 : i32
      %sign3A_1276 = arith.extui %sign3A_1275 : i1 to i32
      %sign3A_1277 = arith.constant 0 : i32
      %sign3A_1278 = arith.cmpi slt, %jit3A, %sign3A_1277 : i32
      %sign3A_1279 = arith.extui %sign3A_1278 : i1 to i32
      %sign3A_1280 = arith.subi %sign3A_1276, %sign3A_1279 : i32
      %ne3A = arith.cmpi ne, %sign3A_1273, %sign3A_1280 : i32
      %rem3A = arith.remsi %scan3A_1266, %jit3A : i32
      %ne3A_1281 = arith.constant 0 : i32
      %ne3A_1282 = arith.cmpi ne, %rem3A, %ne3A_1281 : i32
      %and3A = arith.andi %ne3A, %ne3A_1282 : i1
      %sub3A = arith.constant 1 : i32
      %sub3A_1283 = arith.subi %div3A, %sub3A : i32
      %select_n3A = arith.select %and3A, %sub3A_1283, %div3A : i32
      %jit3A_1284 = arith.constant 8 : i32
      %eq3A = arith.constant 0 : i32
      %eq3A_1285 = arith.cmpi eq, %jit3A_1284, %eq3A : i32
      %jit3A_1286 = arith.constant 1 : i32
      %select_n3A_1287 = arith.select %eq3A_1285, %jit3A_1286, %jit3A_1284 : i32
      %rem3A_1288 = arith.remsi %scan3A_1266, %select_n3A_1287 : i32
      %ne3A_1289 = arith.constant 0 : i32
      %ne3A_1290 = arith.cmpi ne, %rem3A_1288, %ne3A_1289 : i32
      %lt3A = arith.constant 0 : i32
      %lt3A_1291 = arith.cmpi slt, %rem3A_1288, %lt3A : i32
      %lt3A_1292 = arith.constant 0 : i32
      %lt3A_1293 = arith.cmpi slt, %select_n3A_1287, %lt3A_1292 : i32
      %ne3A_1294 = arith.xori %lt3A_1291, %lt3A_1293 : i1
      %and3A_1295 = arith.andi %ne3A_1294, %ne3A_1290 : i1
      %add3A_1296 = arith.addi %rem3A_1288, %select_n3A_1287 : i32
      %select_n3A_1297 = arith.select %and3A_1295, %add3A_1296, %rem3A_1288 : i32
      %mul3A_1298 = arith.constant 16 : i32
      %mul3A_1299 = arith.muli %select_n3A_1297, %mul3A_1298 : i32
      %multiple_of3A_1300 = tpu.assume_multiple %mul3A_1299, 16 : i32
      %swap3A = arith.index_cast %select_n3A : i32 to index
      %swap3A_1301 = arith.index_cast %multiple_of3A_1300 : i32 to index
      %swap3A_1302 = tpu.vector_load %arg13[%swap3A, %swap3A_1301] {strides = array<i32>} : memref<80x128xf32, #tpu.memory_space<vmem>>, vector<1x16xf32>,
      %swap3A_1303 = vector.shape_cast %swap3A_1302 : vector<1x16xf32> to vector<16xf32>
      %swap3A_1304 = vector.shape_cast %broadcast_in_dim3A_1267 : vector<16xf32> to vector<1x16xf32>
      tpu.vector_store %arg13[%swap3A, %swap3A_1301], %swap3A_1304 {strides = array<i32>} : memref<80x128xf32, #tpu.memory_space<vmem>>, vector<1x16xf32>,
    }
    %scan3A_5 = arith.constant 640 : i32
    %mul3A_6 = arith.constant 8 : i32
    %mul3A_7 = arith.muli %arg1, %mul3A_6 : i32
    %add3A_8 = arith.constant 0 : i32
    %add3A_9 = arith.addi %mul3A_7, %add3A_8 : i32
    %min3A = arith.constant 124 : i32
    %min3A_10 = arith.minsi %add3A_9, %min3A : i32
    %mul3A_11 = arith.constant 80 : i32
    %mul3A_12 = arith.muli %min3A_10, %mul3A_11 : i32
    %multiple_of3A = tpu.assume_multiple %mul3A_12, 8 : i32
    %dma_start3A = arith.constant 0 : i32
    %dma_start3A_13 = tpu.memref_slice %arg16[%multiple_of3A, %dma_start3A] : memref<10000x128xf32, #tpu.memory_space<vmem_shared>> -> memref<80x128xf32, #tpu.memory_space<vmem_shared>>
    %dma_start3A_14 = arith.constant 0 : i32
    %dma_start3A_15 = tpu.memref_slice %arg16[%multiple_of3A, %dma_start3A_14] : memref<10000x128xf32, #tpu.memory_space<vmem_shared>> -> memref<80x128xf32, #tpu.memory_space<vmem_shared>>
    tpu.enqueue_dma source(%arg13 : memref<80x128xf32, #tpu.memory_space<vmem>>) target(%dma_start3A_15 : memref<80x128xf32, #tpu.memory_space<vmem_shared>>) target_semaphore(%arg26 : memref<!tpu.dma_semaphore, #tpu.memory_space<semaphore_mem>>)
    %mul3A_16 = arith.constant 8 : i32
    %mul3A_17 = arith.muli %arg1, %mul3A_16 : i32
    %add3A_18 = arith.constant 1 : i32
    %add3A_19 = arith.addi %mul3A_17, %add3A_18 : i32
    %min3A_20 = arith.constant 124 : i32
    %min3A_21 = arith.minsi %add3A_19, %min3A_20 : i32
    %mul3A_22 = arith.constant 80 : i32
    %mul3A_23 = arith.muli %min3A_21, %mul3A_22 : i32
    %multiple_of3A_24 = tpu.assume_multiple %mul3A_23, 8 : i32
    %dma_start3A_25 = arith.constant 0 : i32
    %dma_start3A_26 = tpu.memref_slice %arg16[%multiple_of3A_24, %dma_start3A_25] : memref<10000x128xf32, #tpu.memory_space<vmem_shared>> -> memref<80x128xf32, #tpu.memory_space<vmem_shared>>
    %dma_start3A_27 = arith.constant 0 : i32
    %dma_start3A_28 = tpu.memref_slice %arg16[%multiple_of3A_24, %dma_start3A_27] : memref<10000x128xf32, #tpu.memory_space<vmem_shared>> -> memref<80x128xf32, #tpu.memory_space<vmem_shared>>
    tpu.enqueue_dma source(%arg13 : memref<80x128xf32, #tpu.memory_space<vmem>>) target(%dma_start3A_28 : memref<80x128xf32, #tpu.memory_space<vmem_shared>>) target_semaphore(%arg26 : memref<!tpu.dma_semaphore, #tpu.memory_space<semaphore_mem>>)
    %mul3A_29 = arith.constant 8 : i32
    %mul3A_30 = arith.muli %arg1, %mul3A_29 : i32
    %add3A_31 = arith.constant 2 : i32
    %add3A_32 = arith.addi %mul3A_30, %add3A_31 : i32
    %min3A_33 = arith.constant 124 : i32
    %min3A_34 = arith.minsi %add3A_32, %min3A_33 : i32
    %mul3A_35 = arith.constant 80 : i32
    %mul3A_36 = arith.muli %min3A_34, %mul3A_35 : i32
    %multiple_of3A_37 = tpu.assume_multiple %mul3A_36, 8 : i32
    %dma_start3A_38 = arith.constant 0 : i32
    %dma_start3A_39 = tpu.memref_slice %arg16[%multiple_of3A_37, %dma_start3A_38] : memref<10000x128xf32, #tpu.memory_space<vmem_shared>> -> memref<80x128xf32, #tpu.memory_space<vmem_shared>>
    %dma_start3A_40 = arith.constant 0 : i32
    %dma_start3A_41 = tpu.memref_slice %arg16[%multiple_of3A_37, %dma_start3A_40] : memref<10000x128xf32, #tpu.memory_space<vmem_shared>> -> memref<80x128xf32, #tpu.memory_space<vmem_shared>>
    tpu.enqueue_dma source(%arg13 : memref<80x128xf32, #tpu.memory_space<vmem>>) target(%dma_start3A_41 : memref<80x128xf32, #tpu.memory_space<vmem_shared>>) target_semaphore(%arg26 : memref<!tpu.dma_semaphore, #tpu.memory_space<semaphore_mem>>)
    %mul3A_42 = arith.constant 8 : i32
    %mul3A_43 = arith.muli %arg1, %mul3A_42 : i32
    %add3A_44 = arith.constant 3 : i32
    %add3A_45 = arith.addi %mul3A_43, %add3A_44 : i32
    %min3A_46 = arith.constant 124 : i32
    %min3A_47 = arith.minsi %add3A_45, %min3A_46 : i32
    %mul3A_48 = arith.constant 80 : i32
    %mul3A_49 = arith.muli %min3A_47, %mul3A_48 : i32
    %multiple_of3A_50 = tpu.assume_multiple %mul3A_49, 8 : i32
    %dma_start3A_51 = arith.constant 0 : i32
    %dma_start3A_52 = tpu.memref_slice %arg16[%multiple_of3A_50, %dma_start3A_51] : memref<10000x128xf32, #tpu.memory_space<vmem_shared>> -> memref<80x128xf32, #tpu.memory_space<vmem_shared>>
    %dma_start3A_53 = arith.constant 0 : i32
    %dma_start3A_54 = tpu.memref_slice %arg16[%multiple_of3A_50, %dma_start3A_53] : memref<10000x128xf32, #tpu.memory_space<vmem_shared>> -> memref<80x128xf32, #tpu.memory_space<vmem_shared>>
    tpu.enqueue_dma source(%arg13 : memref<80x128xf32, #tpu.memory_space<vmem>>) target(%dma_start3A_54 : memref<80x128xf32, #tpu.memory_space<vmem_shared>>) target_semaphore(%arg26 : memref<!tpu.dma_semaphore, #tpu.memory_space<semaphore_mem>>)
    %mul3A_55 = arith.constant 8 : i32
    %mul3A_56 = arith.muli %arg1, %mul3A_55 : i32
    %add3A_57 = arith.constant 4 : i32
    %add3A_58 = arith.addi %mul3A_56, %add3A_57 : i32
    %min3A_59 = arith.constant 124 : i32
    %min3A_60 = arith.minsi %add3A_58, %min3A_59 : i32
    %mul3A_61 = arith.constant 80 : i32
    %mul3A_62 = arith.muli %min3A_60, %mul3A_61 : i32
    %multiple_of3A_63 = tpu.assume_multiple %mul3A_62, 8 : i32
    %dma_start3A_64 = arith.constant 0 : i32
    %dma_start3A_65 = tpu.memref_slice %arg16[%multiple_of3A_63, %dma_start3A_64] : memref<10000x128xf32, #tpu.memory_space<vmem_shared>> -> memref<80x128xf32, #tpu.memory_space<vmem_shared>>
    %dma_start3A_66 = arith.constant 0 : i32
    %dma_start3A_67 = tpu.memref_slice %arg16[%multiple_of3A_63, %dma_start3A_66] : memref<10000x128xf32, #tpu.memory_space<vmem_shared>> -> memref<80x128xf32, #tpu.memory_space<vmem_shared>>
    tpu.enqueue_dma source(%arg13 : memref<80x128xf32, #tpu.memory_space<vmem>>) target(%dma_start3A_67 : memref<80x128xf32, #tpu.memory_space<vmem_shared>>) target_semaphore(%arg26 : memref<!tpu.dma_semaphore, #tpu.memory_space<semaphore_mem>>)
    %mul3A_68 = arith.constant 8 : i32
    %mul3A_69 = arith.muli %arg1, %mul3A_68 : i32
    %add3A_70 = arith.constant 5 : i32
    %add3A_71 = arith.addi %mul3A_69, %add3A_70 : i32
    %min3A_72 = arith.constant 124 : i32
    %min3A_73 = arith.minsi %add3A_71, %min3A_72 : i32
    %mul3A_74 = arith.constant 80 : i32
    %mul3A_75 = arith.muli %min3A_73, %mul3A_74 : i32
    %multiple_of3A_76 = tpu.assume_multiple %mul3A_75, 8 : i32
    %dma_start3A_77 = arith.constant 0 : i32
    %dma_start3A_78 = tpu.memref_slice %arg16[%multiple_of3A_76, %dma_start3A_77] : memref<10000x128xf32, #tpu.memory_space<vmem_shared>> -> memref<80x128xf32, #tpu.memory_space<vmem_shared>>
    %dma_start3A_79 = arith.constant 0 : i32
    %dma_start3A_80 = tpu.memref_slice %arg16[%multiple_of3A_76, %dma_start3A_79] : memref<10000x128xf32, #tpu.memory_space<vmem_shared>> -> memref<80x128xf32, #tpu.memory_space<vmem_shared>>
    tpu.enqueue_dma source(%arg13 : memref<80x128xf32, #tpu.memory_space<vmem>>) target(%dma_start3A_80 : memref<80x128xf32, #tpu.memory_space<vmem_shared>>) target_semaphore(%arg26 : memref<!tpu.dma_semaphore, #tpu.memory_space<semaphore_mem>>)
    %mul3A_81 = arith.constant 8 : i32
    %mul3A_82 = arith.muli %arg1, %mul3A_81 : i32
    %add3A_83 = arith.constant 6 : i32
    %add3A_84 = arith.addi %mul3A_82, %add3A_83 : i32
    %min3A_85 = arith.constant 124 : i32
    %min3A_86 = arith.minsi %add3A_84, %min3A_85 : i32
    %mul3A_87 = arith.constant 80 : i32
    %mul3A_88 = arith.muli %min3A_86, %mul3A_87 : i32
    %multiple_of3A_89 = tpu.assume_multiple %mul3A_88, 8 : i32
    %dma_start3A_90 = arith.constant 0 : i32
    %dma_start3A_91 = tpu.memref_slice %arg16[%multiple_of3A_89, %dma_start3A_90] : memref<10000x128xf32, #tpu.memory_space<vmem_shared>> -> memref<80x128xf32, #tpu.memory_space<vmem_shared>>
    %dma_start3A_92 = arith.constant 0 : i32
    %dma_start3A_93 = tpu.memref_slice %arg16[%multiple_of3A_89, %dma_start3A_92] : memref<10000x128xf32, #tpu.memory_space<vmem_shared>> -> memref<80x128xf32, #tpu.memory_space<vmem_shared>>
    tpu.enqueue_dma source(%arg13 : memref<80x128xf32, #tpu.memory_space<vmem>>) target(%dma_start3A_93 : memref<80x128xf32, #tpu.memory_space<vmem_shared>>) target_semaphore(%arg26 : memref<!tpu.dma_semaphore, #tpu.memory_space<semaphore_mem>>)
    %mul3A_94 = arith.constant 8 : i32
    %mul3A_95 = arith.muli %arg1, %mul3A_94 : i32
    %add3A_96 = arith.constant 7 : i32
    %add3A_97 = arith.addi %mul3A_95, %add3A_96 : i32
    %min3A_98 = arith.constant 124 : i32
    %min3A_99 = arith.minsi %add3A_97, %min3A_98 : i32
    %mul3A_100 = arith.constant 80 : i32
    %mul3A_101 = arith.muli %min3A_99, %mul3A_100 : i32
    %multiple_of3A_102 = tpu.assume_multiple %mul3A_101, 8 : i32
    %dma_start3A_103 = arith.constant 0 : i32
    %dma_start3A_104 = tpu.memref_slice %arg16[%multiple_of3A_102, %dma_start3A_103] : memref<10000x128xf32, #tpu.memory_space<vmem_shared>> -> memref<80x128xf32, #tpu.memory_space<vmem_shared>>
    %dma_start3A_105 = arith.constant 0 : i32
    %dma_start3A_106 = tpu.memref_slice %arg16[%multiple_of3A_102, %dma_start3A_105] : memref<10000x128xf32, #tpu.memory_space<vmem_shared>> -> memref<80x128xf32, #tpu.memory_space<vmem_shared>>
    tpu.enqueue_dma source(%arg13 : memref<80x128xf32, #tpu.memory_space<vmem>>) target(%dma_start3A_106 : memref<80x128xf32, #tpu.memory_space<vmem_shared>>) target_semaphore(%arg26 : memref<!tpu.dma_semaphore, #tpu.memory_space<semaphore_mem>>)
    %mul3A_107 = arith.constant 8 : i32
    %mul3A_108 = arith.muli %arg1, %mul3A_107 : i32
    %add3A_109 = arith.constant 0 : i32
    %add3A_110 = arith.addi %mul3A_108, %add3A_109 : i32
    %min3A_111 = arith.constant 124 : i32
    %min3A_112 = arith.minsi %add3A_110, %min3A_111 : i32
    %mul3A_113 = arith.constant 80 : i32
    %mul3A_114 = arith.muli %min3A_112, %mul3A_113 : i32
    %multiple_of3A_115 = tpu.assume_multiple %mul3A_114, 8 : i32
    %dma_wait3A = arith.constant 0 : i32
    %dma_wait3A_116 = tpu.memref_slice %arg16[%multiple_of3A_115, %dma_wait3A] : memref<10000x128xf32, #tpu.memory_space<vmem_shared>> -> memref<80x128xf32, #tpu.memory_space<vmem_shared>>
    %dma_wait3A_117 = arith.constant 0 : i32
    %dma_wait3A_118 = tpu.memref_slice %arg16[%multiple_of3A_115, %dma_wait3A_117] : memref<10000x128xf32, #tpu.memory_space<vmem_shared>> -> memref<80x128xf32, #tpu.memory_space<vmem_shared>>
    tpu.wait_dma2 semaphore(%arg26 : memref<!tpu.dma_semaphore, #tpu.memory_space<semaphore_mem>>) src(%arg13 : memref<80x128xf32, #tpu.memory_space<vmem>>) dst(%dma_wait3A_118 : memref<80x128xf32, #tpu.memory_space<vmem_shared>>)
    %mul3A_119 = arith.constant 8 : i32
    %mul3A_120 = arith.muli %arg1, %mul3A_119 : i32
    %add3A_121 = arith.constant 1 : i32
    %add3A_122 = arith.addi %mul3A_120, %add3A_121 : i32
    %min3A_123 = arith.constant 124 : i32
    %min3A_124 = arith.minsi %add3A_122, %min3A_123 : i32
    %mul3A_125 = arith.constant 80 : i32
    %mul3A_126 = arith.muli %min3A_124, %mul3A_125 : i32
    %multiple_of3A_127 = tpu.assume_multiple %mul3A_126, 8 : i32
    %dma_wait3A_128 = arith.constant 0 : i32
    %dma_wait3A_129 = tpu.memref_slice %arg16[%multiple_of3A_127, %dma_wait3A_128] : memref<10000x128xf32, #tpu.memory_space<vmem_shared>> -> memref<80x128xf32, #tpu.memory_space<vmem_shared>>
    %dma_wait3A_130 = arith.constant 0 : i32
    %dma_wait3A_131 = tpu.memref_slice %arg16[%multiple_of3A_127, %dma_wait3A_130] : memref<10000x128xf32, #tpu.memory_space<vmem_shared>> -> memref<80x128xf32, #tpu.memory_space<vmem_shared>>
    tpu.wait_dma2 semaphore(%arg26 : memref<!tpu.dma_semaphore, #tpu.memory_space<semaphore_mem>>) src(%arg13 : memref<80x128xf32, #tpu.memory_space<vmem>>) dst(%dma_wait3A_131 : memref<80x128xf32, #tpu.memory_space<vmem_shared>>)
    %mul3A_132 = arith.constant 8 : i32
    %mul3A_133 = arith.muli %arg1, %mul3A_132 : i32
    %add3A_134 = arith.constant 2 : i32
    %add3A_135 = arith.addi %mul3A_133, %add3A_134 : i32
    %min3A_136 = arith.constant 124 : i32
    %min3A_137 = arith.minsi %add3A_135, %min3A_136 : i32
    %mul3A_138 = arith.constant 80 : i32
    %mul3A_139 = arith.muli %min3A_137, %mul3A_138 : i32
    %multiple_of3A_140 = tpu.assume_multiple %mul3A_139, 8 : i32
    %dma_wait3A_141 = arith.constant 0 : i32
    %dma_wait3A_142 = tpu.memref_slice %arg16[%multiple_of3A_140, %dma_wait3A_141] : memref<10000x128xf32, #tpu.memory_space<vmem_shared>> -> memref<80x128xf32, #tpu.memory_space<vmem_shared>>
    %dma_wait3A_143 = arith.constant 0 : i32
    %dma_wait3A_144 = tpu.memref_slice %arg16[%multiple_of3A_140, %dma_wait3A_143] : memref<10000x128xf32, #tpu.memory_space<vmem_shared>> -> memref<80x128xf32, #tpu.memory_space<vmem_shared>>
    tpu.wait_dma2 semaphore(%arg26 : memref<!tpu.dma_semaphore, #tpu.memory_space<semaphore_mem>>) src(%arg13 : memref<80x128xf32, #tpu.memory_space<vmem>>) dst(%dma_wait3A_144 : memref<80x128xf32, #tpu.memory_space<vmem_shared>>)
    %mul3A_145 = arith.constant 8 : i32
    %mul3A_146 = arith.muli %arg1, %mul3A_145 : i32
    %add3A_147 = arith.constant 3 : i32
    %add3A_148 = arith.addi %mul3A_146, %add3A_147 : i32
    %min3A_149 = arith.constant 124 : i32
    %min3A_150 = arith.minsi %add3A_148, %min3A_149 : i32
    %mul3A_151 = arith.constant 80 : i32
    %mul3A_152 = arith.muli %min3A_150, %mul3A_151 : i32
    %multiple_of3A_153 = tpu.assume_multiple %mul3A_152, 8 : i32
    %dma_wait3A_154 = arith.constant 0 : i32
    %dma_wait3A_155 = tpu.memref_slice %arg16[%multiple_of3A_153, %dma_wait3A_154] : memref<10000x128xf32, #tpu.memory_space<vmem_shared>> -> memref<80x128xf32, #tpu.memory_space<vmem_shared>>
    %dma_wait3A_156 = arith.constant 0 : i32
    %dma_wait3A_157 = tpu.memref_slice %arg16[%multiple_of3A_153, %dma_wait3A_156] : memref<10000x128xf32, #tpu.memory_space<vmem_shared>> -> memref<80x128xf32, #tpu.memory_space<vmem_shared>>
    tpu.wait_dma2 semaphore(%arg26 : memref<!tpu.dma_semaphore, #tpu.memory_space<semaphore_mem>>) src(%arg13 : memref<80x128xf32, #tpu.memory_space<vmem>>) dst(%dma_wait3A_157 : memref<80x128xf32, #tpu.memory_space<vmem_shared>>)
    %mul3A_158 = arith.constant 8 : i32
    %mul3A_159 = arith.muli %arg1, %mul3A_158 : i32
    %add3A_160 = arith.constant 4 : i32
    %add3A_161 = arith.addi %mul3A_159, %add3A_160 : i32
    %min3A_162 = arith.constant 124 : i32
    %min3A_163 = arith.minsi %add3A_161, %min3A_162 : i32
    %mul3A_164 = arith.constant 80 : i32
    %mul3A_165 = arith.muli %min3A_163, %mul3A_164 : i32
    %multiple_of3A_166 = tpu.assume_multiple %mul3A_165, 8 : i32
    %dma_wait3A_167 = arith.constant 0 : i32
    %dma_wait3A_168 = tpu.memref_slice %arg16[%multiple_of3A_166, %dma_wait3A_167] : memref<10000x128xf32, #tpu.memory_space<vmem_shared>> -> memref<80x128xf32, #tpu.memory_space<vmem_shared>>
    %dma_wait3A_169 = arith.constant 0 : i32
    %dma_wait3A_170 = tpu.memref_slice %arg16[%multiple_of3A_166, %dma_wait3A_169] : memref<10000x128xf32, #tpu.memory_space<vmem_shared>> -> memref<80x128xf32, #tpu.memory_space<vmem_shared>>
    tpu.wait_dma2 semaphore(%arg26 : memref<!tpu.dma_semaphore, #tpu.memory_space<semaphore_mem>>) src(%arg13 : memref<80x128xf32, #tpu.memory_space<vmem>>) dst(%dma_wait3A_170 : memref<80x128xf32, #tpu.memory_space<vmem_shared>>)
    %mul3A_171 = arith.constant 8 : i32
    %mul3A_172 = arith.muli %arg1, %mul3A_171 : i32
    %add3A_173 = arith.constant 5 : i32
    %add3A_174 = arith.addi %mul3A_172, %add3A_173 : i32
    %min3A_175 = arith.constant 124 : i32
    %min3A_176 = arith.minsi %add3A_174, %min3A_175 : i32
    %mul3A_177 = arith.constant 80 : i32
    %mul3A_178 = arith.muli %min3A_176, %mul3A_177 : i32
    %multiple_of3A_179 = tpu.assume_multiple %mul3A_178, 8 : i32
    %dma_wait3A_180 = arith.constant 0 : i32
    %dma_wait3A_181 = tpu.memref_slice %arg16[%multiple_of3A_179, %dma_wait3A_180] : memref<10000x128xf32, #tpu.memory_space<vmem_shared>> -> memref<80x128xf32, #tpu.memory_space<vmem_shared>>
    %dma_wait3A_182 = arith.constant 0 : i32
    %dma_wait3A_183 = tpu.memref_slice %arg16[%multiple_of3A_179, %dma_wait3A_182] : memref<10000x128xf32, #tpu.memory_space<vmem_shared>> -> memref<80x128xf32, #tpu.memory_space<vmem_shared>>
    tpu.wait_dma2 semaphore(%arg26 : memref<!tpu.dma_semaphore, #tpu.memory_space<semaphore_mem>>) src(%arg13 : memref<80x128xf32, #tpu.memory_space<vmem>>) dst(%dma_wait3A_183 : memref<80x128xf32, #tpu.memory_space<vmem_shared>>)
    %mul3A_184 = arith.constant 8 : i32
    %mul3A_185 = arith.muli %arg1, %mul3A_184 : i32
    %add3A_186 = arith.constant 6 : i32
    %add3A_187 = arith.addi %mul3A_185, %add3A_186 : i32
    %min3A_188 = arith.constant 124 : i32
    %min3A_189 = arith.minsi %add3A_187, %min3A_188 : i32
    %mul3A_190 = arith.constant 80 : i32
    %mul3A_191 = arith.muli %min3A_189, %mul3A_190 : i32
    %multiple_of3A_192 = tpu.assume_multiple %mul3A_191, 8 : i32
    %dma_wait3A_193 = arith.constant 0 : i32
    %dma_wait3A_194 = tpu.memref_slice %arg16[%multiple_of3A_192, %dma_wait3A_193] : memref<10000x128xf32, #tpu.memory_space<vmem_shared>> -> memref<80x128xf32, #tpu.memory_space<vmem_shared>>
    %dma_wait3A_195 = arith.constant 0 : i32
    %dma_wait3A_196 = tpu.memref_slice %arg16[%multiple_of3A_192, %dma_wait3A_195] : memref<10000x128xf32, #tpu.memory_space<vmem_shared>> -> memref<80x128xf32, #tpu.memory_space<vmem_shared>>
    tpu.wait_dma2 semaphore(%arg26 : memref<!tpu.dma_semaphore, #tpu.memory_space<semaphore_mem>>) src(%arg13 : memref<80x128xf32, #tpu.memory_space<vmem>>) dst(%dma_wait3A_196 : memref<80x128xf32, #tpu.memory_space<vmem_shared>>)
    %mul3A_197 = arith.constant 8 : i32
    %mul3A_198 = arith.muli %arg1, %mul3A_197 : i32
    %add3A_199 = arith.constant 7 : i32
    %add3A_200 = arith.addi %mul3A_198, %add3A_199 : i32
    %min3A_201 = arith.constant 124 : i32
    %min3A_202 = arith.minsi %add3A_200, %min3A_201 : i32
    %mul3A_203 = arith.constant 80 : i32
    %mul3A_204 = arith.muli %min3A_202, %mul3A_203 : i32
    %multiple_of3A_205 = tpu.assume_multiple %mul3A_204, 8 : i32
    %dma_wait3A_206 = arith.constant 0 : i32
    %dma_wait3A_207 = tpu.memref_slice %arg16[%multiple_of3A_205, %dma_wait3A_206] : memref<10000x128xf32, #tpu.memory_space<vmem_shared>> -> memref<80x128xf32, #tpu.memory_space<vmem_shared>>
    %dma_wait3A_208 = arith.constant 0 : i32
    %dma_wait3A_209 = tpu.memref_slice %arg16[%multiple_of3A_205, %dma_wait3A_208] : memref<10000x128xf32, #tpu.memory_space<vmem_shared>> -> memref<80x128xf32, #tpu.memory_space<vmem_shared>>
    tpu.wait_dma2 semaphore(%arg26 : memref<!tpu.dma_semaphore, #tpu.memory_space<semaphore_mem>>) src(%arg13 : memref<80x128xf32, #tpu.memory_space<vmem>>) dst(%dma_wait3A_209 : memref<80x128xf32, #tpu.memory_space<vmem_shared>>)
    %barrier3A = arith.constant 0 : index
    tpu.barrier barrier_id(%barrier3A)
    %mul3A_210 = arith.constant 10000 : i32
    %mul3A_211 = arith.muli %add3A, %mul3A_210 : i32
    %add3A_212 = arith.constant 0 : i32
    %add3A_213 = arith.addi %mul3A_211, %add3A_212 : i32
    %multiple_of3A_214 = tpu.assume_multiple %add3A_213, 8 : i32
    %dma_start3A_215 = tpu.memref_slice %arg2[%multiple_of3A_214] : memref<320000xi32, #tpu.memory_space<hbm>> -> memref<80xi32, #tpu.memory_space<hbm>>
    %dma_start3A_216 = tpu.memref_slice %arg2[%multiple_of3A_214] : memref<320000xi32, #tpu.memory_space<hbm>> -> memref<80xi32, #tpu.memory_space<hbm>>
    tpu.enqueue_dma source(%dma_start3A_216 : memref<80xi32, #tpu.memory_space<hbm>>) target(%arg7 : memref<80xi32, #tpu.memory_space<vmem>>) target_semaphore(%arg17 : memref<!tpu.dma_semaphore, #tpu.memory_space<semaphore_mem>>)
    %dma_start3A_217 = tpu.memref_slice %arg3[%multiple_of3A_214] : memref<320000xi32, #tpu.memory_space<hbm>> -> memref<80xi32, #tpu.memory_space<hbm>>
    %dma_start3A_218 = tpu.memref_slice %arg3[%multiple_of3A_214] : memref<320000xi32, #tpu.memory_space<hbm>> -> memref<80xi32, #tpu.memory_space<hbm>>
    tpu.enqueue_dma source(%dma_start3A_218 : memref<80xi32, #tpu.memory_space<hbm>>) target(%arg10 : memref<80xi32, #tpu.memory_space<vmem>>) target_semaphore(%arg20 : memref<!tpu.dma_semaphore, #tpu.memory_space<semaphore_mem>>)
    %add3A_219 = arith.constant 80 : i32
    %add3A_220 = arith.addi %mul3A_211, %add3A_219 : i32
    %multiple_of3A_221 = tpu.assume_multiple %add3A_220, 8 : i32
    %dma_start3A_222 = tpu.memref_slice %arg2[%multiple_of3A_221] : memref<320000xi32, #tpu.memory_space<hbm>> -> memref<80xi32, #tpu.memory_space<hbm>>
    %dma_start3A_223 = tpu.memref_slice %arg2[%multiple_of3A_221] : memref<320000xi32, #tpu.memory_space<hbm>> -> memref<80xi32, #tpu.memory_space<hbm>>
    tpu.enqueue_dma source(%dma_start3A_223 : memref<80xi32, #tpu.memory_space<hbm>>) target(%arg8 : memref<80xi32, #tpu.memory_space<vmem>>) target_semaphore(%arg18 : memref<!tpu.dma_semaphore, #tpu.memory_space<semaphore_mem>>)
    %dma_start3A_224 = tpu.memref_slice %arg3[%multiple_of3A_221] : memref<320000xi32, #tpu.memory_space<hbm>> -> memref<80xi32, #tpu.memory_space<hbm>>
    %dma_start3A_225 = tpu.memref_slice %arg3[%multiple_of3A_221] : memref<320000xi32, #tpu.memory_space<hbm>> -> memref<80xi32, #tpu.memory_space<hbm>>
    tpu.enqueue_dma source(%dma_start3A_225 : memref<80xi32, #tpu.memory_space<hbm>>) target(%arg11 : memref<80xi32, #tpu.memory_space<vmem>>) target_semaphore(%arg21 : memref<!tpu.dma_semaphore, #tpu.memory_space<semaphore_mem>>)
    %add3A_226 = arith.constant 0 : i32
    %add3A_227 = arith.addi %mul3A_211, %add3A_226 : i32
    %multiple_of3A_228 = tpu.assume_multiple %add3A_227, 8 : i32
    %dma_wait3A_229 = tpu.memref_slice %arg2[%multiple_of3A_228] : memref<320000xi32, #tpu.memory_space<hbm>> -> memref<80xi32, #tpu.memory_space<hbm>>
    %dma_wait3A_230 = tpu.memref_slice %arg2[%multiple_of3A_228] : memref<320000xi32, #tpu.memory_space<hbm>> -> memref<80xi32, #tpu.memory_space<hbm>>
    tpu.wait_dma2 semaphore(%arg17 : memref<!tpu.dma_semaphore, #tpu.memory_space<semaphore_mem>>) src(%dma_wait3A_230 : memref<80xi32, #tpu.memory_space<hbm>>) dst(%arg7 : memref<80xi32, #tpu.memory_space<vmem>>)
    %dma_start3A_231 = arith.constant 0 : i32
    %dma_start3A_232 = arith.constant 0 : i32
    %dma_start3A_233 = tpu.memref_slice %arg4[%dma_start3A_231, %dma_start3A_232] : memref<10000x128xf32, #tpu.memory_space<hbm>> -> memref<10000x128xf32, #tpu.memory_space<hbm>>
    tpu.enqueue_indirect_dma source(%dma_start3A_233 : memref<10000x128xf32, #tpu.memory_space<hbm>>) target(%arg13 : memref<80x128xf32, #tpu.memory_space<vmem>>) offsets(%arg7 : memref<80xi32, #tpu.memory_space<vmem>>) semaphore(%arg26 : memref<!tpu.dma_semaphore, #tpu.memory_space<semaphore_mem>>)
    %dma_wait3A_234 = arith.constant 0 : i32
    %dma_wait3A_235 = arith.constant 0 : i32
    %dma_wait3A_236 = tpu.memref_slice %arg4[%dma_wait3A_234, %dma_wait3A_235] : memref<10000x128xf32, #tpu.memory_space<hbm>> -> memref<10000x128xf32, #tpu.memory_space<hbm>>
    tpu.wait_indirect_dma semaphore(%arg26 : memref<!tpu.dma_semaphore, #tpu.memory_space<semaphore_mem>>) src(%dma_wait3A_236 : memref<10000x128xf32, #tpu.memory_space<hbm>>) dst(%arg13 : memref<80x128xf32, #tpu.memory_space<vmem>>)
    %dma_wait3A_237 = tpu.memref_slice %arg3[%multiple_of3A_228] : memref<320000xi32, #tpu.memory_space<hbm>> -> memref<80xi32, #tpu.memory_space<hbm>>
    %dma_wait3A_238 = tpu.memref_slice %arg3[%multiple_of3A_228] : memref<320000xi32, #tpu.memory_space<hbm>> -> memref<80xi32, #tpu.memory_space<hbm>>
    tpu.wait_dma2 semaphore(%arg20 : memref<!tpu.dma_semaphore, #tpu.memory_space<semaphore_mem>>) src(%dma_wait3A_238 : memref<80xi32, #tpu.memory_space<hbm>>) dst(%arg10 : memref<80xi32, #tpu.memory_space<vmem>>)
    %dma_start3A_239 = arith.constant 0 : i32
    %dma_start3A_240 = arith.constant 0 : i32
    %dma_start3A_241 = tpu.memref_slice %arg16[%dma_start3A_239, %dma_start3A_240] : memref<10000x128xf32, #tpu.memory_space<vmem_shared>> -> memref<10000x128xf32, #tpu.memory_space<vmem_shared>>
    tpu.enqueue_indirect_dma source(%arg13 : memref<80x128xf32, #tpu.memory_space<vmem>>) target(%dma_start3A_241 : memref<10000x128xf32, #tpu.memory_space<vmem_shared>>) offsets(%arg10 : memref<80xi32, #tpu.memory_space<vmem>>) semaphore(%arg23 : memref<!tpu.dma_semaphore, #tpu.memory_space<semaphore_mem>>) {add = true}
    %add3A_242 = arith.constant 160 : i32
    %add3A_243 = arith.addi %mul3A_211, %add3A_242 : i32
    %multiple_of3A_244 = tpu.assume_multiple %add3A_243, 8 : i32
    %dma_start3A_245 = tpu.memref_slice %arg2[%multiple_of3A_244] : memref<320000xi32, #tpu.memory_space<hbm>> -> memref<80xi32, #tpu.memory_space<hbm>>
    %dma_start3A_246 = tpu.memref_slice %arg2[%multiple_of3A_244] : memref<320000xi32, #tpu.memory_space<hbm>> -> memref<80xi32, #tpu.memory_space<hbm>>
    tpu.enqueue_dma source(%dma_start3A_246 : memref<80xi32, #tpu.memory_space<hbm>>) target(%arg9 : memref<80xi32, #tpu.memory_space<vmem>>) target_semaphore(%arg19 : memref<!tpu.dma_semaphore, #tpu.memory_space<semaphore_mem>>)
    %dma_start3A_247 = tpu.memref_slice %arg3[%multiple_of3A_244] : memref<320000xi32, #tpu.memory_space<hbm>> -> memref<80xi32, #tpu.memory_space<hbm>>
    %dma_start3A_248 = tpu.memref_slice %arg3[%multiple_of3A_244] : memref<320000xi32, #tpu.memory_space<hbm>> -> memref<80xi32, #tpu.memory_space<hbm>>
    tpu.enqueue_dma source(%dma_start3A_248 : memref<80xi32, #tpu.memory_space<hbm>>) target(%arg12 : memref<80xi32, #tpu.memory_space<vmem>>) target_semaphore(%arg22 : memref<!tpu.dma_semaphore, #tpu.memory_space<semaphore_mem>>)
    %add3A_249 = arith.constant 80 : i32
    %add3A_250 = arith.addi %mul3A_211, %add3A_249 : i32
    %multiple_of3A_251 = tpu.assume_multiple %add3A_250, 8 : i32
    %dma_wait3A_252 = tpu.memref_slice %arg2[%multiple_of3A_251] : memref<320000xi32, #tpu.memory_space<hbm>> -> memref<80xi32, #tpu.memory_space<hbm>>
    %dma_wait3A_253 = tpu.memref_slice %arg2[%multiple_of3A_251] : memref<320000xi32, #tpu.memory_space<hbm>> -> memref<80xi32, #tpu.memory_space<hbm>>
    tpu.wait_dma2 semaphore(%arg18 : memref<!tpu.dma_semaphore, #tpu.memory_space<semaphore_mem>>) src(%dma_wait3A_253 : memref<80xi32, #tpu.memory_space<hbm>>) dst(%arg8 : memref<80xi32, #tpu.memory_space<vmem>>)
    %dma_start3A_254 = arith.constant 0 : i32
    %dma_start3A_255 = arith.constant 0 : i32
    %dma_start3A_256 = tpu.memref_slice %arg4[%dma_start3A_254, %dma_start3A_255] : memref<10000x128xf32, #tpu.memory_space<hbm>> -> memref<10000x128xf32, #tpu.memory_space<hbm>>
    tpu.enqueue_indirect_dma source(%dma_start3A_256 : memref<10000x128xf32, #tpu.memory_space<hbm>>) target(%arg14 : memref<80x128xf32, #tpu.memory_space<vmem>>) offsets(%arg8 : memref<80xi32, #tpu.memory_space<vmem>>) semaphore(%arg26 : memref<!tpu.dma_semaphore, #tpu.memory_space<semaphore_mem>>)
    %dma_wait3A_257 = arith.constant 0 : i32
    %dma_wait3A_258 = arith.constant 0 : i32
    %dma_wait3A_259 = tpu.memref_slice %arg4[%dma_wait3A_257, %dma_wait3A_258] : memref<10000x128xf32, #tpu.memory_space<hbm>> -> memref<10000x128xf32, #tpu.memory_space<hbm>>
    tpu.wait_indirect_dma semaphore(%arg26 : memref<!tpu.dma_semaphore, #tpu.memory_space<semaphore_mem>>) src(%dma_wait3A_259 : memref<10000x128xf32, #tpu.memory_space<hbm>>) dst(%arg14 : memref<80x128xf32, #tpu.memory_space<vmem>>)
    %dma_wait3A_260 = tpu.memref_slice %arg3[%multiple_of3A_251] : memref<320000xi32, #tpu.memory_space<hbm>> -> memref<80xi32, #tpu.memory_space<hbm>>
    %dma_wait3A_261 = tpu.memref_slice %arg3[%multiple_of3A_251] : memref<320000xi32, #tpu.memory_space<hbm>> -> memref<80xi32, #tpu.memory_space<hbm>>
    tpu.wait_dma2 semaphore(%arg21 : memref<!tpu.dma_semaphore, #tpu.memory_space<semaphore_mem>>) src(%dma_wait3A_261 : memref<80xi32, #tpu.memory_space<hbm>>) dst(%arg11 : memref<80xi32, #tpu.memory_space<vmem>>)
    %dma_start3A_262 = arith.constant 0 : i32
    %dma_start3A_263 = arith.constant 0 : i32
    %dma_start3A_264 = tpu.memref_slice %arg16[%dma_start3A_262, %dma_start3A_263] : memref<10000x128xf32, #tpu.memory_space<vmem_shared>> -> memref<10000x128xf32, #tpu.memory_space<vmem_shared>>
    tpu.enqueue_indirect_dma source(%arg14 : memref<80x128xf32, #tpu.memory_space<vmem>>) target(%dma_start3A_264 : memref<10000x128xf32, #tpu.memory_space<vmem_shared>>) offsets(%arg11 : memref<80xi32, #tpu.memory_space<vmem>>) semaphore(%arg24 : memref<!tpu.dma_semaphore, #tpu.memory_space<semaphore_mem>>) {add = true}
    %dma_wait3A_265 = arith.constant 0 : i32
    %dma_wait3A_266 = arith.constant 0 : i32
    %dma_wait3A_267 = tpu.memref_slice %arg16[%dma_wait3A_265, %dma_wait3A_266] : memref<10000x128xf32, #tpu.memory_space<vmem_shared>> -> memref<10000x128xf32, #tpu.memory_space<vmem_shared>>
    tpu.wait_indirect_dma semaphore(%arg23 : memref<!tpu.dma_semaphore, #tpu.memory_space<semaphore_mem>>) src(%arg13 : memref<80x128xf32, #tpu.memory_space<vmem>>) dst(%dma_wait3A_267 : memref<10000x128xf32, #tpu.memory_space<vmem_shared>>)
    %add3A_268 = arith.constant 240 : i32
    %add3A_269 = arith.addi %mul3A_211, %add3A_268 : i32
    %multiple_of3A_270 = tpu.assume_multiple %add3A_269, 8 : i32
    %dma_start3A_271 = tpu.memref_slice %arg2[%multiple_of3A_270] : memref<320000xi32, #tpu.memory_space<hbm>> -> memref<80xi32, #tpu.memory_space<hbm>>
    %dma_start3A_272 = tpu.memref_slice %arg2[%multiple_of3A_270] : memref<320000xi32, #tpu.memory_space<hbm>> -> memref<80xi32, #tpu.memory_space<hbm>>
    tpu.enqueue_dma source(%dma_start3A_272 : memref<80xi32, #tpu.memory_space<hbm>>) target(%arg7 : memref<80xi32, #tpu.memory_space<vmem>>) target_semaphore(%arg17 : memref<!tpu.dma_semaphore, #tpu.memory_space<semaphore_mem>>)
    %dma_start3A_273 = tpu.memref_slice %arg3[%multiple_of3A_270] : memref<320000xi32, #tpu.memory_space<hbm>> -> memref<80xi32, #tpu.memory_space<hbm>>
    %dma_start3A_274 = tpu.memref_slice %arg3[%multiple_of3A_270] : memref<320000xi32, #tpu.memory_space<hbm>> -> memref<80xi32, #tpu.memory_space<hbm>>
    tpu.enqueue_dma source(%dma_start3A_274 : memref<80xi32, #tpu.memory_space<hbm>>) target(%arg10 : memref<80xi32, #tpu.memory_space<vmem>>) target_semaphore(%arg20 : memref<!tpu.dma_semaphore, #tpu.memory_space<semaphore_mem>>)
    %add3A_275 = arith.constant 160 : i32
    %add3A_276 = arith.addi %mul3A_211, %add3A_275 : i32
    %multiple_of3A_277 = tpu.assume_multiple %add3A_276, 8 : i32
    %dma_wait3A_278 = tpu.memref_slice %arg2[%multiple_of3A_277] : memref<320000xi32, #tpu.memory_space<hbm>> -> memref<80xi32, #tpu.memory_space<hbm>>
    %dma_wait3A_279 = tpu.memref_slice %arg2[%multiple_of3A_277] : memref<320000xi32, #tpu.memory_space<hbm>> -> memref<80xi32, #tpu.memory_space<hbm>>
    tpu.wait_dma2 semaphore(%arg19 : memref<!tpu.dma_semaphore, #tpu.memory_space<semaphore_mem>>) src(%dma_wait3A_279 : memref<80xi32, #tpu.memory_space<hbm>>) dst(%arg9 : memref<80xi32, #tpu.memory_space<vmem>>)
    %dma_start3A_280 = arith.constant 0 : i32
    %dma_start3A_281 = arith.constant 0 : i32
    %dma_start3A_282 = tpu.memref_slice %arg4[%dma_start3A_280, %dma_start3A_281] : memref<10000x128xf32, #tpu.memory_space<hbm>> -> memref<10000x128xf32, #tpu.memory_space<hbm>>
    tpu.enqueue_indirect_dma source(%dma_start3A_282 : memref<10000x128xf32, #tpu.memory_space<hbm>>) target(%arg15 : memref<80x128xf32, #tpu.memory_space<vmem>>) offsets(%arg9 : memref<80xi32, #tpu.memory_space<vmem>>) semaphore(%arg26 : memref<!tpu.dma_semaphore, #tpu.memory_space<semaphore_mem>>)
    %dma_wait3A_283 = arith.constant 0 : i32
    %dma_wait3A_284 = arith.constant 0 : i32
    %dma_wait3A_285 = tpu.memref_slice %arg4[%dma_wait3A_283, %dma_wait3A_284] : memref<10000x128xf32, #tpu.memory_space<hbm>> -> memref<10000x128xf32, #tpu.memory_space<hbm>>
    tpu.wait_indirect_dma semaphore(%arg26 : memref<!tpu.dma_semaphore, #tpu.memory_space<semaphore_mem>>) src(%dma_wait3A_285 : memref<10000x128xf32, #tpu.memory_space<hbm>>) dst(%arg15 : memref<80x128xf32, #tpu.memory_space<vmem>>)
    %dma_wait3A_286 = tpu.memref_slice %arg3[%multiple_of3A_277] : memref<320000xi32, #tpu.memory_space<hbm>> -> memref<80xi32, #tpu.memory_space<hbm>>
    %dma_wait3A_287 = tpu.memref_slice %arg3[%multiple_of3A_277] : memref<320000xi32, #tpu.memory_space<hbm>> -> memref<80xi32, #tpu.memory_space<hbm>>
    tpu.wait_dma2 semaphore(%arg22 : memref<!tpu.dma_semaphore, #tpu.memory_space<semaphore_mem>>) src(%dma_wait3A_287 : memref<80xi32, #tpu.memory_space<hbm>>) dst(%arg12 : memref<80xi32, #tpu.memory_space<vmem>>)
    %dma_start3A_288 = arith.constant 0 : i32
    %dma_start3A_289 = arith.constant 0 : i32
    %dma_start3A_290 = tpu.memref_slice %arg16[%dma_start3A_288, %dma_start3A_289] : memref<10000x128xf32, #tpu.memory_space<vmem_shared>> -> memref<10000x128xf32, #tpu.memory_space<vmem_shared>>
    tpu.enqueue_indirect_dma source(%arg15 : memref<80x128xf32, #tpu.memory_space<vmem>>) target(%dma_start3A_290 : memref<10000x128xf32, #tpu.memory_space<vmem_shared>>) offsets(%arg12 : memref<80xi32, #tpu.memory_space<vmem>>) semaphore(%arg25 : memref<!tpu.dma_semaphore, #tpu.memory_space<semaphore_mem>>) {add = true}
    %dma_wait3A_291 = arith.constant 0 : i32
    %dma_wait3A_292 = arith.constant 0 : i32
    %dma_wait3A_293 = tpu.memref_slice %arg16[%dma_wait3A_291, %dma_wait3A_292] : memref<10000x128xf32, #tpu.memory_space<vmem_shared>> -> memref<10000x128xf32, #tpu.memory_space<vmem_shared>>
    tpu.wait_indirect_dma semaphore(%arg24 : memref<!tpu.dma_semaphore, #tpu.memory_space<semaphore_mem>>) src(%arg14 : memref<80x128xf32, #tpu.memory_space<vmem>>) dst(%dma_wait3A_293 : memref<10000x128xf32, #tpu.memory_space<vmem_shared>>)
    %add3A_294 = arith.constant 320 : i32
    %add3A_295 = arith.addi %mul3A_211, %add3A_294 : i32
    %multiple_of3A_296 = tpu.assume_multiple %add3A_295, 8 : i32
    %dma_start3A_297 = tpu.memref_slice %arg2[%multiple_of3A_296] : memref<320000xi32, #tpu.memory_space<hbm>> -> memref<80xi32, #tpu.memory_space<hbm>>
    %dma_start3A_298 = tpu.memref_slice %arg2[%multiple_of3A_296] : memref<320000xi32, #tpu.memory_space<hbm>> -> memref<80xi32, #tpu.memory_space<hbm>>
    tpu.enqueue_dma source(%dma_start3A_298 : memref<80xi32, #tpu.memory_space<hbm>>) target(%arg8 : memref<80xi32, #tpu.memory_space<vmem>>) target_semaphore(%arg18 : memref<!tpu.dma_semaphore, #tpu.memory_space<semaphore_mem>>)
    %dma_start3A_299 = tpu.memref_slice %arg3[%multiple_of3A_296] : memref<320000xi32, #tpu.memory_space<hbm>> -> memref<80xi32, #tpu.memory_space<hbm>>
    %dma_start3A_300 = tpu.memref_slice %arg3[%multiple_of3A_296] : memref<320000xi32, #tpu.memory_space<hbm>> -> memref<80xi32, #tpu.memory_space<hbm>>
    tpu.enqueue_dma source(%dma_start3A_300 : memref<80xi32, #tpu.memory_space<hbm>>) target(%arg11 : memref<80xi32, #tpu.memory_space<vmem>>) target_semaphore(%arg21 : memref<!tpu.dma_semaphore, #tpu.memory_space<semaphore_mem>>)
    %scan3A_301 = arith.constant 0 : i32
    %scan3A_302 = arith.constant 1 : i32
    %scan3A_303 = arith.constant 40 : i32
    %scan3A_304 = arith.addi %scan3A_302, %scan3A_303 : i32
    %scan3A_305 = arith.constant 1 : i32
    scf.for %scan3A_1266 = %scan3A_302 to %scan3A_304 step %scan3A_305  : i32 {
      %mul3A_1267 = arith.constant 3 : i32
      %mul3A_1268 = arith.muli %scan3A_1266, %mul3A_1267 : i32
      %add3A_1269 = arith.constant 0 : i32
      %add3A_1270 = arith.addi %mul3A_1268, %add3A_1269 : i32
      %mul3A_1271 = arith.constant 80 : i32
      %mul3A_1272 = arith.muli %add3A_1270, %mul3A_1271 : i32
      %add3A_1273 = arith.addi %mul3A_211, %mul3A_1272 : i32
      %multiple_of3A_1274 = tpu.assume_multiple %add3A_1273, 8 : i32
      %dma_wait3A_1275 = tpu.memref_slice %arg2[%multiple_of3A_1274] : memref<320000xi32, #tpu.memory_space<hbm>> -> memref<80xi32, #tpu.memory_space<hbm>>
      %dma_wait3A_1276 = tpu.memref_slice %arg2[%multiple_of3A_1274] : memref<320000xi32, #tpu.memory_space<hbm>> -> memref<80xi32, #tpu.memory_space<hbm>>
      tpu.wait_dma2 semaphore(%arg17 : memref<!tpu.dma_semaphore, #tpu.memory_space<semaphore_mem>>) src(%dma_wait3A_1276 : memref<80xi32, #tpu.memory_space<hbm>>) dst(%arg7 : memref<80xi32, #tpu.memory_space<vmem>>)
      %dma_start3A_1277 = arith.constant 0 : i32
      %dma_start3A_1278 = arith.constant 0 : i32
      %dma_start3A_1279 = tpu.memref_slice %arg4[%dma_start3A_1277, %dma_start3A_1278] : memref<10000x128xf32, #tpu.memory_space<hbm>> -> memref<10000x128xf32, #tpu.memory_space<hbm>>
      tpu.enqueue_indirect_dma source(%dma_start3A_1279 : memref<10000x128xf32, #tpu.memory_space<hbm>>) target(%arg13 : memref<80x128xf32, #tpu.memory_space<vmem>>) offsets(%arg7 : memref<80xi32, #tpu.memory_space<vmem>>) semaphore(%arg26 : memref<!tpu.dma_semaphore, #tpu.memory_space<semaphore_mem>>)
      %dma_wait3A_1280 = arith.constant 0 : i32
      %dma_wait3A_1281 = arith.constant 0 : i32
      %dma_wait3A_1282 = tpu.memref_slice %arg4[%dma_wait3A_1280, %dma_wait3A_1281] : memref<10000x128xf32, #tpu.memory_space<hbm>> -> memref<10000x128xf32, #tpu.memory_space<hbm>>
      tpu.wait_indirect_dma semaphore(%arg26 : memref<!tpu.dma_semaphore, #tpu.memory_space<semaphore_mem>>) src(%dma_wait3A_1282 : memref<10000x128xf32, #tpu.memory_space<hbm>>) dst(%arg13 : memref<80x128xf32, #tpu.memory_space<vmem>>)
      %dma_wait3A_1283 = tpu.memref_slice %arg3[%multiple_of3A_1274] : memref<320000xi32, #tpu.memory_space<hbm>> -> memref<80xi32, #tpu.memory_space<hbm>>
      %dma_wait3A_1284 = tpu.memref_slice %arg3[%multiple_of3A_1274] : memref<320000xi32, #tpu.memory_space<hbm>> -> memref<80xi32, #tpu.memory_space<hbm>>
      tpu.wait_dma2 semaphore(%arg20 : memref<!tpu.dma_semaphore, #tpu.memory_space<semaphore_mem>>) src(%dma_wait3A_1284 : memref<80xi32, #tpu.memory_space<hbm>>) dst(%arg10 : memref<80xi32, #tpu.memory_space<vmem>>)
      %dma_start3A_1285 = arith.constant 0 : i32
      %dma_start3A_1286 = arith.constant 0 : i32
      %dma_start3A_1287 = tpu.memref_slice %arg16[%dma_start3A_1285, %dma_start3A_1286] : memref<10000x128xf32, #tpu.memory_space<vmem_shared>> -> memref<10000x128xf32, #tpu.memory_space<vmem_shared>>
      tpu.enqueue_indirect_dma source(%arg13 : memref<80x128xf32, #tpu.memory_space<vmem>>) target(%dma_start3A_1287 : memref<10000x128xf32, #tpu.memory_space<vmem_shared>>) offsets(%arg10 : memref<80xi32, #tpu.memory_space<vmem>>) semaphore(%arg23 : memref<!tpu.dma_semaphore, #tpu.memory_space<semaphore_mem>>) {add = true}
      %dma_wait3A_1288 = arith.constant 0 : i32
      %dma_wait3A_1289 = arith.constant 0 : i32
      %dma_wait3A_1290 = tpu.memref_slice %arg16[%dma_wait3A_1288, %dma_wait3A_1289] : memref<10000x128xf32, #tpu.memory_space<vmem_shared>> -> memref<10000x128xf32, #tpu.memory_space<vmem_shared>>
      tpu.wait_indirect_dma semaphore(%arg25 : memref<!tpu.dma_semaphore, #tpu.memory_space<semaphore_mem>>) src(%arg15 : memref<80x128xf32, #tpu.memory_space<vmem>>) dst(%dma_wait3A_1290 : memref<10000x128xf32, #tpu.memory_space<vmem_shared>>)
      %add3A_1291 = arith.constant 2 : i32
      %add3A_1292 = arith.addi %add3A_1270, %add3A_1291 : i32
      %mul3A_1293 = arith.constant 80 : i32
      %mul3A_1294 = arith.muli %add3A_1292, %mul3A_1293 : i32
      %add3A_1295 = arith.addi %mul3A_211, %mul3A_1294 : i32
      %multiple_of3A_1296 = tpu.assume_multiple %add3A_1295, 8 : i32
      %dma_start3A_1297 = tpu.memref_slice %arg2[%multiple_of3A_1296] : memref<320000xi32, #tpu.memory_space<hbm>> -> memref<80xi32, #tpu.memory_space<hbm>>
      %dma_start3A_1298 = tpu.memref_slice %arg2[%multiple_of3A_1296] : memref<320000xi32, #tpu.memory_space<hbm>> -> memref<80xi32, #tpu.memory_space<hbm>>
      tpu.enqueue_dma source(%dma_start3A_1298 : memref<80xi32, #tpu.memory_space<hbm>>) target(%arg9 : memref<80xi32, #tpu.memory_space<vmem>>) target_semaphore(%arg19 : memref<!tpu.dma_semaphore, #tpu.memory_space<semaphore_mem>>)
      %dma_start3A_1299 = tpu.memref_slice %arg3[%multiple_of3A_1296] : memref<320000xi32, #tpu.memory_space<hbm>> -> memref<80xi32, #tpu.memory_space<hbm>>
      %dma_start3A_1300 = tpu.memref_slice %arg3[%multiple_of3A_1296] : memref<320000xi32, #tpu.memory_space<hbm>> -> memref<80xi32, #tpu.memory_space<hbm>>
      tpu.enqueue_dma source(%dma_start3A_1300 : memref<80xi32, #tpu.memory_space<hbm>>) target(%arg12 : memref<80xi32, #tpu.memory_space<vmem>>) target_semaphore(%arg22 : memref<!tpu.dma_semaphore, #tpu.memory_space<semaphore_mem>>)
      %mul3A_1301 = arith.constant 3 : i32
      %mul3A_1302 = arith.muli %scan3A_1266, %mul3A_1301 : i32
      %add3A_1303 = arith.constant 1 : i32
      %add3A_1304 = arith.addi %mul3A_1302, %add3A_1303 : i32
      %mul3A_1305 = arith.constant 80 : i32
      %mul3A_1306 = arith.muli %add3A_1304, %mul3A_1305 : i32
      %add3A_1307 = arith.addi %mul3A_211, %mul3A_1306 : i32
      %multiple_of3A_1308 = tpu.assume_multiple %add3A_1307, 8 : i32
      %dma_wait3A_1309 = tpu.memref_slice %arg2[%multiple_of3A_1308] : memref<320000xi32, #tpu.memory_space<hbm>> -> memref<80xi32, #tpu.memory_space<hbm>>
      %dma_wait3A_1310 = tpu.memref_slice %arg2[%multiple_of3A_1308] : memref<320000xi32, #tpu.memory_space<hbm>> -> memref<80xi32, #tpu.memory_space<hbm>>
      tpu.wait_dma2 semaphore(%arg18 : memref<!tpu.dma_semaphore, #tpu.memory_space<semaphore_mem>>) src(%dma_wait3A_1310 : memref<80xi32, #tpu.memory_space<hbm>>) dst(%arg8 : memref<80xi32, #tpu.memory_space<vmem>>)
      %dma_start3A_1311 = arith.constant 0 : i32
      %dma_start3A_1312 = arith.constant 0 : i32
      %dma_start3A_1313 = tpu.memref_slice %arg4[%dma_start3A_1311, %dma_start3A_1312] : memref<10000x128xf32, #tpu.memory_space<hbm>> -> memref<10000x128xf32, #tpu.memory_space<hbm>>
      tpu.enqueue_indirect_dma source(%dma_start3A_1313 : memref<10000x128xf32, #tpu.memory_space<hbm>>) target(%arg14 : memref<80x128xf32, #tpu.memory_space<vmem>>) offsets(%arg8 : memref<80xi32, #tpu.memory_space<vmem>>) semaphore(%arg26 : memref<!tpu.dma_semaphore, #tpu.memory_space<semaphore_mem>>)
      %dma_wait3A_1314 = arith.constant 0 : i32
      %dma_wait3A_1315 = arith.constant 0 : i32
      %dma_wait3A_1316 = tpu.memref_slice %arg4[%dma_wait3A_1314, %dma_wait3A_1315] : memref<10000x128xf32, #tpu.memory_space<hbm>> -> memref<10000x128xf32, #tpu.memory_space<hbm>>
      tpu.wait_indirect_dma semaphore(%arg26 : memref<!tpu.dma_semaphore, #tpu.memory_space<semaphore_mem>>) src(%dma_wait3A_1316 : memref<10000x128xf32, #tpu.memory_space<hbm>>) dst(%arg14 : memref<80x128xf32, #tpu.memory_space<vmem>>)
      %dma_wait3A_1317 = tpu.memref_slice %arg3[%multiple_of3A_1308] : memref<320000xi32, #tpu.memory_space<hbm>> -> memref<80xi32, #tpu.memory_space<hbm>>
      %dma_wait3A_1318 = tpu.memref_slice %arg3[%multiple_of3A_1308] : memref<320000xi32, #tpu.memory_space<hbm>> -> memref<80xi32, #tpu.memory_space<hbm>>
      tpu.wait_dma2 semaphore(%arg21 : memref<!tpu.dma_semaphore, #tpu.memory_space<semaphore_mem>>) src(%dma_wait3A_1318 : memref<80xi32, #tpu.memory_space<hbm>>) dst(%arg11 : memref<80xi32, #tpu.memory_space<vmem>>)
      %dma_start3A_1319 = arith.constant 0 : i32
      %dma_start3A_1320 = arith.constant 0 : i32
      %dma_start3A_1321 = tpu.memref_slice %arg16[%dma_start3A_1319, %dma_start3A_1320] : memref<10000x128xf32, #tpu.memory_space<vmem_shared>> -> memref<10000x128xf32, #tpu.memory_space<vmem_shared>>
      tpu.enqueue_indirect_dma source(%arg14 : memref<80x128xf32, #tpu.memory_space<vmem>>) target(%dma_start3A_1321 : memref<10000x128xf32, #tpu.memory_space<vmem_shared>>) offsets(%arg11 : memref<80xi32, #tpu.memory_space<vmem>>) semaphore(%arg24 : memref<!tpu.dma_semaphore, #tpu.memory_space<semaphore_mem>>) {add = true}
      %dma_wait3A_1322 = arith.constant 0 : i32
      %dma_wait3A_1323 = arith.constant 0 : i32
      %dma_wait3A_1324 = tpu.memref_slice %arg16[%dma_wait3A_1322, %dma_wait3A_1323] : memref<10000x128xf32, #tpu.memory_space<vmem_shared>> -> memref<10000x128xf32, #tpu.memory_space<vmem_shared>>
      tpu.wait_indirect_dma semaphore(%arg23 : memref<!tpu.dma_semaphore, #tpu.memory_space<semaphore_mem>>) src(%arg13 : memref<80x128xf32, #tpu.memory_space<vmem>>) dst(%dma_wait3A_1324 : memref<10000x128xf32, #tpu.memory_space<vmem_shared>>)
      %add3A_1325 = arith.constant 2 : i32
      %add3A_1326 = arith.addi %add3A_1304, %add3A_1325 : i32
      %mul3A_1327 = arith.constant 80 : i32
      %mul3A_1328 = arith.muli %add3A_1326, %mul3A_1327 : i32
      %add3A_1329 = arith.addi %mul3A_211, %mul3A_1328 : i32
      %multiple_of3A_1330 = tpu.assume_multiple %add3A_1329, 8 : i32
      %dma_start3A_1331 = tpu.memref_slice %arg2[%multiple_of3A_1330] : memref<320000xi32, #tpu.memory_space<hbm>> -> memref<80xi32, #tpu.memory_space<hbm>>
      %dma_start3A_1332 = tpu.memref_slice %arg2[%multiple_of3A_1330] : memref<320000xi32, #tpu.memory_space<hbm>> -> memref<80xi32, #tpu.memory_space<hbm>>
      tpu.enqueue_dma source(%dma_start3A_1332 : memref<80xi32, #tpu.memory_space<hbm>>) target(%arg7 : memref<80xi32, #tpu.memory_space<vmem>>) target_semaphore(%arg17 : memref<!tpu.dma_semaphore, #tpu.memory_space<semaphore_mem>>)
      %dma_start3A_1333 = tpu.memref_slice %arg3[%multiple_of3A_1330] : memref<320000xi32, #tpu.memory_space<hbm>> -> memref<80xi32, #tpu.memory_space<hbm>>
      %dma_start3A_1334 = tpu.memref_slice %arg3[%multiple_of3A_1330] : memref<320000xi32, #tpu.memory_space<hbm>> -> memref<80xi32, #tpu.memory_space<hbm>>
      tpu.enqueue_dma source(%dma_start3A_1334 : memref<80xi32, #tpu.memory_space<hbm>>) target(%arg10 : memref<80xi32, #tpu.memory_space<vmem>>) target_semaphore(%arg20 : memref<!tpu.dma_semaphore, #tpu.memory_space<semaphore_mem>>)
      %mul3A_1335 = arith.constant 3 : i32
      %mul3A_1336 = arith.muli %scan3A_1266, %mul3A_1335 : i32
      %add3A_1337 = arith.constant 2 : i32
      %add3A_1338 = arith.addi %mul3A_1336, %add3A_1337 : i32
      %mul3A_1339 = arith.constant 80 : i32
      %mul3A_1340 = arith.muli %add3A_1338, %mul3A_1339 : i32
      %add3A_1341 = arith.addi %mul3A_211, %mul3A_1340 : i32
      %multiple_of3A_1342 = tpu.assume_multiple %add3A_1341, 8 : i32
      %dma_wait3A_1343 = tpu.memref_slice %arg2[%multiple_of3A_1342] : memref<320000xi32, #tpu.memory_space<hbm>> -> memref<80xi32, #tpu.memory_space<hbm>>
      %dma_wait3A_1344 = tpu.memref_slice %arg2[%multiple_of3A_1342] : memref<320000xi32, #tpu.memory_space<hbm>> -> memref<80xi32, #tpu.memory_space<hbm>>
      tpu.wait_dma2 semaphore(%arg19 : memref<!tpu.dma_semaphore, #tpu.memory_space<semaphore_mem>>) src(%dma_wait3A_1344 : memref<80xi32, #tpu.memory_space<hbm>>) dst(%arg9 : memref<80xi32, #tpu.memory_space<vmem>>)
      %dma_start3A_1345 = arith.constant 0 : i32
      %dma_start3A_1346 = arith.constant 0 : i32
      %dma_start3A_1347 = tpu.memref_slice %arg4[%dma_start3A_1345, %dma_start3A_1346] : memref<10000x128xf32, #tpu.memory_space<hbm>> -> memref<10000x128xf32, #tpu.memory_space<hbm>>
      tpu.enqueue_indirect_dma source(%dma_start3A_1347 : memref<10000x128xf32, #tpu.memory_space<hbm>>) target(%arg15 : memref<80x128xf32, #tpu.memory_space<vmem>>) offsets(%arg9 : memref<80xi32, #tpu.memory_space<vmem>>) semaphore(%arg26 : memref<!tpu.dma_semaphore, #tpu.memory_space<semaphore_mem>>)
      %dma_wait3A_1348 = arith.constant 0 : i32
      %dma_wait3A_1349 = arith.constant 0 : i32
      %dma_wait3A_1350 = tpu.memref_slice %arg4[%dma_wait3A_1348, %dma_wait3A_1349] : memref<10000x128xf32, #tpu.memory_space<hbm>> -> memref<10000x128xf32, #tpu.memory_space<hbm>>
      tpu.wait_indirect_dma semaphore(%arg26 : memref<!tpu.dma_semaphore, #tpu.memory_space<semaphore_mem>>) src(%dma_wait3A_1350 : memref<10000x128xf32, #tpu.memory_space<hbm>>) dst(%arg15 : memref<80x128xf32, #tpu.memory_space<vmem>>)
      %dma_wait3A_1351 = tpu.memref_slice %arg3[%multiple_of3A_1342] : memref<320000xi32, #tpu.memory_space<hbm>> -> memref<80xi32, #tpu.memory_space<hbm>>
      %dma_wait3A_1352 = tpu.memref_slice %arg3[%multiple_of3A_1342] : memref<320000xi32, #tpu.memory_space<hbm>> -> memref<80xi32, #tpu.memory_space<hbm>>
      tpu.wait_dma2 semaphore(%arg22 : memref<!tpu.dma_semaphore, #tpu.memory_space<semaphore_mem>>) src(%dma_wait3A_1352 : memref<80xi32, #tpu.memory_space<hbm>>) dst(%arg12 : memref<80xi32, #tpu.memory_space<vmem>>)
      %dma_start3A_1353 = arith.constant 0 : i32
      %dma_start3A_1354 = arith.constant 0 : i32
      %dma_start3A_1355 = tpu.memref_slice %arg16[%dma_start3A_1353, %dma_start3A_1354] : memref<10000x128xf32, #tpu.memory_space<vmem_shared>> -> memref<10000x128xf32, #tpu.memory_space<vmem_shared>>
      tpu.enqueue_indirect_dma source(%arg15 : memref<80x128xf32, #tpu.memory_space<vmem>>) target(%dma_start3A_1355 : memref<10000x128xf32, #tpu.memory_space<vmem_shared>>) offsets(%arg12 : memref<80xi32, #tpu.memory_space<vmem>>) semaphore(%arg25 : memref<!tpu.dma_semaphore, #tpu.memory_space<semaphore_mem>>) {add = true}
      %dma_wait3A_1356 = arith.constant 0 : i32
      %dma_wait3A_1357 = arith.constant 0 : i32
      %dma_wait3A_1358 = tpu.memref_slice %arg16[%dma_wait3A_1356, %dma_wait3A_1357] : memref<10000x128xf32, #tpu.memory_space<vmem_shared>> -> memref<10000x128xf32, #tpu.memory_space<vmem_shared>>
      tpu.wait_indirect_dma semaphore(%arg24 : memref<!tpu.dma_semaphore, #tpu.memory_space<semaphore_mem>>) src(%arg14 : memref<80x128xf32, #tpu.memory_space<vmem>>) dst(%dma_wait3A_1358 : memref<10000x128xf32, #tpu.memory_space<vmem_shared>>)
      %add3A_1359 = arith.constant 2 : i32
      %add3A_1360 = arith.addi %add3A_1338, %add3A_1359 : i32
      %mul3A_1361 = arith.constant 80 : i32
      %mul3A_1362 = arith.muli %add3A_1360, %mul3A_1361 : i32
      %add3A_1363 = arith.addi %mul3A_211, %mul3A_1362 : i32
      %multiple_of3A_1364 = tpu.assume_multiple %add3A_1363, 8 : i32
      %dma_start3A_1365 = tpu.memref_slice %arg2[%multiple_of3A_1364] : memref<320000xi32, #tpu.memory_space<hbm>> -> memref<80xi32, #tpu.memory_space<hbm>>
      %dma_start3A_1366 = tpu.memref_slice %arg2[%multiple_of3A_1364] : memref<320000xi32, #tpu.memory_space<hbm>> -> memref<80xi32, #tpu.memory_space<hbm>>
      tpu.enqueue_dma source(%dma_start3A_1366 : memref<80xi32, #tpu.memory_space<hbm>>) target(%arg8 : memref<80xi32, #tpu.memory_space<vmem>>) target_semaphore(%arg18 : memref<!tpu.dma_semaphore, #tpu.memory_space<semaphore_mem>>)
      %dma_start3A_1367 = tpu.memref_slice %arg3[%multiple_of3A_1364] : memref<320000xi32, #tpu.memory_space<hbm>> -> memref<80xi32, #tpu.memory_space<hbm>>
      %dma_start3A_1368 = tpu.memref_slice %arg3[%multiple_of3A_1364] : memref<320000xi32, #tpu.memory_space<hbm>> -> memref<80xi32, #tpu.memory_space<hbm>>
      tpu.enqueue_dma source(%dma_start3A_1368 : memref<80xi32, #tpu.memory_space<hbm>>) target(%arg11 : memref<80xi32, #tpu.memory_space<vmem>>) target_semaphore(%arg21 : memref<!tpu.dma_semaphore, #tpu.memory_space<semaphore_mem>>)
    }
    %scan3A_306 = arith.constant 40 : i32
    %add3A_307 = arith.constant 9840 : i32
    %add3A_308 = arith.addi %mul3A_211, %add3A_307 : i32
    %multiple_of3A_309 = tpu.assume_multiple %add3A_308, 8 : i32
    %dma_wait3A_310 = tpu.memref_slice %arg2[%multiple_of3A_309] : memref<320000xi32, #tpu.memory_space<hbm>> -> memref<80xi32, #tpu.memory_space<hbm>>
    %dma_wait3A_311 = tpu.memref_slice %arg2[%multiple_of3A_309] : memref<320000xi32, #tpu.memory_space<hbm>> -> memref<80xi32, #tpu.memory_space<hbm>>
    tpu.wait_dma2 semaphore(%arg17 : memref<!tpu.dma_semaphore, #tpu.memory_space<semaphore_mem>>) src(%dma_wait3A_311 : memref<80xi32, #tpu.memory_space<hbm>>) dst(%arg7 : memref<80xi32, #tpu.memory_space<vmem>>)
    %dma_start3A_312 = arith.constant 0 : i32
    %dma_start3A_313 = arith.constant 0 : i32
    %dma_start3A_314 = tpu.memref_slice %arg4[%dma_start3A_312, %dma_start3A_313] : memref<10000x128xf32, #tpu.memory_space<hbm>> -> memref<10000x128xf32, #tpu.memory_space<hbm>>
    tpu.enqueue_indirect_dma source(%dma_start3A_314 : memref<10000x128xf32, #tpu.memory_space<hbm>>) target(%arg13 : memref<80x128xf32, #tpu.memory_space<vmem>>) offsets(%arg7 : memref<80xi32, #tpu.memory_space<vmem>>) semaphore(%arg26 : memref<!tpu.dma_semaphore, #tpu.memory_space<semaphore_mem>>)
    %dma_wait3A_315 = arith.constant 0 : i32
    %dma_wait3A_316 = arith.constant 0 : i32
    %dma_wait3A_317 = tpu.memref_slice %arg4[%dma_wait3A_315, %dma_wait3A_316] : memref<10000x128xf32, #tpu.memory_space<hbm>> -> memref<10000x128xf32, #tpu.memory_space<hbm>>
    tpu.wait_indirect_dma semaphore(%arg26 : memref<!tpu.dma_semaphore, #tpu.memory_space<semaphore_mem>>) src(%dma_wait3A_317 : memref<10000x128xf32, #tpu.memory_space<hbm>>) dst(%arg13 : memref<80x128xf32, #tpu.memory_space<vmem>>)
    %dma_wait3A_318 = tpu.memref_slice %arg3[%multiple_of3A_309] : memref<320000xi32, #tpu.memory_space<hbm>> -> memref<80xi32, #tpu.memory_space<hbm>>
    %dma_wait3A_319 = tpu.memref_slice %arg3[%multiple_of3A_309] : memref<320000xi32, #tpu.memory_space<hbm>> -> memref<80xi32, #tpu.memory_space<hbm>>
    tpu.wait_dma2 semaphore(%arg20 : memref<!tpu.dma_semaphore, #tpu.memory_space<semaphore_mem>>) src(%dma_wait3A_319 : memref<80xi32, #tpu.memory_space<hbm>>) dst(%arg10 : memref<80xi32, #tpu.memory_space<vmem>>)
    %dma_start3A_320 = arith.constant 0 : i32
    %dma_start3A_321 = arith.constant 0 : i32
    %dma_start3A_322 = tpu.memref_slice %arg16[%dma_start3A_320, %dma_start3A_321] : memref<10000x128xf32, #tpu.memory_space<vmem_shared>> -> memref<10000x128xf32, #tpu.memory_space<vmem_shared>>
    tpu.enqueue_indirect_dma source(%arg13 : memref<80x128xf32, #tpu.memory_space<vmem>>) target(%dma_start3A_322 : memref<10000x128xf32, #tpu.memory_space<vmem_shared>>) offsets(%arg10 : memref<80xi32, #tpu.memory_space<vmem>>) semaphore(%arg23 : memref<!tpu.dma_semaphore, #tpu.memory_space<semaphore_mem>>) {add = true}
    %add3A_323 = arith.constant 9920 : i32
    %add3A_324 = arith.addi %mul3A_211, %add3A_323 : i32
    %multiple_of3A_325 = tpu.assume_multiple %add3A_324, 8 : i32
    %dma_wait3A_326 = tpu.memref_slice %arg2[%multiple_of3A_325] : memref<320000xi32, #tpu.memory_space<hbm>> -> memref<80xi32, #tpu.memory_space<hbm>>
    %dma_wait3A_327 = tpu.memref_slice %arg2[%multiple_of3A_325] : memref<320000xi32, #tpu.memory_space<hbm>> -> memref<80xi32, #tpu.memory_space<hbm>>
    tpu.wait_dma2 semaphore(%arg18 : memref<!tpu.dma_semaphore, #tpu.memory_space<semaphore_mem>>) src(%dma_wait3A_327 : memref<80xi32, #tpu.memory_space<hbm>>) dst(%arg8 : memref<80xi32, #tpu.memory_space<vmem>>)
    %dma_start3A_328 = arith.constant 0 : i32
    %dma_start3A_329 = arith.constant 0 : i32
    %dma_start3A_330 = tpu.memref_slice %arg4[%dma_start3A_328, %dma_start3A_329] : memref<10000x128xf32, #tpu.memory_space<hbm>> -> memref<10000x128xf32, #tpu.memory_space<hbm>>
    tpu.enqueue_indirect_dma source(%dma_start3A_330 : memref<10000x128xf32, #tpu.memory_space<hbm>>) target(%arg14 : memref<80x128xf32, #tpu.memory_space<vmem>>) offsets(%arg8 : memref<80xi32, #tpu.memory_space<vmem>>) semaphore(%arg26 : memref<!tpu.dma_semaphore, #tpu.memory_space<semaphore_mem>>)
    %dma_wait3A_331 = arith.constant 0 : i32
    %dma_wait3A_332 = arith.constant 0 : i32
    %dma_wait3A_333 = tpu.memref_slice %arg4[%dma_wait3A_331, %dma_wait3A_332] : memref<10000x128xf32, #tpu.memory_space<hbm>> -> memref<10000x128xf32, #tpu.memory_space<hbm>>
    tpu.wait_indirect_dma semaphore(%arg26 : memref<!tpu.dma_semaphore, #tpu.memory_space<semaphore_mem>>) src(%dma_wait3A_333 : memref<10000x128xf32, #tpu.memory_space<hbm>>) dst(%arg14 : memref<80x128xf32, #tpu.memory_space<vmem>>)
    %dma_wait3A_334 = tpu.memref_slice %arg3[%multiple_of3A_325] : memref<320000xi32, #tpu.memory_space<hbm>> -> memref<80xi32, #tpu.memory_space<hbm>>
    %dma_wait3A_335 = tpu.memref_slice %arg3[%multiple_of3A_325] : memref<320000xi32, #tpu.memory_space<hbm>> -> memref<80xi32, #tpu.memory_space<hbm>>
    tpu.wait_dma2 semaphore(%arg21 : memref<!tpu.dma_semaphore, #tpu.memory_space<semaphore_mem>>) src(%dma_wait3A_335 : memref<80xi32, #tpu.memory_space<hbm>>) dst(%arg11 : memref<80xi32, #tpu.memory_space<vmem>>)
    %dma_start3A_336 = arith.constant 0 : i32
    %dma_start3A_337 = arith.constant 0 : i32
    %dma_start3A_338 = tpu.memref_slice %arg16[%dma_start3A_336, %dma_start3A_337] : memref<10000x128xf32, #tpu.memory_space<vmem_shared>> -> memref<10000x128xf32, #tpu.memory_space<vmem_shared>>
    tpu.enqueue_indirect_dma source(%arg14 : memref<80x128xf32, #tpu.memory_space<vmem>>) target(%dma_start3A_338 : memref<10000x128xf32, #tpu.memory_space<vmem_shared>>) offsets(%arg11 : memref<80xi32, #tpu.memory_space<vmem>>) semaphore(%arg24 : memref<!tpu.dma_semaphore, #tpu.memory_space<semaphore_mem>>) {add = true}
    %dma_wait3A_339 = arith.constant 0 : i32
    %dma_wait3A_340 = arith.constant 0 : i32
    %dma_wait3A_341 = tpu.memref_slice %arg16[%dma_wait3A_339, %dma_wait3A_340] : memref<10000x128xf32, #tpu.memory_space<vmem_shared>> -> memref<10000x128xf32, #tpu.memory_space<vmem_shared>>
    tpu.wait_indirect_dma semaphore(%arg25 : memref<!tpu.dma_semaphore, #tpu.memory_space<semaphore_mem>>) src(%arg15 : memref<80x128xf32, #tpu.memory_space<vmem>>) dst(%dma_wait3A_341 : memref<10000x128xf32, #tpu.memory_space<vmem_shared>>)
    %dma_wait3A_342 = arith.constant 0 : i32
    %dma_wait3A_343 = arith.constant 0 : i32
    %dma_wait3A_344 = tpu.memref_slice %arg16[%dma_wait3A_342, %dma_wait3A_343] : memref<10000x128xf32, #tpu.memory_space<vmem_shared>> -> memref<10000x128xf32, #tpu.memory_space<vmem_shared>>
    tpu.wait_indirect_dma semaphore(%arg23 : memref<!tpu.dma_semaphore, #tpu.memory_space<semaphore_mem>>) src(%arg13 : memref<80x128xf32, #tpu.memory_space<vmem>>) dst(%dma_wait3A_344 : memref<10000x128xf32, #tpu.memory_space<vmem_shared>>)
    %dma_wait3A_345 = arith.constant 0 : i32
    %dma_wait3A_346 = arith.constant 0 : i32
    %dma_wait3A_347 = tpu.memref_slice %arg16[%dma_wait3A_345, %dma_wait3A_346] : memref<10000x128xf32, #tpu.memory_space<vmem_shared>> -> memref<10000x128xf32, #tpu.memory_space<vmem_shared>>
    tpu.wait_indirect_dma semaphore(%arg24 : memref<!tpu.dma_semaphore, #tpu.memory_space<semaphore_mem>>) src(%arg14 : memref<80x128xf32, #tpu.memory_space<vmem>>) dst(%dma_wait3A_347 : memref<10000x128xf32, #tpu.memory_space<vmem_shared>>)
    %barrier3A_348 = arith.constant 0 : index
    tpu.barrier barrier_id(%barrier3A_348)
    %mul3A_349 = arith.constant 8 : i32
    %mul3A_350 = arith.muli %arg1, %mul3A_349 : i32
    %add3A_351 = arith.constant 0 : i32
    %add3A_352 = arith.addi %mul3A_350, %add3A_351 : i32
    %min3A_353 = arith.constant 124 : i32
    %min3A_354 = arith.minsi %add3A_352, %min3A_353 : i32
    %mul3A_355 = arith.constant 80 : i32
    %mul3A_356 = arith.muli %min3A_354, %mul3A_355 : i32
    %multiple_of3A_357 = tpu.assume_multiple %mul3A_356, 8 : i32
    %dma_start3A_358 = arith.constant 0 : i32
    %dma_start3A_359 = tpu.memref_slice %arg16[%multiple_of3A_357, %dma_start3A_358] : memref<10000x128xf32, #tpu.memory_space<vmem_shared>> -> memref<80x128xf32, #tpu.memory_space<vmem_shared>>
    %dma_start3A_360 = arith.constant 0 : i32
    %dma_start3A_361 = tpu.memref_slice %arg16[%multiple_of3A_357, %dma_start3A_360] : memref<10000x128xf32, #tpu.memory_space<vmem_shared>> -> memref<80x128xf32, #tpu.memory_space<vmem_shared>>
    tpu.enqueue_dma source(%dma_start3A_361 : memref<80x128xf32, #tpu.memory_space<vmem_shared>>) target(%arg13 : memref<80x128xf32, #tpu.memory_space<vmem>>) target_semaphore(%arg26 : memref<!tpu.dma_semaphore, #tpu.memory_space<semaphore_mem>>)
    %mul3A_362 = arith.constant 8 : i32
    %mul3A_363 = arith.muli %arg1, %mul3A_362 : i32
    %add3A_364 = arith.constant 1 : i32
    %add3A_365 = arith.addi %mul3A_363, %add3A_364 : i32
    %min3A_366 = arith.constant 124 : i32
    %min3A_367 = arith.minsi %add3A_365, %min3A_366 : i32
    %mul3A_368 = arith.constant 80 : i32
    %mul3A_369 = arith.muli %min3A_367, %mul3A_368 : i32
    %multiple_of3A_370 = tpu.assume_multiple %mul3A_369, 8 : i32
    %dma_start3A_371 = arith.constant 0 : i32
    %dma_start3A_372 = tpu.memref_slice %arg16[%multiple_of3A_370, %dma_start3A_371] : memref<10000x128xf32, #tpu.memory_space<vmem_shared>> -> memref<80x128xf32, #tpu.memory_space<vmem_shared>>
    %dma_start3A_373 = arith.constant 0 : i32
    %dma_start3A_374 = tpu.memref_slice %arg16[%multiple_of3A_370, %dma_start3A_373] : memref<10000x128xf32, #tpu.memory_space<vmem_shared>> -> memref<80x128xf32, #tpu.memory_space<vmem_shared>>
    tpu.enqueue_dma source(%dma_start3A_374 : memref<80x128xf32, #tpu.memory_space<vmem_shared>>) target(%arg14 : memref<80x128xf32, #tpu.memory_space<vmem>>) target_semaphore(%arg23 : memref<!tpu.dma_semaphore, #tpu.memory_space<semaphore_mem>>)
    %dma_wait3A_375 = arith.constant 0 : i32
    %dma_wait3A_376 = tpu.memref_slice %arg16[%multiple_of3A_357, %dma_wait3A_375] : memref<10000x128xf32, #tpu.memory_space<vmem_shared>> -> memref<80x128xf32, #tpu.memory_space<vmem_shared>>
    %dma_wait3A_377 = arith.constant 0 : i32
    %dma_wait3A_378 = tpu.memref_slice %arg16[%multiple_of3A_357, %dma_wait3A_377] : memref<10000x128xf32, #tpu.memory_space<vmem_shared>> -> memref<80x128xf32, #tpu.memory_space<vmem_shared>>
    tpu.wait_dma2 semaphore(%arg26 : memref<!tpu.dma_semaphore, #tpu.memory_space<semaphore_mem>>) src(%dma_wait3A_378 : memref<80x128xf32, #tpu.memory_space<vmem_shared>>) dst(%arg13 : memref<80x128xf32, #tpu.memory_space<vmem>>)
    %mul3A_379 = arith.constant 8 : i32
    %mul3A_380 = arith.muli %arg1, %mul3A_379 : i32
    %add3A_381 = arith.constant 0 : i32
    %add3A_382 = arith.addi %mul3A_380, %add3A_381 : i32
    %min3A_383 = arith.constant 124 : i32
    %min3A_384 = arith.minsi %add3A_382, %min3A_383 : i32
    %mul3A_385 = arith.constant 80 : i32
    %mul3A_386 = arith.muli %min3A_384, %mul3A_385 : i32
    %multiple_of3A_387 = tpu.assume_multiple %mul3A_386, 8 : i32
    %dma_start3A_388 = arith.constant 0 : i32
    %dma_start3A_389 = tpu.memref_slice %arg5[%arg0, %multiple_of3A_387, %dma_start3A_388] : memref<2x10000x128xf32, #tpu.memory_space<hbm>> -> memref<1x80x128xf32, #tpu.memory_space<hbm>>
    %dma_start3A_390 = tpu.memref_squeeze %dma_start3A_389 : memref<1x80x128xf32, #tpu.memory_space<hbm>> -> memref<80x128xf32, #tpu.memory_space<hbm>>
    %dma_start3A_391 = arith.constant 0 : i32
    %dma_start3A_392 = tpu.memref_slice %arg5[%arg0, %multiple_of3A_387, %dma_start3A_391] : memref<2x10000x128xf32, #tpu.memory_space<hbm>> -> memref<1x80x128xf32, #tpu.memory_space<hbm>>
    %dma_start3A_393 = tpu.memref_squeeze %dma_start3A_392 : memref<1x80x128xf32, #tpu.memory_space<hbm>> -> memref<80x128xf32, #tpu.memory_space<hbm>>
    tpu.enqueue_dma source(%arg13 : memref<80x128xf32, #tpu.memory_space<vmem>>) target(%dma_start3A_393 : memref<80x128xf32, #tpu.memory_space<hbm>>) target_semaphore(%arg26 : memref<!tpu.dma_semaphore, #tpu.memory_space<semaphore_mem>>)
    %dma_wait3A_394 = arith.constant 0 : i32
    %dma_wait3A_395 = tpu.memref_slice %arg5[%arg0, %multiple_of3A_387, %dma_wait3A_394] : memref<2x10000x128xf32, #tpu.memory_space<hbm>> -> memref<1x80x128xf32, #tpu.memory_space<hbm>>
    %dma_wait3A_396 = tpu.memref_squeeze %dma_wait3A_395 : memref<1x80x128xf32, #tpu.memory_space<hbm>> -> memref<80x128xf32, #tpu.memory_space<hbm>>
    %dma_wait3A_397 = arith.constant 0 : i32
    %dma_wait3A_398 = tpu.memref_slice %arg5[%arg0, %multiple_of3A_387, %dma_wait3A_397] : memref<2x10000x128xf32, #tpu.memory_space<hbm>> -> memref<1x80x128xf32, #tpu.memory_space<hbm>>
    %dma_wait3A_399 = tpu.memref_squeeze %dma_wait3A_398 : memref<1x80x128xf32, #tpu.memory_space<hbm>> -> memref<80x128xf32, #tpu.memory_space<hbm>>
    tpu.wait_dma2 semaphore(%arg26 : memref<!tpu.dma_semaphore, #tpu.memory_space<semaphore_mem>>) src(%arg13 : memref<80x128xf32, #tpu.memory_space<vmem>>) dst(%dma_wait3A_399 : memref<80x128xf32, #tpu.memory_space<hbm>>)
    %mul3A_400 = arith.constant 8 : i32
    %mul3A_401 = arith.muli %arg1, %mul3A_400 : i32
    %add3A_402 = arith.constant 2 : i32
    %add3A_403 = arith.addi %mul3A_401, %add3A_402 : i32
    %min3A_404 = arith.constant 124 : i32
    %min3A_405 = arith.minsi %add3A_403, %min3A_404 : i32
    %mul3A_406 = arith.constant 80 : i32
    %mul3A_407 = arith.muli %min3A_405, %mul3A_406 : i32
    %multiple_of3A_408 = tpu.assume_multiple %mul3A_407, 8 : i32
    %dma_start3A_409 = arith.constant 0 : i32
    %dma_start3A_410 = tpu.memref_slice %arg16[%multiple_of3A_408, %dma_start3A_409] : memref<10000x128xf32, #tpu.memory_space<vmem_shared>> -> memref<80x128xf32, #tpu.memory_space<vmem_shared>>
    %dma_start3A_411 = arith.constant 0 : i32
    %dma_start3A_412 = tpu.memref_slice %arg16[%multiple_of3A_408, %dma_start3A_411] : memref<10000x128xf32, #tpu.memory_space<vmem_shared>> -> memref<80x128xf32, #tpu.memory_space<vmem_shared>>
    tpu.enqueue_dma source(%dma_start3A_412 : memref<80x128xf32, #tpu.memory_space<vmem_shared>>) target(%arg13 : memref<80x128xf32, #tpu.memory_space<vmem>>) target_semaphore(%arg26 : memref<!tpu.dma_semaphore, #tpu.memory_space<semaphore_mem>>)
    %dma_wait3A_413 = arith.constant 0 : i32
    %dma_wait3A_414 = tpu.memref_slice %arg16[%multiple_of3A_370, %dma_wait3A_413] : memref<10000x128xf32, #tpu.memory_space<vmem_shared>> -> memref<80x128xf32, #tpu.memory_space<vmem_shared>>
    %dma_wait3A_415 = arith.constant 0 : i32
    %dma_wait3A_416 = tpu.memref_slice %arg16[%multiple_of3A_370, %dma_wait3A_415] : memref<10000x128xf32, #tpu.memory_space<vmem_shared>> -> memref<80x128xf32, #tpu.memory_space<vmem_shared>>
    tpu.wait_dma2 semaphore(%arg23 : memref<!tpu.dma_semaphore, #tpu.memory_space<semaphore_mem>>) src(%dma_wait3A_416 : memref<80x128xf32, #tpu.memory_space<vmem_shared>>) dst(%arg14 : memref<80x128xf32, #tpu.memory_space<vmem>>)
    %mul3A_417 = arith.constant 8 : i32
    %mul3A_418 = arith.muli %arg1, %mul3A_417 : i32
    %add3A_419 = arith.constant 1 : i32
    %add3A_420 = arith.addi %mul3A_418, %add3A_419 : i32
    %min3A_421 = arith.constant 124 : i32
    %min3A_422 = arith.minsi %add3A_420, %min3A_421 : i32
    %mul3A_423 = arith.constant 80 : i32
    %mul3A_424 = arith.muli %min3A_422, %mul3A_423 : i32
    %multiple_of3A_425 = tpu.assume_multiple %mul3A_424, 8 : i32
    %dma_start3A_426 = arith.constant 0 : i32
    %dma_start3A_427 = tpu.memref_slice %arg5[%arg0, %multiple_of3A_425, %dma_start3A_426] : memref<2x10000x128xf32, #tpu.memory_space<hbm>> -> memref<1x80x128xf32, #tpu.memory_space<hbm>>
    %dma_start3A_428 = tpu.memref_squeeze %dma_start3A_427 : memref<1x80x128xf32, #tpu.memory_space<hbm>> -> memref<80x128xf32, #tpu.memory_space<hbm>>
    %dma_start3A_429 = arith.constant 0 : i32
    %dma_start3A_430 = tpu.memref_slice %arg5[%arg0, %multiple_of3A_425, %dma_start3A_429] : memref<2x10000x128xf32, #tpu.memory_space<hbm>> -> memref<1x80x128xf32, #tpu.memory_space<hbm>>
    %dma_start3A_431 = tpu.memref_squeeze %dma_start3A_430 : memref<1x80x128xf32, #tpu.memory_space<hbm>> -> memref<80x128xf32, #tpu.memory_space<hbm>>
    tpu.enqueue_dma source(%arg14 : memref<80x128xf32, #tpu.memory_space<vmem>>) target(%dma_start3A_431 : memref<80x128xf32, #tpu.memory_space<hbm>>) target_semaphore(%arg23 : memref<!tpu.dma_semaphore, #tpu.memory_space<semaphore_mem>>)
    %dma_wait3A_432 = arith.constant 0 : i32
    %dma_wait3A_433 = tpu.memref_slice %arg5[%arg0, %multiple_of3A_425, %dma_wait3A_432] : memref<2x10000x128xf32, #tpu.memory_space<hbm>> -> memref<1x80x128xf32, #tpu.memory_space<hbm>>
    %dma_wait3A_434 = tpu.memref_squeeze %dma_wait3A_433 : memref<1x80x128xf32, #tpu.memory_space<hbm>> -> memref<80x128xf32, #tpu.memory_space<hbm>>
    %dma_wait3A_435 = arith.constant 0 : i32
    %dma_wait3A_436 = tpu.memref_slice %arg5[%arg0, %multiple_of3A_425, %dma_wait3A_435] : memref<2x10000x128xf32, #tpu.memory_space<hbm>> -> memref<1x80x128xf32, #tpu.memory_space<hbm>>
    %dma_wait3A_437 = tpu.memref_squeeze %dma_wait3A_436 : memref<1x80x128xf32, #tpu.memory_space<hbm>> -> memref<80x128xf32, #tpu.memory_space<hbm>>
    tpu.wait_dma2 semaphore(%arg23 : memref<!tpu.dma_semaphore, #tpu.memory_space<semaphore_mem>>) src(%arg14 : memref<80x128xf32, #tpu.memory_space<vmem>>) dst(%dma_wait3A_437 : memref<80x128xf32, #tpu.memory_space<hbm>>)
    %mul3A_438 = arith.constant 8 : i32
    %mul3A_439 = arith.muli %arg1, %mul3A_438 : i32
    %add3A_440 = arith.constant 3 : i32
    %add3A_441 = arith.addi %mul3A_439, %add3A_440 : i32
    %min3A_442 = arith.constant 124 : i32
    %min3A_443 = arith.minsi %add3A_441, %min3A_442 : i32
    %mul3A_444 = arith.constant 80 : i32
    %mul3A_445 = arith.muli %min3A_443, %mul3A_444 : i32
    %multiple_of3A_446 = tpu.assume_multiple %mul3A_445, 8 : i32
    %dma_start3A_447 = arith.constant 0 : i32
    %dma_start3A_448 = tpu.memref_slice %arg16[%multiple_of3A_446, %dma_start3A_447] : memref<10000x128xf32, #tpu.memory_space<vmem_shared>> -> memref<80x128xf32, #tpu.memory_space<vmem_shared>>
    %dma_start3A_449 = arith.constant 0 : i32
    %dma_start3A_450 = tpu.memref_slice %arg16[%multiple_of3A_446, %dma_start3A_449] : memref<10000x128xf32, #tpu.memory_space<vmem_shared>> -> memref<80x128xf32, #tpu.memory_space<vmem_shared>>
    tpu.enqueue_dma source(%dma_start3A_450 : memref<80x128xf32, #tpu.memory_space<vmem_shared>>) target(%arg14 : memref<80x128xf32, #tpu.memory_space<vmem>>) target_semaphore(%arg23 : memref<!tpu.dma_semaphore, #tpu.memory_space<semaphore_mem>>)
    %dma_wait3A_451 = arith.constant 0 : i32
    %dma_wait3A_452 = tpu.memref_slice %arg16[%multiple_of3A_408, %dma_wait3A_451] : memref<10000x128xf32, #tpu.memory_space<vmem_shared>> -> memref<80x128xf32, #tpu.memory_space<vmem_shared>>
    %dma_wait3A_453 = arith.constant 0 : i32
    %dma_wait3A_454 = tpu.memref_slice %arg16[%multiple_of3A_408, %dma_wait3A_453] : memref<10000x128xf32, #tpu.memory_space<vmem_shared>> -> memref<80x128xf32, #tpu.memory_space<vmem_shared>>
    tpu.wait_dma2 semaphore(%arg26 : memref<!tpu.dma_semaphore, #tpu.memory_space<semaphore_mem>>) src(%dma_wait3A_454 : memref<80x128xf32, #tpu.memory_space<vmem_shared>>) dst(%arg13 : memref<80x128xf32, #tpu.memory_space<vmem>>)
    %mul3A_455 = arith.constant 8 : i32
    %mul3A_456 = arith.muli %arg1, %mul3A_455 : i32
    %add3A_457 = arith.constant 2 : i32
    %add3A_458 = arith.addi %mul3A_456, %add3A_457 : i32
    %min3A_459 = arith.constant 124 : i32
    %min3A_460 = arith.minsi %add3A_458, %min3A_459 : i32
    %mul3A_461 = arith.constant 80 : i32
    %mul3A_462 = arith.muli %min3A_460, %mul3A_461 : i32
    %multiple_of3A_463 = tpu.assume_multiple %mul3A_462, 8 : i32
    %dma_start3A_464 = arith.constant 0 : i32
    %dma_start3A_465 = tpu.memref_slice %arg5[%arg0, %multiple_of3A_463, %dma_start3A_464] : memref<2x10000x128xf32, #tpu.memory_space<hbm>> -> memref<1x80x128xf32, #tpu.memory_space<hbm>>
    %dma_start3A_466 = tpu.memref_squeeze %dma_start3A_465 : memref<1x80x128xf32, #tpu.memory_space<hbm>> -> memref<80x128xf32, #tpu.memory_space<hbm>>
    %dma_start3A_467 = arith.constant 0 : i32
    %dma_start3A_468 = tpu.memref_slice %arg5[%arg0, %multiple_of3A_463, %dma_start3A_467] : memref<2x10000x128xf32, #tpu.memory_space<hbm>> -> memref<1x80x128xf32, #tpu.memory_space<hbm>>
    %dma_start3A_469 = tpu.memref_squeeze %dma_start3A_468 : memref<1x80x128xf32, #tpu.memory_space<hbm>> -> memref<80x128xf32, #tpu.memory_space<hbm>>
    tpu.enqueue_dma source(%arg13 : memref<80x128xf32, #tpu.memory_space<vmem>>) target(%dma_start3A_469 : memref<80x128xf32, #tpu.memory_space<hbm>>) target_semaphore(%arg26 : memref<!tpu.dma_semaphore, #tpu.memory_space<semaphore_mem>>)
    %dma_wait3A_470 = arith.constant 0 : i32
    %dma_wait3A_471 = tpu.memref_slice %arg5[%arg0, %multiple_of3A_463, %dma_wait3A_470] : memref<2x10000x128xf32, #tpu.memory_space<hbm>> -> memref<1x80x128xf32, #tpu.memory_space<hbm>>
    %dma_wait3A_472 = tpu.memref_squeeze %dma_wait3A_471 : memref<1x80x128xf32, #tpu.memory_space<hbm>> -> memref<80x128xf32, #tpu.memory_space<hbm>>
    %dma_wait3A_473 = arith.constant 0 : i32
    %dma_wait3A_474 = tpu.memref_slice %arg5[%arg0, %multiple_of3A_463, %dma_wait3A_473] : memref<2x10000x128xf32, #tpu.memory_space<hbm>> -> memref<1x80x128xf32, #tpu.memory_space<hbm>>
    %dma_wait3A_475 = tpu.memref_squeeze %dma_wait3A_474 : memref<1x80x128xf32, #tpu.memory_space<hbm>> -> memref<80x128xf32, #tpu.memory_space<hbm>>
    tpu.wait_dma2 semaphore(%arg26 : memref<!tpu.dma_semaphore, #tpu.memory_space<semaphore_mem>>) src(%arg13 : memref<80x128xf32, #tpu.memory_space<vmem>>) dst(%dma_wait3A_475 : memref<80x128xf32, #tpu.memory_space<hbm>>)
    %mul3A_476 = arith.constant 8 : i32
    %mul3A_477 = arith.muli %arg1, %mul3A_476 : i32
    %add3A_478 = arith.constant 4 : i32
    %add3A_479 = arith.addi %mul3A_477, %add3A_478 : i32
    %min3A_480 = arith.constant 124 : i32
    %min3A_481 = arith.minsi %add3A_479, %min3A_480 : i32
    %mul3A_482 = arith.constant 80 : i32
    %mul3A_483 = arith.muli %min3A_481, %mul3A_482 : i32
    %multiple_of3A_484 = tpu.assume_multiple %mul3A_483, 8 : i32
    %dma_start3A_485 = arith.constant 0 : i32
    %dma_start3A_486 = tpu.memref_slice %arg16[%multiple_of3A_484, %dma_start3A_485] : memref<10000x128xf32, #tpu.memory_space<vmem_shared>> -> memref<80x128xf32, #tpu.memory_space<vmem_shared>>
    %dma_start3A_487 = arith.constant 0 : i32
    %dma_start3A_488 = tpu.memref_slice %arg16[%multiple_of3A_484, %dma_start3A_487] : memref<10000x128xf32, #tpu.memory_space<vmem_shared>> -> memref<80x128xf32, #tpu.memory_space<vmem_shared>>
    tpu.enqueue_dma source(%dma_start3A_488 : memref<80x128xf32, #tpu.memory_space<vmem_shared>>) target(%arg13 : memref<80x128xf32, #tpu.memory_space<vmem>>) target_semaphore(%arg26 : memref<!tpu.dma_semaphore, #tpu.memory_space<semaphore_mem>>)
    %dma_wait3A_489 = arith.constant 0 : i32
    %dma_wait3A_490 = tpu.memref_slice %arg16[%multiple_of3A_446, %dma_wait3A_489] : memref<10000x128xf32, #tpu.memory_space<vmem_shared>> -> memref<80x128xf32, #tpu.memory_space<vmem_shared>>
    %dma_wait3A_491 = arith.constant 0 : i32
    %dma_wait3A_492 = tpu.memref_slice %arg16[%multiple_of3A_446, %dma_wait3A_491] : memref<10000x128xf32, #tpu.memory_space<vmem_shared>> -> memref<80x128xf32, #tpu.memory_space<vmem_shared>>
    tpu.wait_dma2 semaphore(%arg23 : memref<!tpu.dma_semaphore, #tpu.memory_space<semaphore_mem>>) src(%dma_wait3A_492 : memref<80x128xf32, #tpu.memory_space<vmem_shared>>) dst(%arg14 : memref<80x128xf32, #tpu.memory_space<vmem>>)
    %mul3A_493 = arith.constant 8 : i32
    %mul3A_494 = arith.muli %arg1, %mul3A_493 : i32
    %add3A_495 = arith.constant 3 : i32
    %add3A_496 = arith.addi %mul3A_494, %add3A_495 : i32
    %min3A_497 = arith.constant 124 : i32
    %min3A_498 = arith.minsi %add3A_496, %min3A_497 : i32
    %mul3A_499 = arith.constant 80 : i32
    %mul3A_500 = arith.muli %min3A_498, %mul3A_499 : i32
    %multiple_of3A_501 = tpu.assume_multiple %mul3A_500, 8 : i32
    %dma_start3A_502 = arith.constant 0 : i32
    %dma_start3A_503 = tpu.memref_slice %arg5[%arg0, %multiple_of3A_501, %dma_start3A_502] : memref<2x10000x128xf32, #tpu.memory_space<hbm>> -> memref<1x80x128xf32, #tpu.memory_space<hbm>>
    %dma_start3A_504 = tpu.memref_squeeze %dma_start3A_503 : memref<1x80x128xf32, #tpu.memory_space<hbm>> -> memref<80x128xf32, #tpu.memory_space<hbm>>
    %dma_start3A_505 = arith.constant 0 : i32
    %dma_start3A_506 = tpu.memref_slice %arg5[%arg0, %multiple_of3A_501, %dma_start3A_505] : memref<2x10000x128xf32, #tpu.memory_space<hbm>> -> memref<1x80x128xf32, #tpu.memory_space<hbm>>
    %dma_start3A_507 = tpu.memref_squeeze %dma_start3A_506 : memref<1x80x128xf32, #tpu.memory_space<hbm>> -> memref<80x128xf32, #tpu.memory_space<hbm>>
    tpu.enqueue_dma source(%arg14 : memref<80x128xf32, #tpu.memory_space<vmem>>) target(%dma_start3A_507 : memref<80x128xf32, #tpu.memory_space<hbm>>) target_semaphore(%arg23 : memref<!tpu.dma_semaphore, #tpu.memory_space<semaphore_mem>>)
    %dma_wait3A_508 = arith.constant 0 : i32
    %dma_wait3A_509 = tpu.memref_slice %arg5[%arg0, %multiple_of3A_501, %dma_wait3A_508] : memref<2x10000x128xf32, #tpu.memory_space<hbm>> -> memref<1x80x128xf32, #tpu.memory_space<hbm>>
    %dma_wait3A_510 = tpu.memref_squeeze %dma_wait3A_509 : memref<1x80x128xf32, #tpu.memory_space<hbm>> -> memref<80x128xf32, #tpu.memory_space<hbm>>
    %dma_wait3A_511 = arith.constant 0 : i32
    %dma_wait3A_512 = tpu.memref_slice %arg5[%arg0, %multiple_of3A_501, %dma_wait3A_511] : memref<2x10000x128xf32, #tpu.memory_space<hbm>> -> memref<1x80x128xf32, #tpu.memory_space<hbm>>
    %dma_wait3A_513 = tpu.memref_squeeze %dma_wait3A_512 : memref<1x80x128xf32, #tpu.memory_space<hbm>> -> memref<80x128xf32, #tpu.memory_space<hbm>>
    tpu.wait_dma2 semaphore(%arg23 : memref<!tpu.dma_semaphore, #tpu.memory_space<semaphore_mem>>) src(%arg14 : memref<80x128xf32, #tpu.memory_space<vmem>>) dst(%dma_wait3A_513 : memref<80x128xf32, #tpu.memory_space<hbm>>)
    %mul3A_514 = arith.constant 8 : i32
    %mul3A_515 = arith.muli %arg1, %mul3A_514 : i32
    %add3A_516 = arith.constant 5 : i32
    %add3A_517 = arith.addi %mul3A_515, %add3A_516 : i32
    %min3A_518 = arith.constant 124 : i32
    %min3A_519 = arith.minsi %add3A_517, %min3A_518 : i32
    %mul3A_520 = arith.constant 80 : i32
    %mul3A_521 = arith.muli %min3A_519, %mul3A_520 : i32
    %multiple_of3A_522 = tpu.assume_multiple %mul3A_521, 8 : i32
    %dma_start3A_523 = arith.constant 0 : i32
    %dma_start3A_524 = tpu.memref_slice %arg16[%multiple_of3A_522, %dma_start3A_523] : memref<10000x128xf32, #tpu.memory_space<vmem_shared>> -> memref<80x128xf32, #tpu.memory_space<vmem_shared>>
    %dma_start3A_525 = arith.constant 0 : i32
    %dma_start3A_526 = tpu.memref_slice %arg16[%multiple_of3A_522, %dma_start3A_525] : memref<10000x128xf32, #tpu.memory_space<vmem_shared>> -> memref<80x128xf32, #tpu.memory_space<vmem_shared>>
    tpu.enqueue_dma source(%dma_start3A_526 : memref<80x128xf32, #tpu.memory_space<vmem_shared>>) target(%arg14 : memref<80x128xf32, #tpu.memory_space<vmem>>) target_semaphore(%arg23 : memref<!tpu.dma_semaphore, #tpu.memory_space<semaphore_mem>>)
    %dma_wait3A_527 = arith.constant 0 : i32
    %dma_wait3A_528 = tpu.memref_slice %arg16[%multiple_of3A_484, %dma_wait3A_527] : memref<10000x128xf32, #tpu.memory_space<vmem_shared>> -> memref<80x128xf32, #tpu.memory_space<vmem_shared>>
    %dma_wait3A_529 = arith.constant 0 : i32
    %dma_wait3A_530 = tpu.memref_slice %arg16[%multiple_of3A_484, %dma_wait3A_529] : memref<10000x128xf32, #tpu.memory_space<vmem_shared>> -> memref<80x128xf32, #tpu.memory_space<vmem_shared>>
    tpu.wait_dma2 semaphore(%arg26 : memref<!tpu.dma_semaphore, #tpu.memory_space<semaphore_mem>>) src(%dma_wait3A_530 : memref<80x128xf32, #tpu.memory_space<vmem_shared>>) dst(%arg13 : memref<80x128xf32, #tpu.memory_space<vmem>>)
    %mul3A_531 = arith.constant 8 : i32
    %mul3A_532 = arith.muli %arg1, %mul3A_531 : i32
    %add3A_533 = arith.constant 4 : i32
    %add3A_534 = arith.addi %mul3A_532, %add3A_533 : i32
    %min3A_535 = arith.constant 124 : i32
    %min3A_536 = arith.minsi %add3A_534, %min3A_535 : i32
    %mul3A_537 = arith.constant 80 : i32
    %mul3A_538 = arith.muli %min3A_536, %mul3A_537 : i32
    %multiple_of3A_539 = tpu.assume_multiple %mul3A_538, 8 : i32
    %dma_start3A_540 = arith.constant 0 : i32
    %dma_start3A_541 = tpu.memref_slice %arg5[%arg0, %multiple_of3A_539, %dma_start3A_540] : memref<2x10000x128xf32, #tpu.memory_space<hbm>> -> memref<1x80x128xf32, #tpu.memory_space<hbm>>
    %dma_start3A_542 = tpu.memref_squeeze %dma_start3A_541 : memref<1x80x128xf32, #tpu.memory_space<hbm>> -> memref<80x128xf32, #tpu.memory_space<hbm>>
    %dma_start3A_543 = arith.constant 0 : i32
    %dma_start3A_544 = tpu.memref_slice %arg5[%arg0, %multiple_of3A_539, %dma_start3A_543] : memref<2x10000x128xf32, #tpu.memory_space<hbm>> -> memref<1x80x128xf32, #tpu.memory_space<hbm>>
    %dma_start3A_545 = tpu.memref_squeeze %dma_start3A_544 : memref<1x80x128xf32, #tpu.memory_space<hbm>> -> memref<80x128xf32, #tpu.memory_space<hbm>>
    tpu.enqueue_dma source(%arg13 : memref<80x128xf32, #tpu.memory_space<vmem>>) target(%dma_start3A_545 : memref<80x128xf32, #tpu.memory_space<hbm>>) target_semaphore(%arg26 : memref<!tpu.dma_semaphore, #tpu.memory_space<semaphore_mem>>)
    %dma_wait3A_546 = arith.constant 0 : i32
    %dma_wait3A_547 = tpu.memref_slice %arg5[%arg0, %multiple_of3A_539, %dma_wait3A_546] : memref<2x10000x128xf32, #tpu.memory_space<hbm>> -> memref<1x80x128xf32, #tpu.memory_space<hbm>>
    %dma_wait3A_548 = tpu.memref_squeeze %dma_wait3A_547 : memref<1x80x128xf32, #tpu.memory_space<hbm>> -> memref<80x128xf32, #tpu.memory_space<hbm>>
    %dma_wait3A_549 = arith.constant 0 : i32
    %dma_wait3A_550 = tpu.memref_slice %arg5[%arg0, %multiple_of3A_539, %dma_wait3A_549] : memref<2x10000x128xf32, #tpu.memory_space<hbm>> -> memref<1x80x128xf32, #tpu.memory_space<hbm>>
    %dma_wait3A_551 = tpu.memref_squeeze %dma_wait3A_550 : memref<1x80x128xf32, #tpu.memory_space<hbm>> -> memref<80x128xf32, #tpu.memory_space<hbm>>
    tpu.wait_dma2 semaphore(%arg26 : memref<!tpu.dma_semaphore, #tpu.memory_space<semaphore_mem>>) src(%arg13 : memref<80x128xf32, #tpu.memory_space<vmem>>) dst(%dma_wait3A_551 : memref<80x128xf32, #tpu.memory_space<hbm>>)
    %mul3A_552 = arith.constant 8 : i32
    %mul3A_553 = arith.muli %arg1, %mul3A_552 : i32
    %add3A_554 = arith.constant 6 : i32
    %add3A_555 = arith.addi %mul3A_553, %add3A_554 : i32
    %min3A_556 = arith.constant 124 : i32
    %min3A_557 = arith.minsi %add3A_555, %min3A_556 : i32
    %mul3A_558 = arith.constant 80 : i32
    %mul3A_559 = arith.muli %min3A_557, %mul3A_558 : i32
    %multiple_of3A_560 = tpu.assume_multiple %mul3A_559, 8 : i32
    %dma_start3A_561 = arith.constant 0 : i32
    %dma_start3A_562 = tpu.memref_slice %arg16[%multiple_of3A_560, %dma_start3A_561] : memref<10000x128xf32, #tpu.memory_space<vmem_shared>> -> memref<80x128xf32, #tpu.memory_space<vmem_shared>>
    %dma_start3A_563 = arith.constant 0 : i32
    %dma_start3A_564 = tpu.memref_slice %arg16[%multiple_of3A_560, %dma_start3A_563] : memref<10000x128xf32, #tpu.memory_space<vmem_shared>> -> memref<80x128xf32, #tpu.memory_space<vmem_shared>>
    tpu.enqueue_dma source(%dma_start3A_564 : memref<80x128xf32, #tpu.memory_space<vmem_shared>>) target(%arg13 : memref<80x128xf32, #tpu.memory_space<vmem>>) target_semaphore(%arg26 : memref<!tpu.dma_semaphore, #tpu.memory_space<semaphore_mem>>)
    %dma_wait3A_565 = arith.constant 0 : i32
    %dma_wait3A_566 = tpu.memref_slice %arg16[%multiple_of3A_522, %dma_wait3A_565] : memref<10000x128xf32, #tpu.memory_space<vmem_shared>> -> memref<80x128xf32, #tpu.memory_space<vmem_shared>>
    %dma_wait3A_567 = arith.constant 0 : i32
    %dma_wait3A_568 = tpu.memref_slice %arg16[%multiple_of3A_522, %dma_wait3A_567] : memref<10000x128xf32, #tpu.memory_space<vmem_shared>> -> memref<80x128xf32, #tpu.memory_space<vmem_shared>>
    tpu.wait_dma2 semaphore(%arg23 : memref<!tpu.dma_semaphore, #tpu.memory_space<semaphore_mem>>) src(%dma_wait3A_568 : memref<80x128xf32, #tpu.memory_space<vmem_shared>>) dst(%arg14 : memref<80x128xf32, #tpu.memory_space<vmem>>)
    %mul3A_569 = arith.constant 8 : i32
    %mul3A_570 = arith.muli %arg1, %mul3A_569 : i32
    %add3A_571 = arith.constant 5 : i32
    %add3A_572 = arith.addi %mul3A_570, %add3A_571 : i32
    %min3A_573 = arith.constant 124 : i32
    %min3A_574 = arith.minsi %add3A_572, %min3A_573 : i32
    %mul3A_575 = arith.constant 80 : i32
    %mul3A_576 = arith.muli %min3A_574, %mul3A_575 : i32
    %multiple_of3A_577 = tpu.assume_multiple %mul3A_576, 8 : i32
    %dma_start3A_578 = arith.constant 0 : i32
    %dma_start3A_579 = tpu.memref_slice %arg5[%arg0, %multiple_of3A_577, %dma_start3A_578] : memref<2x10000x128xf32, #tpu.memory_space<hbm>> -> memref<1x80x128xf32, #tpu.memory_space<hbm>>
    %dma_start3A_580 = tpu.memref_squeeze %dma_start3A_579 : memref<1x80x128xf32, #tpu.memory_space<hbm>> -> memref<80x128xf32, #tpu.memory_space<hbm>>
    %dma_start3A_581 = arith.constant 0 : i32
    %dma_start3A_582 = tpu.memref_slice %arg5[%arg0, %multiple_of3A_577, %dma_start3A_581] : memref<2x10000x128xf32, #tpu.memory_space<hbm>> -> memref<1x80x128xf32, #tpu.memory_space<hbm>>
    %dma_start3A_583 = tpu.memref_squeeze %dma_start3A_582 : memref<1x80x128xf32, #tpu.memory_space<hbm>> -> memref<80x128xf32, #tpu.memory_space<hbm>>
    tpu.enqueue_dma source(%arg14 : memref<80x128xf32, #tpu.memory_space<vmem>>) target(%dma_start3A_583 : memref<80x128xf32, #tpu.memory_space<hbm>>) target_semaphore(%arg23 : memref<!tpu.dma_semaphore, #tpu.memory_space<semaphore_mem>>)
    %dma_wait3A_584 = arith.constant 0 : i32
    %dma_wait3A_585 = tpu.memref_slice %arg5[%arg0, %multiple_of3A_577, %dma_wait3A_584] : memref<2x10000x128xf32, #tpu.memory_space<hbm>> -> memref<1x80x128xf32, #tpu.memory_space<hbm>>
    %dma_wait3A_586 = tpu.memref_squeeze %dma_wait3A_585 : memref<1x80x128xf32, #tpu.memory_space<hbm>> -> memref<80x128xf32, #tpu.memory_space<hbm>>
    %dma_wait3A_587 = arith.constant 0 : i32
    %dma_wait3A_588 = tpu.memref_slice %arg5[%arg0, %multiple_of3A_577, %dma_wait3A_587] : memref<2x10000x128xf32, #tpu.memory_space<hbm>> -> memref<1x80x128xf32, #tpu.memory_space<hbm>>
    %dma_wait3A_589 = tpu.memref_squeeze %dma_wait3A_588 : memref<1x80x128xf32, #tpu.memory_space<hbm>> -> memref<80x128xf32, #tpu.memory_space<hbm>>
    tpu.wait_dma2 semaphore(%arg23 : memref<!tpu.dma_semaphore, #tpu.memory_space<semaphore_mem>>) src(%arg14 : memref<80x128xf32, #tpu.memory_space<vmem>>) dst(%dma_wait3A_589 : memref<80x128xf32, #tpu.memory_space<hbm>>)
    %mul3A_590 = arith.constant 8 : i32
    %mul3A_591 = arith.muli %arg1, %mul3A_590 : i32
    %add3A_592 = arith.constant 7 : i32
    %add3A_593 = arith.addi %mul3A_591, %add3A_592 : i32
    %min3A_594 = arith.constant 124 : i32
    %min3A_595 = arith.minsi %add3A_593, %min3A_594 : i32
    %mul3A_596 = arith.constant 80 : i32
    %mul3A_597 = arith.muli %min3A_595, %mul3A_596 : i32
    %multiple_of3A_598 = tpu.assume_multiple %mul3A_597, 8 : i32
    %dma_start3A_599 = arith.constant 0 : i32
    %dma_start3A_600 = tpu.memref_slice %arg16[%multiple_of3A_598, %dma_start3A_599] : memref<10000x128xf32, #tpu.memory_space<vmem_shared>> -> memref<80x128xf32, #tpu.memory_space<vmem_shared>>
    %dma_start3A_601 = arith.constant 0 : i32
    %dma_start3A_602 = tpu.memref_slice %arg16[%multiple_of3A_598, %dma_start3A_601] : memref<10000x128xf32, #tpu.memory_space<vmem_shared>> -> memref<80x128xf32, #tpu.memory_space<vmem_shared>>
    tpu.enqueue_dma source(%dma_start3A_602 : memref<80x128xf32, #tpu.memory_space<vmem_shared>>) target(%arg14 : memref<80x128xf32, #tpu.memory_space<vmem>>) target_semaphore(%arg23 : memref<!tpu.dma_semaphore, #tpu.memory_space<semaphore_mem>>)
    %dma_wait3A_603 = arith.constant 0 : i32
    %dma_wait3A_604 = tpu.memref_slice %arg16[%multiple_of3A_560, %dma_wait3A_603] : memref<10000x128xf32, #tpu.memory_space<vmem_shared>> -> memref<80x128xf32, #tpu.memory_space<vmem_shared>>
    %dma_wait3A_605 = arith.constant 0 : i32
    %dma_wait3A_606 = tpu.memref_slice %arg16[%multiple_of3A_560, %dma_wait3A_605] : memref<10000x128xf32, #tpu.memory_space<vmem_shared>> -> memref<80x128xf32, #tpu.memory_space<vmem_shared>>
    tpu.wait_dma2 semaphore(%arg26 : memref<!tpu.dma_semaphore, #tpu.memory_space<semaphore_mem>>) src(%dma_wait3A_606 : memref<80x128xf32, #tpu.memory_space<vmem_shared>>) dst(%arg13 : memref<80x128xf32, #tpu.memory_space<vmem>>)
    %mul3A_607 = arith.constant 8 : i32
    %mul3A_608 = arith.muli %arg1, %mul3A_607 : i32
    %add3A_609 = arith.constant 6 : i32
    %add3A_610 = arith.addi %mul3A_608, %add3A_609 : i32
    %min3A_611 = arith.constant 124 : i32
    %min3A_612 = arith.minsi %add3A_610, %min3A_611 : i32
    %mul3A_613 = arith.constant 80 : i32
    %mul3A_614 = arith.muli %min3A_612, %mul3A_613 : i32
    %multiple_of3A_615 = tpu.assume_multiple %mul3A_614, 8 : i32
    %dma_start3A_616 = arith.constant 0 : i32
    %dma_start3A_617 = tpu.memref_slice %arg5[%arg0, %multiple_of3A_615, %dma_start3A_616] : memref<2x10000x128xf32, #tpu.memory_space<hbm>> -> memref<1x80x128xf32, #tpu.memory_space<hbm>>
    %dma_start3A_618 = tpu.memref_squeeze %dma_start3A_617 : memref<1x80x128xf32, #tpu.memory_space<hbm>> -> memref<80x128xf32, #tpu.memory_space<hbm>>
    %dma_start3A_619 = arith.constant 0 : i32
    %dma_start3A_620 = tpu.memref_slice %arg5[%arg0, %multiple_of3A_615, %dma_start3A_619] : memref<2x10000x128xf32, #tpu.memory_space<hbm>> -> memref<1x80x128xf32, #tpu.memory_space<hbm>>
    %dma_start3A_621 = tpu.memref_squeeze %dma_start3A_620 : memref<1x80x128xf32, #tpu.memory_space<hbm>> -> memref<80x128xf32, #tpu.memory_space<hbm>>
    tpu.enqueue_dma source(%arg13 : memref<80x128xf32, #tpu.memory_space<vmem>>) target(%dma_start3A_621 : memref<80x128xf32, #tpu.memory_space<hbm>>) target_semaphore(%arg26 : memref<!tpu.dma_semaphore, #tpu.memory_space<semaphore_mem>>)
    %dma_wait3A_622 = arith.constant 0 : i32
    %dma_wait3A_623 = tpu.memref_slice %arg16[%multiple_of3A_598, %dma_wait3A_622] : memref<10000x128xf32, #tpu.memory_space<vmem_shared>> -> memref<80x128xf32, #tpu.memory_space<vmem_shared>>
    %dma_wait3A_624 = arith.constant 0 : i32
    %dma_wait3A_625 = tpu.memref_slice %arg16[%multiple_of3A_598, %dma_wait3A_624] : memref<10000x128xf32, #tpu.memory_space<vmem_shared>> -> memref<80x128xf32, #tpu.memory_space<vmem_shared>>
    tpu.wait_dma2 semaphore(%arg23 : memref<!tpu.dma_semaphore, #tpu.memory_space<semaphore_mem>>) src(%dma_wait3A_625 : memref<80x128xf32, #tpu.memory_space<vmem_shared>>) dst(%arg14 : memref<80x128xf32, #tpu.memory_space<vmem>>)
    %mul3A_626 = arith.constant 8 : i32
    %mul3A_627 = arith.muli %arg1, %mul3A_626 : i32
    %add3A_628 = arith.constant 7 : i32
    %add3A_629 = arith.addi %mul3A_627, %add3A_628 : i32
    %min3A_630 = arith.constant 124 : i32
    %min3A_631 = arith.minsi %add3A_629, %min3A_630 : i32
    %mul3A_632 = arith.constant 80 : i32
    %mul3A_633 = arith.muli %min3A_631, %mul3A_632 : i32
    %multiple_of3A_634 = tpu.assume_multiple %mul3A_633, 8 : i32
    %dma_start3A_635 = arith.constant 0 : i32
    %dma_start3A_636 = tpu.memref_slice %arg5[%arg0, %multiple_of3A_634, %dma_start3A_635] : memref<2x10000x128xf32, #tpu.memory_space<hbm>> -> memref<1x80x128xf32, #tpu.memory_space<hbm>>
    %dma_start3A_637 = tpu.memref_squeeze %dma_start3A_636 : memref<1x80x128xf32, #tpu.memory_space<hbm>> -> memref<80x128xf32, #tpu.memory_space<hbm>>
    %dma_start3A_638 = arith.constant 0 : i32
    %dma_start3A_639 = tpu.memref_slice %arg5[%arg0, %multiple_of3A_634, %dma_start3A_638] : memref<2x10000x128xf32, #tpu.memory_space<hbm>> -> memref<1x80x128xf32, #tpu.memory_space<hbm>>
    %dma_start3A_640 = tpu.memref_squeeze %dma_start3A_639 : memref<1x80x128xf32, #tpu.memory_space<hbm>> -> memref<80x128xf32, #tpu.memory_space<hbm>>
    tpu.enqueue_dma source(%arg14 : memref<80x128xf32, #tpu.memory_space<vmem>>) target(%dma_start3A_640 : memref<80x128xf32, #tpu.memory_space<hbm>>) target_semaphore(%arg23 : memref<!tpu.dma_semaphore, #tpu.memory_space<semaphore_mem>>)
    %dma_wait3A_641 = arith.constant 0 : i32
    %dma_wait3A_642 = tpu.memref_slice %arg5[%arg0, %multiple_of3A_615, %dma_wait3A_641] : memref<2x10000x128xf32, #tpu.memory_space<hbm>> -> memref<1x80x128xf32, #tpu.memory_space<hbm>>
    %dma_wait3A_643 = tpu.memref_squeeze %dma_wait3A_642 : memref<1x80x128xf32, #tpu.memory_space<hbm>> -> memref<80x128xf32, #tpu.memory_space<hbm>>
    %dma_wait3A_644 = arith.constant 0 : i32
    %dma_wait3A_645 = tpu.memref_slice %arg5[%arg0, %multiple_of3A_615, %dma_wait3A_644] : memref<2x10000x128xf32, #tpu.memory_space<hbm>> -> memref<1x80x128xf32, #tpu.memory_space<hbm>>
    %dma_wait3A_646 = tpu.memref_squeeze %dma_wait3A_645 : memref<1x80x128xf32, #tpu.memory_space<hbm>> -> memref<80x128xf32, #tpu.memory_space<hbm>>
    tpu.wait_dma2 semaphore(%arg26 : memref<!tpu.dma_semaphore, #tpu.memory_space<semaphore_mem>>) src(%arg13 : memref<80x128xf32, #tpu.memory_space<vmem>>) dst(%dma_wait3A_646 : memref<80x128xf32, #tpu.memory_space<hbm>>)
    %dma_wait3A_647 = arith.constant 0 : i32
    %dma_wait3A_648 = tpu.memref_slice %arg5[%arg0, %multiple_of3A_634, %dma_wait3A_647] : memref<2x10000x128xf32, #tpu.memory_space<hbm>> -> memref<1x80x128xf32, #tpu.memory_space<hbm>>
    %dma_wait3A_649 = tpu.memref_squeeze %dma_wait3A_648 : memref<1x80x128xf32, #tpu.memory_space<hbm>> -> memref<80x128xf32, #tpu.memory_space<hbm>>
    %dma_wait3A_650 = arith.constant 0 : i32
    %dma_wait3A_651 = tpu.memref_slice %arg5[%arg0, %multiple_of3A_634, %dma_wait3A_650] : memref<2x10000x128xf32, #tpu.memory_space<hbm>> -> memref<1x80x128xf32, #tpu.memory_space<hbm>>
    %dma_wait3A_652 = tpu.memref_squeeze %dma_wait3A_651 : memref<1x80x128xf32, #tpu.memory_space<hbm>> -> memref<80x128xf32, #tpu.memory_space<hbm>>
    tpu.wait_dma2 semaphore(%arg23 : memref<!tpu.dma_semaphore, #tpu.memory_space<semaphore_mem>>) src(%arg14 : memref<80x128xf32, #tpu.memory_space<vmem>>) dst(%dma_wait3A_652 : memref<80x128xf32, #tpu.memory_space<hbm>>)
    %barrier3A_653 = arith.constant 0 : index
    tpu.barrier barrier_id(%barrier3A_653)
    %scan3A_654 = arith.constant 0 : i32
    %scan3A_655 = arith.constant 0 : i32
    %scan3A_656 = arith.constant 640 : i32
    %scan3A_657 = arith.addi %scan3A_655, %scan3A_656 : i32
    %scan3A_658 = arith.constant 1 : i32
    scf.for %scan3A_1266 = %scan3A_655 to %scan3A_657 step %scan3A_658  : i32 {
      %broadcast_in_dim3A = arith.constant 0.000000e+00 : f32
      %broadcast_in_dim3A_1267 = vector.broadcast %broadcast_in_dim3A : f32 to vector<16xf32>
      %jit3A = arith.constant 8 : i32
      %div3A = arith.divsi %scan3A_1266, %jit3A : i32
      %sign3A = arith.constant 0 : i32
      %sign3A_1268 = arith.cmpi sgt, %scan3A_1266, %sign3A : i32
      %sign3A_1269 = arith.extui %sign3A_1268 : i1 to i32
      %sign3A_1270 = arith.constant 0 : i32
      %sign3A_1271 = arith.cmpi slt, %scan3A_1266, %sign3A_1270 : i32
      %sign3A_1272 = arith.extui %sign3A_1271 : i1 to i32
      %sign3A_1273 = arith.subi %sign3A_1269, %sign3A_1272 : i32
      %sign3A_1274 = arith.constant 0 : i32
      %sign3A_1275 = arith.cmpi sgt, %jit3A, %sign3A_1274 : i32
      %sign3A_1276 = arith.extui %sign3A_1275 : i1 to i32
      %sign3A_1277 = arith.constant 0 : i32
      %sign3A_1278 = arith.cmpi slt, %jit3A, %sign3A_1277 : i32
      %sign3A_1279 = arith.extui %sign3A_1278 : i1 to i32
      %sign3A_1280 = arith.subi %sign3A_1276, %sign3A_1279 : i32
      %ne3A = arith.cmpi ne, %sign3A_1273, %sign3A_1280 : i32
      %rem3A = arith.remsi %scan3A_1266, %jit3A : i32
      %ne3A_1281 = arith.constant 0 : i32
      %ne3A_1282 = arith.cmpi ne, %rem3A, %ne3A_1281 : i32
      %and3A = arith.andi %ne3A, %ne3A_1282 : i1
      %sub3A = arith.constant 1 : i32
      %sub3A_1283 = arith.subi %div3A, %sub3A : i32
      %select_n3A = arith.select %and3A, %sub3A_1283, %div3A : i32
      %jit3A_1284 = arith.constant 8 : i32
      %eq3A = arith.constant 0 : i32
      %eq3A_1285 = arith.cmpi eq, %jit3A_1284, %eq3A : i32
      %jit3A_1286 = arith.constant 1 : i32
      %select_n3A_1287 = arith.select %eq3A_1285, %jit3A_1286, %jit3A_1284 : i32
      %rem3A_1288 = arith.remsi %scan3A_1266, %select_n3A_1287 : i32
      %ne3A_1289 = arith.constant 0 : i32
      %ne3A_1290 = arith.cmpi ne, %rem3A_1288, %ne3A_1289 : i32
      %lt3A = arith.constant 0 : i32
      %lt3A_1291 = arith.cmpi slt, %rem3A_1288, %lt3A : i32
      %lt3A_1292 = arith.constant 0 : i32
      %lt3A_1293 = arith.cmpi slt, %select_n3A_1287, %lt3A_1292 : i32
      %ne3A_1294 = arith.xori %lt3A_1291, %lt3A_1293 : i1
      %and3A_1295 = arith.andi %ne3A_1294, %ne3A_1290 : i1
      %add3A_1296 = arith.addi %rem3A_1288, %select_n3A_1287 : i32
      %select_n3A_1297 = arith.select %and3A_1295, %add3A_1296, %rem3A_1288 : i32
      %mul3A_1298 = arith.constant 16 : i32
      %mul3A_1299 = arith.muli %select_n3A_1297, %mul3A_1298 : i32
      %multiple_of3A_1300 = tpu.assume_multiple %mul3A_1299, 16 : i32
      %swap3A = arith.index_cast %select_n3A : i32 to index
      %swap3A_1301 = arith.index_cast %multiple_of3A_1300 : i32 to index
      %swap3A_1302 = tpu.vector_load %arg13[%swap3A, %swap3A_1301] {strides = array<i32>} : memref<80x128xf32, #tpu.memory_space<vmem>>, vector<1x16xf32>,
      %swap3A_1303 = vector.shape_cast %swap3A_1302 : vector<1x16xf32> to vector<16xf32>
      %swap3A_1304 = vector.shape_cast %broadcast_in_dim3A_1267 : vector<16xf32> to vector<1x16xf32>
      tpu.vector_store %arg13[%swap3A, %swap3A_1301], %swap3A_1304 {strides = array<i32>} : memref<80x128xf32, #tpu.memory_space<vmem>>, vector<1x16xf32>,
    }
    %scan3A_659 = arith.constant 640 : i32
    %mul3A_660 = arith.constant 8 : i32
    %mul3A_661 = arith.muli %arg1, %mul3A_660 : i32
    %add3A_662 = arith.constant 0 : i32
    %add3A_663 = arith.addi %mul3A_661, %add3A_662 : i32
    %min3A_664 = arith.constant 124 : i32
    %min3A_665 = arith.minsi %add3A_663, %min3A_664 : i32
    %mul3A_666 = arith.constant 80 : i32
    %mul3A_667 = arith.muli %min3A_665, %mul3A_666 : i32
    %multiple_of3A_668 = tpu.assume_multiple %mul3A_667, 8 : i32
    %dma_start3A_669 = arith.constant 0 : i32
    %dma_start3A_670 = tpu.memref_slice %arg16[%multiple_of3A_668, %dma_start3A_669] : memref<10000x128xf32, #tpu.memory_space<vmem_shared>> -> memref<80x128xf32, #tpu.memory_space<vmem_shared>>
    %dma_start3A_671 = arith.constant 0 : i32
    %dma_start3A_672 = tpu.memref_slice %arg16[%multiple_of3A_668, %dma_start3A_671] : memref<10000x128xf32, #tpu.memory_space<vmem_shared>> -> memref<80x128xf32, #tpu.memory_space<vmem_shared>>
    tpu.enqueue_dma source(%arg13 : memref<80x128xf32, #tpu.memory_space<vmem>>) target(%dma_start3A_672 : memref<80x128xf32, #tpu.memory_space<vmem_shared>>) target_semaphore(%arg26 : memref<!tpu.dma_semaphore, #tpu.memory_space<semaphore_mem>>)
    %mul3A_673 = arith.constant 8 : i32
    %mul3A_674 = arith.muli %arg1, %mul3A_673 : i32
    %add3A_675 = arith.constant 1 : i32
    %add3A_676 = arith.addi %mul3A_674, %add3A_675 : i32
    %min3A_677 = arith.constant 124 : i32
    %min3A_678 = arith.minsi %add3A_676, %min3A_677 : i32
    %mul3A_679 = arith.constant 80 : i32
    %mul3A_680 = arith.muli %min3A_678, %mul3A_679 : i32
    %multiple_of3A_681 = tpu.assume_multiple %mul3A_680, 8 : i32
    %dma_start3A_682 = arith.constant 0 : i32
    %dma_start3A_683 = tpu.memref_slice %arg16[%multiple_of3A_681, %dma_start3A_682] : memref<10000x128xf32, #tpu.memory_space<vmem_shared>> -> memref<80x128xf32, #tpu.memory_space<vmem_shared>>
    %dma_start3A_684 = arith.constant 0 : i32
    %dma_start3A_685 = tpu.memref_slice %arg16[%multiple_of3A_681, %dma_start3A_684] : memref<10000x128xf32, #tpu.memory_space<vmem_shared>> -> memref<80x128xf32, #tpu.memory_space<vmem_shared>>
    tpu.enqueue_dma source(%arg13 : memref<80x128xf32, #tpu.memory_space<vmem>>) target(%dma_start3A_685 : memref<80x128xf32, #tpu.memory_space<vmem_shared>>) target_semaphore(%arg26 : memref<!tpu.dma_semaphore, #tpu.memory_space<semaphore_mem>>)
    %mul3A_686 = arith.constant 8 : i32
    %mul3A_687 = arith.muli %arg1, %mul3A_686 : i32
    %add3A_688 = arith.constant 2 : i32
    %add3A_689 = arith.addi %mul3A_687, %add3A_688 : i32
    %min3A_690 = arith.constant 124 : i32
    %min3A_691 = arith.minsi %add3A_689, %min3A_690 : i32
    %mul3A_692 = arith.constant 80 : i32
    %mul3A_693 = arith.muli %min3A_691, %mul3A_692 : i32
    %multiple_of3A_694 = tpu.assume_multiple %mul3A_693, 8 : i32
    %dma_start3A_695 = arith.constant 0 : i32
    %dma_start3A_696 = tpu.memref_slice %arg16[%multiple_of3A_694, %dma_start3A_695] : memref<10000x128xf32, #tpu.memory_space<vmem_shared>> -> memref<80x128xf32, #tpu.memory_space<vmem_shared>>
    %dma_start3A_697 = arith.constant 0 : i32
    %dma_start3A_698 = tpu.memref_slice %arg16[%multiple_of3A_694, %dma_start3A_697] : memref<10000x128xf32, #tpu.memory_space<vmem_shared>> -> memref<80x128xf32, #tpu.memory_space<vmem_shared>>
    tpu.enqueue_dma source(%arg13 : memref<80x128xf32, #tpu.memory_space<vmem>>) target(%dma_start3A_698 : memref<80x128xf32, #tpu.memory_space<vmem_shared>>) target_semaphore(%arg26 : memref<!tpu.dma_semaphore, #tpu.memory_space<semaphore_mem>>)
    %mul3A_699 = arith.constant 8 : i32
    %mul3A_700 = arith.muli %arg1, %mul3A_699 : i32
    %add3A_701 = arith.constant 3 : i32
    %add3A_702 = arith.addi %mul3A_700, %add3A_701 : i32
    %min3A_703 = arith.constant 124 : i32
    %min3A_704 = arith.minsi %add3A_702, %min3A_703 : i32
    %mul3A_705 = arith.constant 80 : i32
    %mul3A_706 = arith.muli %min3A_704, %mul3A_705 : i32
    %multiple_of3A_707 = tpu.assume_multiple %mul3A_706, 8 : i32
    %dma_start3A_708 = arith.constant 0 : i32
    %dma_start3A_709 = tpu.memref_slice %arg16[%multiple_of3A_707, %dma_start3A_708] : memref<10000x128xf32, #tpu.memory_space<vmem_shared>> -> memref<80x128xf32, #tpu.memory_space<vmem_shared>>
    %dma_start3A_710 = arith.constant 0 : i32
    %dma_start3A_711 = tpu.memref_slice %arg16[%multiple_of3A_707, %dma_start3A_710] : memref<10000x128xf32, #tpu.memory_space<vmem_shared>> -> memref<80x128xf32, #tpu.memory_space<vmem_shared>>
    tpu.enqueue_dma source(%arg13 : memref<80x128xf32, #tpu.memory_space<vmem>>) target(%dma_start3A_711 : memref<80x128xf32, #tpu.memory_space<vmem_shared>>) target_semaphore(%arg26 : memref<!tpu.dma_semaphore, #tpu.memory_space<semaphore_mem>>)
    %mul3A_712 = arith.constant 8 : i32
    %mul3A_713 = arith.muli %arg1, %mul3A_712 : i32
    %add3A_714 = arith.constant 4 : i32
    %add3A_715 = arith.addi %mul3A_713, %add3A_714 : i32
    %min3A_716 = arith.constant 124 : i32
    %min3A_717 = arith.minsi %add3A_715, %min3A_716 : i32
    %mul3A_718 = arith.constant 80 : i32
    %mul3A_719 = arith.muli %min3A_717, %mul3A_718 : i32
    %multiple_of3A_720 = tpu.assume_multiple %mul3A_719, 8 : i32
    %dma_start3A_721 = arith.constant 0 : i32
    %dma_start3A_722 = tpu.memref_slice %arg16[%multiple_of3A_720, %dma_start3A_721] : memref<10000x128xf32, #tpu.memory_space<vmem_shared>> -> memref<80x128xf32, #tpu.memory_space<vmem_shared>>
    %dma_start3A_723 = arith.constant 0 : i32
    %dma_start3A_724 = tpu.memref_slice %arg16[%multiple_of3A_720, %dma_start3A_723] : memref<10000x128xf32, #tpu.memory_space<vmem_shared>> -> memref<80x128xf32, #tpu.memory_space<vmem_shared>>
    tpu.enqueue_dma source(%arg13 : memref<80x128xf32, #tpu.memory_space<vmem>>) target(%dma_start3A_724 : memref<80x128xf32, #tpu.memory_space<vmem_shared>>) target_semaphore(%arg26 : memref<!tpu.dma_semaphore, #tpu.memory_space<semaphore_mem>>)
    %mul3A_725 = arith.constant 8 : i32
    %mul3A_726 = arith.muli %arg1, %mul3A_725 : i32
    %add3A_727 = arith.constant 5 : i32
    %add3A_728 = arith.addi %mul3A_726, %add3A_727 : i32
    %min3A_729 = arith.constant 124 : i32
    %min3A_730 = arith.minsi %add3A_728, %min3A_729 : i32
    %mul3A_731 = arith.constant 80 : i32
    %mul3A_732 = arith.muli %min3A_730, %mul3A_731 : i32
    %multiple_of3A_733 = tpu.assume_multiple %mul3A_732, 8 : i32
    %dma_start3A_734 = arith.constant 0 : i32
    %dma_start3A_735 = tpu.memref_slice %arg16[%multiple_of3A_733, %dma_start3A_734] : memref<10000x128xf32, #tpu.memory_space<vmem_shared>> -> memref<80x128xf32, #tpu.memory_space<vmem_shared>>
    %dma_start3A_736 = arith.constant 0 : i32
    %dma_start3A_737 = tpu.memref_slice %arg16[%multiple_of3A_733, %dma_start3A_736] : memref<10000x128xf32, #tpu.memory_space<vmem_shared>> -> memref<80x128xf32, #tpu.memory_space<vmem_shared>>
    tpu.enqueue_dma source(%arg13 : memref<80x128xf32, #tpu.memory_space<vmem>>) target(%dma_start3A_737 : memref<80x128xf32, #tpu.memory_space<vmem_shared>>) target_semaphore(%arg26 : memref<!tpu.dma_semaphore, #tpu.memory_space<semaphore_mem>>)
    %mul3A_738 = arith.constant 8 : i32
    %mul3A_739 = arith.muli %arg1, %mul3A_738 : i32
    %add3A_740 = arith.constant 6 : i32
    %add3A_741 = arith.addi %mul3A_739, %add3A_740 : i32
    %min3A_742 = arith.constant 124 : i32
    %min3A_743 = arith.minsi %add3A_741, %min3A_742 : i32
    %mul3A_744 = arith.constant 80 : i32
    %mul3A_745 = arith.muli %min3A_743, %mul3A_744 : i32
    %multiple_of3A_746 = tpu.assume_multiple %mul3A_745, 8 : i32
    %dma_start3A_747 = arith.constant 0 : i32
    %dma_start3A_748 = tpu.memref_slice %arg16[%multiple_of3A_746, %dma_start3A_747] : memref<10000x128xf32, #tpu.memory_space<vmem_shared>> -> memref<80x128xf32, #tpu.memory_space<vmem_shared>>
    %dma_start3A_749 = arith.constant 0 : i32
    %dma_start3A_750 = tpu.memref_slice %arg16[%multiple_of3A_746, %dma_start3A_749] : memref<10000x128xf32, #tpu.memory_space<vmem_shared>> -> memref<80x128xf32, #tpu.memory_space<vmem_shared>>
    tpu.enqueue_dma source(%arg13 : memref<80x128xf32, #tpu.memory_space<vmem>>) target(%dma_start3A_750 : memref<80x128xf32, #tpu.memory_space<vmem_shared>>) target_semaphore(%arg26 : memref<!tpu.dma_semaphore, #tpu.memory_space<semaphore_mem>>)
    %mul3A_751 = arith.constant 8 : i32
    %mul3A_752 = arith.muli %arg1, %mul3A_751 : i32
    %add3A_753 = arith.constant 7 : i32
    %add3A_754 = arith.addi %mul3A_752, %add3A_753 : i32
    %min3A_755 = arith.constant 124 : i32
    %min3A_756 = arith.minsi %add3A_754, %min3A_755 : i32
    %mul3A_757 = arith.constant 80 : i32
    %mul3A_758 = arith.muli %min3A_756, %mul3A_757 : i32
    %multiple_of3A_759 = tpu.assume_multiple %mul3A_758, 8 : i32
    %dma_start3A_760 = arith.constant 0 : i32
    %dma_start3A_761 = tpu.memref_slice %arg16[%multiple_of3A_759, %dma_start3A_760] : memref<10000x128xf32, #tpu.memory_space<vmem_shared>> -> memref<80x128xf32, #tpu.memory_space<vmem_shared>>
    %dma_start3A_762 = arith.constant 0 : i32
    %dma_start3A_763 = tpu.memref_slice %arg16[%multiple_of3A_759, %dma_start3A_762] : memref<10000x128xf32, #tpu.memory_space<vmem_shared>> -> memref<80x128xf32, #tpu.memory_space<vmem_shared>>
    tpu.enqueue_dma source(%arg13 : memref<80x128xf32, #tpu.memory_space<vmem>>) target(%dma_start3A_763 : memref<80x128xf32, #tpu.memory_space<vmem_shared>>) target_semaphore(%arg26 : memref<!tpu.dma_semaphore, #tpu.memory_space<semaphore_mem>>)
    %mul3A_764 = arith.constant 8 : i32
    %mul3A_765 = arith.muli %arg1, %mul3A_764 : i32
    %add3A_766 = arith.constant 0 : i32
    %add3A_767 = arith.addi %mul3A_765, %add3A_766 : i32
    %min3A_768 = arith.constant 124 : i32
    %min3A_769 = arith.minsi %add3A_767, %min3A_768 : i32
    %mul3A_770 = arith.constant 80 : i32
    %mul3A_771 = arith.muli %min3A_769, %mul3A_770 : i32
    %multiple_of3A_772 = tpu.assume_multiple %mul3A_771, 8 : i32
    %dma_wait3A_773 = arith.constant 0 : i32
    %dma_wait3A_774 = tpu.memref_slice %arg16[%multiple_of3A_772, %dma_wait3A_773] : memref<10000x128xf32, #tpu.memory_space<vmem_shared>> -> memref<80x128xf32, #tpu.memory_space<vmem_shared>>
    %dma_wait3A_775 = arith.constant 0 : i32
    %dma_wait3A_776 = tpu.memref_slice %arg16[%multiple_of3A_772, %dma_wait3A_775] : memref<10000x128xf32, #tpu.memory_space<vmem_shared>> -> memref<80x128xf32, #tpu.memory_space<vmem_shared>>
    tpu.wait_dma2 semaphore(%arg26 : memref<!tpu.dma_semaphore, #tpu.memory_space<semaphore_mem>>) src(%arg13 : memref<80x128xf32, #tpu.memory_space<vmem>>) dst(%dma_wait3A_776 : memref<80x128xf32, #tpu.memory_space<vmem_shared>>)
    %mul3A_777 = arith.constant 8 : i32
    %mul3A_778 = arith.muli %arg1, %mul3A_777 : i32
    %add3A_779 = arith.constant 1 : i32
    %add3A_780 = arith.addi %mul3A_778, %add3A_779 : i32
    %min3A_781 = arith.constant 124 : i32
    %min3A_782 = arith.minsi %add3A_780, %min3A_781 : i32
    %mul3A_783 = arith.constant 80 : i32
    %mul3A_784 = arith.muli %min3A_782, %mul3A_783 : i32
    %multiple_of3A_785 = tpu.assume_multiple %mul3A_784, 8 : i32
    %dma_wait3A_786 = arith.constant 0 : i32
    %dma_wait3A_787 = tpu.memref_slice %arg16[%multiple_of3A_785, %dma_wait3A_786] : memref<10000x128xf32, #tpu.memory_space<vmem_shared>> -> memref<80x128xf32, #tpu.memory_space<vmem_shared>>
    %dma_wait3A_788 = arith.constant 0 : i32
    %dma_wait3A_789 = tpu.memref_slice %arg16[%multiple_of3A_785, %dma_wait3A_788] : memref<10000x128xf32, #tpu.memory_space<vmem_shared>> -> memref<80x128xf32, #tpu.memory_space<vmem_shared>>
    tpu.wait_dma2 semaphore(%arg26 : memref<!tpu.dma_semaphore, #tpu.memory_space<semaphore_mem>>) src(%arg13 : memref<80x128xf32, #tpu.memory_space<vmem>>) dst(%dma_wait3A_789 : memref<80x128xf32, #tpu.memory_space<vmem_shared>>)
    %mul3A_790 = arith.constant 8 : i32
    %mul3A_791 = arith.muli %arg1, %mul3A_790 : i32
    %add3A_792 = arith.constant 2 : i32
    %add3A_793 = arith.addi %mul3A_791, %add3A_792 : i32
    %min3A_794 = arith.constant 124 : i32
    %min3A_795 = arith.minsi %add3A_793, %min3A_794 : i32
    %mul3A_796 = arith.constant 80 : i32
    %mul3A_797 = arith.muli %min3A_795, %mul3A_796 : i32
    %multiple_of3A_798 = tpu.assume_multiple %mul3A_797, 8 : i32
    %dma_wait3A_799 = arith.constant 0 : i32
    %dma_wait3A_800 = tpu.memref_slice %arg16[%multiple_of3A_798, %dma_wait3A_799] : memref<10000x128xf32, #tpu.memory_space<vmem_shared>> -> memref<80x128xf32, #tpu.memory_space<vmem_shared>>
    %dma_wait3A_801 = arith.constant 0 : i32
    %dma_wait3A_802 = tpu.memref_slice %arg16[%multiple_of3A_798, %dma_wait3A_801] : memref<10000x128xf32, #tpu.memory_space<vmem_shared>> -> memref<80x128xf32, #tpu.memory_space<vmem_shared>>
    tpu.wait_dma2 semaphore(%arg26 : memref<!tpu.dma_semaphore, #tpu.memory_space<semaphore_mem>>) src(%arg13 : memref<80x128xf32, #tpu.memory_space<vmem>>) dst(%dma_wait3A_802 : memref<80x128xf32, #tpu.memory_space<vmem_shared>>)
    %mul3A_803 = arith.constant 8 : i32
    %mul3A_804 = arith.muli %arg1, %mul3A_803 : i32
    %add3A_805 = arith.constant 3 : i32
    %add3A_806 = arith.addi %mul3A_804, %add3A_805 : i32
    %min3A_807 = arith.constant 124 : i32
    %min3A_808 = arith.minsi %add3A_806, %min3A_807 : i32
    %mul3A_809 = arith.constant 80 : i32
    %mul3A_810 = arith.muli %min3A_808, %mul3A_809 : i32
    %multiple_of3A_811 = tpu.assume_multiple %mul3A_810, 8 : i32
    %dma_wait3A_812 = arith.constant 0 : i32
    %dma_wait3A_813 = tpu.memref_slice %arg16[%multiple_of3A_811, %dma_wait3A_812] : memref<10000x128xf32, #tpu.memory_space<vmem_shared>> -> memref<80x128xf32, #tpu.memory_space<vmem_shared>>
    %dma_wait3A_814 = arith.constant 0 : i32
    %dma_wait3A_815 = tpu.memref_slice %arg16[%multiple_of3A_811, %dma_wait3A_814] : memref<10000x128xf32, #tpu.memory_space<vmem_shared>> -> memref<80x128xf32, #tpu.memory_space<vmem_shared>>
    tpu.wait_dma2 semaphore(%arg26 : memref<!tpu.dma_semaphore, #tpu.memory_space<semaphore_mem>>) src(%arg13 : memref<80x128xf32, #tpu.memory_space<vmem>>) dst(%dma_wait3A_815 : memref<80x128xf32, #tpu.memory_space<vmem_shared>>)
    %mul3A_816 = arith.constant 8 : i32
    %mul3A_817 = arith.muli %arg1, %mul3A_816 : i32
    %add3A_818 = arith.constant 4 : i32
    %add3A_819 = arith.addi %mul3A_817, %add3A_818 : i32
    %min3A_820 = arith.constant 124 : i32
    %min3A_821 = arith.minsi %add3A_819, %min3A_820 : i32
    %mul3A_822 = arith.constant 80 : i32
    %mul3A_823 = arith.muli %min3A_821, %mul3A_822 : i32
    %multiple_of3A_824 = tpu.assume_multiple %mul3A_823, 8 : i32
    %dma_wait3A_825 = arith.constant 0 : i32
    %dma_wait3A_826 = tpu.memref_slice %arg16[%multiple_of3A_824, %dma_wait3A_825] : memref<10000x128xf32, #tpu.memory_space<vmem_shared>> -> memref<80x128xf32, #tpu.memory_space<vmem_shared>>
    %dma_wait3A_827 = arith.constant 0 : i32
    %dma_wait3A_828 = tpu.memref_slice %arg16[%multiple_of3A_824, %dma_wait3A_827] : memref<10000x128xf32, #tpu.memory_space<vmem_shared>> -> memref<80x128xf32, #tpu.memory_space<vmem_shared>>
    tpu.wait_dma2 semaphore(%arg26 : memref<!tpu.dma_semaphore, #tpu.memory_space<semaphore_mem>>) src(%arg13 : memref<80x128xf32, #tpu.memory_space<vmem>>) dst(%dma_wait3A_828 : memref<80x128xf32, #tpu.memory_space<vmem_shared>>)
    %mul3A_829 = arith.constant 8 : i32
    %mul3A_830 = arith.muli %arg1, %mul3A_829 : i32
    %add3A_831 = arith.constant 5 : i32
    %add3A_832 = arith.addi %mul3A_830, %add3A_831 : i32
    %min3A_833 = arith.constant 124 : i32
    %min3A_834 = arith.minsi %add3A_832, %min3A_833 : i32
    %mul3A_835 = arith.constant 80 : i32
    %mul3A_836 = arith.muli %min3A_834, %mul3A_835 : i32
    %multiple_of3A_837 = tpu.assume_multiple %mul3A_836, 8 : i32
    %dma_wait3A_838 = arith.constant 0 : i32
    %dma_wait3A_839 = tpu.memref_slice %arg16[%multiple_of3A_837, %dma_wait3A_838] : memref<10000x128xf32, #tpu.memory_space<vmem_shared>> -> memref<80x128xf32, #tpu.memory_space<vmem_shared>>
    %dma_wait3A_840 = arith.constant 0 : i32
    %dma_wait3A_841 = tpu.memref_slice %arg16[%multiple_of3A_837, %dma_wait3A_840] : memref<10000x128xf32, #tpu.memory_space<vmem_shared>> -> memref<80x128xf32, #tpu.memory_space<vmem_shared>>
    tpu.wait_dma2 semaphore(%arg26 : memref<!tpu.dma_semaphore, #tpu.memory_space<semaphore_mem>>) src(%arg13 : memref<80x128xf32, #tpu.memory_space<vmem>>) dst(%dma_wait3A_841 : memref<80x128xf32, #tpu.memory_space<vmem_shared>>)
    %mul3A_842 = arith.constant 8 : i32
    %mul3A_843 = arith.muli %arg1, %mul3A_842 : i32
    %add3A_844 = arith.constant 6 : i32
    %add3A_845 = arith.addi %mul3A_843, %add3A_844 : i32
    %min3A_846 = arith.constant 124 : i32
    %min3A_847 = arith.minsi %add3A_845, %min3A_846 : i32
    %mul3A_848 = arith.constant 80 : i32
    %mul3A_849 = arith.muli %min3A_847, %mul3A_848 : i32
    %multiple_of3A_850 = tpu.assume_multiple %mul3A_849, 8 : i32
    %dma_wait3A_851 = arith.constant 0 : i32
    %dma_wait3A_852 = tpu.memref_slice %arg16[%multiple_of3A_850, %dma_wait3A_851] : memref<10000x128xf32, #tpu.memory_space<vmem_shared>> -> memref<80x128xf32, #tpu.memory_space<vmem_shared>>
    %dma_wait3A_853 = arith.constant 0 : i32
    %dma_wait3A_854 = tpu.memref_slice %arg16[%multiple_of3A_850, %dma_wait3A_853] : memref<10000x128xf32, #tpu.memory_space<vmem_shared>> -> memref<80x128xf32, #tpu.memory_space<vmem_shared>>
    tpu.wait_dma2 semaphore(%arg26 : memref<!tpu.dma_semaphore, #tpu.memory_space<semaphore_mem>>) src(%arg13 : memref<80x128xf32, #tpu.memory_space<vmem>>) dst(%dma_wait3A_854 : memref<80x128xf32, #tpu.memory_space<vmem_shared>>)
    %mul3A_855 = arith.constant 8 : i32
    %mul3A_856 = arith.muli %arg1, %mul3A_855 : i32
    %add3A_857 = arith.constant 7 : i32
    %add3A_858 = arith.addi %mul3A_856, %add3A_857 : i32
    %min3A_859 = arith.constant 124 : i32
    %min3A_860 = arith.minsi %add3A_858, %min3A_859 : i32
    %mul3A_861 = arith.constant 80 : i32
    %mul3A_862 = arith.muli %min3A_860, %mul3A_861 : i32
    %multiple_of3A_863 = tpu.assume_multiple %mul3A_862, 8 : i32
    %dma_wait3A_864 = arith.constant 0 : i32
    %dma_wait3A_865 = tpu.memref_slice %arg16[%multiple_of3A_863, %dma_wait3A_864] : memref<10000x128xf32, #tpu.memory_space<vmem_shared>> -> memref<80x128xf32, #tpu.memory_space<vmem_shared>>
    %dma_wait3A_866 = arith.constant 0 : i32
    %dma_wait3A_867 = tpu.memref_slice %arg16[%multiple_of3A_863, %dma_wait3A_866] : memref<10000x128xf32, #tpu.memory_space<vmem_shared>> -> memref<80x128xf32, #tpu.memory_space<vmem_shared>>
    tpu.wait_dma2 semaphore(%arg26 : memref<!tpu.dma_semaphore, #tpu.memory_space<semaphore_mem>>) src(%arg13 : memref<80x128xf32, #tpu.memory_space<vmem>>) dst(%dma_wait3A_867 : memref<80x128xf32, #tpu.memory_space<vmem_shared>>)
    %barrier3A_868 = arith.constant 0 : index
    tpu.barrier barrier_id(%barrier3A_868)
    %scan3A_869 = arith.constant 0 : i32
    %scan3A_870 = arith.constant 0 : i32
    %scan3A_871 = arith.constant 640 : i32
    %scan3A_872 = arith.addi %scan3A_870, %scan3A_871 : i32
    %scan3A_873 = arith.constant 1 : i32
    scf.for %scan3A_1266 = %scan3A_870 to %scan3A_872 step %scan3A_873  : i32 {
      %broadcast_in_dim3A = arith.constant 1.000000e+00 : f32
      %broadcast_in_dim3A_1267 = vector.broadcast %broadcast_in_dim3A : f32 to vector<16xf32>
      %jit3A = arith.constant 8 : i32
      %div3A = arith.divsi %scan3A_1266, %jit3A : i32
      %sign3A = arith.constant 0 : i32
      %sign3A_1268 = arith.cmpi sgt, %scan3A_1266, %sign3A : i32
      %sign3A_1269 = arith.extui %sign3A_1268 : i1 to i32
      %sign3A_1270 = arith.constant 0 : i32
      %sign3A_1271 = arith.cmpi slt, %scan3A_1266, %sign3A_1270 : i32
      %sign3A_1272 = arith.extui %sign3A_1271 : i1 to i32
      %sign3A_1273 = arith.subi %sign3A_1269, %sign3A_1272 : i32
      %sign3A_1274 = arith.constant 0 : i32
      %sign3A_1275 = arith.cmpi sgt, %jit3A, %sign3A_1274 : i32
      %sign3A_1276 = arith.extui %sign3A_1275 : i1 to i32
      %sign3A_1277 = arith.constant 0 : i32
      %sign3A_1278 = arith.cmpi slt, %jit3A, %sign3A_1277 : i32
      %sign3A_1279 = arith.extui %sign3A_1278 : i1 to i32
      %sign3A_1280 = arith.subi %sign3A_1276, %sign3A_1279 : i32
      %ne3A = arith.cmpi ne, %sign3A_1273, %sign3A_1280 : i32
      %rem3A = arith.remsi %scan3A_1266, %jit3A : i32
      %ne3A_1281 = arith.constant 0 : i32
      %ne3A_1282 = arith.cmpi ne, %rem3A, %ne3A_1281 : i32
      %and3A = arith.andi %ne3A, %ne3A_1282 : i1
      %sub3A = arith.constant 1 : i32
      %sub3A_1283 = arith.subi %div3A, %sub3A : i32
      %select_n3A = arith.select %and3A, %sub3A_1283, %div3A : i32
      %jit3A_1284 = arith.constant 8 : i32
      %eq3A = arith.constant 0 : i32
      %eq3A_1285 = arith.cmpi eq, %jit3A_1284, %eq3A : i32
      %jit3A_1286 = arith.constant 1 : i32
      %select_n3A_1287 = arith.select %eq3A_1285, %jit3A_1286, %jit3A_1284 : i32
      %rem3A_1288 = arith.remsi %scan3A_1266, %select_n3A_1287 : i32
      %ne3A_1289 = arith.constant 0 : i32
      %ne3A_1290 = arith.cmpi ne, %rem3A_1288, %ne3A_1289 : i32
      %lt3A = arith.constant 0 : i32
      %lt3A_1291 = arith.cmpi slt, %rem3A_1288, %lt3A : i32
      %lt3A_1292 = arith.constant 0 : i32
      %lt3A_1293 = arith.cmpi slt, %select_n3A_1287, %lt3A_1292 : i32
      %ne3A_1294 = arith.xori %lt3A_1291, %lt3A_1293 : i1
      %and3A_1295 = arith.andi %ne3A_1294, %ne3A_1290 : i1
      %add3A_1296 = arith.addi %rem3A_1288, %select_n3A_1287 : i32
      %select_n3A_1297 = arith.select %and3A_1295, %add3A_1296, %rem3A_1288 : i32
      %mul3A_1298 = arith.constant 16 : i32
      %mul3A_1299 = arith.muli %select_n3A_1297, %mul3A_1298 : i32
      %multiple_of3A_1300 = tpu.assume_multiple %mul3A_1299, 16 : i32
      %swap3A = arith.index_cast %select_n3A : i32 to index
      %swap3A_1301 = arith.index_cast %multiple_of3A_1300 : i32 to index
      %swap3A_1302 = tpu.vector_load %arg13[%swap3A, %swap3A_1301] {strides = array<i32>} : memref<80x128xf32, #tpu.memory_space<vmem>>, vector<1x16xf32>,
      %swap3A_1303 = vector.shape_cast %swap3A_1302 : vector<1x16xf32> to vector<16xf32>
      %swap3A_1304 = vector.shape_cast %broadcast_in_dim3A_1267 : vector<16xf32> to vector<1x16xf32>
      tpu.vector_store %arg13[%swap3A, %swap3A_1301], %swap3A_1304 {strides = array<i32>} : memref<80x128xf32, #tpu.memory_space<vmem>>, vector<1x16xf32>,
    }
    %scan3A_874 = arith.constant 640 : i32
    %add3A_875 = arith.constant 0 : i32
    %add3A_876 = arith.addi %mul3A_211, %add3A_875 : i32
    %multiple_of3A_877 = tpu.assume_multiple %add3A_876, 8 : i32
    %dma_start3A_878 = tpu.memref_slice %arg3[%multiple_of3A_877] : memref<320000xi32, #tpu.memory_space<hbm>> -> memref<80xi32, #tpu.memory_space<hbm>>
    %dma_start3A_879 = tpu.memref_slice %arg3[%multiple_of3A_877] : memref<320000xi32, #tpu.memory_space<hbm>> -> memref<80xi32, #tpu.memory_space<hbm>>
    tpu.enqueue_dma source(%dma_start3A_879 : memref<80xi32, #tpu.memory_space<hbm>>) target(%arg10 : memref<80xi32, #tpu.memory_space<vmem>>) target_semaphore(%arg20 : memref<!tpu.dma_semaphore, #tpu.memory_space<semaphore_mem>>)
    %add3A_880 = arith.constant 80 : i32
    %add3A_881 = arith.addi %mul3A_211, %add3A_880 : i32
    %multiple_of3A_882 = tpu.assume_multiple %add3A_881, 8 : i32
    %dma_start3A_883 = tpu.memref_slice %arg3[%multiple_of3A_882] : memref<320000xi32, #tpu.memory_space<hbm>> -> memref<80xi32, #tpu.memory_space<hbm>>
    %dma_start3A_884 = tpu.memref_slice %arg3[%multiple_of3A_882] : memref<320000xi32, #tpu.memory_space<hbm>> -> memref<80xi32, #tpu.memory_space<hbm>>
    tpu.enqueue_dma source(%dma_start3A_884 : memref<80xi32, #tpu.memory_space<hbm>>) target(%arg11 : memref<80xi32, #tpu.memory_space<vmem>>) target_semaphore(%arg21 : memref<!tpu.dma_semaphore, #tpu.memory_space<semaphore_mem>>)
    %add3A_885 = arith.constant 0 : i32
    %add3A_886 = arith.addi %mul3A_211, %add3A_885 : i32
    %multiple_of3A_887 = tpu.assume_multiple %add3A_886, 8 : i32
    %dma_wait3A_888 = tpu.memref_slice %arg3[%multiple_of3A_887] : memref<320000xi32, #tpu.memory_space<hbm>> -> memref<80xi32, #tpu.memory_space<hbm>>
    %dma_wait3A_889 = tpu.memref_slice %arg3[%multiple_of3A_887] : memref<320000xi32, #tpu.memory_space<hbm>> -> memref<80xi32, #tpu.memory_space<hbm>>
    tpu.wait_dma2 semaphore(%arg20 : memref<!tpu.dma_semaphore, #tpu.memory_space<semaphore_mem>>) src(%dma_wait3A_889 : memref<80xi32, #tpu.memory_space<hbm>>) dst(%arg10 : memref<80xi32, #tpu.memory_space<vmem>>)
    %dma_start3A_890 = arith.constant 0 : i32
    %dma_start3A_891 = arith.constant 0 : i32
    %dma_start3A_892 = tpu.memref_slice %arg16[%dma_start3A_890, %dma_start3A_891] : memref<10000x128xf32, #tpu.memory_space<vmem_shared>> -> memref<10000x128xf32, #tpu.memory_space<vmem_shared>>
    tpu.enqueue_indirect_dma source(%arg13 : memref<80x128xf32, #tpu.memory_space<vmem>>) target(%dma_start3A_892 : memref<10000x128xf32, #tpu.memory_space<vmem_shared>>) offsets(%arg10 : memref<80xi32, #tpu.memory_space<vmem>>) semaphore(%arg23 : memref<!tpu.dma_semaphore, #tpu.memory_space<semaphore_mem>>) {add = true}
    %add3A_893 = arith.constant 160 : i32
    %add3A_894 = arith.addi %mul3A_211, %add3A_893 : i32
    %multiple_of3A_895 = tpu.assume_multiple %add3A_894, 8 : i32
    %dma_start3A_896 = tpu.memref_slice %arg3[%multiple_of3A_895] : memref<320000xi32, #tpu.memory_space<hbm>> -> memref<80xi32, #tpu.memory_space<hbm>>
    %dma_start3A_897 = tpu.memref_slice %arg3[%multiple_of3A_895] : memref<320000xi32, #tpu.memory_space<hbm>> -> memref<80xi32, #tpu.memory_space<hbm>>
    tpu.enqueue_dma source(%dma_start3A_897 : memref<80xi32, #tpu.memory_space<hbm>>) target(%arg12 : memref<80xi32, #tpu.memory_space<vmem>>) target_semaphore(%arg22 : memref<!tpu.dma_semaphore, #tpu.memory_space<semaphore_mem>>)
    %add3A_898 = arith.constant 80 : i32
    %add3A_899 = arith.addi %mul3A_211, %add3A_898 : i32
    %multiple_of3A_900 = tpu.assume_multiple %add3A_899, 8 : i32
    %dma_wait3A_901 = tpu.memref_slice %arg3[%multiple_of3A_900] : memref<320000xi32, #tpu.memory_space<hbm>> -> memref<80xi32, #tpu.memory_space<hbm>>
    %dma_wait3A_902 = tpu.memref_slice %arg3[%multiple_of3A_900] : memref<320000xi32, #tpu.memory_space<hbm>> -> memref<80xi32, #tpu.memory_space<hbm>>
    tpu.wait_dma2 semaphore(%arg21 : memref<!tpu.dma_semaphore, #tpu.memory_space<semaphore_mem>>) src(%dma_wait3A_902 : memref<80xi32, #tpu.memory_space<hbm>>) dst(%arg11 : memref<80xi32, #tpu.memory_space<vmem>>)
    %dma_start3A_903 = arith.constant 0 : i32
    %dma_start3A_904 = arith.constant 0 : i32
    %dma_start3A_905 = tpu.memref_slice %arg16[%dma_start3A_903, %dma_start3A_904] : memref<10000x128xf32, #tpu.memory_space<vmem_shared>> -> memref<10000x128xf32, #tpu.memory_space<vmem_shared>>
    tpu.enqueue_indirect_dma source(%arg13 : memref<80x128xf32, #tpu.memory_space<vmem>>) target(%dma_start3A_905 : memref<10000x128xf32, #tpu.memory_space<vmem_shared>>) offsets(%arg11 : memref<80xi32, #tpu.memory_space<vmem>>) semaphore(%arg24 : memref<!tpu.dma_semaphore, #tpu.memory_space<semaphore_mem>>) {add = true}
    %dma_wait3A_906 = arith.constant 0 : i32
    %dma_wait3A_907 = arith.constant 0 : i32
    %dma_wait3A_908 = tpu.memref_slice %arg16[%dma_wait3A_906, %dma_wait3A_907] : memref<10000x128xf32, #tpu.memory_space<vmem_shared>> -> memref<10000x128xf32, #tpu.memory_space<vmem_shared>>
    tpu.wait_indirect_dma semaphore(%arg23 : memref<!tpu.dma_semaphore, #tpu.memory_space<semaphore_mem>>) src(%arg13 : memref<80x128xf32, #tpu.memory_space<vmem>>) dst(%dma_wait3A_908 : memref<10000x128xf32, #tpu.memory_space<vmem_shared>>)
    %add3A_909 = arith.constant 240 : i32
    %add3A_910 = arith.addi %mul3A_211, %add3A_909 : i32
    %multiple_of3A_911 = tpu.assume_multiple %add3A_910, 8 : i32
    %dma_start3A_912 = tpu.memref_slice %arg3[%multiple_of3A_911] : memref<320000xi32, #tpu.memory_space<hbm>> -> memref<80xi32, #tpu.memory_space<hbm>>
    %dma_start3A_913 = tpu.memref_slice %arg3[%multiple_of3A_911] : memref<320000xi32, #tpu.memory_space<hbm>> -> memref<80xi32, #tpu.memory_space<hbm>>
    tpu.enqueue_dma source(%dma_start3A_913 : memref<80xi32, #tpu.memory_space<hbm>>) target(%arg10 : memref<80xi32, #tpu.memory_space<vmem>>) target_semaphore(%arg20 : memref<!tpu.dma_semaphore, #tpu.memory_space<semaphore_mem>>)
    %add3A_914 = arith.constant 160 : i32
    %add3A_915 = arith.addi %mul3A_211, %add3A_914 : i32
    %multiple_of3A_916 = tpu.assume_multiple %add3A_915, 8 : i32
    %dma_wait3A_917 = tpu.memref_slice %arg3[%multiple_of3A_916] : memref<320000xi32, #tpu.memory_space<hbm>> -> memref<80xi32, #tpu.memory_space<hbm>>
    %dma_wait3A_918 = tpu.memref_slice %arg3[%multiple_of3A_916] : memref<320000xi32, #tpu.memory_space<hbm>> -> memref<80xi32, #tpu.memory_space<hbm>>
    tpu.wait_dma2 semaphore(%arg22 : memref<!tpu.dma_semaphore, #tpu.memory_space<semaphore_mem>>) src(%dma_wait3A_918 : memref<80xi32, #tpu.memory_space<hbm>>) dst(%arg12 : memref<80xi32, #tpu.memory_space<vmem>>)
    %dma_start3A_919 = arith.constant 0 : i32
    %dma_start3A_920 = arith.constant 0 : i32
    %dma_start3A_921 = tpu.memref_slice %arg16[%dma_start3A_919, %dma_start3A_920] : memref<10000x128xf32, #tpu.memory_space<vmem_shared>> -> memref<10000x128xf32, #tpu.memory_space<vmem_shared>>
    tpu.enqueue_indirect_dma source(%arg13 : memref<80x128xf32, #tpu.memory_space<vmem>>) target(%dma_start3A_921 : memref<10000x128xf32, #tpu.memory_space<vmem_shared>>) offsets(%arg12 : memref<80xi32, #tpu.memory_space<vmem>>) semaphore(%arg25 : memref<!tpu.dma_semaphore, #tpu.memory_space<semaphore_mem>>) {add = true}
    %dma_wait3A_922 = arith.constant 0 : i32
    %dma_wait3A_923 = arith.constant 0 : i32
    %dma_wait3A_924 = tpu.memref_slice %arg16[%dma_wait3A_922, %dma_wait3A_923] : memref<10000x128xf32, #tpu.memory_space<vmem_shared>> -> memref<10000x128xf32, #tpu.memory_space<vmem_shared>>
    tpu.wait_indirect_dma semaphore(%arg24 : memref<!tpu.dma_semaphore, #tpu.memory_space<semaphore_mem>>) src(%arg13 : memref<80x128xf32, #tpu.memory_space<vmem>>) dst(%dma_wait3A_924 : memref<10000x128xf32, #tpu.memory_space<vmem_shared>>)
    %add3A_925 = arith.constant 320 : i32
    %add3A_926 = arith.addi %mul3A_211, %add3A_925 : i32
    %multiple_of3A_927 = tpu.assume_multiple %add3A_926, 8 : i32
    %dma_start3A_928 = tpu.memref_slice %arg3[%multiple_of3A_927] : memref<320000xi32, #tpu.memory_space<hbm>> -> memref<80xi32, #tpu.memory_space<hbm>>
    %dma_start3A_929 = tpu.memref_slice %arg3[%multiple_of3A_927] : memref<320000xi32, #tpu.memory_space<hbm>> -> memref<80xi32, #tpu.memory_space<hbm>>
    tpu.enqueue_dma source(%dma_start3A_929 : memref<80xi32, #tpu.memory_space<hbm>>) target(%arg11 : memref<80xi32, #tpu.memory_space<vmem>>) target_semaphore(%arg21 : memref<!tpu.dma_semaphore, #tpu.memory_space<semaphore_mem>>)
    %scan3A_930 = arith.constant 0 : i32
    %scan3A_931 = arith.constant 1 : i32
    %scan3A_932 = arith.constant 40 : i32
    %scan3A_933 = arith.addi %scan3A_931, %scan3A_932 : i32
    %scan3A_934 = arith.constant 1 : i32
    scf.for %scan3A_1266 = %scan3A_931 to %scan3A_933 step %scan3A_934  : i32 {
      %mul3A_1267 = arith.constant 3 : i32
      %mul3A_1268 = arith.muli %scan3A_1266, %mul3A_1267 : i32
      %add3A_1269 = arith.constant 0 : i32
      %add3A_1270 = arith.addi %mul3A_1268, %add3A_1269 : i32
      %mul3A_1271 = arith.constant 80 : i32
      %mul3A_1272 = arith.muli %add3A_1270, %mul3A_1271 : i32
      %add3A_1273 = arith.addi %mul3A_211, %mul3A_1272 : i32
      %multiple_of3A_1274 = tpu.assume_multiple %add3A_1273, 8 : i32
      %dma_wait3A_1275 = tpu.memref_slice %arg3[%multiple_of3A_1274] : memref<320000xi32, #tpu.memory_space<hbm>> -> memref<80xi32, #tpu.memory_space<hbm>>
      %dma_wait3A_1276 = tpu.memref_slice %arg3[%multiple_of3A_1274] : memref<320000xi32, #tpu.memory_space<hbm>> -> memref<80xi32, #tpu.memory_space<hbm>>
      tpu.wait_dma2 semaphore(%arg20 : memref<!tpu.dma_semaphore, #tpu.memory_space<semaphore_mem>>) src(%dma_wait3A_1276 : memref<80xi32, #tpu.memory_space<hbm>>) dst(%arg10 : memref<80xi32, #tpu.memory_space<vmem>>)
      %dma_start3A_1277 = arith.constant 0 : i32
      %dma_start3A_1278 = arith.constant 0 : i32
      %dma_start3A_1279 = tpu.memref_slice %arg16[%dma_start3A_1277, %dma_start3A_1278] : memref<10000x128xf32, #tpu.memory_space<vmem_shared>> -> memref<10000x128xf32, #tpu.memory_space<vmem_shared>>
      tpu.enqueue_indirect_dma source(%arg13 : memref<80x128xf32, #tpu.memory_space<vmem>>) target(%dma_start3A_1279 : memref<10000x128xf32, #tpu.memory_space<vmem_shared>>) offsets(%arg10 : memref<80xi32, #tpu.memory_space<vmem>>) semaphore(%arg23 : memref<!tpu.dma_semaphore, #tpu.memory_space<semaphore_mem>>) {add = true}
      %dma_wait3A_1280 = arith.constant 0 : i32
      %dma_wait3A_1281 = arith.constant 0 : i32
      %dma_wait3A_1282 = tpu.memref_slice %arg16[%dma_wait3A_1280, %dma_wait3A_1281] : memref<10000x128xf32, #tpu.memory_space<vmem_shared>> -> memref<10000x128xf32, #tpu.memory_space<vmem_shared>>
      tpu.wait_indirect_dma semaphore(%arg25 : memref<!tpu.dma_semaphore, #tpu.memory_space<semaphore_mem>>) src(%arg13 : memref<80x128xf32, #tpu.memory_space<vmem>>) dst(%dma_wait3A_1282 : memref<10000x128xf32, #tpu.memory_space<vmem_shared>>)
      %add3A_1283 = arith.constant 2 : i32
      %add3A_1284 = arith.addi %add3A_1270, %add3A_1283 : i32
      %mul3A_1285 = arith.constant 80 : i32
      %mul3A_1286 = arith.muli %add3A_1284, %mul3A_1285 : i32
      %add3A_1287 = arith.addi %mul3A_211, %mul3A_1286 : i32
      %multiple_of3A_1288 = tpu.assume_multiple %add3A_1287, 8 : i32
      %dma_start3A_1289 = tpu.memref_slice %arg3[%multiple_of3A_1288] : memref<320000xi32, #tpu.memory_space<hbm>> -> memref<80xi32, #tpu.memory_space<hbm>>
      %dma_start3A_1290 = tpu.memref_slice %arg3[%multiple_of3A_1288] : memref<320000xi32, #tpu.memory_space<hbm>> -> memref<80xi32, #tpu.memory_space<hbm>>
      tpu.enqueue_dma source(%dma_start3A_1290 : memref<80xi32, #tpu.memory_space<hbm>>) target(%arg12 : memref<80xi32, #tpu.memory_space<vmem>>) target_semaphore(%arg22 : memref<!tpu.dma_semaphore, #tpu.memory_space<semaphore_mem>>)
      %mul3A_1291 = arith.constant 3 : i32
      %mul3A_1292 = arith.muli %scan3A_1266, %mul3A_1291 : i32
      %add3A_1293 = arith.constant 1 : i32
      %add3A_1294 = arith.addi %mul3A_1292, %add3A_1293 : i32
      %mul3A_1295 = arith.constant 80 : i32
      %mul3A_1296 = arith.muli %add3A_1294, %mul3A_1295 : i32
      %add3A_1297 = arith.addi %mul3A_211, %mul3A_1296 : i32
      %multiple_of3A_1298 = tpu.assume_multiple %add3A_1297, 8 : i32
      %dma_wait3A_1299 = tpu.memref_slice %arg3[%multiple_of3A_1298] : memref<320000xi32, #tpu.memory_space<hbm>> -> memref<80xi32, #tpu.memory_space<hbm>>
      %dma_wait3A_1300 = tpu.memref_slice %arg3[%multiple_of3A_1298] : memref<320000xi32, #tpu.memory_space<hbm>> -> memref<80xi32, #tpu.memory_space<hbm>>
      tpu.wait_dma2 semaphore(%arg21 : memref<!tpu.dma_semaphore, #tpu.memory_space<semaphore_mem>>) src(%dma_wait3A_1300 : memref<80xi32, #tpu.memory_space<hbm>>) dst(%arg11 : memref<80xi32, #tpu.memory_space<vmem>>)
      %dma_start3A_1301 = arith.constant 0 : i32
      %dma_start3A_1302 = arith.constant 0 : i32
      %dma_start3A_1303 = tpu.memref_slice %arg16[%dma_start3A_1301, %dma_start3A_1302] : memref<10000x128xf32, #tpu.memory_space<vmem_shared>> -> memref<10000x128xf32, #tpu.memory_space<vmem_shared>>
      tpu.enqueue_indirect_dma source(%arg13 : memref<80x128xf32, #tpu.memory_space<vmem>>) target(%dma_start3A_1303 : memref<10000x128xf32, #tpu.memory_space<vmem_shared>>) offsets(%arg11 : memref<80xi32, #tpu.memory_space<vmem>>) semaphore(%arg24 : memref<!tpu.dma_semaphore, #tpu.memory_space<semaphore_mem>>) {add = true}
      %dma_wait3A_1304 = arith.constant 0 : i32
      %dma_wait3A_1305 = arith.constant 0 : i32
      %dma_wait3A_1306 = tpu.memref_slice %arg16[%dma_wait3A_1304, %dma_wait3A_1305] : memref<10000x128xf32, #tpu.memory_space<vmem_shared>> -> memref<10000x128xf32, #tpu.memory_space<vmem_shared>>
      tpu.wait_indirect_dma semaphore(%arg23 : memref<!tpu.dma_semaphore, #tpu.memory_space<semaphore_mem>>) src(%arg13 : memref<80x128xf32, #tpu.memory_space<vmem>>) dst(%dma_wait3A_1306 : memref<10000x128xf32, #tpu.memory_space<vmem_shared>>)
      %add3A_1307 = arith.constant 2 : i32
      %add3A_1308 = arith.addi %add3A_1294, %add3A_1307 : i32
      %mul3A_1309 = arith.constant 80 : i32
      %mul3A_1310 = arith.muli %add3A_1308, %mul3A_1309 : i32
      %add3A_1311 = arith.addi %mul3A_211, %mul3A_1310 : i32
      %multiple_of3A_1312 = tpu.assume_multiple %add3A_1311, 8 : i32
      %dma_start3A_1313 = tpu.memref_slice %arg3[%multiple_of3A_1312] : memref<320000xi32, #tpu.memory_space<hbm>> -> memref<80xi32, #tpu.memory_space<hbm>>
      %dma_start3A_1314 = tpu.memref_slice %arg3[%multiple_of3A_1312] : memref<320000xi32, #tpu.memory_space<hbm>> -> memref<80xi32, #tpu.memory_space<hbm>>
      tpu.enqueue_dma source(%dma_start3A_1314 : memref<80xi32, #tpu.memory_space<hbm>>) target(%arg10 : memref<80xi32, #tpu.memory_space<vmem>>) target_semaphore(%arg20 : memref<!tpu.dma_semaphore, #tpu.memory_space<semaphore_mem>>)
      %mul3A_1315 = arith.constant 3 : i32
      %mul3A_1316 = arith.muli %scan3A_1266, %mul3A_1315 : i32
      %add3A_1317 = arith.constant 2 : i32
      %add3A_1318 = arith.addi %mul3A_1316, %add3A_1317 : i32
      %mul3A_1319 = arith.constant 80 : i32
      %mul3A_1320 = arith.muli %add3A_1318, %mul3A_1319 : i32
      %add3A_1321 = arith.addi %mul3A_211, %mul3A_1320 : i32
      %multiple_of3A_1322 = tpu.assume_multiple %add3A_1321, 8 : i32
      %dma_wait3A_1323 = tpu.memref_slice %arg3[%multiple_of3A_1322] : memref<320000xi32, #tpu.memory_space<hbm>> -> memref<80xi32, #tpu.memory_space<hbm>>
      %dma_wait3A_1324 = tpu.memref_slice %arg3[%multiple_of3A_1322] : memref<320000xi32, #tpu.memory_space<hbm>> -> memref<80xi32, #tpu.memory_space<hbm>>
      tpu.wait_dma2 semaphore(%arg22 : memref<!tpu.dma_semaphore, #tpu.memory_space<semaphore_mem>>) src(%dma_wait3A_1324 : memref<80xi32, #tpu.memory_space<hbm>>) dst(%arg12 : memref<80xi32, #tpu.memory_space<vmem>>)
      %dma_start3A_1325 = arith.constant 0 : i32
      %dma_start3A_1326 = arith.constant 0 : i32
      %dma_start3A_1327 = tpu.memref_slice %arg16[%dma_start3A_1325, %dma_start3A_1326] : memref<10000x128xf32, #tpu.memory_space<vmem_shared>> -> memref<10000x128xf32, #tpu.memory_space<vmem_shared>>
      tpu.enqueue_indirect_dma source(%arg13 : memref<80x128xf32, #tpu.memory_space<vmem>>) target(%dma_start3A_1327 : memref<10000x128xf32, #tpu.memory_space<vmem_shared>>) offsets(%arg12 : memref<80xi32, #tpu.memory_space<vmem>>) semaphore(%arg25 : memref<!tpu.dma_semaphore, #tpu.memory_space<semaphore_mem>>) {add = true}
      %dma_wait3A_1328 = arith.constant 0 : i32
      %dma_wait3A_1329 = arith.constant 0 : i32
      %dma_wait3A_1330 = tpu.memref_slice %arg16[%dma_wait3A_1328, %dma_wait3A_1329] : memref<10000x128xf32, #tpu.memory_space<vmem_shared>> -> memref<10000x128xf32, #tpu.memory_space<vmem_shared>>
      tpu.wait_indirect_dma semaphore(%arg24 : memref<!tpu.dma_semaphore, #tpu.memory_space<semaphore_mem>>) src(%arg13 : memref<80x128xf32, #tpu.memory_space<vmem>>) dst(%dma_wait3A_1330 : memref<10000x128xf32, #tpu.memory_space<vmem_shared>>)
      %add3A_1331 = arith.constant 2 : i32
      %add3A_1332 = arith.addi %add3A_1318, %add3A_1331 : i32
      %mul3A_1333 = arith.constant 80 : i32
      %mul3A_1334 = arith.muli %add3A_1332, %mul3A_1333 : i32
      %add3A_1335 = arith.addi %mul3A_211, %mul3A_1334 : i32
      %multiple_of3A_1336 = tpu.assume_multiple %add3A_1335, 8 : i32
      %dma_start3A_1337 = tpu.memref_slice %arg3[%multiple_of3A_1336] : memref<320000xi32, #tpu.memory_space<hbm>> -> memref<80xi32, #tpu.memory_space<hbm>>
      %dma_start3A_1338 = tpu.memref_slice %arg3[%multiple_of3A_1336] : memref<320000xi32, #tpu.memory_space<hbm>> -> memref<80xi32, #tpu.memory_space<hbm>>
      tpu.enqueue_dma source(%dma_start3A_1338 : memref<80xi32, #tpu.memory_space<hbm>>) target(%arg11 : memref<80xi32, #tpu.memory_space<vmem>>) target_semaphore(%arg21 : memref<!tpu.dma_semaphore, #tpu.memory_space<semaphore_mem>>)
    }
    %scan3A_935 = arith.constant 40 : i32
    %add3A_936 = arith.constant 9840 : i32
    %add3A_937 = arith.addi %mul3A_211, %add3A_936 : i32
    %multiple_of3A_938 = tpu.assume_multiple %add3A_937, 8 : i32
    %dma_wait3A_939 = tpu.memref_slice %arg3[%multiple_of3A_938] : memref<320000xi32, #tpu.memory_space<hbm>> -> memref<80xi32, #tpu.memory_space<hbm>>
    %dma_wait3A_940 = tpu.memref_slice %arg3[%multiple_of3A_938] : memref<320000xi32, #tpu.memory_space<hbm>> -> memref<80xi32, #tpu.memory_space<hbm>>
    tpu.wait_dma2 semaphore(%arg20 : memref<!tpu.dma_semaphore, #tpu.memory_space<semaphore_mem>>) src(%dma_wait3A_940 : memref<80xi32, #tpu.memory_space<hbm>>) dst(%arg10 : memref<80xi32, #tpu.memory_space<vmem>>)
    %dma_start3A_941 = arith.constant 0 : i32
    %dma_start3A_942 = arith.constant 0 : i32
    %dma_start3A_943 = tpu.memref_slice %arg16[%dma_start3A_941, %dma_start3A_942] : memref<10000x128xf32, #tpu.memory_space<vmem_shared>> -> memref<10000x128xf32, #tpu.memory_space<vmem_shared>>
    tpu.enqueue_indirect_dma source(%arg13 : memref<80x128xf32, #tpu.memory_space<vmem>>) target(%dma_start3A_943 : memref<10000x128xf32, #tpu.memory_space<vmem_shared>>) offsets(%arg10 : memref<80xi32, #tpu.memory_space<vmem>>) semaphore(%arg23 : memref<!tpu.dma_semaphore, #tpu.memory_space<semaphore_mem>>) {add = true}
    %add3A_944 = arith.constant 9920 : i32
    %add3A_945 = arith.addi %mul3A_211, %add3A_944 : i32
    %multiple_of3A_946 = tpu.assume_multiple %add3A_945, 8 : i32
    %dma_wait3A_947 = tpu.memref_slice %arg3[%multiple_of3A_946] : memref<320000xi32, #tpu.memory_space<hbm>> -> memref<80xi32, #tpu.memory_space<hbm>>
    %dma_wait3A_948 = tpu.memref_slice %arg3[%multiple_of3A_946] : memref<320000xi32, #tpu.memory_space<hbm>> -> memref<80xi32, #tpu.memory_space<hbm>>
    tpu.wait_dma2 semaphore(%arg21 : memref<!tpu.dma_semaphore, #tpu.memory_space<semaphore_mem>>) src(%dma_wait3A_948 : memref<80xi32, #tpu.memory_space<hbm>>) dst(%arg11 : memref<80xi32, #tpu.memory_space<vmem>>)
    %dma_start3A_949 = arith.constant 0 : i32
    %dma_start3A_950 = arith.constant 0 : i32
    %dma_start3A_951 = tpu.memref_slice %arg16[%dma_start3A_949, %dma_start3A_950] : memref<10000x128xf32, #tpu.memory_space<vmem_shared>> -> memref<10000x128xf32, #tpu.memory_space<vmem_shared>>
    tpu.enqueue_indirect_dma source(%arg13 : memref<80x128xf32, #tpu.memory_space<vmem>>) target(%dma_start3A_951 : memref<10000x128xf32, #tpu.memory_space<vmem_shared>>) offsets(%arg11 : memref<80xi32, #tpu.memory_space<vmem>>) semaphore(%arg24 : memref<!tpu.dma_semaphore, #tpu.memory_space<semaphore_mem>>) {add = true}
    %dma_wait3A_952 = arith.constant 0 : i32
    %dma_wait3A_953 = arith.constant 0 : i32
    %dma_wait3A_954 = tpu.memref_slice %arg16[%dma_wait3A_952, %dma_wait3A_953] : memref<10000x128xf32, #tpu.memory_space<vmem_shared>> -> memref<10000x128xf32, #tpu.memory_space<vmem_shared>>
    tpu.wait_indirect_dma semaphore(%arg25 : memref<!tpu.dma_semaphore, #tpu.memory_space<semaphore_mem>>) src(%arg13 : memref<80x128xf32, #tpu.memory_space<vmem>>) dst(%dma_wait3A_954 : memref<10000x128xf32, #tpu.memory_space<vmem_shared>>)
    %dma_wait3A_955 = arith.constant 0 : i32
    %dma_wait3A_956 = arith.constant 0 : i32
    %dma_wait3A_957 = tpu.memref_slice %arg16[%dma_wait3A_955, %dma_wait3A_956] : memref<10000x128xf32, #tpu.memory_space<vmem_shared>> -> memref<10000x128xf32, #tpu.memory_space<vmem_shared>>
    tpu.wait_indirect_dma semaphore(%arg23 : memref<!tpu.dma_semaphore, #tpu.memory_space<semaphore_mem>>) src(%arg13 : memref<80x128xf32, #tpu.memory_space<vmem>>) dst(%dma_wait3A_957 : memref<10000x128xf32, #tpu.memory_space<vmem_shared>>)
    %dma_wait3A_958 = arith.constant 0 : i32
    %dma_wait3A_959 = arith.constant 0 : i32
    %dma_wait3A_960 = tpu.memref_slice %arg16[%dma_wait3A_958, %dma_wait3A_959] : memref<10000x128xf32, #tpu.memory_space<vmem_shared>> -> memref<10000x128xf32, #tpu.memory_space<vmem_shared>>
    tpu.wait_indirect_dma semaphore(%arg24 : memref<!tpu.dma_semaphore, #tpu.memory_space<semaphore_mem>>) src(%arg13 : memref<80x128xf32, #tpu.memory_space<vmem>>) dst(%dma_wait3A_960 : memref<10000x128xf32, #tpu.memory_space<vmem_shared>>)
    %barrier3A_961 = arith.constant 0 : index
    tpu.barrier barrier_id(%barrier3A_961)
    %mul3A_962 = arith.constant 8 : i32
    %mul3A_963 = arith.muli %arg1, %mul3A_962 : i32
    %add3A_964 = arith.constant 0 : i32
    %add3A_965 = arith.addi %mul3A_963, %add3A_964 : i32
    %min3A_966 = arith.constant 124 : i32
    %min3A_967 = arith.minsi %add3A_965, %min3A_966 : i32
    %mul3A_968 = arith.constant 80 : i32
    %mul3A_969 = arith.muli %min3A_967, %mul3A_968 : i32
    %multiple_of3A_970 = tpu.assume_multiple %mul3A_969, 8 : i32
    %dma_start3A_971 = arith.constant 0 : i32
    %dma_start3A_972 = tpu.memref_slice %arg16[%multiple_of3A_970, %dma_start3A_971] : memref<10000x128xf32, #tpu.memory_space<vmem_shared>> -> memref<80x128xf32, #tpu.memory_space<vmem_shared>>
    %dma_start3A_973 = arith.constant 0 : i32
    %dma_start3A_974 = tpu.memref_slice %arg16[%multiple_of3A_970, %dma_start3A_973] : memref<10000x128xf32, #tpu.memory_space<vmem_shared>> -> memref<80x128xf32, #tpu.memory_space<vmem_shared>>
    tpu.enqueue_dma source(%dma_start3A_974 : memref<80x128xf32, #tpu.memory_space<vmem_shared>>) target(%arg14 : memref<80x128xf32, #tpu.memory_space<vmem>>) target_semaphore(%arg26 : memref<!tpu.dma_semaphore, #tpu.memory_space<semaphore_mem>>)
    %mul3A_975 = arith.constant 8 : i32
    %mul3A_976 = arith.muli %arg1, %mul3A_975 : i32
    %add3A_977 = arith.constant 1 : i32
    %add3A_978 = arith.addi %mul3A_976, %add3A_977 : i32
    %min3A_979 = arith.constant 124 : i32
    %min3A_980 = arith.minsi %add3A_978, %min3A_979 : i32
    %mul3A_981 = arith.constant 80 : i32
    %mul3A_982 = arith.muli %min3A_980, %mul3A_981 : i32
    %multiple_of3A_983 = tpu.assume_multiple %mul3A_982, 8 : i32
    %dma_start3A_984 = arith.constant 0 : i32
    %dma_start3A_985 = tpu.memref_slice %arg16[%multiple_of3A_983, %dma_start3A_984] : memref<10000x128xf32, #tpu.memory_space<vmem_shared>> -> memref<80x128xf32, #tpu.memory_space<vmem_shared>>
    %dma_start3A_986 = arith.constant 0 : i32
    %dma_start3A_987 = tpu.memref_slice %arg16[%multiple_of3A_983, %dma_start3A_986] : memref<10000x128xf32, #tpu.memory_space<vmem_shared>> -> memref<80x128xf32, #tpu.memory_space<vmem_shared>>
    tpu.enqueue_dma source(%dma_start3A_987 : memref<80x128xf32, #tpu.memory_space<vmem_shared>>) target(%arg15 : memref<80x128xf32, #tpu.memory_space<vmem>>) target_semaphore(%arg23 : memref<!tpu.dma_semaphore, #tpu.memory_space<semaphore_mem>>)
    %dma_wait3A_988 = arith.constant 0 : i32
    %dma_wait3A_989 = tpu.memref_slice %arg16[%multiple_of3A_970, %dma_wait3A_988] : memref<10000x128xf32, #tpu.memory_space<vmem_shared>> -> memref<80x128xf32, #tpu.memory_space<vmem_shared>>
    %dma_wait3A_990 = arith.constant 0 : i32
    %dma_wait3A_991 = tpu.memref_slice %arg16[%multiple_of3A_970, %dma_wait3A_990] : memref<10000x128xf32, #tpu.memory_space<vmem_shared>> -> memref<80x128xf32, #tpu.memory_space<vmem_shared>>
    tpu.wait_dma2 semaphore(%arg26 : memref<!tpu.dma_semaphore, #tpu.memory_space<semaphore_mem>>) src(%dma_wait3A_991 : memref<80x128xf32, #tpu.memory_space<vmem_shared>>) dst(%arg14 : memref<80x128xf32, #tpu.memory_space<vmem>>)
    %mul3A_992 = arith.constant 8 : i32
    %mul3A_993 = arith.muli %arg1, %mul3A_992 : i32
    %add3A_994 = arith.constant 0 : i32
    %add3A_995 = arith.addi %mul3A_993, %add3A_994 : i32
    %min3A_996 = arith.constant 124 : i32
    %min3A_997 = arith.minsi %add3A_995, %min3A_996 : i32
    %mul3A_998 = arith.constant 80 : i32
    %mul3A_999 = arith.muli %min3A_997, %mul3A_998 : i32
    %multiple_of3A_1000 = tpu.assume_multiple %mul3A_999, 8 : i32
    %dma_start3A_1001 = arith.constant 0 : i32
    %dma_start3A_1002 = tpu.memref_slice %arg6[%arg0, %multiple_of3A_1000, %dma_start3A_1001] : memref<2x10000x128xf32, #tpu.memory_space<hbm>> -> memref<1x80x128xf32, #tpu.memory_space<hbm>>
    %dma_start3A_1003 = tpu.memref_squeeze %dma_start3A_1002 : memref<1x80x128xf32, #tpu.memory_space<hbm>> -> memref<80x128xf32, #tpu.memory_space<hbm>>
    %dma_start3A_1004 = arith.constant 0 : i32
    %dma_start3A_1005 = tpu.memref_slice %arg6[%arg0, %multiple_of3A_1000, %dma_start3A_1004] : memref<2x10000x128xf32, #tpu.memory_space<hbm>> -> memref<1x80x128xf32, #tpu.memory_space<hbm>>
    %dma_start3A_1006 = tpu.memref_squeeze %dma_start3A_1005 : memref<1x80x128xf32, #tpu.memory_space<hbm>> -> memref<80x128xf32, #tpu.memory_space<hbm>>
    tpu.enqueue_dma source(%arg14 : memref<80x128xf32, #tpu.memory_space<vmem>>) target(%dma_start3A_1006 : memref<80x128xf32, #tpu.memory_space<hbm>>) target_semaphore(%arg26 : memref<!tpu.dma_semaphore, #tpu.memory_space<semaphore_mem>>)
    %dma_wait3A_1007 = arith.constant 0 : i32
    %dma_wait3A_1008 = tpu.memref_slice %arg6[%arg0, %multiple_of3A_1000, %dma_wait3A_1007] : memref<2x10000x128xf32, #tpu.memory_space<hbm>> -> memref<1x80x128xf32, #tpu.memory_space<hbm>>
    %dma_wait3A_1009 = tpu.memref_squeeze %dma_wait3A_1008 : memref<1x80x128xf32, #tpu.memory_space<hbm>> -> memref<80x128xf32, #tpu.memory_space<hbm>>
    %dma_wait3A_1010 = arith.constant 0 : i32
    %dma_wait3A_1011 = tpu.memref_slice %arg6[%arg0, %multiple_of3A_1000, %dma_wait3A_1010] : memref<2x10000x128xf32, #tpu.memory_space<hbm>> -> memref<1x80x128xf32, #tpu.memory_space<hbm>>
    %dma_wait3A_1012 = tpu.memref_squeeze %dma_wait3A_1011 : memref<1x80x128xf32, #tpu.memory_space<hbm>> -> memref<80x128xf32, #tpu.memory_space<hbm>>
    tpu.wait_dma2 semaphore(%arg26 : memref<!tpu.dma_semaphore, #tpu.memory_space<semaphore_mem>>) src(%arg14 : memref<80x128xf32, #tpu.memory_space<vmem>>) dst(%dma_wait3A_1012 : memref<80x128xf32, #tpu.memory_space<hbm>>)
    %mul3A_1013 = arith.constant 8 : i32
    %mul3A_1014 = arith.muli %arg1, %mul3A_1013 : i32
    %add3A_1015 = arith.constant 2 : i32
    %add3A_1016 = arith.addi %mul3A_1014, %add3A_1015 : i32
    %min3A_1017 = arith.constant 124 : i32
    %min3A_1018 = arith.minsi %add3A_1016, %min3A_1017 : i32
    %mul3A_1019 = arith.constant 80 : i32
    %mul3A_1020 = arith.muli %min3A_1018, %mul3A_1019 : i32
    %multiple_of3A_1021 = tpu.assume_multiple %mul3A_1020, 8 : i32
    %dma_start3A_1022 = arith.constant 0 : i32
    %dma_start3A_1023 = tpu.memref_slice %arg16[%multiple_of3A_1021, %dma_start3A_1022] : memref<10000x128xf32, #tpu.memory_space<vmem_shared>> -> memref<80x128xf32, #tpu.memory_space<vmem_shared>>
    %dma_start3A_1024 = arith.constant 0 : i32
    %dma_start3A_1025 = tpu.memref_slice %arg16[%multiple_of3A_1021, %dma_start3A_1024] : memref<10000x128xf32, #tpu.memory_space<vmem_shared>> -> memref<80x128xf32, #tpu.memory_space<vmem_shared>>
    tpu.enqueue_dma source(%dma_start3A_1025 : memref<80x128xf32, #tpu.memory_space<vmem_shared>>) target(%arg14 : memref<80x128xf32, #tpu.memory_space<vmem>>) target_semaphore(%arg26 : memref<!tpu.dma_semaphore, #tpu.memory_space<semaphore_mem>>)
    %dma_wait3A_1026 = arith.constant 0 : i32
    %dma_wait3A_1027 = tpu.memref_slice %arg16[%multiple_of3A_983, %dma_wait3A_1026] : memref<10000x128xf32, #tpu.memory_space<vmem_shared>> -> memref<80x128xf32, #tpu.memory_space<vmem_shared>>
    %dma_wait3A_1028 = arith.constant 0 : i32
    %dma_wait3A_1029 = tpu.memref_slice %arg16[%multiple_of3A_983, %dma_wait3A_1028] : memref<10000x128xf32, #tpu.memory_space<vmem_shared>> -> memref<80x128xf32, #tpu.memory_space<vmem_shared>>
    tpu.wait_dma2 semaphore(%arg23 : memref<!tpu.dma_semaphore, #tpu.memory_space<semaphore_mem>>) src(%dma_wait3A_1029 : memref<80x128xf32, #tpu.memory_space<vmem_shared>>) dst(%arg15 : memref<80x128xf32, #tpu.memory_space<vmem>>)
    %mul3A_1030 = arith.constant 8 : i32
    %mul3A_1031 = arith.muli %arg1, %mul3A_1030 : i32
    %add3A_1032 = arith.constant 1 : i32
    %add3A_1033 = arith.addi %mul3A_1031, %add3A_1032 : i32
    %min3A_1034 = arith.constant 124 : i32
    %min3A_1035 = arith.minsi %add3A_1033, %min3A_1034 : i32
    %mul3A_1036 = arith.constant 80 : i32
    %mul3A_1037 = arith.muli %min3A_1035, %mul3A_1036 : i32
    %multiple_of3A_1038 = tpu.assume_multiple %mul3A_1037, 8 : i32
    %dma_start3A_1039 = arith.constant 0 : i32
    %dma_start3A_1040 = tpu.memref_slice %arg6[%arg0, %multiple_of3A_1038, %dma_start3A_1039] : memref<2x10000x128xf32, #tpu.memory_space<hbm>> -> memref<1x80x128xf32, #tpu.memory_space<hbm>>
    %dma_start3A_1041 = tpu.memref_squeeze %dma_start3A_1040 : memref<1x80x128xf32, #tpu.memory_space<hbm>> -> memref<80x128xf32, #tpu.memory_space<hbm>>
    %dma_start3A_1042 = arith.constant 0 : i32
    %dma_start3A_1043 = tpu.memref_slice %arg6[%arg0, %multiple_of3A_1038, %dma_start3A_1042] : memref<2x10000x128xf32, #tpu.memory_space<hbm>> -> memref<1x80x128xf32, #tpu.memory_space<hbm>>
    %dma_start3A_1044 = tpu.memref_squeeze %dma_start3A_1043 : memref<1x80x128xf32, #tpu.memory_space<hbm>> -> memref<80x128xf32, #tpu.memory_space<hbm>>
    tpu.enqueue_dma source(%arg15 : memref<80x128xf32, #tpu.memory_space<vmem>>) target(%dma_start3A_1044 : memref<80x128xf32, #tpu.memory_space<hbm>>) target_semaphore(%arg23 : memref<!tpu.dma_semaphore, #tpu.memory_space<semaphore_mem>>)
    %dma_wait3A_1045 = arith.constant 0 : i32
    %dma_wait3A_1046 = tpu.memref_slice %arg6[%arg0, %multiple_of3A_1038, %dma_wait3A_1045] : memref<2x10000x128xf32, #tpu.memory_space<hbm>> -> memref<1x80x128xf32, #tpu.memory_space<hbm>>
    %dma_wait3A_1047 = tpu.memref_squeeze %dma_wait3A_1046 : memref<1x80x128xf32, #tpu.memory_space<hbm>> -> memref<80x128xf32, #tpu.memory_space<hbm>>
    %dma_wait3A_1048 = arith.constant 0 : i32
    %dma_wait3A_1049 = tpu.memref_slice %arg6[%arg0, %multiple_of3A_1038, %dma_wait3A_1048] : memref<2x10000x128xf32, #tpu.memory_space<hbm>> -> memref<1x80x128xf32, #tpu.memory_space<hbm>>
    %dma_wait3A_1050 = tpu.memref_squeeze %dma_wait3A_1049 : memref<1x80x128xf32, #tpu.memory_space<hbm>> -> memref<80x128xf32, #tpu.memory_space<hbm>>
    tpu.wait_dma2 semaphore(%arg23 : memref<!tpu.dma_semaphore, #tpu.memory_space<semaphore_mem>>) src(%arg15 : memref<80x128xf32, #tpu.memory_space<vmem>>) dst(%dma_wait3A_1050 : memref<80x128xf32, #tpu.memory_space<hbm>>)
    %mul3A_1051 = arith.constant 8 : i32
    %mul3A_1052 = arith.muli %arg1, %mul3A_1051 : i32
    %add3A_1053 = arith.constant 3 : i32
    %add3A_1054 = arith.addi %mul3A_1052, %add3A_1053 : i32
    %min3A_1055 = arith.constant 124 : i32
    %min3A_1056 = arith.minsi %add3A_1054, %min3A_1055 : i32
    %mul3A_1057 = arith.constant 80 : i32
    %mul3A_1058 = arith.muli %min3A_1056, %mul3A_1057 : i32
    %multiple_of3A_1059 = tpu.assume_multiple %mul3A_1058, 8 : i32
    %dma_start3A_1060 = arith.constant 0 : i32
    %dma_start3A_1061 = tpu.memref_slice %arg16[%multiple_of3A_1059, %dma_start3A_1060] : memref<10000x128xf32, #tpu.memory_space<vmem_shared>> -> memref<80x128xf32, #tpu.memory_space<vmem_shared>>
    %dma_start3A_1062 = arith.constant 0 : i32
    %dma_start3A_1063 = tpu.memref_slice %arg16[%multiple_of3A_1059, %dma_start3A_1062] : memref<10000x128xf32, #tpu.memory_space<vmem_shared>> -> memref<80x128xf32, #tpu.memory_space<vmem_shared>>
    tpu.enqueue_dma source(%dma_start3A_1063 : memref<80x128xf32, #tpu.memory_space<vmem_shared>>) target(%arg15 : memref<80x128xf32, #tpu.memory_space<vmem>>) target_semaphore(%arg23 : memref<!tpu.dma_semaphore, #tpu.memory_space<semaphore_mem>>)
    %dma_wait3A_1064 = arith.constant 0 : i32
    %dma_wait3A_1065 = tpu.memref_slice %arg16[%multiple_of3A_1021, %dma_wait3A_1064] : memref<10000x128xf32, #tpu.memory_space<vmem_shared>> -> memref<80x128xf32, #tpu.memory_space<vmem_shared>>
    %dma_wait3A_1066 = arith.constant 0 : i32
    %dma_wait3A_1067 = tpu.memref_slice %arg16[%multiple_of3A_1021, %dma_wait3A_1066] : memref<10000x128xf32, #tpu.memory_space<vmem_shared>> -> memref<80x128xf32, #tpu.memory_space<vmem_shared>>
    tpu.wait_dma2 semaphore(%arg26 : memref<!tpu.dma_semaphore, #tpu.memory_space<semaphore_mem>>) src(%dma_wait3A_1067 : memref<80x128xf32, #tpu.memory_space<vmem_shared>>) dst(%arg14 : memref<80x128xf32, #tpu.memory_space<vmem>>)
    %mul3A_1068 = arith.constant 8 : i32
    %mul3A_1069 = arith.muli %arg1, %mul3A_1068 : i32
    %add3A_1070 = arith.constant 2 : i32
    %add3A_1071 = arith.addi %mul3A_1069, %add3A_1070 : i32
    %min3A_1072 = arith.constant 124 : i32
    %min3A_1073 = arith.minsi %add3A_1071, %min3A_1072 : i32
    %mul3A_1074 = arith.constant 80 : i32
    %mul3A_1075 = arith.muli %min3A_1073, %mul3A_1074 : i32
    %multiple_of3A_1076 = tpu.assume_multiple %mul3A_1075, 8 : i32
    %dma_start3A_1077 = arith.constant 0 : i32
    %dma_start3A_1078 = tpu.memref_slice %arg6[%arg0, %multiple_of3A_1076, %dma_start3A_1077] : memref<2x10000x128xf32, #tpu.memory_space<hbm>> -> memref<1x80x128xf32, #tpu.memory_space<hbm>>
    %dma_start3A_1079 = tpu.memref_squeeze %dma_start3A_1078 : memref<1x80x128xf32, #tpu.memory_space<hbm>> -> memref<80x128xf32, #tpu.memory_space<hbm>>
    %dma_start3A_1080 = arith.constant 0 : i32
    %dma_start3A_1081 = tpu.memref_slice %arg6[%arg0, %multiple_of3A_1076, %dma_start3A_1080] : memref<2x10000x128xf32, #tpu.memory_space<hbm>> -> memref<1x80x128xf32, #tpu.memory_space<hbm>>
    %dma_start3A_1082 = tpu.memref_squeeze %dma_start3A_1081 : memref<1x80x128xf32, #tpu.memory_space<hbm>> -> memref<80x128xf32, #tpu.memory_space<hbm>>
    tpu.enqueue_dma source(%arg14 : memref<80x128xf32, #tpu.memory_space<vmem>>) target(%dma_start3A_1082 : memref<80x128xf32, #tpu.memory_space<hbm>>) target_semaphore(%arg26 : memref<!tpu.dma_semaphore, #tpu.memory_space<semaphore_mem>>)
    %dma_wait3A_1083 = arith.constant 0 : i32
    %dma_wait3A_1084 = tpu.memref_slice %arg6[%arg0, %multiple_of3A_1076, %dma_wait3A_1083] : memref<2x10000x128xf32, #tpu.memory_space<hbm>> -> memref<1x80x128xf32, #tpu.memory_space<hbm>>
    %dma_wait3A_1085 = tpu.memref_squeeze %dma_wait3A_1084 : memref<1x80x128xf32, #tpu.memory_space<hbm>> -> memref<80x128xf32, #tpu.memory_space<hbm>>
    %dma_wait3A_1086 = arith.constant 0 : i32
    %dma_wait3A_1087 = tpu.memref_slice %arg6[%arg0, %multiple_of3A_1076, %dma_wait3A_1086] : memref<2x10000x128xf32, #tpu.memory_space<hbm>> -> memref<1x80x128xf32, #tpu.memory_space<hbm>>
    %dma_wait3A_1088 = tpu.memref_squeeze %dma_wait3A_1087 : memref<1x80x128xf32, #tpu.memory_space<hbm>> -> memref<80x128xf32, #tpu.memory_space<hbm>>
    tpu.wait_dma2 semaphore(%arg26 : memref<!tpu.dma_semaphore, #tpu.memory_space<semaphore_mem>>) src(%arg14 : memref<80x128xf32, #tpu.memory_space<vmem>>) dst(%dma_wait3A_1088 : memref<80x128xf32, #tpu.memory_space<hbm>>)
    %mul3A_1089 = arith.constant 8 : i32
    %mul3A_1090 = arith.muli %arg1, %mul3A_1089 : i32
    %add3A_1091 = arith.constant 4 : i32
    %add3A_1092 = arith.addi %mul3A_1090, %add3A_1091 : i32
    %min3A_1093 = arith.constant 124 : i32
    %min3A_1094 = arith.minsi %add3A_1092, %min3A_1093 : i32
    %mul3A_1095 = arith.constant 80 : i32
    %mul3A_1096 = arith.muli %min3A_1094, %mul3A_1095 : i32
    %multiple_of3A_1097 = tpu.assume_multiple %mul3A_1096, 8 : i32
    %dma_start3A_1098 = arith.constant 0 : i32
    %dma_start3A_1099 = tpu.memref_slice %arg16[%multiple_of3A_1097, %dma_start3A_1098] : memref<10000x128xf32, #tpu.memory_space<vmem_shared>> -> memref<80x128xf32, #tpu.memory_space<vmem_shared>>
    %dma_start3A_1100 = arith.constant 0 : i32
    %dma_start3A_1101 = tpu.memref_slice %arg16[%multiple_of3A_1097, %dma_start3A_1100] : memref<10000x128xf32, #tpu.memory_space<vmem_shared>> -> memref<80x128xf32, #tpu.memory_space<vmem_shared>>
    tpu.enqueue_dma source(%dma_start3A_1101 : memref<80x128xf32, #tpu.memory_space<vmem_shared>>) target(%arg14 : memref<80x128xf32, #tpu.memory_space<vmem>>) target_semaphore(%arg26 : memref<!tpu.dma_semaphore, #tpu.memory_space<semaphore_mem>>)
    %dma_wait3A_1102 = arith.constant 0 : i32
    %dma_wait3A_1103 = tpu.memref_slice %arg16[%multiple_of3A_1059, %dma_wait3A_1102] : memref<10000x128xf32, #tpu.memory_space<vmem_shared>> -> memref<80x128xf32, #tpu.memory_space<vmem_shared>>
    %dma_wait3A_1104 = arith.constant 0 : i32
    %dma_wait3A_1105 = tpu.memref_slice %arg16[%multiple_of3A_1059, %dma_wait3A_1104] : memref<10000x128xf32, #tpu.memory_space<vmem_shared>> -> memref<80x128xf32, #tpu.memory_space<vmem_shared>>
    tpu.wait_dma2 semaphore(%arg23 : memref<!tpu.dma_semaphore, #tpu.memory_space<semaphore_mem>>) src(%dma_wait3A_1105 : memref<80x128xf32, #tpu.memory_space<vmem_shared>>) dst(%arg15 : memref<80x128xf32, #tpu.memory_space<vmem>>)
    %mul3A_1106 = arith.constant 8 : i32
    %mul3A_1107 = arith.muli %arg1, %mul3A_1106 : i32
    %add3A_1108 = arith.constant 3 : i32
    %add3A_1109 = arith.addi %mul3A_1107, %add3A_1108 : i32
    %min3A_1110 = arith.constant 124 : i32
    %min3A_1111 = arith.minsi %add3A_1109, %min3A_1110 : i32
    %mul3A_1112 = arith.constant 80 : i32
    %mul3A_1113 = arith.muli %min3A_1111, %mul3A_1112 : i32
    %multiple_of3A_1114 = tpu.assume_multiple %mul3A_1113, 8 : i32
    %dma_start3A_1115 = arith.constant 0 : i32
    %dma_start3A_1116 = tpu.memref_slice %arg6[%arg0, %multiple_of3A_1114, %dma_start3A_1115] : memref<2x10000x128xf32, #tpu.memory_space<hbm>> -> memref<1x80x128xf32, #tpu.memory_space<hbm>>
    %dma_start3A_1117 = tpu.memref_squeeze %dma_start3A_1116 : memref<1x80x128xf32, #tpu.memory_space<hbm>> -> memref<80x128xf32, #tpu.memory_space<hbm>>
    %dma_start3A_1118 = arith.constant 0 : i32
    %dma_start3A_1119 = tpu.memref_slice %arg6[%arg0, %multiple_of3A_1114, %dma_start3A_1118] : memref<2x10000x128xf32, #tpu.memory_space<hbm>> -> memref<1x80x128xf32, #tpu.memory_space<hbm>>
    %dma_start3A_1120 = tpu.memref_squeeze %dma_start3A_1119 : memref<1x80x128xf32, #tpu.memory_space<hbm>> -> memref<80x128xf32, #tpu.memory_space<hbm>>
    tpu.enqueue_dma source(%arg15 : memref<80x128xf32, #tpu.memory_space<vmem>>) target(%dma_start3A_1120 : memref<80x128xf32, #tpu.memory_space<hbm>>) target_semaphore(%arg23 : memref<!tpu.dma_semaphore, #tpu.memory_space<semaphore_mem>>)
    %dma_wait3A_1121 = arith.constant 0 : i32
    %dma_wait3A_1122 = tpu.memref_slice %arg6[%arg0, %multiple_of3A_1114, %dma_wait3A_1121] : memref<2x10000x128xf32, #tpu.memory_space<hbm>> -> memref<1x80x128xf32, #tpu.memory_space<hbm>>
    %dma_wait3A_1123 = tpu.memref_squeeze %dma_wait3A_1122 : memref<1x80x128xf32, #tpu.memory_space<hbm>> -> memref<80x128xf32, #tpu.memory_space<hbm>>
    %dma_wait3A_1124 = arith.constant 0 : i32
    %dma_wait3A_1125 = tpu.memref_slice %arg6[%arg0, %multiple_of3A_1114, %dma_wait3A_1124] : memref<2x10000x128xf32, #tpu.memory_space<hbm>> -> memref<1x80x128xf32, #tpu.memory_space<hbm>>
    %dma_wait3A_1126 = tpu.memref_squeeze %dma_wait3A_1125 : memref<1x80x128xf32, #tpu.memory_space<hbm>> -> memref<80x128xf32, #tpu.memory_space<hbm>>
    tpu.wait_dma2 semaphore(%arg23 : memref<!tpu.dma_semaphore, #tpu.memory_space<semaphore_mem>>) src(%arg15 : memref<80x128xf32, #tpu.memory_space<vmem>>) dst(%dma_wait3A_1126 : memref<80x128xf32, #tpu.memory_space<hbm>>)
    %mul3A_1127 = arith.constant 8 : i32
    %mul3A_1128 = arith.muli %arg1, %mul3A_1127 : i32
    %add3A_1129 = arith.constant 5 : i32
    %add3A_1130 = arith.addi %mul3A_1128, %add3A_1129 : i32
    %min3A_1131 = arith.constant 124 : i32
    %min3A_1132 = arith.minsi %add3A_1130, %min3A_1131 : i32
    %mul3A_1133 = arith.constant 80 : i32
    %mul3A_1134 = arith.muli %min3A_1132, %mul3A_1133 : i32
    %multiple_of3A_1135 = tpu.assume_multiple %mul3A_1134, 8 : i32
    %dma_start3A_1136 = arith.constant 0 : i32
    %dma_start3A_1137 = tpu.memref_slice %arg16[%multiple_of3A_1135, %dma_start3A_1136] : memref<10000x128xf32, #tpu.memory_space<vmem_shared>> -> memref<80x128xf32, #tpu.memory_space<vmem_shared>>
    %dma_start3A_1138 = arith.constant 0 : i32
    %dma_start3A_1139 = tpu.memref_slice %arg16[%multiple_of3A_1135, %dma_start3A_1138] : memref<10000x128xf32, #tpu.memory_space<vmem_shared>> -> memref<80x128xf32, #tpu.memory_space<vmem_shared>>
    tpu.enqueue_dma source(%dma_start3A_1139 : memref<80x128xf32, #tpu.memory_space<vmem_shared>>) target(%arg15 : memref<80x128xf32, #tpu.memory_space<vmem>>) target_semaphore(%arg23 : memref<!tpu.dma_semaphore, #tpu.memory_space<semaphore_mem>>)
    %dma_wait3A_1140 = arith.constant 0 : i32
    %dma_wait3A_1141 = tpu.memref_slice %arg16[%multiple_of3A_1097, %dma_wait3A_1140] : memref<10000x128xf32, #tpu.memory_space<vmem_shared>> -> memref<80x128xf32, #tpu.memory_space<vmem_shared>>
    %dma_wait3A_1142 = arith.constant 0 : i32
    %dma_wait3A_1143 = tpu.memref_slice %arg16[%multiple_of3A_1097, %dma_wait3A_1142] : memref<10000x128xf32, #tpu.memory_space<vmem_shared>> -> memref<80x128xf32, #tpu.memory_space<vmem_shared>>
    tpu.wait_dma2 semaphore(%arg26 : memref<!tpu.dma_semaphore, #tpu.memory_space<semaphore_mem>>) src(%dma_wait3A_1143 : memref<80x128xf32, #tpu.memory_space<vmem_shared>>) dst(%arg14 : memref<80x128xf32, #tpu.memory_space<vmem>>)
    %mul3A_1144 = arith.constant 8 : i32
    %mul3A_1145 = arith.muli %arg1, %mul3A_1144 : i32
    %add3A_1146 = arith.constant 4 : i32
    %add3A_1147 = arith.addi %mul3A_1145, %add3A_1146 : i32
    %min3A_1148 = arith.constant 124 : i32
    %min3A_1149 = arith.minsi %add3A_1147, %min3A_1148 : i32
    %mul3A_1150 = arith.constant 80 : i32
    %mul3A_1151 = arith.muli %min3A_1149, %mul3A_1150 : i32
    %multiple_of3A_1152 = tpu.assume_multiple %mul3A_1151, 8 : i32
    %dma_start3A_1153 = arith.constant 0 : i32
    %dma_start3A_1154 = tpu.memref_slice %arg6[%arg0, %multiple_of3A_1152, %dma_start3A_1153] : memref<2x10000x128xf32, #tpu.memory_space<hbm>> -> memref<1x80x128xf32, #tpu.memory_space<hbm>>
    %dma_start3A_1155 = tpu.memref_squeeze %dma_start3A_1154 : memref<1x80x128xf32, #tpu.memory_space<hbm>> -> memref<80x128xf32, #tpu.memory_space<hbm>>
    %dma_start3A_1156 = arith.constant 0 : i32
    %dma_start3A_1157 = tpu.memref_slice %arg6[%arg0, %multiple_of3A_1152, %dma_start3A_1156] : memref<2x10000x128xf32, #tpu.memory_space<hbm>> -> memref<1x80x128xf32, #tpu.memory_space<hbm>>
    %dma_start3A_1158 = tpu.memref_squeeze %dma_start3A_1157 : memref<1x80x128xf32, #tpu.memory_space<hbm>> -> memref<80x128xf32, #tpu.memory_space<hbm>>
    tpu.enqueue_dma source(%arg14 : memref<80x128xf32, #tpu.memory_space<vmem>>) target(%dma_start3A_1158 : memref<80x128xf32, #tpu.memory_space<hbm>>) target_semaphore(%arg26 : memref<!tpu.dma_semaphore, #tpu.memory_space<semaphore_mem>>)
    %dma_wait3A_1159 = arith.constant 0 : i32
    %dma_wait3A_1160 = tpu.memref_slice %arg6[%arg0, %multiple_of3A_1152, %dma_wait3A_1159] : memref<2x10000x128xf32, #tpu.memory_space<hbm>> -> memref<1x80x128xf32, #tpu.memory_space<hbm>>
    %dma_wait3A_1161 = tpu.memref_squeeze %dma_wait3A_1160 : memref<1x80x128xf32, #tpu.memory_space<hbm>> -> memref<80x128xf32, #tpu.memory_space<hbm>>
    %dma_wait3A_1162 = arith.constant 0 : i32
    %dma_wait3A_1163 = tpu.memref_slice %arg6[%arg0, %multiple_of3A_1152, %dma_wait3A_1162] : memref<2x10000x128xf32, #tpu.memory_space<hbm>> -> memref<1x80x128xf32, #tpu.memory_space<hbm>>
    %dma_wait3A_1164 = tpu.memref_squeeze %dma_wait3A_1163 : memref<1x80x128xf32, #tpu.memory_space<hbm>> -> memref<80x128xf32, #tpu.memory_space<hbm>>
    tpu.wait_dma2 semaphore(%arg26 : memref<!tpu.dma_semaphore, #tpu.memory_space<semaphore_mem>>) src(%arg14 : memref<80x128xf32, #tpu.memory_space<vmem>>) dst(%dma_wait3A_1164 : memref<80x128xf32, #tpu.memory_space<hbm>>)
    %mul3A_1165 = arith.constant 8 : i32
    %mul3A_1166 = arith.muli %arg1, %mul3A_1165 : i32
    %add3A_1167 = arith.constant 6 : i32
    %add3A_1168 = arith.addi %mul3A_1166, %add3A_1167 : i32
    %min3A_1169 = arith.constant 124 : i32
    %min3A_1170 = arith.minsi %add3A_1168, %min3A_1169 : i32
    %mul3A_1171 = arith.constant 80 : i32
    %mul3A_1172 = arith.muli %min3A_1170, %mul3A_1171 : i32
    %multiple_of3A_1173 = tpu.assume_multiple %mul3A_1172, 8 : i32
    %dma_start3A_1174 = arith.constant 0 : i32
    %dma_start3A_1175 = tpu.memref_slice %arg16[%multiple_of3A_1173, %dma_start3A_1174] : memref<10000x128xf32, #tpu.memory_space<vmem_shared>> -> memref<80x128xf32, #tpu.memory_space<vmem_shared>>
    %dma_start3A_1176 = arith.constant 0 : i32
    %dma_start3A_1177 = tpu.memref_slice %arg16[%multiple_of3A_1173, %dma_start3A_1176] : memref<10000x128xf32, #tpu.memory_space<vmem_shared>> -> memref<80x128xf32, #tpu.memory_space<vmem_shared>>
    tpu.enqueue_dma source(%dma_start3A_1177 : memref<80x128xf32, #tpu.memory_space<vmem_shared>>) target(%arg14 : memref<80x128xf32, #tpu.memory_space<vmem>>) target_semaphore(%arg26 : memref<!tpu.dma_semaphore, #tpu.memory_space<semaphore_mem>>)
    %dma_wait3A_1178 = arith.constant 0 : i32
    %dma_wait3A_1179 = tpu.memref_slice %arg16[%multiple_of3A_1135, %dma_wait3A_1178] : memref<10000x128xf32, #tpu.memory_space<vmem_shared>> -> memref<80x128xf32, #tpu.memory_space<vmem_shared>>
    %dma_wait3A_1180 = arith.constant 0 : i32
    %dma_wait3A_1181 = tpu.memref_slice %arg16[%multiple_of3A_1135, %dma_wait3A_1180] : memref<10000x128xf32, #tpu.memory_space<vmem_shared>> -> memref<80x128xf32, #tpu.memory_space<vmem_shared>>
    tpu.wait_dma2 semaphore(%arg23 : memref<!tpu.dma_semaphore, #tpu.memory_space<semaphore_mem>>) src(%dma_wait3A_1181 : memref<80x128xf32, #tpu.memory_space<vmem_shared>>) dst(%arg15 : memref<80x128xf32, #tpu.memory_space<vmem>>)
    %mul3A_1182 = arith.constant 8 : i32
    %mul3A_1183 = arith.muli %arg1, %mul3A_1182 : i32
    %add3A_1184 = arith.constant 5 : i32
    %add3A_1185 = arith.addi %mul3A_1183, %add3A_1184 : i32
    %min3A_1186 = arith.constant 124 : i32
    %min3A_1187 = arith.minsi %add3A_1185, %min3A_1186 : i32
    %mul3A_1188 = arith.constant 80 : i32
    %mul3A_1189 = arith.muli %min3A_1187, %mul3A_1188 : i32
    %multiple_of3A_1190 = tpu.assume_multiple %mul3A_1189, 8 : i32
    %dma_start3A_1191 = arith.constant 0 : i32
    %dma_start3A_1192 = tpu.memref_slice %arg6[%arg0, %multiple_of3A_1190, %dma_start3A_1191] : memref<2x10000x128xf32, #tpu.memory_space<hbm>> -> memref<1x80x128xf32, #tpu.memory_space<hbm>>
    %dma_start3A_1193 = tpu.memref_squeeze %dma_start3A_1192 : memref<1x80x128xf32, #tpu.memory_space<hbm>> -> memref<80x128xf32, #tpu.memory_space<hbm>>
    %dma_start3A_1194 = arith.constant 0 : i32
    %dma_start3A_1195 = tpu.memref_slice %arg6[%arg0, %multiple_of3A_1190, %dma_start3A_1194] : memref<2x10000x128xf32, #tpu.memory_space<hbm>> -> memref<1x80x128xf32, #tpu.memory_space<hbm>>
    %dma_start3A_1196 = tpu.memref_squeeze %dma_start3A_1195 : memref<1x80x128xf32, #tpu.memory_space<hbm>> -> memref<80x128xf32, #tpu.memory_space<hbm>>
    tpu.enqueue_dma source(%arg15 : memref<80x128xf32, #tpu.memory_space<vmem>>) target(%dma_start3A_1196 : memref<80x128xf32, #tpu.memory_space<hbm>>) target_semaphore(%arg23 : memref<!tpu.dma_semaphore, #tpu.memory_space<semaphore_mem>>)
    %dma_wait3A_1197 = arith.constant 0 : i32
    %dma_wait3A_1198 = tpu.memref_slice %arg6[%arg0, %multiple_of3A_1190, %dma_wait3A_1197] : memref<2x10000x128xf32, #tpu.memory_space<hbm>> -> memref<1x80x128xf32, #tpu.memory_space<hbm>>
    %dma_wait3A_1199 = tpu.memref_squeeze %dma_wait3A_1198 : memref<1x80x128xf32, #tpu.memory_space<hbm>> -> memref<80x128xf32, #tpu.memory_space<hbm>>
    %dma_wait3A_1200 = arith.constant 0 : i32
    %dma_wait3A_1201 = tpu.memref_slice %arg6[%arg0, %multiple_of3A_1190, %dma_wait3A_1200] : memref<2x10000x128xf32, #tpu.memory_space<hbm>> -> memref<1x80x128xf32, #tpu.memory_space<hbm>>
    %dma_wait3A_1202 = tpu.memref_squeeze %dma_wait3A_1201 : memref<1x80x128xf32, #tpu.memory_space<hbm>> -> memref<80x128xf32, #tpu.memory_space<hbm>>
    tpu.wait_dma2 semaphore(%arg23 : memref<!tpu.dma_semaphore, #tpu.memory_space<semaphore_mem>>) src(%arg15 : memref<80x128xf32, #tpu.memory_space<vmem>>) dst(%dma_wait3A_1202 : memref<80x128xf32, #tpu.memory_space<hbm>>)
    %mul3A_1203 = arith.constant 8 : i32
    %mul3A_1204 = arith.muli %arg1, %mul3A_1203 : i32
    %add3A_1205 = arith.constant 7 : i32
    %add3A_1206 = arith.addi %mul3A_1204, %add3A_1205 : i32
    %min3A_1207 = arith.constant 124 : i32
    %min3A_1208 = arith.minsi %add3A_1206, %min3A_1207 : i32
    %mul3A_1209 = arith.constant 80 : i32
    %mul3A_1210 = arith.muli %min3A_1208, %mul3A_1209 : i32
    %multiple_of3A_1211 = tpu.assume_multiple %mul3A_1210, 8 : i32
    %dma_start3A_1212 = arith.constant 0 : i32
    %dma_start3A_1213 = tpu.memref_slice %arg16[%multiple_of3A_1211, %dma_start3A_1212] : memref<10000x128xf32, #tpu.memory_space<vmem_shared>> -> memref<80x128xf32, #tpu.memory_space<vmem_shared>>
    %dma_start3A_1214 = arith.constant 0 : i32
    %dma_start3A_1215 = tpu.memref_slice %arg16[%multiple_of3A_1211, %dma_start3A_1214] : memref<10000x128xf32, #tpu.memory_space<vmem_shared>> -> memref<80x128xf32, #tpu.memory_space<vmem_shared>>
    tpu.enqueue_dma source(%dma_start3A_1215 : memref<80x128xf32, #tpu.memory_space<vmem_shared>>) target(%arg15 : memref<80x128xf32, #tpu.memory_space<vmem>>) target_semaphore(%arg23 : memref<!tpu.dma_semaphore, #tpu.memory_space<semaphore_mem>>)
    %dma_wait3A_1216 = arith.constant 0 : i32
    %dma_wait3A_1217 = tpu.memref_slice %arg16[%multiple_of3A_1173, %dma_wait3A_1216] : memref<10000x128xf32, #tpu.memory_space<vmem_shared>> -> memref<80x128xf32, #tpu.memory_space<vmem_shared>>
    %dma_wait3A_1218 = arith.constant 0 : i32
    %dma_wait3A_1219 = tpu.memref_slice %arg16[%multiple_of3A_1173, %dma_wait3A_1218] : memref<10000x128xf32, #tpu.memory_space<vmem_shared>> -> memref<80x128xf32, #tpu.memory_space<vmem_shared>>
    tpu.wait_dma2 semaphore(%arg26 : memref<!tpu.dma_semaphore, #tpu.memory_space<semaphore_mem>>) src(%dma_wait3A_1219 : memref<80x128xf32, #tpu.memory_space<vmem_shared>>) dst(%arg14 : memref<80x128xf32, #tpu.memory_space<vmem>>)
    %mul3A_1220 = arith.constant 8 : i32
    %mul3A_1221 = arith.muli %arg1, %mul3A_1220 : i32
    %add3A_1222 = arith.constant 6 : i32
    %add3A_1223 = arith.addi %mul3A_1221, %add3A_1222 : i32
    %min3A_1224 = arith.constant 124 : i32
    %min3A_1225 = arith.minsi %add3A_1223, %min3A_1224 : i32
    %mul3A_1226 = arith.constant 80 : i32
    %mul3A_1227 = arith.muli %min3A_1225, %mul3A_1226 : i32
    %multiple_of3A_1228 = tpu.assume_multiple %mul3A_1227, 8 : i32
    %dma_start3A_1229 = arith.constant 0 : i32
    %dma_start3A_1230 = tpu.memref_slice %arg6[%arg0, %multiple_of3A_1228, %dma_start3A_1229] : memref<2x10000x128xf32, #tpu.memory_space<hbm>> -> memref<1x80x128xf32, #tpu.memory_space<hbm>>
    %dma_start3A_1231 = tpu.memref_squeeze %dma_start3A_1230 : memref<1x80x128xf32, #tpu.memory_space<hbm>> -> memref<80x128xf32, #tpu.memory_space<hbm>>
    %dma_start3A_1232 = arith.constant 0 : i32
    %dma_start3A_1233 = tpu.memref_slice %arg6[%arg0, %multiple_of3A_1228, %dma_start3A_1232] : memref<2x10000x128xf32, #tpu.memory_space<hbm>> -> memref<1x80x128xf32, #tpu.memory_space<hbm>>
    %dma_start3A_1234 = tpu.memref_squeeze %dma_start3A_1233 : memref<1x80x128xf32, #tpu.memory_space<hbm>> -> memref<80x128xf32, #tpu.memory_space<hbm>>
    tpu.enqueue_dma source(%arg14 : memref<80x128xf32, #tpu.memory_space<vmem>>) target(%dma_start3A_1234 : memref<80x128xf32, #tpu.memory_space<hbm>>) target_semaphore(%arg26 : memref<!tpu.dma_semaphore, #tpu.memory_space<semaphore_mem>>)
    %dma_wait3A_1235 = arith.constant 0 : i32
    %dma_wait3A_1236 = tpu.memref_slice %arg16[%multiple_of3A_1211, %dma_wait3A_1235] : memref<10000x128xf32, #tpu.memory_space<vmem_shared>> -> memref<80x128xf32, #tpu.memory_space<vmem_shared>>
    %dma_wait3A_1237 = arith.constant 0 : i32
    %dma_wait3A_1238 = tpu.memref_slice %arg16[%multiple_of3A_1211, %dma_wait3A_1237] : memref<10000x128xf32, #tpu.memory_space<vmem_shared>> -> memref<80x128xf32, #tpu.memory_space<vmem_shared>>
    tpu.wait_dma2 semaphore(%arg23 : memref<!tpu.dma_semaphore, #tpu.memory_space<semaphore_mem>>) src(%dma_wait3A_1238 : memref<80x128xf32, #tpu.memory_space<vmem_shared>>) dst(%arg15 : memref<80x128xf32, #tpu.memory_space<vmem>>)
    %mul3A_1239 = arith.constant 8 : i32
    %mul3A_1240 = arith.muli %arg1, %mul3A_1239 : i32
    %add3A_1241 = arith.constant 7 : i32
    %add3A_1242 = arith.addi %mul3A_1240, %add3A_1241 : i32
    %min3A_1243 = arith.constant 124 : i32
    %min3A_1244 = arith.minsi %add3A_1242, %min3A_1243 : i32
    %mul3A_1245 = arith.constant 80 : i32
    %mul3A_1246 = arith.muli %min3A_1244, %mul3A_1245 : i32
    %multiple_of3A_1247 = tpu.assume_multiple %mul3A_1246, 8 : i32
    %dma_start3A_1248 = arith.constant 0 : i32
    %dma_start3A_1249 = tpu.memref_slice %arg6[%arg0, %multiple_of3A_1247, %dma_start3A_1248] : memref<2x10000x128xf32, #tpu.memory_space<hbm>> -> memref<1x80x128xf32, #tpu.memory_space<hbm>>
    %dma_start3A_1250 = tpu.memref_squeeze %dma_start3A_1249 : memref<1x80x128xf32, #tpu.memory_space<hbm>> -> memref<80x128xf32, #tpu.memory_space<hbm>>
    %dma_start3A_1251 = arith.constant 0 : i32
    %dma_start3A_1252 = tpu.memref_slice %arg6[%arg0, %multiple_of3A_1247, %dma_start3A_1251] : memref<2x10000x128xf32, #tpu.memory_space<hbm>> -> memref<1x80x128xf32, #tpu.memory_space<hbm>>
    %dma_start3A_1253 = tpu.memref_squeeze %dma_start3A_1252 : memref<1x80x128xf32, #tpu.memory_space<hbm>> -> memref<80x128xf32, #tpu.memory_space<hbm>>
    tpu.enqueue_dma source(%arg15 : memref<80x128xf32, #tpu.memory_space<vmem>>) target(%dma_start3A_1253 : memref<80x128xf32, #tpu.memory_space<hbm>>) target_semaphore(%arg23 : memref<!tpu.dma_semaphore, #tpu.memory_space<semaphore_mem>>)
    %dma_wait3A_1254 = arith.constant 0 : i32
    %dma_wait3A_1255 = tpu.memref_slice %arg6[%arg0, %multiple_of3A_1228, %dma_wait3A_1254] : memref<2x10000x128xf32, #tpu.memory_space<hbm>> -> memref<1x80x128xf32, #tpu.memory_space<hbm>>
    %dma_wait3A_1256 = tpu.memref_squeeze %dma_wait3A_1255 : memref<1x80x128xf32, #tpu.memory_space<hbm>> -> memref<80x128xf32, #tpu.memory_space<hbm>>
    %dma_wait3A_1257 = arith.constant 0 : i32
    %dma_wait3A_1258 = tpu.memref_slice %arg6[%arg0, %multiple_of3A_1228, %dma_wait3A_1257] : memref<2x10000x128xf32, #tpu.memory_space<hbm>> -> memref<1x80x128xf32, #tpu.memory_space<hbm>>
    %dma_wait3A_1259 = tpu.memref_squeeze %dma_wait3A_1258 : memref<1x80x128xf32, #tpu.memory_space<hbm>> -> memref<80x128xf32, #tpu.memory_space<hbm>>
    tpu.wait_dma2 semaphore(%arg26 : memref<!tpu.dma_semaphore, #tpu.memory_space<semaphore_mem>>) src(%arg14 : memref<80x128xf32, #tpu.memory_space<vmem>>) dst(%dma_wait3A_1259 : memref<80x128xf32, #tpu.memory_space<hbm>>)
    %dma_wait3A_1260 = arith.constant 0 : i32
    %dma_wait3A_1261 = tpu.memref_slice %arg6[%arg0, %multiple_of3A_1247, %dma_wait3A_1260] : memref<2x10000x128xf32, #tpu.memory_space<hbm>> -> memref<1x80x128xf32, #tpu.memory_space<hbm>>
    %dma_wait3A_1262 = tpu.memref_squeeze %dma_wait3A_1261 : memref<1x80x128xf32, #tpu.memory_space<hbm>> -> memref<80x128xf32, #tpu.memory_space<hbm>>
    %dma_wait3A_1263 = arith.constant 0 : i32
    %dma_wait3A_1264 = tpu.memref_slice %arg6[%arg0, %multiple_of3A_1247, %dma_wait3A_1263] : memref<2x10000x128xf32, #tpu.memory_space<hbm>> -> memref<1x80x128xf32, #tpu.memory_space<hbm>>
    %dma_wait3A_1265 = tpu.memref_squeeze %dma_wait3A_1264 : memref<1x80x128xf32, #tpu.memory_space<hbm>> -> memref<80x128xf32, #tpu.memory_space<hbm>>
    tpu.wait_dma2 semaphore(%arg23 : memref<!tpu.dma_semaphore, #tpu.memory_space<semaphore_mem>>) src(%arg15 : memref<80x128xf32, #tpu.memory_space<vmem>>) dst(%dma_wait3A_1265 : memref<80x128xf32, #tpu.memory_space<hbm>>)
    return
  }
}

#map = affine_map<(d0, d1) -> (0)>
#map1 = affine_map<(d0, d1) -> (0, 0)>
#map2 = affine_map<(d0, d1) -> (0, 0, 0)>
module attributes {stable_mosaic.version = 14 : i64} {
  func.func @_sc_agg_p_body(%arg0: i32, %arg1: i32, %arg2: memref<320000xi32, #tpu.memory_space<hbm>>, %arg3: memref<320000xi32, #tpu.memory_space<hbm>>, %arg4: memref<10000x128xf32, #tpu.memory_space<hbm>>, %arg5: memref<2x10000x128xf32, #tpu.memory_space<hbm>>, %arg6: memref<80xi32, #tpu.memory_space<vmem>>, %arg7: memref<80xi32, #tpu.memory_space<vmem>>, %arg8: memref<80xi32, #tpu.memory_space<vmem>>, %arg9: memref<80xi32, #tpu.memory_space<vmem>>, %arg10: memref<80xi32, #tpu.memory_space<vmem>>, %arg11: memref<80xi32, #tpu.memory_space<vmem>>, %arg12: memref<80x128xf32, #tpu.memory_space<vmem>>, %arg13: memref<80x128xf32, #tpu.memory_space<vmem>>, %arg14: memref<80x128xf32, #tpu.memory_space<vmem>>, %arg15: memref<10000x128xf32, #tpu.memory_space<vmem_shared>>, %arg16: memref<!tpu.dma_semaphore, #tpu.memory_space<semaphore_mem>>, %arg17: memref<!tpu.dma_semaphore, #tpu.memory_space<semaphore_mem>>, %arg18: memref<!tpu.dma_semaphore, #tpu.memory_space<semaphore_mem>>, %arg19: memref<!tpu.dma_semaphore, #tpu.memory_space<semaphore_mem>>, %arg20: memref<!tpu.dma_semaphore, #tpu.memory_space<semaphore_mem>>, %arg21: memref<!tpu.dma_semaphore, #tpu.memory_space<semaphore_mem>>, %arg22: memref<!tpu.dma_semaphore, #tpu.memory_space<semaphore_mem>>, %arg23: memref<!tpu.dma_semaphore, #tpu.memory_space<semaphore_mem>>, %arg24: memref<!tpu.dma_semaphore, #tpu.memory_space<semaphore_mem>>, %arg25: memref<!tpu.dma_semaphore, #tpu.memory_space<semaphore_mem>>) attributes {dimension_semantics = [#tpu.dimension_semantics<core_parallel>, #tpu.dimension_semantics<subcore_parallel>], iteration_bounds = array<i64: 2, 16>, scalar_prefetch = 0 : i64, scratch_operands = 20 : i64, tpu.core_type = #tpu.core_type<sc_vector_subcore>, window_params = [{transform_indices = #map}, {transform_indices = #map}, {transform_indices = #map1}, {transform_indices = #map2}]} {
    %mul3A = arith.constant 16 : i32
    %mul3A_0 = arith.muli %arg0, %mul3A : i32
    %add3A = arith.addi %mul3A_0, %arg1 : i32
    %scan3A = arith.constant 0 : i32
    %scan3A_1 = arith.constant 0 : i32
    %scan3A_2 = arith.constant 640 : i32
    %scan3A_3 = arith.addi %scan3A_1, %scan3A_2 : i32
    %scan3A_4 = arith.constant 1 : i32
    scf.for %scan3A_653 = %scan3A_1 to %scan3A_3 step %scan3A_4  : i32 {
      %broadcast_in_dim3A = arith.constant 0.000000e+00 : f32
      %broadcast_in_dim3A_654 = vector.broadcast %broadcast_in_dim3A : f32 to vector<16xf32>
      %jit3A = arith.constant 8 : i32
      %div3A = arith.divsi %scan3A_653, %jit3A : i32
      %sign3A = arith.constant 0 : i32
      %sign3A_655 = arith.cmpi sgt, %scan3A_653, %sign3A : i32
      %sign3A_656 = arith.extui %sign3A_655 : i1 to i32
      %sign3A_657 = arith.constant 0 : i32
      %sign3A_658 = arith.cmpi slt, %scan3A_653, %sign3A_657 : i32
      %sign3A_659 = arith.extui %sign3A_658 : i1 to i32
      %sign3A_660 = arith.subi %sign3A_656, %sign3A_659 : i32
      %sign3A_661 = arith.constant 0 : i32
      %sign3A_662 = arith.cmpi sgt, %jit3A, %sign3A_661 : i32
      %sign3A_663 = arith.extui %sign3A_662 : i1 to i32
      %sign3A_664 = arith.constant 0 : i32
      %sign3A_665 = arith.cmpi slt, %jit3A, %sign3A_664 : i32
      %sign3A_666 = arith.extui %sign3A_665 : i1 to i32
      %sign3A_667 = arith.subi %sign3A_663, %sign3A_666 : i32
      %ne3A = arith.cmpi ne, %sign3A_660, %sign3A_667 : i32
      %rem3A = arith.remsi %scan3A_653, %jit3A : i32
      %ne3A_668 = arith.constant 0 : i32
      %ne3A_669 = arith.cmpi ne, %rem3A, %ne3A_668 : i32
      %and3A = arith.andi %ne3A, %ne3A_669 : i1
      %sub3A = arith.constant 1 : i32
      %sub3A_670 = arith.subi %div3A, %sub3A : i32
      %select_n3A = arith.select %and3A, %sub3A_670, %div3A : i32
      %jit3A_671 = arith.constant 8 : i32
      %eq3A = arith.constant 0 : i32
      %eq3A_672 = arith.cmpi eq, %jit3A_671, %eq3A : i32
      %jit3A_673 = arith.constant 1 : i32
      %select_n3A_674 = arith.select %eq3A_672, %jit3A_673, %jit3A_671 : i32
      %rem3A_675 = arith.remsi %scan3A_653, %select_n3A_674 : i32
      %ne3A_676 = arith.constant 0 : i32
      %ne3A_677 = arith.cmpi ne, %rem3A_675, %ne3A_676 : i32
      %lt3A = arith.constant 0 : i32
      %lt3A_678 = arith.cmpi slt, %rem3A_675, %lt3A : i32
      %lt3A_679 = arith.constant 0 : i32
      %lt3A_680 = arith.cmpi slt, %select_n3A_674, %lt3A_679 : i32
      %ne3A_681 = arith.xori %lt3A_678, %lt3A_680 : i1
      %and3A_682 = arith.andi %ne3A_681, %ne3A_677 : i1
      %add3A_683 = arith.addi %rem3A_675, %select_n3A_674 : i32
      %select_n3A_684 = arith.select %and3A_682, %add3A_683, %rem3A_675 : i32
      %mul3A_685 = arith.constant 16 : i32
      %mul3A_686 = arith.muli %select_n3A_684, %mul3A_685 : i32
      %multiple_of3A_687 = tpu.assume_multiple %mul3A_686, 16 : i32
      %swap3A = arith.index_cast %select_n3A : i32 to index
      %swap3A_688 = arith.index_cast %multiple_of3A_687 : i32 to index
      %swap3A_689 = tpu.vector_load %arg12[%swap3A, %swap3A_688] {strides = array<i32>} : memref<80x128xf32, #tpu.memory_space<vmem>>, vector<1x16xf32>,
      %swap3A_690 = vector.shape_cast %swap3A_689 : vector<1x16xf32> to vector<16xf32>
      %swap3A_691 = vector.shape_cast %broadcast_in_dim3A_654 : vector<16xf32> to vector<1x16xf32>
      tpu.vector_store %arg12[%swap3A, %swap3A_688], %swap3A_691 {strides = array<i32>} : memref<80x128xf32, #tpu.memory_space<vmem>>, vector<1x16xf32>,
    }
    %scan3A_5 = arith.constant 640 : i32
    %mul3A_6 = arith.constant 8 : i32
    %mul3A_7 = arith.muli %arg1, %mul3A_6 : i32
    %add3A_8 = arith.constant 0 : i32
    %add3A_9 = arith.addi %mul3A_7, %add3A_8 : i32
    %min3A = arith.constant 124 : i32
    %min3A_10 = arith.minsi %add3A_9, %min3A : i32
    %mul3A_11 = arith.constant 80 : i32
    %mul3A_12 = arith.muli %min3A_10, %mul3A_11 : i32
    %multiple_of3A = tpu.assume_multiple %mul3A_12, 8 : i32
    %dma_start3A = arith.constant 0 : i32
    %dma_start3A_13 = tpu.memref_slice %arg15[%multiple_of3A, %dma_start3A] : memref<10000x128xf32, #tpu.memory_space<vmem_shared>> -> memref<80x128xf32, #tpu.memory_space<vmem_shared>>
    %dma_start3A_14 = arith.constant 0 : i32
    %dma_start3A_15 = tpu.memref_slice %arg15[%multiple_of3A, %dma_start3A_14] : memref<10000x128xf32, #tpu.memory_space<vmem_shared>> -> memref<80x128xf32, #tpu.memory_space<vmem_shared>>
    tpu.enqueue_dma source(%arg12 : memref<80x128xf32, #tpu.memory_space<vmem>>) target(%dma_start3A_15 : memref<80x128xf32, #tpu.memory_space<vmem_shared>>) target_semaphore(%arg25 : memref<!tpu.dma_semaphore, #tpu.memory_space<semaphore_mem>>)
    %mul3A_16 = arith.constant 8 : i32
    %mul3A_17 = arith.muli %arg1, %mul3A_16 : i32
    %add3A_18 = arith.constant 1 : i32
    %add3A_19 = arith.addi %mul3A_17, %add3A_18 : i32
    %min3A_20 = arith.constant 124 : i32
    %min3A_21 = arith.minsi %add3A_19, %min3A_20 : i32
    %mul3A_22 = arith.constant 80 : i32
    %mul3A_23 = arith.muli %min3A_21, %mul3A_22 : i32
    %multiple_of3A_24 = tpu.assume_multiple %mul3A_23, 8 : i32
    %dma_start3A_25 = arith.constant 0 : i32
    %dma_start3A_26 = tpu.memref_slice %arg15[%multiple_of3A_24, %dma_start3A_25] : memref<10000x128xf32, #tpu.memory_space<vmem_shared>> -> memref<80x128xf32, #tpu.memory_space<vmem_shared>>
    %dma_start3A_27 = arith.constant 0 : i32
    %dma_start3A_28 = tpu.memref_slice %arg15[%multiple_of3A_24, %dma_start3A_27] : memref<10000x128xf32, #tpu.memory_space<vmem_shared>> -> memref<80x128xf32, #tpu.memory_space<vmem_shared>>
    tpu.enqueue_dma source(%arg12 : memref<80x128xf32, #tpu.memory_space<vmem>>) target(%dma_start3A_28 : memref<80x128xf32, #tpu.memory_space<vmem_shared>>) target_semaphore(%arg25 : memref<!tpu.dma_semaphore, #tpu.memory_space<semaphore_mem>>)
    %mul3A_29 = arith.constant 8 : i32
    %mul3A_30 = arith.muli %arg1, %mul3A_29 : i32
    %add3A_31 = arith.constant 2 : i32
    %add3A_32 = arith.addi %mul3A_30, %add3A_31 : i32
    %min3A_33 = arith.constant 124 : i32
    %min3A_34 = arith.minsi %add3A_32, %min3A_33 : i32
    %mul3A_35 = arith.constant 80 : i32
    %mul3A_36 = arith.muli %min3A_34, %mul3A_35 : i32
    %multiple_of3A_37 = tpu.assume_multiple %mul3A_36, 8 : i32
    %dma_start3A_38 = arith.constant 0 : i32
    %dma_start3A_39 = tpu.memref_slice %arg15[%multiple_of3A_37, %dma_start3A_38] : memref<10000x128xf32, #tpu.memory_space<vmem_shared>> -> memref<80x128xf32, #tpu.memory_space<vmem_shared>>
    %dma_start3A_40 = arith.constant 0 : i32
    %dma_start3A_41 = tpu.memref_slice %arg15[%multiple_of3A_37, %dma_start3A_40] : memref<10000x128xf32, #tpu.memory_space<vmem_shared>> -> memref<80x128xf32, #tpu.memory_space<vmem_shared>>
    tpu.enqueue_dma source(%arg12 : memref<80x128xf32, #tpu.memory_space<vmem>>) target(%dma_start3A_41 : memref<80x128xf32, #tpu.memory_space<vmem_shared>>) target_semaphore(%arg25 : memref<!tpu.dma_semaphore, #tpu.memory_space<semaphore_mem>>)
    %mul3A_42 = arith.constant 8 : i32
    %mul3A_43 = arith.muli %arg1, %mul3A_42 : i32
    %add3A_44 = arith.constant 3 : i32
    %add3A_45 = arith.addi %mul3A_43, %add3A_44 : i32
    %min3A_46 = arith.constant 124 : i32
    %min3A_47 = arith.minsi %add3A_45, %min3A_46 : i32
    %mul3A_48 = arith.constant 80 : i32
    %mul3A_49 = arith.muli %min3A_47, %mul3A_48 : i32
    %multiple_of3A_50 = tpu.assume_multiple %mul3A_49, 8 : i32
    %dma_start3A_51 = arith.constant 0 : i32
    %dma_start3A_52 = tpu.memref_slice %arg15[%multiple_of3A_50, %dma_start3A_51] : memref<10000x128xf32, #tpu.memory_space<vmem_shared>> -> memref<80x128xf32, #tpu.memory_space<vmem_shared>>
    %dma_start3A_53 = arith.constant 0 : i32
    %dma_start3A_54 = tpu.memref_slice %arg15[%multiple_of3A_50, %dma_start3A_53] : memref<10000x128xf32, #tpu.memory_space<vmem_shared>> -> memref<80x128xf32, #tpu.memory_space<vmem_shared>>
    tpu.enqueue_dma source(%arg12 : memref<80x128xf32, #tpu.memory_space<vmem>>) target(%dma_start3A_54 : memref<80x128xf32, #tpu.memory_space<vmem_shared>>) target_semaphore(%arg25 : memref<!tpu.dma_semaphore, #tpu.memory_space<semaphore_mem>>)
    %mul3A_55 = arith.constant 8 : i32
    %mul3A_56 = arith.muli %arg1, %mul3A_55 : i32
    %add3A_57 = arith.constant 4 : i32
    %add3A_58 = arith.addi %mul3A_56, %add3A_57 : i32
    %min3A_59 = arith.constant 124 : i32
    %min3A_60 = arith.minsi %add3A_58, %min3A_59 : i32
    %mul3A_61 = arith.constant 80 : i32
    %mul3A_62 = arith.muli %min3A_60, %mul3A_61 : i32
    %multiple_of3A_63 = tpu.assume_multiple %mul3A_62, 8 : i32
    %dma_start3A_64 = arith.constant 0 : i32
    %dma_start3A_65 = tpu.memref_slice %arg15[%multiple_of3A_63, %dma_start3A_64] : memref<10000x128xf32, #tpu.memory_space<vmem_shared>> -> memref<80x128xf32, #tpu.memory_space<vmem_shared>>
    %dma_start3A_66 = arith.constant 0 : i32
    %dma_start3A_67 = tpu.memref_slice %arg15[%multiple_of3A_63, %dma_start3A_66] : memref<10000x128xf32, #tpu.memory_space<vmem_shared>> -> memref<80x128xf32, #tpu.memory_space<vmem_shared>>
    tpu.enqueue_dma source(%arg12 : memref<80x128xf32, #tpu.memory_space<vmem>>) target(%dma_start3A_67 : memref<80x128xf32, #tpu.memory_space<vmem_shared>>) target_semaphore(%arg25 : memref<!tpu.dma_semaphore, #tpu.memory_space<semaphore_mem>>)
    %mul3A_68 = arith.constant 8 : i32
    %mul3A_69 = arith.muli %arg1, %mul3A_68 : i32
    %add3A_70 = arith.constant 5 : i32
    %add3A_71 = arith.addi %mul3A_69, %add3A_70 : i32
    %min3A_72 = arith.constant 124 : i32
    %min3A_73 = arith.minsi %add3A_71, %min3A_72 : i32
    %mul3A_74 = arith.constant 80 : i32
    %mul3A_75 = arith.muli %min3A_73, %mul3A_74 : i32
    %multiple_of3A_76 = tpu.assume_multiple %mul3A_75, 8 : i32
    %dma_start3A_77 = arith.constant 0 : i32
    %dma_start3A_78 = tpu.memref_slice %arg15[%multiple_of3A_76, %dma_start3A_77] : memref<10000x128xf32, #tpu.memory_space<vmem_shared>> -> memref<80x128xf32, #tpu.memory_space<vmem_shared>>
    %dma_start3A_79 = arith.constant 0 : i32
    %dma_start3A_80 = tpu.memref_slice %arg15[%multiple_of3A_76, %dma_start3A_79] : memref<10000x128xf32, #tpu.memory_space<vmem_shared>> -> memref<80x128xf32, #tpu.memory_space<vmem_shared>>
    tpu.enqueue_dma source(%arg12 : memref<80x128xf32, #tpu.memory_space<vmem>>) target(%dma_start3A_80 : memref<80x128xf32, #tpu.memory_space<vmem_shared>>) target_semaphore(%arg25 : memref<!tpu.dma_semaphore, #tpu.memory_space<semaphore_mem>>)
    %mul3A_81 = arith.constant 8 : i32
    %mul3A_82 = arith.muli %arg1, %mul3A_81 : i32
    %add3A_83 = arith.constant 6 : i32
    %add3A_84 = arith.addi %mul3A_82, %add3A_83 : i32
    %min3A_85 = arith.constant 124 : i32
    %min3A_86 = arith.minsi %add3A_84, %min3A_85 : i32
    %mul3A_87 = arith.constant 80 : i32
    %mul3A_88 = arith.muli %min3A_86, %mul3A_87 : i32
    %multiple_of3A_89 = tpu.assume_multiple %mul3A_88, 8 : i32
    %dma_start3A_90 = arith.constant 0 : i32
    %dma_start3A_91 = tpu.memref_slice %arg15[%multiple_of3A_89, %dma_start3A_90] : memref<10000x128xf32, #tpu.memory_space<vmem_shared>> -> memref<80x128xf32, #tpu.memory_space<vmem_shared>>
    %dma_start3A_92 = arith.constant 0 : i32
    %dma_start3A_93 = tpu.memref_slice %arg15[%multiple_of3A_89, %dma_start3A_92] : memref<10000x128xf32, #tpu.memory_space<vmem_shared>> -> memref<80x128xf32, #tpu.memory_space<vmem_shared>>
    tpu.enqueue_dma source(%arg12 : memref<80x128xf32, #tpu.memory_space<vmem>>) target(%dma_start3A_93 : memref<80x128xf32, #tpu.memory_space<vmem_shared>>) target_semaphore(%arg25 : memref<!tpu.dma_semaphore, #tpu.memory_space<semaphore_mem>>)
    %mul3A_94 = arith.constant 8 : i32
    %mul3A_95 = arith.muli %arg1, %mul3A_94 : i32
    %add3A_96 = arith.constant 7 : i32
    %add3A_97 = arith.addi %mul3A_95, %add3A_96 : i32
    %min3A_98 = arith.constant 124 : i32
    %min3A_99 = arith.minsi %add3A_97, %min3A_98 : i32
    %mul3A_100 = arith.constant 80 : i32
    %mul3A_101 = arith.muli %min3A_99, %mul3A_100 : i32
    %multiple_of3A_102 = tpu.assume_multiple %mul3A_101, 8 : i32
    %dma_start3A_103 = arith.constant 0 : i32
    %dma_start3A_104 = tpu.memref_slice %arg15[%multiple_of3A_102, %dma_start3A_103] : memref<10000x128xf32, #tpu.memory_space<vmem_shared>> -> memref<80x128xf32, #tpu.memory_space<vmem_shared>>
    %dma_start3A_105 = arith.constant 0 : i32
    %dma_start3A_106 = tpu.memref_slice %arg15[%multiple_of3A_102, %dma_start3A_105] : memref<10000x128xf32, #tpu.memory_space<vmem_shared>> -> memref<80x128xf32, #tpu.memory_space<vmem_shared>>
    tpu.enqueue_dma source(%arg12 : memref<80x128xf32, #tpu.memory_space<vmem>>) target(%dma_start3A_106 : memref<80x128xf32, #tpu.memory_space<vmem_shared>>) target_semaphore(%arg25 : memref<!tpu.dma_semaphore, #tpu.memory_space<semaphore_mem>>)
    %mul3A_107 = arith.constant 8 : i32
    %mul3A_108 = arith.muli %arg1, %mul3A_107 : i32
    %add3A_109 = arith.constant 0 : i32
    %add3A_110 = arith.addi %mul3A_108, %add3A_109 : i32
    %min3A_111 = arith.constant 124 : i32
    %min3A_112 = arith.minsi %add3A_110, %min3A_111 : i32
    %mul3A_113 = arith.constant 80 : i32
    %mul3A_114 = arith.muli %min3A_112, %mul3A_113 : i32
    %multiple_of3A_115 = tpu.assume_multiple %mul3A_114, 8 : i32
    %dma_wait3A = arith.constant 0 : i32
    %dma_wait3A_116 = tpu.memref_slice %arg15[%multiple_of3A_115, %dma_wait3A] : memref<10000x128xf32, #tpu.memory_space<vmem_shared>> -> memref<80x128xf32, #tpu.memory_space<vmem_shared>>
    %dma_wait3A_117 = arith.constant 0 : i32
    %dma_wait3A_118 = tpu.memref_slice %arg15[%multiple_of3A_115, %dma_wait3A_117] : memref<10000x128xf32, #tpu.memory_space<vmem_shared>> -> memref<80x128xf32, #tpu.memory_space<vmem_shared>>
    tpu.wait_dma2 semaphore(%arg25 : memref<!tpu.dma_semaphore, #tpu.memory_space<semaphore_mem>>) src(%arg12 : memref<80x128xf32, #tpu.memory_space<vmem>>) dst(%dma_wait3A_118 : memref<80x128xf32, #tpu.memory_space<vmem_shared>>)
    %mul3A_119 = arith.constant 8 : i32
    %mul3A_120 = arith.muli %arg1, %mul3A_119 : i32
    %add3A_121 = arith.constant 1 : i32
    %add3A_122 = arith.addi %mul3A_120, %add3A_121 : i32
    %min3A_123 = arith.constant 124 : i32
    %min3A_124 = arith.minsi %add3A_122, %min3A_123 : i32
    %mul3A_125 = arith.constant 80 : i32
    %mul3A_126 = arith.muli %min3A_124, %mul3A_125 : i32
    %multiple_of3A_127 = tpu.assume_multiple %mul3A_126, 8 : i32
    %dma_wait3A_128 = arith.constant 0 : i32
    %dma_wait3A_129 = tpu.memref_slice %arg15[%multiple_of3A_127, %dma_wait3A_128] : memref<10000x128xf32, #tpu.memory_space<vmem_shared>> -> memref<80x128xf32, #tpu.memory_space<vmem_shared>>
    %dma_wait3A_130 = arith.constant 0 : i32
    %dma_wait3A_131 = tpu.memref_slice %arg15[%multiple_of3A_127, %dma_wait3A_130] : memref<10000x128xf32, #tpu.memory_space<vmem_shared>> -> memref<80x128xf32, #tpu.memory_space<vmem_shared>>
    tpu.wait_dma2 semaphore(%arg25 : memref<!tpu.dma_semaphore, #tpu.memory_space<semaphore_mem>>) src(%arg12 : memref<80x128xf32, #tpu.memory_space<vmem>>) dst(%dma_wait3A_131 : memref<80x128xf32, #tpu.memory_space<vmem_shared>>)
    %mul3A_132 = arith.constant 8 : i32
    %mul3A_133 = arith.muli %arg1, %mul3A_132 : i32
    %add3A_134 = arith.constant 2 : i32
    %add3A_135 = arith.addi %mul3A_133, %add3A_134 : i32
    %min3A_136 = arith.constant 124 : i32
    %min3A_137 = arith.minsi %add3A_135, %min3A_136 : i32
    %mul3A_138 = arith.constant 80 : i32
    %mul3A_139 = arith.muli %min3A_137, %mul3A_138 : i32
    %multiple_of3A_140 = tpu.assume_multiple %mul3A_139, 8 : i32
    %dma_wait3A_141 = arith.constant 0 : i32
    %dma_wait3A_142 = tpu.memref_slice %arg15[%multiple_of3A_140, %dma_wait3A_141] : memref<10000x128xf32, #tpu.memory_space<vmem_shared>> -> memref<80x128xf32, #tpu.memory_space<vmem_shared>>
    %dma_wait3A_143 = arith.constant 0 : i32
    %dma_wait3A_144 = tpu.memref_slice %arg15[%multiple_of3A_140, %dma_wait3A_143] : memref<10000x128xf32, #tpu.memory_space<vmem_shared>> -> memref<80x128xf32, #tpu.memory_space<vmem_shared>>
    tpu.wait_dma2 semaphore(%arg25 : memref<!tpu.dma_semaphore, #tpu.memory_space<semaphore_mem>>) src(%arg12 : memref<80x128xf32, #tpu.memory_space<vmem>>) dst(%dma_wait3A_144 : memref<80x128xf32, #tpu.memory_space<vmem_shared>>)
    %mul3A_145 = arith.constant 8 : i32
    %mul3A_146 = arith.muli %arg1, %mul3A_145 : i32
    %add3A_147 = arith.constant 3 : i32
    %add3A_148 = arith.addi %mul3A_146, %add3A_147 : i32
    %min3A_149 = arith.constant 124 : i32
    %min3A_150 = arith.minsi %add3A_148, %min3A_149 : i32
    %mul3A_151 = arith.constant 80 : i32
    %mul3A_152 = arith.muli %min3A_150, %mul3A_151 : i32
    %multiple_of3A_153 = tpu.assume_multiple %mul3A_152, 8 : i32
    %dma_wait3A_154 = arith.constant 0 : i32
    %dma_wait3A_155 = tpu.memref_slice %arg15[%multiple_of3A_153, %dma_wait3A_154] : memref<10000x128xf32, #tpu.memory_space<vmem_shared>> -> memref<80x128xf32, #tpu.memory_space<vmem_shared>>
    %dma_wait3A_156 = arith.constant 0 : i32
    %dma_wait3A_157 = tpu.memref_slice %arg15[%multiple_of3A_153, %dma_wait3A_156] : memref<10000x128xf32, #tpu.memory_space<vmem_shared>> -> memref<80x128xf32, #tpu.memory_space<vmem_shared>>
    tpu.wait_dma2 semaphore(%arg25 : memref<!tpu.dma_semaphore, #tpu.memory_space<semaphore_mem>>) src(%arg12 : memref<80x128xf32, #tpu.memory_space<vmem>>) dst(%dma_wait3A_157 : memref<80x128xf32, #tpu.memory_space<vmem_shared>>)
    %mul3A_158 = arith.constant 8 : i32
    %mul3A_159 = arith.muli %arg1, %mul3A_158 : i32
    %add3A_160 = arith.constant 4 : i32
    %add3A_161 = arith.addi %mul3A_159, %add3A_160 : i32
    %min3A_162 = arith.constant 124 : i32
    %min3A_163 = arith.minsi %add3A_161, %min3A_162 : i32
    %mul3A_164 = arith.constant 80 : i32
    %mul3A_165 = arith.muli %min3A_163, %mul3A_164 : i32
    %multiple_of3A_166 = tpu.assume_multiple %mul3A_165, 8 : i32
    %dma_wait3A_167 = arith.constant 0 : i32
    %dma_wait3A_168 = tpu.memref_slice %arg15[%multiple_of3A_166, %dma_wait3A_167] : memref<10000x128xf32, #tpu.memory_space<vmem_shared>> -> memref<80x128xf32, #tpu.memory_space<vmem_shared>>
    %dma_wait3A_169 = arith.constant 0 : i32
    %dma_wait3A_170 = tpu.memref_slice %arg15[%multiple_of3A_166, %dma_wait3A_169] : memref<10000x128xf32, #tpu.memory_space<vmem_shared>> -> memref<80x128xf32, #tpu.memory_space<vmem_shared>>
    tpu.wait_dma2 semaphore(%arg25 : memref<!tpu.dma_semaphore, #tpu.memory_space<semaphore_mem>>) src(%arg12 : memref<80x128xf32, #tpu.memory_space<vmem>>) dst(%dma_wait3A_170 : memref<80x128xf32, #tpu.memory_space<vmem_shared>>)
    %mul3A_171 = arith.constant 8 : i32
    %mul3A_172 = arith.muli %arg1, %mul3A_171 : i32
    %add3A_173 = arith.constant 5 : i32
    %add3A_174 = arith.addi %mul3A_172, %add3A_173 : i32
    %min3A_175 = arith.constant 124 : i32
    %min3A_176 = arith.minsi %add3A_174, %min3A_175 : i32
    %mul3A_177 = arith.constant 80 : i32
    %mul3A_178 = arith.muli %min3A_176, %mul3A_177 : i32
    %multiple_of3A_179 = tpu.assume_multiple %mul3A_178, 8 : i32
    %dma_wait3A_180 = arith.constant 0 : i32
    %dma_wait3A_181 = tpu.memref_slice %arg15[%multiple_of3A_179, %dma_wait3A_180] : memref<10000x128xf32, #tpu.memory_space<vmem_shared>> -> memref<80x128xf32, #tpu.memory_space<vmem_shared>>
    %dma_wait3A_182 = arith.constant 0 : i32
    %dma_wait3A_183 = tpu.memref_slice %arg15[%multiple_of3A_179, %dma_wait3A_182] : memref<10000x128xf32, #tpu.memory_space<vmem_shared>> -> memref<80x128xf32, #tpu.memory_space<vmem_shared>>
    tpu.wait_dma2 semaphore(%arg25 : memref<!tpu.dma_semaphore, #tpu.memory_space<semaphore_mem>>) src(%arg12 : memref<80x128xf32, #tpu.memory_space<vmem>>) dst(%dma_wait3A_183 : memref<80x128xf32, #tpu.memory_space<vmem_shared>>)
    %mul3A_184 = arith.constant 8 : i32
    %mul3A_185 = arith.muli %arg1, %mul3A_184 : i32
    %add3A_186 = arith.constant 6 : i32
    %add3A_187 = arith.addi %mul3A_185, %add3A_186 : i32
    %min3A_188 = arith.constant 124 : i32
    %min3A_189 = arith.minsi %add3A_187, %min3A_188 : i32
    %mul3A_190 = arith.constant 80 : i32
    %mul3A_191 = arith.muli %min3A_189, %mul3A_190 : i32
    %multiple_of3A_192 = tpu.assume_multiple %mul3A_191, 8 : i32
    %dma_wait3A_193 = arith.constant 0 : i32
    %dma_wait3A_194 = tpu.memref_slice %arg15[%multiple_of3A_192, %dma_wait3A_193] : memref<10000x128xf32, #tpu.memory_space<vmem_shared>> -> memref<80x128xf32, #tpu.memory_space<vmem_shared>>
    %dma_wait3A_195 = arith.constant 0 : i32
    %dma_wait3A_196 = tpu.memref_slice %arg15[%multiple_of3A_192, %dma_wait3A_195] : memref<10000x128xf32, #tpu.memory_space<vmem_shared>> -> memref<80x128xf32, #tpu.memory_space<vmem_shared>>
    tpu.wait_dma2 semaphore(%arg25 : memref<!tpu.dma_semaphore, #tpu.memory_space<semaphore_mem>>) src(%arg12 : memref<80x128xf32, #tpu.memory_space<vmem>>) dst(%dma_wait3A_196 : memref<80x128xf32, #tpu.memory_space<vmem_shared>>)
    %mul3A_197 = arith.constant 8 : i32
    %mul3A_198 = arith.muli %arg1, %mul3A_197 : i32
    %add3A_199 = arith.constant 7 : i32
    %add3A_200 = arith.addi %mul3A_198, %add3A_199 : i32
    %min3A_201 = arith.constant 124 : i32
    %min3A_202 = arith.minsi %add3A_200, %min3A_201 : i32
    %mul3A_203 = arith.constant 80 : i32
    %mul3A_204 = arith.muli %min3A_202, %mul3A_203 : i32
    %multiple_of3A_205 = tpu.assume_multiple %mul3A_204, 8 : i32
    %dma_wait3A_206 = arith.constant 0 : i32
    %dma_wait3A_207 = tpu.memref_slice %arg15[%multiple_of3A_205, %dma_wait3A_206] : memref<10000x128xf32, #tpu.memory_space<vmem_shared>> -> memref<80x128xf32, #tpu.memory_space<vmem_shared>>
    %dma_wait3A_208 = arith.constant 0 : i32
    %dma_wait3A_209 = tpu.memref_slice %arg15[%multiple_of3A_205, %dma_wait3A_208] : memref<10000x128xf32, #tpu.memory_space<vmem_shared>> -> memref<80x128xf32, #tpu.memory_space<vmem_shared>>
    tpu.wait_dma2 semaphore(%arg25 : memref<!tpu.dma_semaphore, #tpu.memory_space<semaphore_mem>>) src(%arg12 : memref<80x128xf32, #tpu.memory_space<vmem>>) dst(%dma_wait3A_209 : memref<80x128xf32, #tpu.memory_space<vmem_shared>>)
    %barrier3A = arith.constant 0 : index
    tpu.barrier barrier_id(%barrier3A)
    %mul3A_210 = arith.constant 10000 : i32
    %mul3A_211 = arith.muli %add3A, %mul3A_210 : i32
    %add3A_212 = arith.constant 0 : i32
    %add3A_213 = arith.addi %mul3A_211, %add3A_212 : i32
    %multiple_of3A_214 = tpu.assume_multiple %add3A_213, 8 : i32
    %dma_start3A_215 = tpu.memref_slice %arg2[%multiple_of3A_214] : memref<320000xi32, #tpu.memory_space<hbm>> -> memref<80xi32, #tpu.memory_space<hbm>>
    %dma_start3A_216 = tpu.memref_slice %arg2[%multiple_of3A_214] : memref<320000xi32, #tpu.memory_space<hbm>> -> memref<80xi32, #tpu.memory_space<hbm>>
    tpu.enqueue_dma source(%dma_start3A_216 : memref<80xi32, #tpu.memory_space<hbm>>) target(%arg6 : memref<80xi32, #tpu.memory_space<vmem>>) target_semaphore(%arg16 : memref<!tpu.dma_semaphore, #tpu.memory_space<semaphore_mem>>)
    %dma_start3A_217 = tpu.memref_slice %arg3[%multiple_of3A_214] : memref<320000xi32, #tpu.memory_space<hbm>> -> memref<80xi32, #tpu.memory_space<hbm>>
    %dma_start3A_218 = tpu.memref_slice %arg3[%multiple_of3A_214] : memref<320000xi32, #tpu.memory_space<hbm>> -> memref<80xi32, #tpu.memory_space<hbm>>
    tpu.enqueue_dma source(%dma_start3A_218 : memref<80xi32, #tpu.memory_space<hbm>>) target(%arg9 : memref<80xi32, #tpu.memory_space<vmem>>) target_semaphore(%arg19 : memref<!tpu.dma_semaphore, #tpu.memory_space<semaphore_mem>>)
    %add3A_219 = arith.constant 80 : i32
    %add3A_220 = arith.addi %mul3A_211, %add3A_219 : i32
    %multiple_of3A_221 = tpu.assume_multiple %add3A_220, 8 : i32
    %dma_start3A_222 = tpu.memref_slice %arg2[%multiple_of3A_221] : memref<320000xi32, #tpu.memory_space<hbm>> -> memref<80xi32, #tpu.memory_space<hbm>>
    %dma_start3A_223 = tpu.memref_slice %arg2[%multiple_of3A_221] : memref<320000xi32, #tpu.memory_space<hbm>> -> memref<80xi32, #tpu.memory_space<hbm>>
    tpu.enqueue_dma source(%dma_start3A_223 : memref<80xi32, #tpu.memory_space<hbm>>) target(%arg7 : memref<80xi32, #tpu.memory_space<vmem>>) target_semaphore(%arg17 : memref<!tpu.dma_semaphore, #tpu.memory_space<semaphore_mem>>)
    %dma_start3A_224 = tpu.memref_slice %arg3[%multiple_of3A_221] : memref<320000xi32, #tpu.memory_space<hbm>> -> memref<80xi32, #tpu.memory_space<hbm>>
    %dma_start3A_225 = tpu.memref_slice %arg3[%multiple_of3A_221] : memref<320000xi32, #tpu.memory_space<hbm>> -> memref<80xi32, #tpu.memory_space<hbm>>
    tpu.enqueue_dma source(%dma_start3A_225 : memref<80xi32, #tpu.memory_space<hbm>>) target(%arg10 : memref<80xi32, #tpu.memory_space<vmem>>) target_semaphore(%arg20 : memref<!tpu.dma_semaphore, #tpu.memory_space<semaphore_mem>>)
    %add3A_226 = arith.constant 0 : i32
    %add3A_227 = arith.addi %mul3A_211, %add3A_226 : i32
    %multiple_of3A_228 = tpu.assume_multiple %add3A_227, 8 : i32
    %dma_wait3A_229 = tpu.memref_slice %arg2[%multiple_of3A_228] : memref<320000xi32, #tpu.memory_space<hbm>> -> memref<80xi32, #tpu.memory_space<hbm>>
    %dma_wait3A_230 = tpu.memref_slice %arg2[%multiple_of3A_228] : memref<320000xi32, #tpu.memory_space<hbm>> -> memref<80xi32, #tpu.memory_space<hbm>>
    tpu.wait_dma2 semaphore(%arg16 : memref<!tpu.dma_semaphore, #tpu.memory_space<semaphore_mem>>) src(%dma_wait3A_230 : memref<80xi32, #tpu.memory_space<hbm>>) dst(%arg6 : memref<80xi32, #tpu.memory_space<vmem>>)
    %dma_start3A_231 = arith.constant 0 : i32
    %dma_start3A_232 = arith.constant 0 : i32
    %dma_start3A_233 = tpu.memref_slice %arg4[%dma_start3A_231, %dma_start3A_232] : memref<10000x128xf32, #tpu.memory_space<hbm>> -> memref<10000x128xf32, #tpu.memory_space<hbm>>
    tpu.enqueue_indirect_dma source(%dma_start3A_233 : memref<10000x128xf32, #tpu.memory_space<hbm>>) target(%arg12 : memref<80x128xf32, #tpu.memory_space<vmem>>) offsets(%arg6 : memref<80xi32, #tpu.memory_space<vmem>>) semaphore(%arg25 : memref<!tpu.dma_semaphore, #tpu.memory_space<semaphore_mem>>)
    %dma_wait3A_234 = arith.constant 0 : i32
    %dma_wait3A_235 = arith.constant 0 : i32
    %dma_wait3A_236 = tpu.memref_slice %arg4[%dma_wait3A_234, %dma_wait3A_235] : memref<10000x128xf32, #tpu.memory_space<hbm>> -> memref<10000x128xf32, #tpu.memory_space<hbm>>
    tpu.wait_indirect_dma semaphore(%arg25 : memref<!tpu.dma_semaphore, #tpu.memory_space<semaphore_mem>>) src(%dma_wait3A_236 : memref<10000x128xf32, #tpu.memory_space<hbm>>) dst(%arg12 : memref<80x128xf32, #tpu.memory_space<vmem>>)
    %dma_wait3A_237 = tpu.memref_slice %arg3[%multiple_of3A_228] : memref<320000xi32, #tpu.memory_space<hbm>> -> memref<80xi32, #tpu.memory_space<hbm>>
    %dma_wait3A_238 = tpu.memref_slice %arg3[%multiple_of3A_228] : memref<320000xi32, #tpu.memory_space<hbm>> -> memref<80xi32, #tpu.memory_space<hbm>>
    tpu.wait_dma2 semaphore(%arg19 : memref<!tpu.dma_semaphore, #tpu.memory_space<semaphore_mem>>) src(%dma_wait3A_238 : memref<80xi32, #tpu.memory_space<hbm>>) dst(%arg9 : memref<80xi32, #tpu.memory_space<vmem>>)
    %dma_start3A_239 = arith.constant 0 : i32
    %dma_start3A_240 = arith.constant 0 : i32
    %dma_start3A_241 = tpu.memref_slice %arg15[%dma_start3A_239, %dma_start3A_240] : memref<10000x128xf32, #tpu.memory_space<vmem_shared>> -> memref<10000x128xf32, #tpu.memory_space<vmem_shared>>
    tpu.enqueue_indirect_dma source(%arg12 : memref<80x128xf32, #tpu.memory_space<vmem>>) target(%dma_start3A_241 : memref<10000x128xf32, #tpu.memory_space<vmem_shared>>) offsets(%arg9 : memref<80xi32, #tpu.memory_space<vmem>>) semaphore(%arg22 : memref<!tpu.dma_semaphore, #tpu.memory_space<semaphore_mem>>) {add = true}
    %add3A_242 = arith.constant 160 : i32
    %add3A_243 = arith.addi %mul3A_211, %add3A_242 : i32
    %multiple_of3A_244 = tpu.assume_multiple %add3A_243, 8 : i32
    %dma_start3A_245 = tpu.memref_slice %arg2[%multiple_of3A_244] : memref<320000xi32, #tpu.memory_space<hbm>> -> memref<80xi32, #tpu.memory_space<hbm>>
    %dma_start3A_246 = tpu.memref_slice %arg2[%multiple_of3A_244] : memref<320000xi32, #tpu.memory_space<hbm>> -> memref<80xi32, #tpu.memory_space<hbm>>
    tpu.enqueue_dma source(%dma_start3A_246 : memref<80xi32, #tpu.memory_space<hbm>>) target(%arg8 : memref<80xi32, #tpu.memory_space<vmem>>) target_semaphore(%arg18 : memref<!tpu.dma_semaphore, #tpu.memory_space<semaphore_mem>>)
    %dma_start3A_247 = tpu.memref_slice %arg3[%multiple_of3A_244] : memref<320000xi32, #tpu.memory_space<hbm>> -> memref<80xi32, #tpu.memory_space<hbm>>
    %dma_start3A_248 = tpu.memref_slice %arg3[%multiple_of3A_244] : memref<320000xi32, #tpu.memory_space<hbm>> -> memref<80xi32, #tpu.memory_space<hbm>>
    tpu.enqueue_dma source(%dma_start3A_248 : memref<80xi32, #tpu.memory_space<hbm>>) target(%arg11 : memref<80xi32, #tpu.memory_space<vmem>>) target_semaphore(%arg21 : memref<!tpu.dma_semaphore, #tpu.memory_space<semaphore_mem>>)
    %add3A_249 = arith.constant 80 : i32
    %add3A_250 = arith.addi %mul3A_211, %add3A_249 : i32
    %multiple_of3A_251 = tpu.assume_multiple %add3A_250, 8 : i32
    %dma_wait3A_252 = tpu.memref_slice %arg2[%multiple_of3A_251] : memref<320000xi32, #tpu.memory_space<hbm>> -> memref<80xi32, #tpu.memory_space<hbm>>
    %dma_wait3A_253 = tpu.memref_slice %arg2[%multiple_of3A_251] : memref<320000xi32, #tpu.memory_space<hbm>> -> memref<80xi32, #tpu.memory_space<hbm>>
    tpu.wait_dma2 semaphore(%arg17 : memref<!tpu.dma_semaphore, #tpu.memory_space<semaphore_mem>>) src(%dma_wait3A_253 : memref<80xi32, #tpu.memory_space<hbm>>) dst(%arg7 : memref<80xi32, #tpu.memory_space<vmem>>)
    %dma_start3A_254 = arith.constant 0 : i32
    %dma_start3A_255 = arith.constant 0 : i32
    %dma_start3A_256 = tpu.memref_slice %arg4[%dma_start3A_254, %dma_start3A_255] : memref<10000x128xf32, #tpu.memory_space<hbm>> -> memref<10000x128xf32, #tpu.memory_space<hbm>>
    tpu.enqueue_indirect_dma source(%dma_start3A_256 : memref<10000x128xf32, #tpu.memory_space<hbm>>) target(%arg13 : memref<80x128xf32, #tpu.memory_space<vmem>>) offsets(%arg7 : memref<80xi32, #tpu.memory_space<vmem>>) semaphore(%arg25 : memref<!tpu.dma_semaphore, #tpu.memory_space<semaphore_mem>>)
    %dma_wait3A_257 = arith.constant 0 : i32
    %dma_wait3A_258 = arith.constant 0 : i32
    %dma_wait3A_259 = tpu.memref_slice %arg4[%dma_wait3A_257, %dma_wait3A_258] : memref<10000x128xf32, #tpu.memory_space<hbm>> -> memref<10000x128xf32, #tpu.memory_space<hbm>>
    tpu.wait_indirect_dma semaphore(%arg25 : memref<!tpu.dma_semaphore, #tpu.memory_space<semaphore_mem>>) src(%dma_wait3A_259 : memref<10000x128xf32, #tpu.memory_space<hbm>>) dst(%arg13 : memref<80x128xf32, #tpu.memory_space<vmem>>)
    %dma_wait3A_260 = tpu.memref_slice %arg3[%multiple_of3A_251] : memref<320000xi32, #tpu.memory_space<hbm>> -> memref<80xi32, #tpu.memory_space<hbm>>
    %dma_wait3A_261 = tpu.memref_slice %arg3[%multiple_of3A_251] : memref<320000xi32, #tpu.memory_space<hbm>> -> memref<80xi32, #tpu.memory_space<hbm>>
    tpu.wait_dma2 semaphore(%arg20 : memref<!tpu.dma_semaphore, #tpu.memory_space<semaphore_mem>>) src(%dma_wait3A_261 : memref<80xi32, #tpu.memory_space<hbm>>) dst(%arg10 : memref<80xi32, #tpu.memory_space<vmem>>)
    %dma_start3A_262 = arith.constant 0 : i32
    %dma_start3A_263 = arith.constant 0 : i32
    %dma_start3A_264 = tpu.memref_slice %arg15[%dma_start3A_262, %dma_start3A_263] : memref<10000x128xf32, #tpu.memory_space<vmem_shared>> -> memref<10000x128xf32, #tpu.memory_space<vmem_shared>>
    tpu.enqueue_indirect_dma source(%arg13 : memref<80x128xf32, #tpu.memory_space<vmem>>) target(%dma_start3A_264 : memref<10000x128xf32, #tpu.memory_space<vmem_shared>>) offsets(%arg10 : memref<80xi32, #tpu.memory_space<vmem>>) semaphore(%arg23 : memref<!tpu.dma_semaphore, #tpu.memory_space<semaphore_mem>>) {add = true}
    %dma_wait3A_265 = arith.constant 0 : i32
    %dma_wait3A_266 = arith.constant 0 : i32
    %dma_wait3A_267 = tpu.memref_slice %arg15[%dma_wait3A_265, %dma_wait3A_266] : memref<10000x128xf32, #tpu.memory_space<vmem_shared>> -> memref<10000x128xf32, #tpu.memory_space<vmem_shared>>
    tpu.wait_indirect_dma semaphore(%arg22 : memref<!tpu.dma_semaphore, #tpu.memory_space<semaphore_mem>>) src(%arg12 : memref<80x128xf32, #tpu.memory_space<vmem>>) dst(%dma_wait3A_267 : memref<10000x128xf32, #tpu.memory_space<vmem_shared>>)
    %add3A_268 = arith.constant 240 : i32
    %add3A_269 = arith.addi %mul3A_211, %add3A_268 : i32
    %multiple_of3A_270 = tpu.assume_multiple %add3A_269, 8 : i32
    %dma_start3A_271 = tpu.memref_slice %arg2[%multiple_of3A_270] : memref<320000xi32, #tpu.memory_space<hbm>> -> memref<80xi32, #tpu.memory_space<hbm>>
    %dma_start3A_272 = tpu.memref_slice %arg2[%multiple_of3A_270] : memref<320000xi32, #tpu.memory_space<hbm>> -> memref<80xi32, #tpu.memory_space<hbm>>
    tpu.enqueue_dma source(%dma_start3A_272 : memref<80xi32, #tpu.memory_space<hbm>>) target(%arg6 : memref<80xi32, #tpu.memory_space<vmem>>) target_semaphore(%arg16 : memref<!tpu.dma_semaphore, #tpu.memory_space<semaphore_mem>>)
    %dma_start3A_273 = tpu.memref_slice %arg3[%multiple_of3A_270] : memref<320000xi32, #tpu.memory_space<hbm>> -> memref<80xi32, #tpu.memory_space<hbm>>
    %dma_start3A_274 = tpu.memref_slice %arg3[%multiple_of3A_270] : memref<320000xi32, #tpu.memory_space<hbm>> -> memref<80xi32, #tpu.memory_space<hbm>>
    tpu.enqueue_dma source(%dma_start3A_274 : memref<80xi32, #tpu.memory_space<hbm>>) target(%arg9 : memref<80xi32, #tpu.memory_space<vmem>>) target_semaphore(%arg19 : memref<!tpu.dma_semaphore, #tpu.memory_space<semaphore_mem>>)
    %add3A_275 = arith.constant 160 : i32
    %add3A_276 = arith.addi %mul3A_211, %add3A_275 : i32
    %multiple_of3A_277 = tpu.assume_multiple %add3A_276, 8 : i32
    %dma_wait3A_278 = tpu.memref_slice %arg2[%multiple_of3A_277] : memref<320000xi32, #tpu.memory_space<hbm>> -> memref<80xi32, #tpu.memory_space<hbm>>
    %dma_wait3A_279 = tpu.memref_slice %arg2[%multiple_of3A_277] : memref<320000xi32, #tpu.memory_space<hbm>> -> memref<80xi32, #tpu.memory_space<hbm>>
    tpu.wait_dma2 semaphore(%arg18 : memref<!tpu.dma_semaphore, #tpu.memory_space<semaphore_mem>>) src(%dma_wait3A_279 : memref<80xi32, #tpu.memory_space<hbm>>) dst(%arg8 : memref<80xi32, #tpu.memory_space<vmem>>)
    %dma_start3A_280 = arith.constant 0 : i32
    %dma_start3A_281 = arith.constant 0 : i32
    %dma_start3A_282 = tpu.memref_slice %arg4[%dma_start3A_280, %dma_start3A_281] : memref<10000x128xf32, #tpu.memory_space<hbm>> -> memref<10000x128xf32, #tpu.memory_space<hbm>>
    tpu.enqueue_indirect_dma source(%dma_start3A_282 : memref<10000x128xf32, #tpu.memory_space<hbm>>) target(%arg14 : memref<80x128xf32, #tpu.memory_space<vmem>>) offsets(%arg8 : memref<80xi32, #tpu.memory_space<vmem>>) semaphore(%arg25 : memref<!tpu.dma_semaphore, #tpu.memory_space<semaphore_mem>>)
    %dma_wait3A_283 = arith.constant 0 : i32
    %dma_wait3A_284 = arith.constant 0 : i32
    %dma_wait3A_285 = tpu.memref_slice %arg4[%dma_wait3A_283, %dma_wait3A_284] : memref<10000x128xf32, #tpu.memory_space<hbm>> -> memref<10000x128xf32, #tpu.memory_space<hbm>>
    tpu.wait_indirect_dma semaphore(%arg25 : memref<!tpu.dma_semaphore, #tpu.memory_space<semaphore_mem>>) src(%dma_wait3A_285 : memref<10000x128xf32, #tpu.memory_space<hbm>>) dst(%arg14 : memref<80x128xf32, #tpu.memory_space<vmem>>)
    %dma_wait3A_286 = tpu.memref_slice %arg3[%multiple_of3A_277] : memref<320000xi32, #tpu.memory_space<hbm>> -> memref<80xi32, #tpu.memory_space<hbm>>
    %dma_wait3A_287 = tpu.memref_slice %arg3[%multiple_of3A_277] : memref<320000xi32, #tpu.memory_space<hbm>> -> memref<80xi32, #tpu.memory_space<hbm>>
    tpu.wait_dma2 semaphore(%arg21 : memref<!tpu.dma_semaphore, #tpu.memory_space<semaphore_mem>>) src(%dma_wait3A_287 : memref<80xi32, #tpu.memory_space<hbm>>) dst(%arg11 : memref<80xi32, #tpu.memory_space<vmem>>)
    %dma_start3A_288 = arith.constant 0 : i32
    %dma_start3A_289 = arith.constant 0 : i32
    %dma_start3A_290 = tpu.memref_slice %arg15[%dma_start3A_288, %dma_start3A_289] : memref<10000x128xf32, #tpu.memory_space<vmem_shared>> -> memref<10000x128xf32, #tpu.memory_space<vmem_shared>>
    tpu.enqueue_indirect_dma source(%arg14 : memref<80x128xf32, #tpu.memory_space<vmem>>) target(%dma_start3A_290 : memref<10000x128xf32, #tpu.memory_space<vmem_shared>>) offsets(%arg11 : memref<80xi32, #tpu.memory_space<vmem>>) semaphore(%arg24 : memref<!tpu.dma_semaphore, #tpu.memory_space<semaphore_mem>>) {add = true}
    %dma_wait3A_291 = arith.constant 0 : i32
    %dma_wait3A_292 = arith.constant 0 : i32
    %dma_wait3A_293 = tpu.memref_slice %arg15[%dma_wait3A_291, %dma_wait3A_292] : memref<10000x128xf32, #tpu.memory_space<vmem_shared>> -> memref<10000x128xf32, #tpu.memory_space<vmem_shared>>
    tpu.wait_indirect_dma semaphore(%arg23 : memref<!tpu.dma_semaphore, #tpu.memory_space<semaphore_mem>>) src(%arg13 : memref<80x128xf32, #tpu.memory_space<vmem>>) dst(%dma_wait3A_293 : memref<10000x128xf32, #tpu.memory_space<vmem_shared>>)
    %add3A_294 = arith.constant 320 : i32
    %add3A_295 = arith.addi %mul3A_211, %add3A_294 : i32
    %multiple_of3A_296 = tpu.assume_multiple %add3A_295, 8 : i32
    %dma_start3A_297 = tpu.memref_slice %arg2[%multiple_of3A_296] : memref<320000xi32, #tpu.memory_space<hbm>> -> memref<80xi32, #tpu.memory_space<hbm>>
    %dma_start3A_298 = tpu.memref_slice %arg2[%multiple_of3A_296] : memref<320000xi32, #tpu.memory_space<hbm>> -> memref<80xi32, #tpu.memory_space<hbm>>
    tpu.enqueue_dma source(%dma_start3A_298 : memref<80xi32, #tpu.memory_space<hbm>>) target(%arg7 : memref<80xi32, #tpu.memory_space<vmem>>) target_semaphore(%arg17 : memref<!tpu.dma_semaphore, #tpu.memory_space<semaphore_mem>>)
    %dma_start3A_299 = tpu.memref_slice %arg3[%multiple_of3A_296] : memref<320000xi32, #tpu.memory_space<hbm>> -> memref<80xi32, #tpu.memory_space<hbm>>
    %dma_start3A_300 = tpu.memref_slice %arg3[%multiple_of3A_296] : memref<320000xi32, #tpu.memory_space<hbm>> -> memref<80xi32, #tpu.memory_space<hbm>>
    tpu.enqueue_dma source(%dma_start3A_300 : memref<80xi32, #tpu.memory_space<hbm>>) target(%arg10 : memref<80xi32, #tpu.memory_space<vmem>>) target_semaphore(%arg20 : memref<!tpu.dma_semaphore, #tpu.memory_space<semaphore_mem>>)
    %scan3A_301 = arith.constant 0 : i32
    %scan3A_302 = arith.constant 1 : i32
    %scan3A_303 = arith.constant 40 : i32
    %scan3A_304 = arith.addi %scan3A_302, %scan3A_303 : i32
    %scan3A_305 = arith.constant 1 : i32
    scf.for %scan3A_653 = %scan3A_302 to %scan3A_304 step %scan3A_305  : i32 {
      %mul3A_654 = arith.constant 3 : i32
      %mul3A_655 = arith.muli %scan3A_653, %mul3A_654 : i32
      %add3A_656 = arith.constant 0 : i32
      %add3A_657 = arith.addi %mul3A_655, %add3A_656 : i32
      %mul3A_658 = arith.constant 80 : i32
      %mul3A_659 = arith.muli %add3A_657, %mul3A_658 : i32
      %add3A_660 = arith.addi %mul3A_211, %mul3A_659 : i32
      %multiple_of3A_661 = tpu.assume_multiple %add3A_660, 8 : i32
      %dma_wait3A_662 = tpu.memref_slice %arg2[%multiple_of3A_661] : memref<320000xi32, #tpu.memory_space<hbm>> -> memref<80xi32, #tpu.memory_space<hbm>>
      %dma_wait3A_663 = tpu.memref_slice %arg2[%multiple_of3A_661] : memref<320000xi32, #tpu.memory_space<hbm>> -> memref<80xi32, #tpu.memory_space<hbm>>
      tpu.wait_dma2 semaphore(%arg16 : memref<!tpu.dma_semaphore, #tpu.memory_space<semaphore_mem>>) src(%dma_wait3A_663 : memref<80xi32, #tpu.memory_space<hbm>>) dst(%arg6 : memref<80xi32, #tpu.memory_space<vmem>>)
      %dma_start3A_664 = arith.constant 0 : i32
      %dma_start3A_665 = arith.constant 0 : i32
      %dma_start3A_666 = tpu.memref_slice %arg4[%dma_start3A_664, %dma_start3A_665] : memref<10000x128xf32, #tpu.memory_space<hbm>> -> memref<10000x128xf32, #tpu.memory_space<hbm>>
      tpu.enqueue_indirect_dma source(%dma_start3A_666 : memref<10000x128xf32, #tpu.memory_space<hbm>>) target(%arg12 : memref<80x128xf32, #tpu.memory_space<vmem>>) offsets(%arg6 : memref<80xi32, #tpu.memory_space<vmem>>) semaphore(%arg25 : memref<!tpu.dma_semaphore, #tpu.memory_space<semaphore_mem>>)
      %dma_wait3A_667 = arith.constant 0 : i32
      %dma_wait3A_668 = arith.constant 0 : i32
      %dma_wait3A_669 = tpu.memref_slice %arg4[%dma_wait3A_667, %dma_wait3A_668] : memref<10000x128xf32, #tpu.memory_space<hbm>> -> memref<10000x128xf32, #tpu.memory_space<hbm>>
      tpu.wait_indirect_dma semaphore(%arg25 : memref<!tpu.dma_semaphore, #tpu.memory_space<semaphore_mem>>) src(%dma_wait3A_669 : memref<10000x128xf32, #tpu.memory_space<hbm>>) dst(%arg12 : memref<80x128xf32, #tpu.memory_space<vmem>>)
      %dma_wait3A_670 = tpu.memref_slice %arg3[%multiple_of3A_661] : memref<320000xi32, #tpu.memory_space<hbm>> -> memref<80xi32, #tpu.memory_space<hbm>>
      %dma_wait3A_671 = tpu.memref_slice %arg3[%multiple_of3A_661] : memref<320000xi32, #tpu.memory_space<hbm>> -> memref<80xi32, #tpu.memory_space<hbm>>
      tpu.wait_dma2 semaphore(%arg19 : memref<!tpu.dma_semaphore, #tpu.memory_space<semaphore_mem>>) src(%dma_wait3A_671 : memref<80xi32, #tpu.memory_space<hbm>>) dst(%arg9 : memref<80xi32, #tpu.memory_space<vmem>>)
      %dma_start3A_672 = arith.constant 0 : i32
      %dma_start3A_673 = arith.constant 0 : i32
      %dma_start3A_674 = tpu.memref_slice %arg15[%dma_start3A_672, %dma_start3A_673] : memref<10000x128xf32, #tpu.memory_space<vmem_shared>> -> memref<10000x128xf32, #tpu.memory_space<vmem_shared>>
      tpu.enqueue_indirect_dma source(%arg12 : memref<80x128xf32, #tpu.memory_space<vmem>>) target(%dma_start3A_674 : memref<10000x128xf32, #tpu.memory_space<vmem_shared>>) offsets(%arg9 : memref<80xi32, #tpu.memory_space<vmem>>) semaphore(%arg22 : memref<!tpu.dma_semaphore, #tpu.memory_space<semaphore_mem>>) {add = true}
      %dma_wait3A_675 = arith.constant 0 : i32
      %dma_wait3A_676 = arith.constant 0 : i32
      %dma_wait3A_677 = tpu.memref_slice %arg15[%dma_wait3A_675, %dma_wait3A_676] : memref<10000x128xf32, #tpu.memory_space<vmem_shared>> -> memref<10000x128xf32, #tpu.memory_space<vmem_shared>>
      tpu.wait_indirect_dma semaphore(%arg24 : memref<!tpu.dma_semaphore, #tpu.memory_space<semaphore_mem>>) src(%arg14 : memref<80x128xf32, #tpu.memory_space<vmem>>) dst(%dma_wait3A_677 : memref<10000x128xf32, #tpu.memory_space<vmem_shared>>)
      %add3A_678 = arith.constant 2 : i32
      %add3A_679 = arith.addi %add3A_657, %add3A_678 : i32
      %mul3A_680 = arith.constant 80 : i32
      %mul3A_681 = arith.muli %add3A_679, %mul3A_680 : i32
      %add3A_682 = arith.addi %mul3A_211, %mul3A_681 : i32
      %multiple_of3A_683 = tpu.assume_multiple %add3A_682, 8 : i32
      %dma_start3A_684 = tpu.memref_slice %arg2[%multiple_of3A_683] : memref<320000xi32, #tpu.memory_space<hbm>> -> memref<80xi32, #tpu.memory_space<hbm>>
      %dma_start3A_685 = tpu.memref_slice %arg2[%multiple_of3A_683] : memref<320000xi32, #tpu.memory_space<hbm>> -> memref<80xi32, #tpu.memory_space<hbm>>
      tpu.enqueue_dma source(%dma_start3A_685 : memref<80xi32, #tpu.memory_space<hbm>>) target(%arg8 : memref<80xi32, #tpu.memory_space<vmem>>) target_semaphore(%arg18 : memref<!tpu.dma_semaphore, #tpu.memory_space<semaphore_mem>>)
      %dma_start3A_686 = tpu.memref_slice %arg3[%multiple_of3A_683] : memref<320000xi32, #tpu.memory_space<hbm>> -> memref<80xi32, #tpu.memory_space<hbm>>
      %dma_start3A_687 = tpu.memref_slice %arg3[%multiple_of3A_683] : memref<320000xi32, #tpu.memory_space<hbm>> -> memref<80xi32, #tpu.memory_space<hbm>>
      tpu.enqueue_dma source(%dma_start3A_687 : memref<80xi32, #tpu.memory_space<hbm>>) target(%arg11 : memref<80xi32, #tpu.memory_space<vmem>>) target_semaphore(%arg21 : memref<!tpu.dma_semaphore, #tpu.memory_space<semaphore_mem>>)
      %mul3A_688 = arith.constant 3 : i32
      %mul3A_689 = arith.muli %scan3A_653, %mul3A_688 : i32
      %add3A_690 = arith.constant 1 : i32
      %add3A_691 = arith.addi %mul3A_689, %add3A_690 : i32
      %mul3A_692 = arith.constant 80 : i32
      %mul3A_693 = arith.muli %add3A_691, %mul3A_692 : i32
      %add3A_694 = arith.addi %mul3A_211, %mul3A_693 : i32
      %multiple_of3A_695 = tpu.assume_multiple %add3A_694, 8 : i32
      %dma_wait3A_696 = tpu.memref_slice %arg2[%multiple_of3A_695] : memref<320000xi32, #tpu.memory_space<hbm>> -> memref<80xi32, #tpu.memory_space<hbm>>
      %dma_wait3A_697 = tpu.memref_slice %arg2[%multiple_of3A_695] : memref<320000xi32, #tpu.memory_space<hbm>> -> memref<80xi32, #tpu.memory_space<hbm>>
      tpu.wait_dma2 semaphore(%arg17 : memref<!tpu.dma_semaphore, #tpu.memory_space<semaphore_mem>>) src(%dma_wait3A_697 : memref<80xi32, #tpu.memory_space<hbm>>) dst(%arg7 : memref<80xi32, #tpu.memory_space<vmem>>)
      %dma_start3A_698 = arith.constant 0 : i32
      %dma_start3A_699 = arith.constant 0 : i32
      %dma_start3A_700 = tpu.memref_slice %arg4[%dma_start3A_698, %dma_start3A_699] : memref<10000x128xf32, #tpu.memory_space<hbm>> -> memref<10000x128xf32, #tpu.memory_space<hbm>>
      tpu.enqueue_indirect_dma source(%dma_start3A_700 : memref<10000x128xf32, #tpu.memory_space<hbm>>) target(%arg13 : memref<80x128xf32, #tpu.memory_space<vmem>>) offsets(%arg7 : memref<80xi32, #tpu.memory_space<vmem>>) semaphore(%arg25 : memref<!tpu.dma_semaphore, #tpu.memory_space<semaphore_mem>>)
      %dma_wait3A_701 = arith.constant 0 : i32
      %dma_wait3A_702 = arith.constant 0 : i32
      %dma_wait3A_703 = tpu.memref_slice %arg4[%dma_wait3A_701, %dma_wait3A_702] : memref<10000x128xf32, #tpu.memory_space<hbm>> -> memref<10000x128xf32, #tpu.memory_space<hbm>>
      tpu.wait_indirect_dma semaphore(%arg25 : memref<!tpu.dma_semaphore, #tpu.memory_space<semaphore_mem>>) src(%dma_wait3A_703 : memref<10000x128xf32, #tpu.memory_space<hbm>>) dst(%arg13 : memref<80x128xf32, #tpu.memory_space<vmem>>)
      %dma_wait3A_704 = tpu.memref_slice %arg3[%multiple_of3A_695] : memref<320000xi32, #tpu.memory_space<hbm>> -> memref<80xi32, #tpu.memory_space<hbm>>
      %dma_wait3A_705 = tpu.memref_slice %arg3[%multiple_of3A_695] : memref<320000xi32, #tpu.memory_space<hbm>> -> memref<80xi32, #tpu.memory_space<hbm>>
      tpu.wait_dma2 semaphore(%arg20 : memref<!tpu.dma_semaphore, #tpu.memory_space<semaphore_mem>>) src(%dma_wait3A_705 : memref<80xi32, #tpu.memory_space<hbm>>) dst(%arg10 : memref<80xi32, #tpu.memory_space<vmem>>)
      %dma_start3A_706 = arith.constant 0 : i32
      %dma_start3A_707 = arith.constant 0 : i32
      %dma_start3A_708 = tpu.memref_slice %arg15[%dma_start3A_706, %dma_start3A_707] : memref<10000x128xf32, #tpu.memory_space<vmem_shared>> -> memref<10000x128xf32, #tpu.memory_space<vmem_shared>>
      tpu.enqueue_indirect_dma source(%arg13 : memref<80x128xf32, #tpu.memory_space<vmem>>) target(%dma_start3A_708 : memref<10000x128xf32, #tpu.memory_space<vmem_shared>>) offsets(%arg10 : memref<80xi32, #tpu.memory_space<vmem>>) semaphore(%arg23 : memref<!tpu.dma_semaphore, #tpu.memory_space<semaphore_mem>>) {add = true}
      %dma_wait3A_709 = arith.constant 0 : i32
      %dma_wait3A_710 = arith.constant 0 : i32
      %dma_wait3A_711 = tpu.memref_slice %arg15[%dma_wait3A_709, %dma_wait3A_710] : memref<10000x128xf32, #tpu.memory_space<vmem_shared>> -> memref<10000x128xf32, #tpu.memory_space<vmem_shared>>
      tpu.wait_indirect_dma semaphore(%arg22 : memref<!tpu.dma_semaphore, #tpu.memory_space<semaphore_mem>>) src(%arg12 : memref<80x128xf32, #tpu.memory_space<vmem>>) dst(%dma_wait3A_711 : memref<10000x128xf32, #tpu.memory_space<vmem_shared>>)
      %add3A_712 = arith.constant 2 : i32
      %add3A_713 = arith.addi %add3A_691, %add3A_712 : i32
      %mul3A_714 = arith.constant 80 : i32
      %mul3A_715 = arith.muli %add3A_713, %mul3A_714 : i32
      %add3A_716 = arith.addi %mul3A_211, %mul3A_715 : i32
      %multiple_of3A_717 = tpu.assume_multiple %add3A_716, 8 : i32
      %dma_start3A_718 = tpu.memref_slice %arg2[%multiple_of3A_717] : memref<320000xi32, #tpu.memory_space<hbm>> -> memref<80xi32, #tpu.memory_space<hbm>>
      %dma_start3A_719 = tpu.memref_slice %arg2[%multiple_of3A_717] : memref<320000xi32, #tpu.memory_space<hbm>> -> memref<80xi32, #tpu.memory_space<hbm>>
      tpu.enqueue_dma source(%dma_start3A_719 : memref<80xi32, #tpu.memory_space<hbm>>) target(%arg6 : memref<80xi32, #tpu.memory_space<vmem>>) target_semaphore(%arg16 : memref<!tpu.dma_semaphore, #tpu.memory_space<semaphore_mem>>)
      %dma_start3A_720 = tpu.memref_slice %arg3[%multiple_of3A_717] : memref<320000xi32, #tpu.memory_space<hbm>> -> memref<80xi32, #tpu.memory_space<hbm>>
      %dma_start3A_721 = tpu.memref_slice %arg3[%multiple_of3A_717] : memref<320000xi32, #tpu.memory_space<hbm>> -> memref<80xi32, #tpu.memory_space<hbm>>
      tpu.enqueue_dma source(%dma_start3A_721 : memref<80xi32, #tpu.memory_space<hbm>>) target(%arg9 : memref<80xi32, #tpu.memory_space<vmem>>) target_semaphore(%arg19 : memref<!tpu.dma_semaphore, #tpu.memory_space<semaphore_mem>>)
      %mul3A_722 = arith.constant 3 : i32
      %mul3A_723 = arith.muli %scan3A_653, %mul3A_722 : i32
      %add3A_724 = arith.constant 2 : i32
      %add3A_725 = arith.addi %mul3A_723, %add3A_724 : i32
      %mul3A_726 = arith.constant 80 : i32
      %mul3A_727 = arith.muli %add3A_725, %mul3A_726 : i32
      %add3A_728 = arith.addi %mul3A_211, %mul3A_727 : i32
      %multiple_of3A_729 = tpu.assume_multiple %add3A_728, 8 : i32
      %dma_wait3A_730 = tpu.memref_slice %arg2[%multiple_of3A_729] : memref<320000xi32, #tpu.memory_space<hbm>> -> memref<80xi32, #tpu.memory_space<hbm>>
      %dma_wait3A_731 = tpu.memref_slice %arg2[%multiple_of3A_729] : memref<320000xi32, #tpu.memory_space<hbm>> -> memref<80xi32, #tpu.memory_space<hbm>>
      tpu.wait_dma2 semaphore(%arg18 : memref<!tpu.dma_semaphore, #tpu.memory_space<semaphore_mem>>) src(%dma_wait3A_731 : memref<80xi32, #tpu.memory_space<hbm>>) dst(%arg8 : memref<80xi32, #tpu.memory_space<vmem>>)
      %dma_start3A_732 = arith.constant 0 : i32
      %dma_start3A_733 = arith.constant 0 : i32
      %dma_start3A_734 = tpu.memref_slice %arg4[%dma_start3A_732, %dma_start3A_733] : memref<10000x128xf32, #tpu.memory_space<hbm>> -> memref<10000x128xf32, #tpu.memory_space<hbm>>
      tpu.enqueue_indirect_dma source(%dma_start3A_734 : memref<10000x128xf32, #tpu.memory_space<hbm>>) target(%arg14 : memref<80x128xf32, #tpu.memory_space<vmem>>) offsets(%arg8 : memref<80xi32, #tpu.memory_space<vmem>>) semaphore(%arg25 : memref<!tpu.dma_semaphore, #tpu.memory_space<semaphore_mem>>)
      %dma_wait3A_735 = arith.constant 0 : i32
      %dma_wait3A_736 = arith.constant 0 : i32
      %dma_wait3A_737 = tpu.memref_slice %arg4[%dma_wait3A_735, %dma_wait3A_736] : memref<10000x128xf32, #tpu.memory_space<hbm>> -> memref<10000x128xf32, #tpu.memory_space<hbm>>
      tpu.wait_indirect_dma semaphore(%arg25 : memref<!tpu.dma_semaphore, #tpu.memory_space<semaphore_mem>>) src(%dma_wait3A_737 : memref<10000x128xf32, #tpu.memory_space<hbm>>) dst(%arg14 : memref<80x128xf32, #tpu.memory_space<vmem>>)
      %dma_wait3A_738 = tpu.memref_slice %arg3[%multiple_of3A_729] : memref<320000xi32, #tpu.memory_space<hbm>> -> memref<80xi32, #tpu.memory_space<hbm>>
      %dma_wait3A_739 = tpu.memref_slice %arg3[%multiple_of3A_729] : memref<320000xi32, #tpu.memory_space<hbm>> -> memref<80xi32, #tpu.memory_space<hbm>>
      tpu.wait_dma2 semaphore(%arg21 : memref<!tpu.dma_semaphore, #tpu.memory_space<semaphore_mem>>) src(%dma_wait3A_739 : memref<80xi32, #tpu.memory_space<hbm>>) dst(%arg11 : memref<80xi32, #tpu.memory_space<vmem>>)
      %dma_start3A_740 = arith.constant 0 : i32
      %dma_start3A_741 = arith.constant 0 : i32
      %dma_start3A_742 = tpu.memref_slice %arg15[%dma_start3A_740, %dma_start3A_741] : memref<10000x128xf32, #tpu.memory_space<vmem_shared>> -> memref<10000x128xf32, #tpu.memory_space<vmem_shared>>
      tpu.enqueue_indirect_dma source(%arg14 : memref<80x128xf32, #tpu.memory_space<vmem>>) target(%dma_start3A_742 : memref<10000x128xf32, #tpu.memory_space<vmem_shared>>) offsets(%arg11 : memref<80xi32, #tpu.memory_space<vmem>>) semaphore(%arg24 : memref<!tpu.dma_semaphore, #tpu.memory_space<semaphore_mem>>) {add = true}
      %dma_wait3A_743 = arith.constant 0 : i32
      %dma_wait3A_744 = arith.constant 0 : i32
      %dma_wait3A_745 = tpu.memref_slice %arg15[%dma_wait3A_743, %dma_wait3A_744] : memref<10000x128xf32, #tpu.memory_space<vmem_shared>> -> memref<10000x128xf32, #tpu.memory_space<vmem_shared>>
      tpu.wait_indirect_dma semaphore(%arg23 : memref<!tpu.dma_semaphore, #tpu.memory_space<semaphore_mem>>) src(%arg13 : memref<80x128xf32, #tpu.memory_space<vmem>>) dst(%dma_wait3A_745 : memref<10000x128xf32, #tpu.memory_space<vmem_shared>>)
      %add3A_746 = arith.constant 2 : i32
      %add3A_747 = arith.addi %add3A_725, %add3A_746 : i32
      %mul3A_748 = arith.constant 80 : i32
      %mul3A_749 = arith.muli %add3A_747, %mul3A_748 : i32
      %add3A_750 = arith.addi %mul3A_211, %mul3A_749 : i32
      %multiple_of3A_751 = tpu.assume_multiple %add3A_750, 8 : i32
      %dma_start3A_752 = tpu.memref_slice %arg2[%multiple_of3A_751] : memref<320000xi32, #tpu.memory_space<hbm>> -> memref<80xi32, #tpu.memory_space<hbm>>
      %dma_start3A_753 = tpu.memref_slice %arg2[%multiple_of3A_751] : memref<320000xi32, #tpu.memory_space<hbm>> -> memref<80xi32, #tpu.memory_space<hbm>>
      tpu.enqueue_dma source(%dma_start3A_753 : memref<80xi32, #tpu.memory_space<hbm>>) target(%arg7 : memref<80xi32, #tpu.memory_space<vmem>>) target_semaphore(%arg17 : memref<!tpu.dma_semaphore, #tpu.memory_space<semaphore_mem>>)
      %dma_start3A_754 = tpu.memref_slice %arg3[%multiple_of3A_751] : memref<320000xi32, #tpu.memory_space<hbm>> -> memref<80xi32, #tpu.memory_space<hbm>>
      %dma_start3A_755 = tpu.memref_slice %arg3[%multiple_of3A_751] : memref<320000xi32, #tpu.memory_space<hbm>> -> memref<80xi32, #tpu.memory_space<hbm>>
      tpu.enqueue_dma source(%dma_start3A_755 : memref<80xi32, #tpu.memory_space<hbm>>) target(%arg10 : memref<80xi32, #tpu.memory_space<vmem>>) target_semaphore(%arg20 : memref<!tpu.dma_semaphore, #tpu.memory_space<semaphore_mem>>)
    }
    %scan3A_306 = arith.constant 40 : i32
    %add3A_307 = arith.constant 9840 : i32
    %add3A_308 = arith.addi %mul3A_211, %add3A_307 : i32
    %multiple_of3A_309 = tpu.assume_multiple %add3A_308, 8 : i32
    %dma_wait3A_310 = tpu.memref_slice %arg2[%multiple_of3A_309] : memref<320000xi32, #tpu.memory_space<hbm>> -> memref<80xi32, #tpu.memory_space<hbm>>
    %dma_wait3A_311 = tpu.memref_slice %arg2[%multiple_of3A_309] : memref<320000xi32, #tpu.memory_space<hbm>> -> memref<80xi32, #tpu.memory_space<hbm>>
    tpu.wait_dma2 semaphore(%arg16 : memref<!tpu.dma_semaphore, #tpu.memory_space<semaphore_mem>>) src(%dma_wait3A_311 : memref<80xi32, #tpu.memory_space<hbm>>) dst(%arg6 : memref<80xi32, #tpu.memory_space<vmem>>)
    %dma_start3A_312 = arith.constant 0 : i32
    %dma_start3A_313 = arith.constant 0 : i32
    %dma_start3A_314 = tpu.memref_slice %arg4[%dma_start3A_312, %dma_start3A_313] : memref<10000x128xf32, #tpu.memory_space<hbm>> -> memref<10000x128xf32, #tpu.memory_space<hbm>>
    tpu.enqueue_indirect_dma source(%dma_start3A_314 : memref<10000x128xf32, #tpu.memory_space<hbm>>) target(%arg12 : memref<80x128xf32, #tpu.memory_space<vmem>>) offsets(%arg6 : memref<80xi32, #tpu.memory_space<vmem>>) semaphore(%arg25 : memref<!tpu.dma_semaphore, #tpu.memory_space<semaphore_mem>>)
    %dma_wait3A_315 = arith.constant 0 : i32
    %dma_wait3A_316 = arith.constant 0 : i32
    %dma_wait3A_317 = tpu.memref_slice %arg4[%dma_wait3A_315, %dma_wait3A_316] : memref<10000x128xf32, #tpu.memory_space<hbm>> -> memref<10000x128xf32, #tpu.memory_space<hbm>>
    tpu.wait_indirect_dma semaphore(%arg25 : memref<!tpu.dma_semaphore, #tpu.memory_space<semaphore_mem>>) src(%dma_wait3A_317 : memref<10000x128xf32, #tpu.memory_space<hbm>>) dst(%arg12 : memref<80x128xf32, #tpu.memory_space<vmem>>)
    %dma_wait3A_318 = tpu.memref_slice %arg3[%multiple_of3A_309] : memref<320000xi32, #tpu.memory_space<hbm>> -> memref<80xi32, #tpu.memory_space<hbm>>
    %dma_wait3A_319 = tpu.memref_slice %arg3[%multiple_of3A_309] : memref<320000xi32, #tpu.memory_space<hbm>> -> memref<80xi32, #tpu.memory_space<hbm>>
    tpu.wait_dma2 semaphore(%arg19 : memref<!tpu.dma_semaphore, #tpu.memory_space<semaphore_mem>>) src(%dma_wait3A_319 : memref<80xi32, #tpu.memory_space<hbm>>) dst(%arg9 : memref<80xi32, #tpu.memory_space<vmem>>)
    %dma_start3A_320 = arith.constant 0 : i32
    %dma_start3A_321 = arith.constant 0 : i32
    %dma_start3A_322 = tpu.memref_slice %arg15[%dma_start3A_320, %dma_start3A_321] : memref<10000x128xf32, #tpu.memory_space<vmem_shared>> -> memref<10000x128xf32, #tpu.memory_space<vmem_shared>>
    tpu.enqueue_indirect_dma source(%arg12 : memref<80x128xf32, #tpu.memory_space<vmem>>) target(%dma_start3A_322 : memref<10000x128xf32, #tpu.memory_space<vmem_shared>>) offsets(%arg9 : memref<80xi32, #tpu.memory_space<vmem>>) semaphore(%arg22 : memref<!tpu.dma_semaphore, #tpu.memory_space<semaphore_mem>>) {add = true}
    %add3A_323 = arith.constant 9920 : i32
    %add3A_324 = arith.addi %mul3A_211, %add3A_323 : i32
    %multiple_of3A_325 = tpu.assume_multiple %add3A_324, 8 : i32
    %dma_wait3A_326 = tpu.memref_slice %arg2[%multiple_of3A_325] : memref<320000xi32, #tpu.memory_space<hbm>> -> memref<80xi32, #tpu.memory_space<hbm>>
    %dma_wait3A_327 = tpu.memref_slice %arg2[%multiple_of3A_325] : memref<320000xi32, #tpu.memory_space<hbm>> -> memref<80xi32, #tpu.memory_space<hbm>>
    tpu.wait_dma2 semaphore(%arg17 : memref<!tpu.dma_semaphore, #tpu.memory_space<semaphore_mem>>) src(%dma_wait3A_327 : memref<80xi32, #tpu.memory_space<hbm>>) dst(%arg7 : memref<80xi32, #tpu.memory_space<vmem>>)
    %dma_start3A_328 = arith.constant 0 : i32
    %dma_start3A_329 = arith.constant 0 : i32
    %dma_start3A_330 = tpu.memref_slice %arg4[%dma_start3A_328, %dma_start3A_329] : memref<10000x128xf32, #tpu.memory_space<hbm>> -> memref<10000x128xf32, #tpu.memory_space<hbm>>
    tpu.enqueue_indirect_dma source(%dma_start3A_330 : memref<10000x128xf32, #tpu.memory_space<hbm>>) target(%arg13 : memref<80x128xf32, #tpu.memory_space<vmem>>) offsets(%arg7 : memref<80xi32, #tpu.memory_space<vmem>>) semaphore(%arg25 : memref<!tpu.dma_semaphore, #tpu.memory_space<semaphore_mem>>)
    %dma_wait3A_331 = arith.constant 0 : i32
    %dma_wait3A_332 = arith.constant 0 : i32
    %dma_wait3A_333 = tpu.memref_slice %arg4[%dma_wait3A_331, %dma_wait3A_332] : memref<10000x128xf32, #tpu.memory_space<hbm>> -> memref<10000x128xf32, #tpu.memory_space<hbm>>
    tpu.wait_indirect_dma semaphore(%arg25 : memref<!tpu.dma_semaphore, #tpu.memory_space<semaphore_mem>>) src(%dma_wait3A_333 : memref<10000x128xf32, #tpu.memory_space<hbm>>) dst(%arg13 : memref<80x128xf32, #tpu.memory_space<vmem>>)
    %dma_wait3A_334 = tpu.memref_slice %arg3[%multiple_of3A_325] : memref<320000xi32, #tpu.memory_space<hbm>> -> memref<80xi32, #tpu.memory_space<hbm>>
    %dma_wait3A_335 = tpu.memref_slice %arg3[%multiple_of3A_325] : memref<320000xi32, #tpu.memory_space<hbm>> -> memref<80xi32, #tpu.memory_space<hbm>>
    tpu.wait_dma2 semaphore(%arg20 : memref<!tpu.dma_semaphore, #tpu.memory_space<semaphore_mem>>) src(%dma_wait3A_335 : memref<80xi32, #tpu.memory_space<hbm>>) dst(%arg10 : memref<80xi32, #tpu.memory_space<vmem>>)
    %dma_start3A_336 = arith.constant 0 : i32
    %dma_start3A_337 = arith.constant 0 : i32
    %dma_start3A_338 = tpu.memref_slice %arg15[%dma_start3A_336, %dma_start3A_337] : memref<10000x128xf32, #tpu.memory_space<vmem_shared>> -> memref<10000x128xf32, #tpu.memory_space<vmem_shared>>
    tpu.enqueue_indirect_dma source(%arg13 : memref<80x128xf32, #tpu.memory_space<vmem>>) target(%dma_start3A_338 : memref<10000x128xf32, #tpu.memory_space<vmem_shared>>) offsets(%arg10 : memref<80xi32, #tpu.memory_space<vmem>>) semaphore(%arg23 : memref<!tpu.dma_semaphore, #tpu.memory_space<semaphore_mem>>) {add = true}
    %dma_wait3A_339 = arith.constant 0 : i32
    %dma_wait3A_340 = arith.constant 0 : i32
    %dma_wait3A_341 = tpu.memref_slice %arg15[%dma_wait3A_339, %dma_wait3A_340] : memref<10000x128xf32, #tpu.memory_space<vmem_shared>> -> memref<10000x128xf32, #tpu.memory_space<vmem_shared>>
    tpu.wait_indirect_dma semaphore(%arg24 : memref<!tpu.dma_semaphore, #tpu.memory_space<semaphore_mem>>) src(%arg14 : memref<80x128xf32, #tpu.memory_space<vmem>>) dst(%dma_wait3A_341 : memref<10000x128xf32, #tpu.memory_space<vmem_shared>>)
    %dma_wait3A_342 = arith.constant 0 : i32
    %dma_wait3A_343 = arith.constant 0 : i32
    %dma_wait3A_344 = tpu.memref_slice %arg15[%dma_wait3A_342, %dma_wait3A_343] : memref<10000x128xf32, #tpu.memory_space<vmem_shared>> -> memref<10000x128xf32, #tpu.memory_space<vmem_shared>>
    tpu.wait_indirect_dma semaphore(%arg22 : memref<!tpu.dma_semaphore, #tpu.memory_space<semaphore_mem>>) src(%arg12 : memref<80x128xf32, #tpu.memory_space<vmem>>) dst(%dma_wait3A_344 : memref<10000x128xf32, #tpu.memory_space<vmem_shared>>)
    %dma_wait3A_345 = arith.constant 0 : i32
    %dma_wait3A_346 = arith.constant 0 : i32
    %dma_wait3A_347 = tpu.memref_slice %arg15[%dma_wait3A_345, %dma_wait3A_346] : memref<10000x128xf32, #tpu.memory_space<vmem_shared>> -> memref<10000x128xf32, #tpu.memory_space<vmem_shared>>
    tpu.wait_indirect_dma semaphore(%arg23 : memref<!tpu.dma_semaphore, #tpu.memory_space<semaphore_mem>>) src(%arg13 : memref<80x128xf32, #tpu.memory_space<vmem>>) dst(%dma_wait3A_347 : memref<10000x128xf32, #tpu.memory_space<vmem_shared>>)
    %barrier3A_348 = arith.constant 0 : index
    tpu.barrier barrier_id(%barrier3A_348)
    %mul3A_349 = arith.constant 8 : i32
    %mul3A_350 = arith.muli %arg1, %mul3A_349 : i32
    %add3A_351 = arith.constant 0 : i32
    %add3A_352 = arith.addi %mul3A_350, %add3A_351 : i32
    %min3A_353 = arith.constant 124 : i32
    %min3A_354 = arith.minsi %add3A_352, %min3A_353 : i32
    %mul3A_355 = arith.constant 80 : i32
    %mul3A_356 = arith.muli %min3A_354, %mul3A_355 : i32
    %multiple_of3A_357 = tpu.assume_multiple %mul3A_356, 8 : i32
    %dma_start3A_358 = arith.constant 0 : i32
    %dma_start3A_359 = tpu.memref_slice %arg15[%multiple_of3A_357, %dma_start3A_358] : memref<10000x128xf32, #tpu.memory_space<vmem_shared>> -> memref<80x128xf32, #tpu.memory_space<vmem_shared>>
    %dma_start3A_360 = arith.constant 0 : i32
    %dma_start3A_361 = tpu.memref_slice %arg15[%multiple_of3A_357, %dma_start3A_360] : memref<10000x128xf32, #tpu.memory_space<vmem_shared>> -> memref<80x128xf32, #tpu.memory_space<vmem_shared>>
    tpu.enqueue_dma source(%dma_start3A_361 : memref<80x128xf32, #tpu.memory_space<vmem_shared>>) target(%arg12 : memref<80x128xf32, #tpu.memory_space<vmem>>) target_semaphore(%arg25 : memref<!tpu.dma_semaphore, #tpu.memory_space<semaphore_mem>>)
    %mul3A_362 = arith.constant 8 : i32
    %mul3A_363 = arith.muli %arg1, %mul3A_362 : i32
    %add3A_364 = arith.constant 1 : i32
    %add3A_365 = arith.addi %mul3A_363, %add3A_364 : i32
    %min3A_366 = arith.constant 124 : i32
    %min3A_367 = arith.minsi %add3A_365, %min3A_366 : i32
    %mul3A_368 = arith.constant 80 : i32
    %mul3A_369 = arith.muli %min3A_367, %mul3A_368 : i32
    %multiple_of3A_370 = tpu.assume_multiple %mul3A_369, 8 : i32
    %dma_start3A_371 = arith.constant 0 : i32
    %dma_start3A_372 = tpu.memref_slice %arg15[%multiple_of3A_370, %dma_start3A_371] : memref<10000x128xf32, #tpu.memory_space<vmem_shared>> -> memref<80x128xf32, #tpu.memory_space<vmem_shared>>
    %dma_start3A_373 = arith.constant 0 : i32
    %dma_start3A_374 = tpu.memref_slice %arg15[%multiple_of3A_370, %dma_start3A_373] : memref<10000x128xf32, #tpu.memory_space<vmem_shared>> -> memref<80x128xf32, #tpu.memory_space<vmem_shared>>
    tpu.enqueue_dma source(%dma_start3A_374 : memref<80x128xf32, #tpu.memory_space<vmem_shared>>) target(%arg13 : memref<80x128xf32, #tpu.memory_space<vmem>>) target_semaphore(%arg22 : memref<!tpu.dma_semaphore, #tpu.memory_space<semaphore_mem>>)
    %dma_wait3A_375 = arith.constant 0 : i32
    %dma_wait3A_376 = tpu.memref_slice %arg15[%multiple_of3A_357, %dma_wait3A_375] : memref<10000x128xf32, #tpu.memory_space<vmem_shared>> -> memref<80x128xf32, #tpu.memory_space<vmem_shared>>
    %dma_wait3A_377 = arith.constant 0 : i32
    %dma_wait3A_378 = tpu.memref_slice %arg15[%multiple_of3A_357, %dma_wait3A_377] : memref<10000x128xf32, #tpu.memory_space<vmem_shared>> -> memref<80x128xf32, #tpu.memory_space<vmem_shared>>
    tpu.wait_dma2 semaphore(%arg25 : memref<!tpu.dma_semaphore, #tpu.memory_space<semaphore_mem>>) src(%dma_wait3A_378 : memref<80x128xf32, #tpu.memory_space<vmem_shared>>) dst(%arg12 : memref<80x128xf32, #tpu.memory_space<vmem>>)
    %mul3A_379 = arith.constant 8 : i32
    %mul3A_380 = arith.muli %arg1, %mul3A_379 : i32
    %add3A_381 = arith.constant 0 : i32
    %add3A_382 = arith.addi %mul3A_380, %add3A_381 : i32
    %min3A_383 = arith.constant 124 : i32
    %min3A_384 = arith.minsi %add3A_382, %min3A_383 : i32
    %mul3A_385 = arith.constant 80 : i32
    %mul3A_386 = arith.muli %min3A_384, %mul3A_385 : i32
    %multiple_of3A_387 = tpu.assume_multiple %mul3A_386, 8 : i32
    %dma_start3A_388 = arith.constant 0 : i32
    %dma_start3A_389 = tpu.memref_slice %arg5[%arg0, %multiple_of3A_387, %dma_start3A_388] : memref<2x10000x128xf32, #tpu.memory_space<hbm>> -> memref<1x80x128xf32, #tpu.memory_space<hbm>>
    %dma_start3A_390 = tpu.memref_squeeze %dma_start3A_389 : memref<1x80x128xf32, #tpu.memory_space<hbm>> -> memref<80x128xf32, #tpu.memory_space<hbm>>
    %dma_start3A_391 = arith.constant 0 : i32
    %dma_start3A_392 = tpu.memref_slice %arg5[%arg0, %multiple_of3A_387, %dma_start3A_391] : memref<2x10000x128xf32, #tpu.memory_space<hbm>> -> memref<1x80x128xf32, #tpu.memory_space<hbm>>
    %dma_start3A_393 = tpu.memref_squeeze %dma_start3A_392 : memref<1x80x128xf32, #tpu.memory_space<hbm>> -> memref<80x128xf32, #tpu.memory_space<hbm>>
    tpu.enqueue_dma source(%arg12 : memref<80x128xf32, #tpu.memory_space<vmem>>) target(%dma_start3A_393 : memref<80x128xf32, #tpu.memory_space<hbm>>) target_semaphore(%arg25 : memref<!tpu.dma_semaphore, #tpu.memory_space<semaphore_mem>>)
    %dma_wait3A_394 = arith.constant 0 : i32
    %dma_wait3A_395 = tpu.memref_slice %arg5[%arg0, %multiple_of3A_387, %dma_wait3A_394] : memref<2x10000x128xf32, #tpu.memory_space<hbm>> -> memref<1x80x128xf32, #tpu.memory_space<hbm>>
    %dma_wait3A_396 = tpu.memref_squeeze %dma_wait3A_395 : memref<1x80x128xf32, #tpu.memory_space<hbm>> -> memref<80x128xf32, #tpu.memory_space<hbm>>
    %dma_wait3A_397 = arith.constant 0 : i32
    %dma_wait3A_398 = tpu.memref_slice %arg5[%arg0, %multiple_of3A_387, %dma_wait3A_397] : memref<2x10000x128xf32, #tpu.memory_space<hbm>> -> memref<1x80x128xf32, #tpu.memory_space<hbm>>
    %dma_wait3A_399 = tpu.memref_squeeze %dma_wait3A_398 : memref<1x80x128xf32, #tpu.memory_space<hbm>> -> memref<80x128xf32, #tpu.memory_space<hbm>>
    tpu.wait_dma2 semaphore(%arg25 : memref<!tpu.dma_semaphore, #tpu.memory_space<semaphore_mem>>) src(%arg12 : memref<80x128xf32, #tpu.memory_space<vmem>>) dst(%dma_wait3A_399 : memref<80x128xf32, #tpu.memory_space<hbm>>)
    %mul3A_400 = arith.constant 8 : i32
    %mul3A_401 = arith.muli %arg1, %mul3A_400 : i32
    %add3A_402 = arith.constant 2 : i32
    %add3A_403 = arith.addi %mul3A_401, %add3A_402 : i32
    %min3A_404 = arith.constant 124 : i32
    %min3A_405 = arith.minsi %add3A_403, %min3A_404 : i32
    %mul3A_406 = arith.constant 80 : i32
    %mul3A_407 = arith.muli %min3A_405, %mul3A_406 : i32
    %multiple_of3A_408 = tpu.assume_multiple %mul3A_407, 8 : i32
    %dma_start3A_409 = arith.constant 0 : i32
    %dma_start3A_410 = tpu.memref_slice %arg15[%multiple_of3A_408, %dma_start3A_409] : memref<10000x128xf32, #tpu.memory_space<vmem_shared>> -> memref<80x128xf32, #tpu.memory_space<vmem_shared>>
    %dma_start3A_411 = arith.constant 0 : i32
    %dma_start3A_412 = tpu.memref_slice %arg15[%multiple_of3A_408, %dma_start3A_411] : memref<10000x128xf32, #tpu.memory_space<vmem_shared>> -> memref<80x128xf32, #tpu.memory_space<vmem_shared>>
    tpu.enqueue_dma source(%dma_start3A_412 : memref<80x128xf32, #tpu.memory_space<vmem_shared>>) target(%arg12 : memref<80x128xf32, #tpu.memory_space<vmem>>) target_semaphore(%arg25 : memref<!tpu.dma_semaphore, #tpu.memory_space<semaphore_mem>>)
    %dma_wait3A_413 = arith.constant 0 : i32
    %dma_wait3A_414 = tpu.memref_slice %arg15[%multiple_of3A_370, %dma_wait3A_413] : memref<10000x128xf32, #tpu.memory_space<vmem_shared>> -> memref<80x128xf32, #tpu.memory_space<vmem_shared>>
    %dma_wait3A_415 = arith.constant 0 : i32
    %dma_wait3A_416 = tpu.memref_slice %arg15[%multiple_of3A_370, %dma_wait3A_415] : memref<10000x128xf32, #tpu.memory_space<vmem_shared>> -> memref<80x128xf32, #tpu.memory_space<vmem_shared>>
    tpu.wait_dma2 semaphore(%arg22 : memref<!tpu.dma_semaphore, #tpu.memory_space<semaphore_mem>>) src(%dma_wait3A_416 : memref<80x128xf32, #tpu.memory_space<vmem_shared>>) dst(%arg13 : memref<80x128xf32, #tpu.memory_space<vmem>>)
    %mul3A_417 = arith.constant 8 : i32
    %mul3A_418 = arith.muli %arg1, %mul3A_417 : i32
    %add3A_419 = arith.constant 1 : i32
    %add3A_420 = arith.addi %mul3A_418, %add3A_419 : i32
    %min3A_421 = arith.constant 124 : i32
    %min3A_422 = arith.minsi %add3A_420, %min3A_421 : i32
    %mul3A_423 = arith.constant 80 : i32
    %mul3A_424 = arith.muli %min3A_422, %mul3A_423 : i32
    %multiple_of3A_425 = tpu.assume_multiple %mul3A_424, 8 : i32
    %dma_start3A_426 = arith.constant 0 : i32
    %dma_start3A_427 = tpu.memref_slice %arg5[%arg0, %multiple_of3A_425, %dma_start3A_426] : memref<2x10000x128xf32, #tpu.memory_space<hbm>> -> memref<1x80x128xf32, #tpu.memory_space<hbm>>
    %dma_start3A_428 = tpu.memref_squeeze %dma_start3A_427 : memref<1x80x128xf32, #tpu.memory_space<hbm>> -> memref<80x128xf32, #tpu.memory_space<hbm>>
    %dma_start3A_429 = arith.constant 0 : i32
    %dma_start3A_430 = tpu.memref_slice %arg5[%arg0, %multiple_of3A_425, %dma_start3A_429] : memref<2x10000x128xf32, #tpu.memory_space<hbm>> -> memref<1x80x128xf32, #tpu.memory_space<hbm>>
    %dma_start3A_431 = tpu.memref_squeeze %dma_start3A_430 : memref<1x80x128xf32, #tpu.memory_space<hbm>> -> memref<80x128xf32, #tpu.memory_space<hbm>>
    tpu.enqueue_dma source(%arg13 : memref<80x128xf32, #tpu.memory_space<vmem>>) target(%dma_start3A_431 : memref<80x128xf32, #tpu.memory_space<hbm>>) target_semaphore(%arg22 : memref<!tpu.dma_semaphore, #tpu.memory_space<semaphore_mem>>)
    %dma_wait3A_432 = arith.constant 0 : i32
    %dma_wait3A_433 = tpu.memref_slice %arg5[%arg0, %multiple_of3A_425, %dma_wait3A_432] : memref<2x10000x128xf32, #tpu.memory_space<hbm>> -> memref<1x80x128xf32, #tpu.memory_space<hbm>>
    %dma_wait3A_434 = tpu.memref_squeeze %dma_wait3A_433 : memref<1x80x128xf32, #tpu.memory_space<hbm>> -> memref<80x128xf32, #tpu.memory_space<hbm>>
    %dma_wait3A_435 = arith.constant 0 : i32
    %dma_wait3A_436 = tpu.memref_slice %arg5[%arg0, %multiple_of3A_425, %dma_wait3A_435] : memref<2x10000x128xf32, #tpu.memory_space<hbm>> -> memref<1x80x128xf32, #tpu.memory_space<hbm>>
    %dma_wait3A_437 = tpu.memref_squeeze %dma_wait3A_436 : memref<1x80x128xf32, #tpu.memory_space<hbm>> -> memref<80x128xf32, #tpu.memory_space<hbm>>
    tpu.wait_dma2 semaphore(%arg22 : memref<!tpu.dma_semaphore, #tpu.memory_space<semaphore_mem>>) src(%arg13 : memref<80x128xf32, #tpu.memory_space<vmem>>) dst(%dma_wait3A_437 : memref<80x128xf32, #tpu.memory_space<hbm>>)
    %mul3A_438 = arith.constant 8 : i32
    %mul3A_439 = arith.muli %arg1, %mul3A_438 : i32
    %add3A_440 = arith.constant 3 : i32
    %add3A_441 = arith.addi %mul3A_439, %add3A_440 : i32
    %min3A_442 = arith.constant 124 : i32
    %min3A_443 = arith.minsi %add3A_441, %min3A_442 : i32
    %mul3A_444 = arith.constant 80 : i32
    %mul3A_445 = arith.muli %min3A_443, %mul3A_444 : i32
    %multiple_of3A_446 = tpu.assume_multiple %mul3A_445, 8 : i32
    %dma_start3A_447 = arith.constant 0 : i32
    %dma_start3A_448 = tpu.memref_slice %arg15[%multiple_of3A_446, %dma_start3A_447] : memref<10000x128xf32, #tpu.memory_space<vmem_shared>> -> memref<80x128xf32, #tpu.memory_space<vmem_shared>>
    %dma_start3A_449 = arith.constant 0 : i32
    %dma_start3A_450 = tpu.memref_slice %arg15[%multiple_of3A_446, %dma_start3A_449] : memref<10000x128xf32, #tpu.memory_space<vmem_shared>> -> memref<80x128xf32, #tpu.memory_space<vmem_shared>>
    tpu.enqueue_dma source(%dma_start3A_450 : memref<80x128xf32, #tpu.memory_space<vmem_shared>>) target(%arg13 : memref<80x128xf32, #tpu.memory_space<vmem>>) target_semaphore(%arg22 : memref<!tpu.dma_semaphore, #tpu.memory_space<semaphore_mem>>)
    %dma_wait3A_451 = arith.constant 0 : i32
    %dma_wait3A_452 = tpu.memref_slice %arg15[%multiple_of3A_408, %dma_wait3A_451] : memref<10000x128xf32, #tpu.memory_space<vmem_shared>> -> memref<80x128xf32, #tpu.memory_space<vmem_shared>>
    %dma_wait3A_453 = arith.constant 0 : i32
    %dma_wait3A_454 = tpu.memref_slice %arg15[%multiple_of3A_408, %dma_wait3A_453] : memref<10000x128xf32, #tpu.memory_space<vmem_shared>> -> memref<80x128xf32, #tpu.memory_space<vmem_shared>>
    tpu.wait_dma2 semaphore(%arg25 : memref<!tpu.dma_semaphore, #tpu.memory_space<semaphore_mem>>) src(%dma_wait3A_454 : memref<80x128xf32, #tpu.memory_space<vmem_shared>>) dst(%arg12 : memref<80x128xf32, #tpu.memory_space<vmem>>)
    %mul3A_455 = arith.constant 8 : i32
    %mul3A_456 = arith.muli %arg1, %mul3A_455 : i32
    %add3A_457 = arith.constant 2 : i32
    %add3A_458 = arith.addi %mul3A_456, %add3A_457 : i32
    %min3A_459 = arith.constant 124 : i32
    %min3A_460 = arith.minsi %add3A_458, %min3A_459 : i32
    %mul3A_461 = arith.constant 80 : i32
    %mul3A_462 = arith.muli %min3A_460, %mul3A_461 : i32
    %multiple_of3A_463 = tpu.assume_multiple %mul3A_462, 8 : i32
    %dma_start3A_464 = arith.constant 0 : i32
    %dma_start3A_465 = tpu.memref_slice %arg5[%arg0, %multiple_of3A_463, %dma_start3A_464] : memref<2x10000x128xf32, #tpu.memory_space<hbm>> -> memref<1x80x128xf32, #tpu.memory_space<hbm>>
    %dma_start3A_466 = tpu.memref_squeeze %dma_start3A_465 : memref<1x80x128xf32, #tpu.memory_space<hbm>> -> memref<80x128xf32, #tpu.memory_space<hbm>>
    %dma_start3A_467 = arith.constant 0 : i32
    %dma_start3A_468 = tpu.memref_slice %arg5[%arg0, %multiple_of3A_463, %dma_start3A_467] : memref<2x10000x128xf32, #tpu.memory_space<hbm>> -> memref<1x80x128xf32, #tpu.memory_space<hbm>>
    %dma_start3A_469 = tpu.memref_squeeze %dma_start3A_468 : memref<1x80x128xf32, #tpu.memory_space<hbm>> -> memref<80x128xf32, #tpu.memory_space<hbm>>
    tpu.enqueue_dma source(%arg12 : memref<80x128xf32, #tpu.memory_space<vmem>>) target(%dma_start3A_469 : memref<80x128xf32, #tpu.memory_space<hbm>>) target_semaphore(%arg25 : memref<!tpu.dma_semaphore, #tpu.memory_space<semaphore_mem>>)
    %dma_wait3A_470 = arith.constant 0 : i32
    %dma_wait3A_471 = tpu.memref_slice %arg5[%arg0, %multiple_of3A_463, %dma_wait3A_470] : memref<2x10000x128xf32, #tpu.memory_space<hbm>> -> memref<1x80x128xf32, #tpu.memory_space<hbm>>
    %dma_wait3A_472 = tpu.memref_squeeze %dma_wait3A_471 : memref<1x80x128xf32, #tpu.memory_space<hbm>> -> memref<80x128xf32, #tpu.memory_space<hbm>>
    %dma_wait3A_473 = arith.constant 0 : i32
    %dma_wait3A_474 = tpu.memref_slice %arg5[%arg0, %multiple_of3A_463, %dma_wait3A_473] : memref<2x10000x128xf32, #tpu.memory_space<hbm>> -> memref<1x80x128xf32, #tpu.memory_space<hbm>>
    %dma_wait3A_475 = tpu.memref_squeeze %dma_wait3A_474 : memref<1x80x128xf32, #tpu.memory_space<hbm>> -> memref<80x128xf32, #tpu.memory_space<hbm>>
    tpu.wait_dma2 semaphore(%arg25 : memref<!tpu.dma_semaphore, #tpu.memory_space<semaphore_mem>>) src(%arg12 : memref<80x128xf32, #tpu.memory_space<vmem>>) dst(%dma_wait3A_475 : memref<80x128xf32, #tpu.memory_space<hbm>>)
    %mul3A_476 = arith.constant 8 : i32
    %mul3A_477 = arith.muli %arg1, %mul3A_476 : i32
    %add3A_478 = arith.constant 4 : i32
    %add3A_479 = arith.addi %mul3A_477, %add3A_478 : i32
    %min3A_480 = arith.constant 124 : i32
    %min3A_481 = arith.minsi %add3A_479, %min3A_480 : i32
    %mul3A_482 = arith.constant 80 : i32
    %mul3A_483 = arith.muli %min3A_481, %mul3A_482 : i32
    %multiple_of3A_484 = tpu.assume_multiple %mul3A_483, 8 : i32
    %dma_start3A_485 = arith.constant 0 : i32
    %dma_start3A_486 = tpu.memref_slice %arg15[%multiple_of3A_484, %dma_start3A_485] : memref<10000x128xf32, #tpu.memory_space<vmem_shared>> -> memref<80x128xf32, #tpu.memory_space<vmem_shared>>
    %dma_start3A_487 = arith.constant 0 : i32
    %dma_start3A_488 = tpu.memref_slice %arg15[%multiple_of3A_484, %dma_start3A_487] : memref<10000x128xf32, #tpu.memory_space<vmem_shared>> -> memref<80x128xf32, #tpu.memory_space<vmem_shared>>
    tpu.enqueue_dma source(%dma_start3A_488 : memref<80x128xf32, #tpu.memory_space<vmem_shared>>) target(%arg12 : memref<80x128xf32, #tpu.memory_space<vmem>>) target_semaphore(%arg25 : memref<!tpu.dma_semaphore, #tpu.memory_space<semaphore_mem>>)
    %dma_wait3A_489 = arith.constant 0 : i32
    %dma_wait3A_490 = tpu.memref_slice %arg15[%multiple_of3A_446, %dma_wait3A_489] : memref<10000x128xf32, #tpu.memory_space<vmem_shared>> -> memref<80x128xf32, #tpu.memory_space<vmem_shared>>
    %dma_wait3A_491 = arith.constant 0 : i32
    %dma_wait3A_492 = tpu.memref_slice %arg15[%multiple_of3A_446, %dma_wait3A_491] : memref<10000x128xf32, #tpu.memory_space<vmem_shared>> -> memref<80x128xf32, #tpu.memory_space<vmem_shared>>
    tpu.wait_dma2 semaphore(%arg22 : memref<!tpu.dma_semaphore, #tpu.memory_space<semaphore_mem>>) src(%dma_wait3A_492 : memref<80x128xf32, #tpu.memory_space<vmem_shared>>) dst(%arg13 : memref<80x128xf32, #tpu.memory_space<vmem>>)
    %mul3A_493 = arith.constant 8 : i32
    %mul3A_494 = arith.muli %arg1, %mul3A_493 : i32
    %add3A_495 = arith.constant 3 : i32
    %add3A_496 = arith.addi %mul3A_494, %add3A_495 : i32
    %min3A_497 = arith.constant 124 : i32
    %min3A_498 = arith.minsi %add3A_496, %min3A_497 : i32
    %mul3A_499 = arith.constant 80 : i32
    %mul3A_500 = arith.muli %min3A_498, %mul3A_499 : i32
    %multiple_of3A_501 = tpu.assume_multiple %mul3A_500, 8 : i32
    %dma_start3A_502 = arith.constant 0 : i32
    %dma_start3A_503 = tpu.memref_slice %arg5[%arg0, %multiple_of3A_501, %dma_start3A_502] : memref<2x10000x128xf32, #tpu.memory_space<hbm>> -> memref<1x80x128xf32, #tpu.memory_space<hbm>>
    %dma_start3A_504 = tpu.memref_squeeze %dma_start3A_503 : memref<1x80x128xf32, #tpu.memory_space<hbm>> -> memref<80x128xf32, #tpu.memory_space<hbm>>
    %dma_start3A_505 = arith.constant 0 : i32
    %dma_start3A_506 = tpu.memref_slice %arg5[%arg0, %multiple_of3A_501, %dma_start3A_505] : memref<2x10000x128xf32, #tpu.memory_space<hbm>> -> memref<1x80x128xf32, #tpu.memory_space<hbm>>
    %dma_start3A_507 = tpu.memref_squeeze %dma_start3A_506 : memref<1x80x128xf32, #tpu.memory_space<hbm>> -> memref<80x128xf32, #tpu.memory_space<hbm>>
    tpu.enqueue_dma source(%arg13 : memref<80x128xf32, #tpu.memory_space<vmem>>) target(%dma_start3A_507 : memref<80x128xf32, #tpu.memory_space<hbm>>) target_semaphore(%arg22 : memref<!tpu.dma_semaphore, #tpu.memory_space<semaphore_mem>>)
    %dma_wait3A_508 = arith.constant 0 : i32
    %dma_wait3A_509 = tpu.memref_slice %arg5[%arg0, %multiple_of3A_501, %dma_wait3A_508] : memref<2x10000x128xf32, #tpu.memory_space<hbm>> -> memref<1x80x128xf32, #tpu.memory_space<hbm>>
    %dma_wait3A_510 = tpu.memref_squeeze %dma_wait3A_509 : memref<1x80x128xf32, #tpu.memory_space<hbm>> -> memref<80x128xf32, #tpu.memory_space<hbm>>
    %dma_wait3A_511 = arith.constant 0 : i32
    %dma_wait3A_512 = tpu.memref_slice %arg5[%arg0, %multiple_of3A_501, %dma_wait3A_511] : memref<2x10000x128xf32, #tpu.memory_space<hbm>> -> memref<1x80x128xf32, #tpu.memory_space<hbm>>
    %dma_wait3A_513 = tpu.memref_squeeze %dma_wait3A_512 : memref<1x80x128xf32, #tpu.memory_space<hbm>> -> memref<80x128xf32, #tpu.memory_space<hbm>>
    tpu.wait_dma2 semaphore(%arg22 : memref<!tpu.dma_semaphore, #tpu.memory_space<semaphore_mem>>) src(%arg13 : memref<80x128xf32, #tpu.memory_space<vmem>>) dst(%dma_wait3A_513 : memref<80x128xf32, #tpu.memory_space<hbm>>)
    %mul3A_514 = arith.constant 8 : i32
    %mul3A_515 = arith.muli %arg1, %mul3A_514 : i32
    %add3A_516 = arith.constant 5 : i32
    %add3A_517 = arith.addi %mul3A_515, %add3A_516 : i32
    %min3A_518 = arith.constant 124 : i32
    %min3A_519 = arith.minsi %add3A_517, %min3A_518 : i32
    %mul3A_520 = arith.constant 80 : i32
    %mul3A_521 = arith.muli %min3A_519, %mul3A_520 : i32
    %multiple_of3A_522 = tpu.assume_multiple %mul3A_521, 8 : i32
    %dma_start3A_523 = arith.constant 0 : i32
    %dma_start3A_524 = tpu.memref_slice %arg15[%multiple_of3A_522, %dma_start3A_523] : memref<10000x128xf32, #tpu.memory_space<vmem_shared>> -> memref<80x128xf32, #tpu.memory_space<vmem_shared>>
    %dma_start3A_525 = arith.constant 0 : i32
    %dma_start3A_526 = tpu.memref_slice %arg15[%multiple_of3A_522, %dma_start3A_525] : memref<10000x128xf32, #tpu.memory_space<vmem_shared>> -> memref<80x128xf32, #tpu.memory_space<vmem_shared>>
    tpu.enqueue_dma source(%dma_start3A_526 : memref<80x128xf32, #tpu.memory_space<vmem_shared>>) target(%arg13 : memref<80x128xf32, #tpu.memory_space<vmem>>) target_semaphore(%arg22 : memref<!tpu.dma_semaphore, #tpu.memory_space<semaphore_mem>>)
    %dma_wait3A_527 = arith.constant 0 : i32
    %dma_wait3A_528 = tpu.memref_slice %arg15[%multiple_of3A_484, %dma_wait3A_527] : memref<10000x128xf32, #tpu.memory_space<vmem_shared>> -> memref<80x128xf32, #tpu.memory_space<vmem_shared>>
    %dma_wait3A_529 = arith.constant 0 : i32
    %dma_wait3A_530 = tpu.memref_slice %arg15[%multiple_of3A_484, %dma_wait3A_529] : memref<10000x128xf32, #tpu.memory_space<vmem_shared>> -> memref<80x128xf32, #tpu.memory_space<vmem_shared>>
    tpu.wait_dma2 semaphore(%arg25 : memref<!tpu.dma_semaphore, #tpu.memory_space<semaphore_mem>>) src(%dma_wait3A_530 : memref<80x128xf32, #tpu.memory_space<vmem_shared>>) dst(%arg12 : memref<80x128xf32, #tpu.memory_space<vmem>>)
    %mul3A_531 = arith.constant 8 : i32
    %mul3A_532 = arith.muli %arg1, %mul3A_531 : i32
    %add3A_533 = arith.constant 4 : i32
    %add3A_534 = arith.addi %mul3A_532, %add3A_533 : i32
    %min3A_535 = arith.constant 124 : i32
    %min3A_536 = arith.minsi %add3A_534, %min3A_535 : i32
    %mul3A_537 = arith.constant 80 : i32
    %mul3A_538 = arith.muli %min3A_536, %mul3A_537 : i32
    %multiple_of3A_539 = tpu.assume_multiple %mul3A_538, 8 : i32
    %dma_start3A_540 = arith.constant 0 : i32
    %dma_start3A_541 = tpu.memref_slice %arg5[%arg0, %multiple_of3A_539, %dma_start3A_540] : memref<2x10000x128xf32, #tpu.memory_space<hbm>> -> memref<1x80x128xf32, #tpu.memory_space<hbm>>
    %dma_start3A_542 = tpu.memref_squeeze %dma_start3A_541 : memref<1x80x128xf32, #tpu.memory_space<hbm>> -> memref<80x128xf32, #tpu.memory_space<hbm>>
    %dma_start3A_543 = arith.constant 0 : i32
    %dma_start3A_544 = tpu.memref_slice %arg5[%arg0, %multiple_of3A_539, %dma_start3A_543] : memref<2x10000x128xf32, #tpu.memory_space<hbm>> -> memref<1x80x128xf32, #tpu.memory_space<hbm>>
    %dma_start3A_545 = tpu.memref_squeeze %dma_start3A_544 : memref<1x80x128xf32, #tpu.memory_space<hbm>> -> memref<80x128xf32, #tpu.memory_space<hbm>>
    tpu.enqueue_dma source(%arg12 : memref<80x128xf32, #tpu.memory_space<vmem>>) target(%dma_start3A_545 : memref<80x128xf32, #tpu.memory_space<hbm>>) target_semaphore(%arg25 : memref<!tpu.dma_semaphore, #tpu.memory_space<semaphore_mem>>)
    %dma_wait3A_546 = arith.constant 0 : i32
    %dma_wait3A_547 = tpu.memref_slice %arg5[%arg0, %multiple_of3A_539, %dma_wait3A_546] : memref<2x10000x128xf32, #tpu.memory_space<hbm>> -> memref<1x80x128xf32, #tpu.memory_space<hbm>>
    %dma_wait3A_548 = tpu.memref_squeeze %dma_wait3A_547 : memref<1x80x128xf32, #tpu.memory_space<hbm>> -> memref<80x128xf32, #tpu.memory_space<hbm>>
    %dma_wait3A_549 = arith.constant 0 : i32
    %dma_wait3A_550 = tpu.memref_slice %arg5[%arg0, %multiple_of3A_539, %dma_wait3A_549] : memref<2x10000x128xf32, #tpu.memory_space<hbm>> -> memref<1x80x128xf32, #tpu.memory_space<hbm>>
    %dma_wait3A_551 = tpu.memref_squeeze %dma_wait3A_550 : memref<1x80x128xf32, #tpu.memory_space<hbm>> -> memref<80x128xf32, #tpu.memory_space<hbm>>
    tpu.wait_dma2 semaphore(%arg25 : memref<!tpu.dma_semaphore, #tpu.memory_space<semaphore_mem>>) src(%arg12 : memref<80x128xf32, #tpu.memory_space<vmem>>) dst(%dma_wait3A_551 : memref<80x128xf32, #tpu.memory_space<hbm>>)
    %mul3A_552 = arith.constant 8 : i32
    %mul3A_553 = arith.muli %arg1, %mul3A_552 : i32
    %add3A_554 = arith.constant 6 : i32
    %add3A_555 = arith.addi %mul3A_553, %add3A_554 : i32
    %min3A_556 = arith.constant 124 : i32
    %min3A_557 = arith.minsi %add3A_555, %min3A_556 : i32
    %mul3A_558 = arith.constant 80 : i32
    %mul3A_559 = arith.muli %min3A_557, %mul3A_558 : i32
    %multiple_of3A_560 = tpu.assume_multiple %mul3A_559, 8 : i32
    %dma_start3A_561 = arith.constant 0 : i32
    %dma_start3A_562 = tpu.memref_slice %arg15[%multiple_of3A_560, %dma_start3A_561] : memref<10000x128xf32, #tpu.memory_space<vmem_shared>> -> memref<80x128xf32, #tpu.memory_space<vmem_shared>>
    %dma_start3A_563 = arith.constant 0 : i32
    %dma_start3A_564 = tpu.memref_slice %arg15[%multiple_of3A_560, %dma_start3A_563] : memref<10000x128xf32, #tpu.memory_space<vmem_shared>> -> memref<80x128xf32, #tpu.memory_space<vmem_shared>>
    tpu.enqueue_dma source(%dma_start3A_564 : memref<80x128xf32, #tpu.memory_space<vmem_shared>>) target(%arg12 : memref<80x128xf32, #tpu.memory_space<vmem>>) target_semaphore(%arg25 : memref<!tpu.dma_semaphore, #tpu.memory_space<semaphore_mem>>)
    %dma_wait3A_565 = arith.constant 0 : i32
    %dma_wait3A_566 = tpu.memref_slice %arg15[%multiple_of3A_522, %dma_wait3A_565] : memref<10000x128xf32, #tpu.memory_space<vmem_shared>> -> memref<80x128xf32, #tpu.memory_space<vmem_shared>>
    %dma_wait3A_567 = arith.constant 0 : i32
    %dma_wait3A_568 = tpu.memref_slice %arg15[%multiple_of3A_522, %dma_wait3A_567] : memref<10000x128xf32, #tpu.memory_space<vmem_shared>> -> memref<80x128xf32, #tpu.memory_space<vmem_shared>>
    tpu.wait_dma2 semaphore(%arg22 : memref<!tpu.dma_semaphore, #tpu.memory_space<semaphore_mem>>) src(%dma_wait3A_568 : memref<80x128xf32, #tpu.memory_space<vmem_shared>>) dst(%arg13 : memref<80x128xf32, #tpu.memory_space<vmem>>)
    %mul3A_569 = arith.constant 8 : i32
    %mul3A_570 = arith.muli %arg1, %mul3A_569 : i32
    %add3A_571 = arith.constant 5 : i32
    %add3A_572 = arith.addi %mul3A_570, %add3A_571 : i32
    %min3A_573 = arith.constant 124 : i32
    %min3A_574 = arith.minsi %add3A_572, %min3A_573 : i32
    %mul3A_575 = arith.constant 80 : i32
    %mul3A_576 = arith.muli %min3A_574, %mul3A_575 : i32
    %multiple_of3A_577 = tpu.assume_multiple %mul3A_576, 8 : i32
    %dma_start3A_578 = arith.constant 0 : i32
    %dma_start3A_579 = tpu.memref_slice %arg5[%arg0, %multiple_of3A_577, %dma_start3A_578] : memref<2x10000x128xf32, #tpu.memory_space<hbm>> -> memref<1x80x128xf32, #tpu.memory_space<hbm>>
    %dma_start3A_580 = tpu.memref_squeeze %dma_start3A_579 : memref<1x80x128xf32, #tpu.memory_space<hbm>> -> memref<80x128xf32, #tpu.memory_space<hbm>>
    %dma_start3A_581 = arith.constant 0 : i32
    %dma_start3A_582 = tpu.memref_slice %arg5[%arg0, %multiple_of3A_577, %dma_start3A_581] : memref<2x10000x128xf32, #tpu.memory_space<hbm>> -> memref<1x80x128xf32, #tpu.memory_space<hbm>>
    %dma_start3A_583 = tpu.memref_squeeze %dma_start3A_582 : memref<1x80x128xf32, #tpu.memory_space<hbm>> -> memref<80x128xf32, #tpu.memory_space<hbm>>
    tpu.enqueue_dma source(%arg13 : memref<80x128xf32, #tpu.memory_space<vmem>>) target(%dma_start3A_583 : memref<80x128xf32, #tpu.memory_space<hbm>>) target_semaphore(%arg22 : memref<!tpu.dma_semaphore, #tpu.memory_space<semaphore_mem>>)
    %dma_wait3A_584 = arith.constant 0 : i32
    %dma_wait3A_585 = tpu.memref_slice %arg5[%arg0, %multiple_of3A_577, %dma_wait3A_584] : memref<2x10000x128xf32, #tpu.memory_space<hbm>> -> memref<1x80x128xf32, #tpu.memory_space<hbm>>
    %dma_wait3A_586 = tpu.memref_squeeze %dma_wait3A_585 : memref<1x80x128xf32, #tpu.memory_space<hbm>> -> memref<80x128xf32, #tpu.memory_space<hbm>>
    %dma_wait3A_587 = arith.constant 0 : i32
    %dma_wait3A_588 = tpu.memref_slice %arg5[%arg0, %multiple_of3A_577, %dma_wait3A_587] : memref<2x10000x128xf32, #tpu.memory_space<hbm>> -> memref<1x80x128xf32, #tpu.memory_space<hbm>>
    %dma_wait3A_589 = tpu.memref_squeeze %dma_wait3A_588 : memref<1x80x128xf32, #tpu.memory_space<hbm>> -> memref<80x128xf32, #tpu.memory_space<hbm>>
    tpu.wait_dma2 semaphore(%arg22 : memref<!tpu.dma_semaphore, #tpu.memory_space<semaphore_mem>>) src(%arg13 : memref<80x128xf32, #tpu.memory_space<vmem>>) dst(%dma_wait3A_589 : memref<80x128xf32, #tpu.memory_space<hbm>>)
    %mul3A_590 = arith.constant 8 : i32
    %mul3A_591 = arith.muli %arg1, %mul3A_590 : i32
    %add3A_592 = arith.constant 7 : i32
    %add3A_593 = arith.addi %mul3A_591, %add3A_592 : i32
    %min3A_594 = arith.constant 124 : i32
    %min3A_595 = arith.minsi %add3A_593, %min3A_594 : i32
    %mul3A_596 = arith.constant 80 : i32
    %mul3A_597 = arith.muli %min3A_595, %mul3A_596 : i32
    %multiple_of3A_598 = tpu.assume_multiple %mul3A_597, 8 : i32
    %dma_start3A_599 = arith.constant 0 : i32
    %dma_start3A_600 = tpu.memref_slice %arg15[%multiple_of3A_598, %dma_start3A_599] : memref<10000x128xf32, #tpu.memory_space<vmem_shared>> -> memref<80x128xf32, #tpu.memory_space<vmem_shared>>
    %dma_start3A_601 = arith.constant 0 : i32
    %dma_start3A_602 = tpu.memref_slice %arg15[%multiple_of3A_598, %dma_start3A_601] : memref<10000x128xf32, #tpu.memory_space<vmem_shared>> -> memref<80x128xf32, #tpu.memory_space<vmem_shared>>
    tpu.enqueue_dma source(%dma_start3A_602 : memref<80x128xf32, #tpu.memory_space<vmem_shared>>) target(%arg13 : memref<80x128xf32, #tpu.memory_space<vmem>>) target_semaphore(%arg22 : memref<!tpu.dma_semaphore, #tpu.memory_space<semaphore_mem>>)
    %dma_wait3A_603 = arith.constant 0 : i32
    %dma_wait3A_604 = tpu.memref_slice %arg15[%multiple_of3A_560, %dma_wait3A_603] : memref<10000x128xf32, #tpu.memory_space<vmem_shared>> -> memref<80x128xf32, #tpu.memory_space<vmem_shared>>
    %dma_wait3A_605 = arith.constant 0 : i32
    %dma_wait3A_606 = tpu.memref_slice %arg15[%multiple_of3A_560, %dma_wait3A_605] : memref<10000x128xf32, #tpu.memory_space<vmem_shared>> -> memref<80x128xf32, #tpu.memory_space<vmem_shared>>
    tpu.wait_dma2 semaphore(%arg25 : memref<!tpu.dma_semaphore, #tpu.memory_space<semaphore_mem>>) src(%dma_wait3A_606 : memref<80x128xf32, #tpu.memory_space<vmem_shared>>) dst(%arg12 : memref<80x128xf32, #tpu.memory_space<vmem>>)
    %mul3A_607 = arith.constant 8 : i32
    %mul3A_608 = arith.muli %arg1, %mul3A_607 : i32
    %add3A_609 = arith.constant 6 : i32
    %add3A_610 = arith.addi %mul3A_608, %add3A_609 : i32
    %min3A_611 = arith.constant 124 : i32
    %min3A_612 = arith.minsi %add3A_610, %min3A_611 : i32
    %mul3A_613 = arith.constant 80 : i32
    %mul3A_614 = arith.muli %min3A_612, %mul3A_613 : i32
    %multiple_of3A_615 = tpu.assume_multiple %mul3A_614, 8 : i32
    %dma_start3A_616 = arith.constant 0 : i32
    %dma_start3A_617 = tpu.memref_slice %arg5[%arg0, %multiple_of3A_615, %dma_start3A_616] : memref<2x10000x128xf32, #tpu.memory_space<hbm>> -> memref<1x80x128xf32, #tpu.memory_space<hbm>>
    %dma_start3A_618 = tpu.memref_squeeze %dma_start3A_617 : memref<1x80x128xf32, #tpu.memory_space<hbm>> -> memref<80x128xf32, #tpu.memory_space<hbm>>
    %dma_start3A_619 = arith.constant 0 : i32
    %dma_start3A_620 = tpu.memref_slice %arg5[%arg0, %multiple_of3A_615, %dma_start3A_619] : memref<2x10000x128xf32, #tpu.memory_space<hbm>> -> memref<1x80x128xf32, #tpu.memory_space<hbm>>
    %dma_start3A_621 = tpu.memref_squeeze %dma_start3A_620 : memref<1x80x128xf32, #tpu.memory_space<hbm>> -> memref<80x128xf32, #tpu.memory_space<hbm>>
    tpu.enqueue_dma source(%arg12 : memref<80x128xf32, #tpu.memory_space<vmem>>) target(%dma_start3A_621 : memref<80x128xf32, #tpu.memory_space<hbm>>) target_semaphore(%arg25 : memref<!tpu.dma_semaphore, #tpu.memory_space<semaphore_mem>>)
    %dma_wait3A_622 = arith.constant 0 : i32
    %dma_wait3A_623 = tpu.memref_slice %arg15[%multiple_of3A_598, %dma_wait3A_622] : memref<10000x128xf32, #tpu.memory_space<vmem_shared>> -> memref<80x128xf32, #tpu.memory_space<vmem_shared>>
    %dma_wait3A_624 = arith.constant 0 : i32
    %dma_wait3A_625 = tpu.memref_slice %arg15[%multiple_of3A_598, %dma_wait3A_624] : memref<10000x128xf32, #tpu.memory_space<vmem_shared>> -> memref<80x128xf32, #tpu.memory_space<vmem_shared>>
    tpu.wait_dma2 semaphore(%arg22 : memref<!tpu.dma_semaphore, #tpu.memory_space<semaphore_mem>>) src(%dma_wait3A_625 : memref<80x128xf32, #tpu.memory_space<vmem_shared>>) dst(%arg13 : memref<80x128xf32, #tpu.memory_space<vmem>>)
    %mul3A_626 = arith.constant 8 : i32
    %mul3A_627 = arith.muli %arg1, %mul3A_626 : i32
    %add3A_628 = arith.constant 7 : i32
    %add3A_629 = arith.addi %mul3A_627, %add3A_628 : i32
    %min3A_630 = arith.constant 124 : i32
    %min3A_631 = arith.minsi %add3A_629, %min3A_630 : i32
    %mul3A_632 = arith.constant 80 : i32
    %mul3A_633 = arith.muli %min3A_631, %mul3A_632 : i32
    %multiple_of3A_634 = tpu.assume_multiple %mul3A_633, 8 : i32
    %dma_start3A_635 = arith.constant 0 : i32
    %dma_start3A_636 = tpu.memref_slice %arg5[%arg0, %multiple_of3A_634, %dma_start3A_635] : memref<2x10000x128xf32, #tpu.memory_space<hbm>> -> memref<1x80x128xf32, #tpu.memory_space<hbm>>
    %dma_start3A_637 = tpu.memref_squeeze %dma_start3A_636 : memref<1x80x128xf32, #tpu.memory_space<hbm>> -> memref<80x128xf32, #tpu.memory_space<hbm>>
    %dma_start3A_638 = arith.constant 0 : i32
    %dma_start3A_639 = tpu.memref_slice %arg5[%arg0, %multiple_of3A_634, %dma_start3A_638] : memref<2x10000x128xf32, #tpu.memory_space<hbm>> -> memref<1x80x128xf32, #tpu.memory_space<hbm>>
    %dma_start3A_640 = tpu.memref_squeeze %dma_start3A_639 : memref<1x80x128xf32, #tpu.memory_space<hbm>> -> memref<80x128xf32, #tpu.memory_space<hbm>>
    tpu.enqueue_dma source(%arg13 : memref<80x128xf32, #tpu.memory_space<vmem>>) target(%dma_start3A_640 : memref<80x128xf32, #tpu.memory_space<hbm>>) target_semaphore(%arg22 : memref<!tpu.dma_semaphore, #tpu.memory_space<semaphore_mem>>)
    %dma_wait3A_641 = arith.constant 0 : i32
    %dma_wait3A_642 = tpu.memref_slice %arg5[%arg0, %multiple_of3A_615, %dma_wait3A_641] : memref<2x10000x128xf32, #tpu.memory_space<hbm>> -> memref<1x80x128xf32, #tpu.memory_space<hbm>>
    %dma_wait3A_643 = tpu.memref_squeeze %dma_wait3A_642 : memref<1x80x128xf32, #tpu.memory_space<hbm>> -> memref<80x128xf32, #tpu.memory_space<hbm>>
    %dma_wait3A_644 = arith.constant 0 : i32
    %dma_wait3A_645 = tpu.memref_slice %arg5[%arg0, %multiple_of3A_615, %dma_wait3A_644] : memref<2x10000x128xf32, #tpu.memory_space<hbm>> -> memref<1x80x128xf32, #tpu.memory_space<hbm>>
    %dma_wait3A_646 = tpu.memref_squeeze %dma_wait3A_645 : memref<1x80x128xf32, #tpu.memory_space<hbm>> -> memref<80x128xf32, #tpu.memory_space<hbm>>
    tpu.wait_dma2 semaphore(%arg25 : memref<!tpu.dma_semaphore, #tpu.memory_space<semaphore_mem>>) src(%arg12 : memref<80x128xf32, #tpu.memory_space<vmem>>) dst(%dma_wait3A_646 : memref<80x128xf32, #tpu.memory_space<hbm>>)
    %dma_wait3A_647 = arith.constant 0 : i32
    %dma_wait3A_648 = tpu.memref_slice %arg5[%arg0, %multiple_of3A_634, %dma_wait3A_647] : memref<2x10000x128xf32, #tpu.memory_space<hbm>> -> memref<1x80x128xf32, #tpu.memory_space<hbm>>
    %dma_wait3A_649 = tpu.memref_squeeze %dma_wait3A_648 : memref<1x80x128xf32, #tpu.memory_space<hbm>> -> memref<80x128xf32, #tpu.memory_space<hbm>>
    %dma_wait3A_650 = arith.constant 0 : i32
    %dma_wait3A_651 = tpu.memref_slice %arg5[%arg0, %multiple_of3A_634, %dma_wait3A_650] : memref<2x10000x128xf32, #tpu.memory_space<hbm>> -> memref<1x80x128xf32, #tpu.memory_space<hbm>>
    %dma_wait3A_652 = tpu.memref_squeeze %dma_wait3A_651 : memref<1x80x128xf32, #tpu.memory_space<hbm>> -> memref<80x128xf32, #tpu.memory_space<hbm>>
    tpu.wait_dma2 semaphore(%arg22 : memref<!tpu.dma_semaphore, #tpu.memory_space<semaphore_mem>>) src(%arg13 : memref<80x128xf32, #tpu.memory_space<vmem>>) dst(%dma_wait3A_652 : memref<80x128xf32, #tpu.memory_space<hbm>>)
    return
  }
}

module attributes {stable_mosaic.version = 14 : i64} {
  func.func @_tc_layer2_body(%arg0: i32, %arg1: memref<2x1000x128xf32, #tpu.memory_space<vmem>>, %arg2: memref<2x1000x128xf32, #tpu.memory_space<vmem>>, %arg3: memref<2x1000x128xf32, #tpu.memory_space<vmem>>, %arg4: memref<1x256xf32, #tpu.memory_space<vmem>>, %arg5: memref<256x256xf32, #tpu.memory_space<vmem>>, %arg6: memref<64x256xf32, #tpu.memory_space<vmem>>, %arg7: memref<1x64xf32, #tpu.memory_space<vmem>>, %arg8: memref<1000x64xf32, #tpu.memory_space<vmem>>) attributes {dimension_semantics = [#tpu.dimension_semantics<arbitrary>], iteration_bounds = array<i64: 10>, scalar_prefetch = 0 : i64, scratch_operands = 0 : i64, tpu.core_type = #tpu.core_type<tc>, window_params = [{transform_indices = @transform_0, window_bounds = array<i64: 2, 1000, 128>}, {transform_indices = @transform_1, window_bounds = array<i64: 2, 1000, 128>}, {transform_indices = @transform_2, window_bounds = array<i64: 2, 1000, 128>}, {pipeline_mode = #tpu.pipeline_mode<synchronous>, transform_indices = @transform_3, window_bounds = array<i64: 1, 256>}, {pipeline_mode = #tpu.pipeline_mode<synchronous>, transform_indices = @transform_4, window_bounds = array<i64: 256, 256>}, {pipeline_mode = #tpu.pipeline_mode<synchronous>, transform_indices = @transform_5, window_bounds = array<i64: 64, 256>}, {pipeline_mode = #tpu.pipeline_mode<synchronous>, transform_indices = @transform_6, window_bounds = array<i64: 1, 64>}, {transform_indices = @transform_7, window_bounds = array<i64: 1000, 64>}]} {
    %get3A = arith.constant 0 : index
    %get3A_0 = arith.constant 0 : index
    %get3A_1 = arith.constant 0 : index
    %get3A_2 = vector.load %arg2[%get3A, %get3A_0, %get3A_1] : memref<2x1000x128xf32, #tpu.memory_space<vmem>>, vector<1x1000x1xf32>
    %get3A_3 = vector.shape_cast %get3A_2 : vector<1x1000x1xf32> to vector<1000x1xf32>
    %get3A_4 = arith.constant 1 : index
    %get3A_5 = arith.constant 0 : index
    %get3A_6 = arith.constant 0 : index
    %get3A_7 = vector.load %arg2[%get3A_4, %get3A_5, %get3A_6] : memref<2x1000x128xf32, #tpu.memory_space<vmem>>, vector<1x1000x1xf32>
    %get3A_8 = vector.shape_cast %get3A_7 : vector<1x1000x1xf32> to vector<1000x1xf32>
    %add3A = arith.addf %get3A_3, %get3A_8 : vector<1000x1xf32>
    %max3A = arith.constant 1.000000e+00 : f32
    %max3A_9 = vector.broadcast %max3A : f32 to vector<1000x1xf32>
    %max3A_10 = arith.maximumf %add3A, %max3A_9 : vector<1000x1xf32>
    %get3A_11 = arith.constant 0 : index
    %get3A_12 = arith.constant 0 : index
    %get3A_13 = arith.constant 0 : index
    %get3A_14 = vector.load %arg1[%get3A_11, %get3A_12, %get3A_13] : memref<2x1000x128xf32, #tpu.memory_space<vmem>>, vector<1x1000x64xf32>
    %get3A_15 = vector.shape_cast %get3A_14 : vector<1x1000x64xf32> to vector<1000x64xf32>
    %get3A_16 = arith.constant 1 : index
    %get3A_17 = arith.constant 0 : index
    %get3A_18 = arith.constant 0 : index
    %get3A_19 = vector.load %arg1[%get3A_16, %get3A_17, %get3A_18] : memref<2x1000x128xf32, #tpu.memory_space<vmem>>, vector<1x1000x64xf32>
    %get3A_20 = vector.shape_cast %get3A_19 : vector<1x1000x64xf32> to vector<1000x64xf32>
    %add3A_21 = arith.addf %get3A_15, %get3A_20 : vector<1000x64xf32>
    %div3A = vector.broadcast %max3A_10 : vector<1000x1xf32> to vector<1000x64xf32>
    %div3A_22 = arith.divf %add3A_21, %div3A : vector<1000x64xf32>
    %get3A_23 = arith.constant 0 : index
    %get3A_24 = arith.constant 0 : index
    %get3A_25 = arith.constant 0 : index
    %get3A_26 = vector.load %arg3[%get3A_23, %get3A_24, %get3A_25] : memref<2x1000x128xf32, #tpu.memory_space<vmem>>, vector<1x1000x128xf32>
    %get3A_27 = vector.shape_cast %get3A_26 : vector<1x1000x128xf32> to vector<1000x128xf32>
    %get3A_28 = arith.constant 1 : index
    %get3A_29 = arith.constant 0 : index
    %get3A_30 = arith.constant 0 : index
    %get3A_31 = vector.load %arg3[%get3A_28, %get3A_29, %get3A_30] : memref<2x1000x128xf32, #tpu.memory_space<vmem>>, vector<1x1000x128xf32>
    %get3A_32 = vector.shape_cast %get3A_31 : vector<1x1000x128xf32> to vector<1000x128xf32>
    %concatenate3A = tpu.concatenate %get3A_27, %get3A_32 in 1 : vector<1000x128xf32>, vector<1000x128xf32> -> vector<1000x256xf32>
    %get3A_33 = arith.constant 0 : index
    %get3A_34 = arith.constant 0 : index
    %get3A_35 = vector.load %arg6[%get3A_33, %get3A_34] : memref<64x256xf32, #tpu.memory_space<vmem>>, vector<64x256xf32>
    %get3A_36 = arith.constant 0 : index
    %get3A_37 = arith.constant 0 : index
    %get3A_38 = vector.load %arg6[%get3A_36, %get3A_37] : memref<64x256xf32, #tpu.memory_space<vmem>>, vector<64x256xf32>
    %get3A_39 = arith.constant 0 : index
    %get3A_40 = arith.constant 0 : index
    %get3A_41 = vector.load %arg5[%get3A_39, %get3A_40] : memref<256x256xf32, #tpu.memory_space<vmem>>, vector<256x256xf32>
    %dot_general3A = arith.constant dense<0.000000e+00> : vector<64x256xf32>
    %dot_general3A_42 = tpu.matmul %get3A_38, %get3A_41, %dot_general3A {dimension_numbers = #tpu.dot_dimension_numbers<[1], [0], [0], [1], [0, 0, 1, 1], [], []>, transpose_lhs_hint = false} : vector<64x256xf32>, vector<256x256xf32>, vector<64x256xf32> -> vector<64x256xf32>
    %add3A_43 = arith.addf %get3A_35, %dot_general3A_42 : vector<64x256xf32>
    %get3A_44 = arith.constant 0 : index
    %get3A_45 = arith.constant 0 : index
    %get3A_46 = vector.load %arg7[%get3A_44, %get3A_45] : memref<1x64xf32, #tpu.memory_space<vmem>>, vector<1x64xf32>
    %get3A_47 = arith.constant 0 : index
    %get3A_48 = arith.constant 0 : index
    %get3A_49 = vector.load %arg4[%get3A_47, %get3A_48] : memref<1x256xf32, #tpu.memory_space<vmem>>, vector<1x256xf32>
    %get3A_50 = arith.constant 0 : index
    %get3A_51 = arith.constant 0 : index
    %get3A_52 = vector.load %arg6[%get3A_50, %get3A_51] : memref<64x256xf32, #tpu.memory_space<vmem>>, vector<64x256xf32>
    %dot_general3A_53 = arith.constant dense<0.000000e+00> : vector<1x64xf32>
    %dot_general3A_54 = tpu.matmul %get3A_49, %get3A_52, %dot_general3A_53 {dimension_numbers = #tpu.dot_dimension_numbers<[1], [1], [0], [0], [0, 0, 1, 0], [], []>, transpose_lhs_hint = false} : vector<1x256xf32>, vector<64x256xf32>, vector<1x64xf32> -> vector<1x64xf32>
    %add3A_55 = arith.addf %get3A_46, %dot_general3A_54 : vector<1x64xf32>
    %dot_general3A_56 = arith.constant dense<0.000000e+00> : vector<1000x64xf32>
    %dot_general3A_57 = tpu.matmul %concatenate3A, %add3A_43, %dot_general3A_56 {dimension_numbers = #tpu.dot_dimension_numbers<[1], [1], [0], [0], [0, 0, 1, 0], [], []>, transpose_lhs_hint = false} : vector<1000x256xf32>, vector<64x256xf32>, vector<1000x64xf32> -> vector<1000x64xf32>
    %add3A_58 = arith.addf %dot_general3A_57, %div3A_22 : vector<1000x64xf32>
    %add3A_59 = vector.broadcast %add3A_55 : vector<1x64xf32> to vector<1000x64xf32>
    %add3A_60 = arith.addf %add3A_58, %add3A_59 : vector<1000x64xf32>
    %reduce_max3A = arith.constant dense<0xFF800000> : vector<1000xf32>
    %reduce_max3A_61 = vector.multi_reduction <maximumf>, %add3A_60, %reduce_max3A [1] : vector<1000x64xf32> to vector<1000xf32>
    %broadcast_in_dim3A = vector.shape_cast %reduce_max3A_61 : vector<1000xf32> to vector<1000x1xf32>
    %sub3A = vector.broadcast %broadcast_in_dim3A : vector<1000x1xf32> to vector<1000x64xf32>
    %sub3A_62 = arith.subf %add3A_60, %sub3A : vector<1000x64xf32>
    %exp3A = math.exp %sub3A_62 : vector<1000x64xf32>
    %reduce_sum3A = arith.constant dense<0.000000e+00> : vector<1000xf32>
    %reduce_sum3A_63 = vector.multi_reduction <add>, %exp3A, %reduce_sum3A [1] : vector<1000x64xf32> to vector<1000xf32>
    %broadcast_in_dim3A_64 = vector.shape_cast %reduce_sum3A_63 : vector<1000xf32> to vector<1000x1xf32>
    %log3A = math.log %broadcast_in_dim3A_64 : vector<1000x1xf32>
    %add3A_65 = arith.addf %log3A, %broadcast_in_dim3A : vector<1000x1xf32>
    %sub3A_66 = vector.broadcast %add3A_65 : vector<1000x1xf32> to vector<1000x64xf32>
    %sub3A_67 = arith.subf %add3A_60, %sub3A_66 : vector<1000x64xf32>
    %swap3A = arith.constant 0 : index
    %swap3A_68 = arith.constant 0 : index
    %swap3A_69 = vector.load %arg8[%swap3A, %swap3A_68] : memref<1000x64xf32, #tpu.memory_space<vmem>>, vector<1000x64xf32>
    tpu.vector_store %arg8[%swap3A, %swap3A_68], %sub3A_67 {strides = array<i32>} : memref<1000x64xf32, #tpu.memory_space<vmem>>, vector<1000x64xf32>,
    return
  }
  func.func @transform_0(%arg0: i32) -> (i32, i32, i32) {
    %c0_i32 = arith.constant 0 : i32
    %c0_i32_0 = arith.constant 0 : i32
    %c0_i32_1 = arith.constant 0 : i32
    return %c0_i32, %arg0, %c0_i32_0 : i32, i32, i32
  }
  func.func @transform_1(%arg0: i32) -> (i32, i32, i32) {
    %c0_i32 = arith.constant 0 : i32
    %c0_i32_0 = arith.constant 0 : i32
    %c0_i32_1 = arith.constant 0 : i32
    return %c0_i32, %arg0, %c0_i32_0 : i32, i32, i32
  }
  func.func @transform_2(%arg0: i32) -> (i32, i32, i32) {
    %c0_i32 = arith.constant 0 : i32
    %c0_i32_0 = arith.constant 0 : i32
    %c0_i32_1 = arith.constant 0 : i32
    return %c0_i32, %arg0, %c0_i32_0 : i32, i32, i32
  }
  func.func @transform_3(%arg0: i32) -> (i32, i32) {
    %c0_i32 = arith.constant 0 : i32
    %c0_i32_0 = arith.constant 0 : i32
    %c0_i32_1 = arith.constant 0 : i32
    return %c0_i32, %c0_i32_0 : i32, i32
  }
  func.func @transform_4(%arg0: i32) -> (i32, i32) {
    %c0_i32 = arith.constant 0 : i32
    %c0_i32_0 = arith.constant 0 : i32
    %c0_i32_1 = arith.constant 0 : i32
    return %c0_i32, %c0_i32_0 : i32, i32
  }
  func.func @transform_5(%arg0: i32) -> (i32, i32) {
    %c0_i32 = arith.constant 0 : i32
    %c0_i32_0 = arith.constant 0 : i32
    %c0_i32_1 = arith.constant 0 : i32
    return %c0_i32, %c0_i32_0 : i32, i32
  }
  func.func @transform_6(%arg0: i32) -> (i32, i32) {
    %c0_i32 = arith.constant 0 : i32
    %c0_i32_0 = arith.constant 0 : i32
    %c0_i32_1 = arith.constant 0 : i32
    return %c0_i32, %c0_i32_0 : i32, i32
  }
  func.func @transform_7(%arg0: i32) -> (i32, i32) {
    %c0_i32 = arith.constant 0 : i32
    %c0_i32_0 = arith.constant 0 : i32
    return %arg0, %c0_i32 : i32, i32
  }
}

module attributes {stable_mosaic.version = 14 : i64} {
  func.func @_tc_layer1_body(%arg0: i32, %arg1: memref<2x1000x128xf32, #tpu.memory_space<vmem>>, %arg2: memref<2x1000x128xf32, #tpu.memory_space<vmem>>, %arg3: memref<1000x128xf32, #tpu.memory_space<vmem>>, %arg4: memref<256x128xf32, #tpu.memory_space<vmem>>, %arg5: memref<1x256xf32, #tpu.memory_space<vmem>>, %arg6: memref<256x128xf32, #tpu.memory_space<vmem>>, %arg7: memref<256x256xf32, #tpu.memory_space<vmem>>, %arg8: memref<64x256xf32, #tpu.memory_space<vmem>>, %arg9: memref<2x1000x128xf32, #tpu.memory_space<vmem>>, %arg10: memref<1000x128xf32, #tpu.memory_space<vmem>>) attributes {dimension_semantics = [#tpu.dimension_semantics<arbitrary>], iteration_bounds = array<i64: 10>, scalar_prefetch = 0 : i64, scratch_operands = 0 : i64, tpu.core_type = #tpu.core_type<tc>, window_params = [{transform_indices = @transform_0, window_bounds = array<i64: 2, 1000, 128>}, {transform_indices = @transform_1, window_bounds = array<i64: 2, 1000, 128>}, {transform_indices = @transform_2, window_bounds = array<i64: 1000, 128>}, {pipeline_mode = #tpu.pipeline_mode<synchronous>, transform_indices = @transform_3, window_bounds = array<i64: 256, 128>}, {pipeline_mode = #tpu.pipeline_mode<synchronous>, transform_indices = @transform_4, window_bounds = array<i64: 1, 256>}, {pipeline_mode = #tpu.pipeline_mode<synchronous>, transform_indices = @transform_5, window_bounds = array<i64: 256, 128>}, {pipeline_mode = #tpu.pipeline_mode<synchronous>, transform_indices = @transform_6, window_bounds = array<i64: 256, 256>}, {pipeline_mode = #tpu.pipeline_mode<synchronous>, transform_indices = @transform_7, window_bounds = array<i64: 64, 256>}, {transform_indices = @transform_8, window_bounds = array<i64: 2, 1000, 128>}, {transform_indices = @transform_9, window_bounds = array<i64: 1000, 128>}]} {
    %get3A = arith.constant 0 : index
    %get3A_0 = arith.constant 0 : index
    %get3A_1 = arith.constant 0 : index
    %get3A_2 = vector.load %arg2[%get3A, %get3A_0, %get3A_1] : memref<2x1000x128xf32, #tpu.memory_space<vmem>>, vector<1x1000x1xf32>
    %get3A_3 = vector.shape_cast %get3A_2 : vector<1x1000x1xf32> to vector<1000x1xf32>
    %get3A_4 = arith.constant 1 : index
    %get3A_5 = arith.constant 0 : index
    %get3A_6 = arith.constant 0 : index
    %get3A_7 = vector.load %arg2[%get3A_4, %get3A_5, %get3A_6] : memref<2x1000x128xf32, #tpu.memory_space<vmem>>, vector<1x1000x1xf32>
    %get3A_8 = vector.shape_cast %get3A_7 : vector<1x1000x1xf32> to vector<1000x1xf32>
    %add3A = arith.addf %get3A_3, %get3A_8 : vector<1000x1xf32>
    %max3A = arith.constant 1.000000e+00 : f32
    %max3A_9 = vector.broadcast %max3A : f32 to vector<1000x1xf32>
    %max3A_10 = arith.maximumf %add3A, %max3A_9 : vector<1000x1xf32>
    %get3A_11 = arith.constant 0 : index
    %get3A_12 = arith.constant 0 : index
    %get3A_13 = arith.constant 0 : index
    %get3A_14 = vector.load %arg1[%get3A_11, %get3A_12, %get3A_13] : memref<2x1000x128xf32, #tpu.memory_space<vmem>>, vector<1x1000x128xf32>
    %get3A_15 = vector.shape_cast %get3A_14 : vector<1x1000x128xf32> to vector<1000x128xf32>
    %get3A_16 = arith.constant 1 : index
    %get3A_17 = arith.constant 0 : index
    %get3A_18 = arith.constant 0 : index
    %get3A_19 = vector.load %arg1[%get3A_16, %get3A_17, %get3A_18] : memref<2x1000x128xf32, #tpu.memory_space<vmem>>, vector<1x1000x128xf32>
    %get3A_20 = vector.shape_cast %get3A_19 : vector<1x1000x128xf32> to vector<1000x128xf32>
    %add3A_21 = arith.addf %get3A_15, %get3A_20 : vector<1000x128xf32>
    %div3A = vector.broadcast %max3A_10 : vector<1000x1xf32> to vector<1000x128xf32>
    %div3A_22 = arith.divf %add3A_21, %div3A : vector<1000x128xf32>
    %get3A_23 = arith.constant 0 : index
    %get3A_24 = arith.constant 0 : index
    %get3A_25 = vector.load %arg4[%get3A_23, %get3A_24] : memref<256x128xf32, #tpu.memory_space<vmem>>, vector<256x128xf32>
    %dot_general3A = arith.constant dense<0.000000e+00> : vector<1000x256xf32>
    %dot_general3A_26 = tpu.matmul %div3A_22, %get3A_25, %dot_general3A {dimension_numbers = #tpu.dot_dimension_numbers<[1], [1], [0], [0], [0, 0, 1, 0], [], []>, transpose_lhs_hint = false} : vector<1000x128xf32>, vector<256x128xf32>, vector<1000x256xf32> -> vector<1000x256xf32>
    %get3A_27 = arith.constant 0 : index
    %get3A_28 = arith.constant 0 : index
    %get3A_29 = vector.load %arg5[%get3A_27, %get3A_28] : memref<1x256xf32, #tpu.memory_space<vmem>>, vector<1x256xf32>
    %add3A_30 = vector.broadcast %get3A_29 : vector<1x256xf32> to vector<1000x256xf32>
    %add3A_31 = arith.addf %dot_general3A_26, %add3A_30 : vector<1000x256xf32>
    %get3A_32 = arith.constant 0 : index
    %get3A_33 = arith.constant 0 : index
    %get3A_34 = vector.load %arg3[%get3A_32, %get3A_33] : memref<1000x128xf32, #tpu.memory_space<vmem>>, vector<1000x128xf32>
    %get3A_35 = arith.constant 0 : index
    %get3A_36 = arith.constant 0 : index
    %get3A_37 = vector.load %arg6[%get3A_35, %get3A_36] : memref<256x128xf32, #tpu.memory_space<vmem>>, vector<256x128xf32>
    %dot_general3A_38 = arith.constant dense<0.000000e+00> : vector<1000x256xf32>
    %dot_general3A_39 = tpu.matmul %get3A_34, %get3A_37, %dot_general3A_38 {dimension_numbers = #tpu.dot_dimension_numbers<[1], [1], [0], [0], [0, 0, 1, 0], [], []>, transpose_lhs_hint = false} : vector<1000x128xf32>, vector<256x128xf32>, vector<1000x256xf32> -> vector<1000x256xf32>
    %add3A_40 = arith.addf %add3A_31, %dot_general3A_39 : vector<1000x256xf32>
    %max3A_41 = arith.constant 0.000000e+00 : f32
    %max3A_42 = vector.broadcast %max3A_41 : f32 to vector<1000x256xf32>
    %max3A_43 = arith.maximumf %add3A_40, %max3A_42 : vector<1000x256xf32>
    %slice3A = vector.extract_strided_slice %max3A_43 {offsets = [0, 0], sizes = [1000, 128], strides = [1, 1]} : vector<1000x256xf32> to vector<1000x128xf32>
    %swap3A = arith.constant 0 : index
    %swap3A_44 = arith.constant 0 : index
    %swap3A_45 = arith.constant 0 : index
    %swap3A_46 = vector.load %arg9[%swap3A, %swap3A_44, %swap3A_45] : memref<2x1000x128xf32, #tpu.memory_space<vmem>>, vector<1x1000x128xf32>
    %swap3A_47 = vector.shape_cast %swap3A_46 : vector<1x1000x128xf32> to vector<1000x128xf32>
    %swap3A_48 = vector.shape_cast %slice3A : vector<1000x128xf32> to vector<1x1000x128xf32>
    tpu.vector_store %arg9[%swap3A, %swap3A_44, %swap3A_45], %swap3A_48 {strides = array<i32>} : memref<2x1000x128xf32, #tpu.memory_space<vmem>>, vector<1x1000x128xf32>,
    %slice3A_49 = vector.extract_strided_slice %max3A_43 {offsets = [0, 128], sizes = [1000, 128], strides = [1, 1]} : vector<1000x256xf32> to vector<1000x128xf32>
    %swap3A_50 = arith.constant 1 : index
    %swap3A_51 = arith.constant 0 : index
    %swap3A_52 = arith.constant 0 : index
    %swap3A_53 = vector.load %arg9[%swap3A_50, %swap3A_51, %swap3A_52] : memref<2x1000x128xf32, #tpu.memory_space<vmem>>, vector<1x1000x128xf32>
    %swap3A_54 = vector.shape_cast %swap3A_53 : vector<1x1000x128xf32> to vector<1000x128xf32>
    %swap3A_55 = vector.shape_cast %slice3A_49 : vector<1000x128xf32> to vector<1x1000x128xf32>
    tpu.vector_store %arg9[%swap3A_50, %swap3A_51, %swap3A_52], %swap3A_55 {strides = array<i32>} : memref<2x1000x128xf32, #tpu.memory_space<vmem>>, vector<1x1000x128xf32>,
    %get3A_56 = arith.constant 0 : index
    %get3A_57 = arith.constant 0 : index
    %get3A_58 = vector.load %arg8[%get3A_56, %get3A_57] : memref<64x256xf32, #tpu.memory_space<vmem>>, vector<64x256xf32>
    %get3A_59 = arith.constant 0 : index
    %get3A_60 = arith.constant 0 : index
    %get3A_61 = vector.load %arg7[%get3A_59, %get3A_60] : memref<256x256xf32, #tpu.memory_space<vmem>>, vector<256x256xf32>
    %dot_general3A_62 = arith.constant dense<0.000000e+00> : vector<64x256xf32>
    %dot_general3A_63 = tpu.matmul %get3A_58, %get3A_61, %dot_general3A_62 {dimension_numbers = #tpu.dot_dimension_numbers<[1], [0], [0], [1], [0, 0, 1, 1], [], []>, transpose_lhs_hint = false} : vector<64x256xf32>, vector<256x256xf32>, vector<64x256xf32> -> vector<64x256xf32>
    %dot_general3A_64 = arith.constant dense<0.000000e+00> : vector<1000x64xf32>
    %dot_general3A_65 = tpu.matmul %max3A_43, %dot_general3A_63, %dot_general3A_64 {dimension_numbers = #tpu.dot_dimension_numbers<[1], [1], [0], [0], [0, 0, 1, 0], [], []>, transpose_lhs_hint = false} : vector<1000x256xf32>, vector<64x256xf32>, vector<1000x64xf32> -> vector<1000x64xf32>
    %broadcast_in_dim3A = arith.constant 0.000000e+00 : f32
    %broadcast_in_dim3A_66 = vector.broadcast %broadcast_in_dim3A : f32 to vector<1000x64xf32>
    %concatenate3A = tpu.concatenate %dot_general3A_65, %broadcast_in_dim3A_66 in 1 : vector<1000x64xf32>, vector<1000x64xf32> -> vector<1000x128xf32>
    %swap3A_67 = arith.constant 0 : index
    %swap3A_68 = arith.constant 0 : index
    %swap3A_69 = vector.load %arg10[%swap3A_67, %swap3A_68] : memref<1000x128xf32, #tpu.memory_space<vmem>>, vector<1000x128xf32>
    tpu.vector_store %arg10[%swap3A_67, %swap3A_68], %concatenate3A {strides = array<i32>} : memref<1000x128xf32, #tpu.memory_space<vmem>>, vector<1000x128xf32>,
    return
  }
  func.func @transform_0(%arg0: i32) -> (i32, i32, i32) {
    %c0_i32 = arith.constant 0 : i32
    %c0_i32_0 = arith.constant 0 : i32
    %c0_i32_1 = arith.constant 0 : i32
    return %c0_i32, %arg0, %c0_i32_0 : i32, i32, i32
  }
  func.func @transform_1(%arg0: i32) -> (i32, i32, i32) {
    %c0_i32 = arith.constant 0 : i32
    %c0_i32_0 = arith.constant 0 : i32
    %c0_i32_1 = arith.constant 0 : i32
    return %c0_i32, %arg0, %c0_i32_0 : i32, i32, i32
  }
  func.func @transform_2(%arg0: i32) -> (i32, i32) {
    %c0_i32 = arith.constant 0 : i32
    %c0_i32_0 = arith.constant 0 : i32
    return %arg0, %c0_i32 : i32, i32
  }
  func.func @transform_3(%arg0: i32) -> (i32, i32) {
    %c0_i32 = arith.constant 0 : i32
    %c0_i32_0 = arith.constant 0 : i32
    %c0_i32_1 = arith.constant 0 : i32
    return %c0_i32, %c0_i32_0 : i32, i32
  }
  func.func @transform_4(%arg0: i32) -> (i32, i32) {
    %c0_i32 = arith.constant 0 : i32
    %c0_i32_0 = arith.constant 0 : i32
    %c0_i32_1 = arith.constant 0 : i32
    return %c0_i32, %c0_i32_0 : i32, i32
  }
  func.func @transform_5(%arg0: i32) -> (i32, i32) {
    %c0_i32 = arith.constant 0 : i32
    %c0_i32_0 = arith.constant 0 : i32
    %c0_i32_1 = arith.constant 0 : i32
    return %c0_i32, %c0_i32_0 : i32, i32
  }
  func.func @transform_6(%arg0: i32) -> (i32, i32) {
    %c0_i32 = arith.constant 0 : i32
    %c0_i32_0 = arith.constant 0 : i32
    %c0_i32_1 = arith.constant 0 : i32
    return %c0_i32, %c0_i32_0 : i32, i32
  }
  func.func @transform_7(%arg0: i32) -> (i32, i32) {
    %c0_i32 = arith.constant 0 : i32
    %c0_i32_0 = arith.constant 0 : i32
    %c0_i32_1 = arith.constant 0 : i32
    return %c0_i32, %c0_i32_0 : i32, i32
  }
  func.func @transform_8(%arg0: i32) -> (i32, i32, i32) {
    %c0_i32 = arith.constant 0 : i32
    %c0_i32_0 = arith.constant 0 : i32
    %c0_i32_1 = arith.constant 0 : i32
    return %c0_i32, %arg0, %c0_i32_0 : i32, i32, i32
  }
  func.func @transform_9(%arg0: i32) -> (i32, i32) {
    %c0_i32 = arith.constant 0 : i32
    %c0_i32_0 = arith.constant 0 : i32
    return %arg0, %c0_i32 : i32, i32
  }
}

</mosaic_0001>

<sc_bundles>
// kernel: kernel.6.cloned.1.call-start
scs
__scs_entry_jumppad:
0x0: {  	(pc) =	sbr.rel $0x88, $3  }
0x1: {  	(tag) =	ssettag $0x0;
	lr =	simm.s32 $0x1  }
0x2: {  	[smem:$0x3F97] =	sst lr;
	_ =	strace $0xD0000000  }
0x3: {  	_ = 	snop  }
0x4: {  	_ = 	snop  }
0x5: {  	_ = 	snop  }
0x6: {  	_ = 	snop  }
0x7: {  	_ = 	snop  }
__scs_overlays_trampoline_lowered:
0x8: {  	[smem:$0x3FA6] =	sst s0  }
0x9: {  	[smem:$0x3FA7] =	sst s1  }
0xa: {  	[smem:$0x3FA8] =	sst s2  }
0xb: {  	[smem:$0x3FA9] =	sst s3  }
0xc: {  	[smem:$0x3FAA] =	sst s4  }
0xd: {  	[smem:$0x3FAB] =	sst s5  }
0xe: {  	[smem:$0x3FAC] =	sst s6  }
0xf: {  	[smem:$0x3FAD] =	sst s7  }
0x10: {  	[smem:$0x3FAE] =	sst s8  }
0x11: {  	[smem:$0x3FAF] =	sst s9;
	s0 =	simm.s32 @!p0 $0x0  }
0x12: {  	s1 =	sld [smem:$0x3F95];
	s0 =	simm.s32 @p0 $0x1  }
0x13: {  	[smem:$0x3FB0] =	sst s0;
	s0 =	simm.s32 @!p1 $0x0  }
0x14: {  	s2 =	sld [smem:$0x3F94];
	s0 =	simm.s32 @p1 $0x1  }
0x15: {  	[smem:$0x3FB1] =	sst s0;
	s0 =	simm.s32 @!p2 $0x0  }
0x16: {  	s3 =	sld [smem:$0x3FDB];
	s0 =	simm.s32 @p2 $0x1  }
0x17: {  	s4 =	simm.s32 $0x1BF5;
	[smem:$0x3FB3] =	sst s0  }
0x18: {  	s0 =	sld [smem:$0x3F96];
	_ =	swait.ge [sflag:s4], $0x0  }
0x19: {  	s7 =	sld [smem:$0x3F97]  }
0x1a: {  	s8 =	sadd.s32 $0xFFFFE003, lr  }
0x1b: {  	s9 =	sadd.s32 $0xFFFFFEF7, lr;
	s5 =	simm.s32 $0xFFFFFFFF;
	p2 =	slt.u32 s8, $0xFFFFF086  }
0x1c: {  	p1 =	slt.u32 s9, $0xF7A;
	s5 =	simm.s32 @!p2 $0x0  }
0x1d: {  	s5 =	simm.s32 @p1 $0x1;
	p0 =	seq.s32 s7, s2  }
0x1e: {  	s7 =	smul.u32 @!p0 $0xF7A, s2;
	p2 =	seq.s32 @!p0 s5, $0x0  }
0x1f: {  	s9 =	smul.u32 $0xF7A, s1;
	s8 =	simm.s32 @!p0 $0x1BF5;
	p2 =	por !p2, p0  }
0x20: {  	[sflag:s8] =	ssyncset.s32 @!p0 $0xFFFFF086;
	s6 =	sadd.s32 @!p0 s3, s7;
	s7 =	simm.s32 @!p0 $0x108  }
0x21: {  	s3 =	sadd.s32 s3, s9;
	s6 =	sadd.s32 @!p0 $0x88, s6;
	s7 =	simm.s32 @p2 $0x1082  }
0x22: {  	[simem:s7], [sflag:s8] =	dma.local @!p0 [hbm:s6], $0xF7A  }
0x23: {  	s9 =	sor.u32 $0xD0000000, s2;
	s6 =	simm.s32 $0x108;
	_ =	swait.ge @!p0 [sflag:s8], $0x0  }
0x24: {  	s3 =	sadd.s32 $0x88, s3;
	s6 =	simm.s32 @!p1 $0x1082;
	[sflag:s4] =	ssyncset.s32 $0xFFFFF086  }
0x25: {  	[simem:s6], [sflag:s4] =	dma.local [hbm:s3], $0xF7A  }
0x26: {  	[smem:$0x3F97] =	sst s1;
	(tag) =	ssettag s2;
	_ =	strace s9  }
0x27: {  	s1 =	sld [smem:$0x3FA7]  }
0x28: {  	s2 =	sld [smem:$0x3FA8]  }
0x29: {  	s4 =	sld [smem:$0x3FAA]  }
0x2a: {  	p0 =	seq.s32 s5, $0x0;
	s5 =	sld [smem:$0x3FAB]  }
0x2b: {  	s6 =	sld [smem:$0x3FAC]  }
0x2c: {  	s7 =	sld [smem:$0x3FAD]  }
0x2d: {  	s3 =	simm.s32 $0x108;
	s8 =	sld [smem:$0x3FAE]  }
0x2e: {  	s3 =	simm.s32 @!p0 $0x1082;
	s9 =	sld [smem:$0x3FAF]  }
0x2f: {  	lr =	sadd.s32 s0, s3;
	s0 =	sld [smem:$0x3FA6]  }
0x30: {  	s3 =	sld [smem:$0x3FA9]  }
0x31: {  	[smem:$0x3FB2] =	sst s10  }
0x32: {  	s10 =	sld [smem:$0x3FB0];
	_ =	sdelay $0x3  }
0x33: {  	p0 =	seq.s32 s10, $0x1;
	s10 =	sld [smem:$0x3FB2];
	_ =	sdelay $0x3  }
0x34: {  	[smem:$0x3FB2] =	sst s10  }
0x35: {  	s10 =	sld [smem:$0x3FB1];
	_ =	sdelay $0x3  }
0x36: {  	p1 =	seq.s32 s10, $0x1;
	s10 =	sld [smem:$0x3FB2];
	_ =	sdelay $0x3  }
0x37: {  	[smem:$0x3FB2] =	sst s10  }
0x38: {  	s10 =	sld [smem:$0x3FB3]  }
0x39: {  	_ = 	snop;
	(pc) =	sbr.ind lr, $3  }
0x3a: {  	_ = 	snop  }
0x3b: {  	_ = 	snop  }
0x3c: {  	p2 =	seq.s32 s10, $0x1;
	s10 =	sld [smem:$0x3FB2]  }
0x3d: {  	_ =	shalt  }
0x3e: {  	_ =	shalt  }
0x3f: {  	_ =	shalt  }
0x40: {  	_ =	shalt  }
0x41: {  	_ =	shalt  }
0x42: {  	_ =	shalt  }
0x43: {  	_ =	shalt  }
0x44: {  	_ =	shalt  }
0x45: {  	_ =	shalt  }
0x46: {  	_ =	shalt  }
0x47: {  	_ =	shalt  }
0x48: {  	_ =	shalt  }
0x49: {  	_ =	shalt  }
0x4a: {  	_ =	shalt  }
0x4b: {  	_ =	shalt  }
0x4c: {  	_ =	shalt  }
0x4d: {  	_ =	shalt  }
0x4e: {  	_ =	shalt  }
0x4f: {  	_ =	shalt  }
0x50: {  	_ =	shalt  }
0x51: {  	_ =	shalt  }
0x52: {  	_ =	shalt  }
0x53: {  	_ =	shalt  }
0x54: {  	_ =	shalt  }
0x55: {  	_ =	shalt  }
0x56: {  	_ =	shalt  }
0x57: {  	_ =	shalt  }
0x58: {  	_ =	shalt  }
0x59: {  	_ =	shalt  }
0x5a: {  	_ =	shalt  }
0x5b: {  	_ =	shalt  }
0x5c: {  	_ =	shalt  }
0x5d: {  	_ =	shalt  }
0x5e: {  	_ =	shalt  }
0x5f: {  	_ =	shalt  }
0x60: {  	_ =	shalt  }
0x61: {  	_ =	shalt  }
0x62: {  	_ =	shalt  }
0x63: {  	_ =	shalt  }
0x64: {  	_ =	shalt  }
0x65: {  	_ =	shalt  }
0x66: {  	_ =	shalt  }
0x67: {  	_ =	shalt  }
0x68: {  	_ =	shalt  }
0x69: {  	_ =	shalt  }
0x6a: {  	_ =	shalt  }
0x6b: {  	_ =	shalt  }
0x6c: {  	_ =	shalt  }
0x6d: {  	_ =	shalt  }
0x6e: {  	_ =	shalt  }
0x6f: {  	_ =	shalt  }
0x70: {  	_ =	shalt  }
0x71: {  	_ =	shalt  }
0x72: {  	_ =	shalt  }
0x73: {  	_ =	shalt  }
0x74: {  	_ =	shalt  }
0x75: {  	_ =	shalt  }
0x76: {  	_ =	shalt  }
0x77: {  	_ =	shalt  }
0x78: {  	_ =	shalt  }
0x79: {  	_ =	shalt  }
0x7a: {  	_ =	shalt  }
0x7b: {  	_ =	shalt  }
0x7c: {  	_ =	shalt  }
0x7d: {  	_ =	shalt  }
0x7e: {  	_ =	shalt  }
0x7f: {  	_ =	shalt  }
0x80: {  	_ =	shalt  }
0x81: {  	_ =	shalt  }
0x82: {  	_ =	shalt  }
0x83: {  	_ =	shalt  }
0x84: {  	_ =	shalt  }
0x85: {  	_ =	shalt  }
0x86: {  	_ =	shalt  }
0x87: {  	_ =	shalt  }
.Lfunc_end0:
.L_simem_size_0:
called_computation_lowered:
.L_overlay_start_0:
0x88: {  	s2 =	sld [smem:$0x3FD9]  }
0x89: {  	s3 =	sld [smem:$0x3FFE];
	_ =	sdelay $0x1  }
0x8a: {  	s1 =	srdreg.scid  }
0x8b: {  	s0 =	sand.u32 $0x1, s1  }
0x8c: {  	s14 =	sshll.u32 s0, $0xA;
	s2 =	sadd.s32 s3, s2  }
0x8d: {  	s2 =	sadd.s32 s2, s14  }
0x8e: {  	[smem:$0x3FBE] =	sst s2  }
0x8f: {  	_ = 	snop  }
0x90: {  	s2 =	sld [smem:$0x3FD0];
	_ =	sdelay $0x2  }
0x91: {  	s4 =	simm.s32 $0xA;
	s5 =	simm.s32 $0x10;
	s15 =	sld [smem:$0x3FC9]  }
0x92: {  	[smem:s5], [sflag:s4] =	dma.local [hbm:s2], $0x1  }
0x93: {  	_ =	swait.eq [sflag:s4], $0x1  }
0x94: {  	[sflag:s4] =	ssyncset.done $0x0  }
0x95: {  	s16 =	sld [smem:$0x10];
	[sflag:s4] =	ssyncadd.s32 $0xFFFFFFFF  }
0x96: {  	s17 =	sld [smem:$0x11];
	(tm) =	ssettm $0x1  }
0x97: {  	s18 =	sld [smem:$0x3FFB];
	_ =	sdelay $0x3  }
0x98: {  	_ =	strace s18  }
0x99: {  	s5 =	sld [smem:$0x3FFC];
	_ =	sdelay $0x3  }
0x9a: {  	_ =	strace s5  }
0x9b: {  	s5 =	sld [smem:$0x3FFD];
	_ =	sdelay $0x3  }
0x9c: {  	_ =	strace s5  }
0x9d: {  	_ =	strace $0x8FFFFFFF  }
0x9e: {  	s19 =	sld [smem:$0x3FDB];
	_ =	sdelay $0x1  }
0x9f: {  	s6 =	simm.s32 $_scs_section_size  }
0xa0: {  	s7 =	simm.s32 $_size__tile_overlayer_lowered;
	s8 =	simm.s32 $_tile_overlayer_lowered  }
0xa1: {  	s22 =	simm.s32 $0x1BFF;
	s21 =	sshll.u32 s8, $0x1;
	s5 =	sadd.s32 s6, s19  }
0xa2: {  	s9 =	simm.s32 $0x0;
	s20 =	sshll.u32 s7, $0x1;
	s7 =	sadd.s32 s21, s5  }
0xa3: {  	[timem:s9], [sflag:s22] =	dma.local [hbm:s7], s20  }
0xa4: {  	_ =	swait.ge [sflag:s22], s20  }
0xa5: {  	s6 =	ssub.s32 $0x0, s20;
	[sflag:s22] =	ssyncset.done $0x0  }
0xa6: {  	[sflag:s22] =	ssyncadd.s32 s6;
	_ =	sdelay $0x1  }
0xa7: {  	s23 =	simm.s32 $0x1B8B  }
0xa8: {  	_ =	swait.ge [sflag:s23], $0x1  }
0xa9: {  	[sflag:s23] =	ssyncset.done $0x0  }
0xaa: {  	s25 =	simm.s32 $0x1B8E;
	s24 =	sld [smem:$0x3FFE];
	[sflag:s23] =	ssyncadd.s32 $0xFFFFFFFF  }
0xab: {  	s26 =	simm.s32 $execute0_lowered;
	[smem:$0x3FD2] =	sst s25  }
0xac: {  	s7 =	sshll.u32 s26, $0x1;
	_ =	strace $0x80000046;
	[dreg:$0x1] =	wrdreg $0xFFFFFFFF  }
0xad: {  	s28 =	simm.s32 $_size_execute0_lowered;
	s5 =	sadd.s32 s5, s7;
	[dreg:$0x0] =	wrdreg $0x0  }
0xae: {  	s7 =	sshll.u32 s28, $0x1;
	[dreg:$0x2] =	wrdreg s5  }
0xaf: {  	[dreg:$0x3] =	wrdreg s7  }
0xb0: {  	[dreg:$0x4] =	wrdreg $0xC0  }
0xb1: {  	_ =	task [dreg:s9], $0x5FFFF  }
0xb2: {  	[dreg:$0x1] =	wrdreg $0xFFFFFFFF  }
0xb3: {  	[dreg:$0x0] =	wrdreg $0x60  }
0xb4: {  	[dreg:$0x2] =	wrdreg s16  }
0xb5: {  	[dreg:$0x3] =	wrdreg s17  }
0xb6: {  	[dreg:$0x4] =	wrdreg s15  }
0xb7: {  	[dreg:$0x5] =	wrdreg s24  }
0xb8: {  	[dreg:$0x6] =	wrdreg $0x7B000  }
0xb9: {  	[dreg:$0x7] =	wrdreg $0x9  }
0xba: {  	_ =	task.clear_ibuf [dreg:s9], $0x8FFFF;
	_ =	strace $0x90000046  }
0xbb: {  	s29 =	simm.s32 $0x9;
	_ =	strace $0x80000048  }
0xbc: {  	_ =	swait.ge [sflag:s29], $0x1  }
0xbd: {  	[sflag:s29] =	ssyncadd.s32 $0xFFFFFFFF  }
0xbe: {  	_ =	strace $0x90000048  }
0xbf: {  	_ =	sfence  }
0xc0: {  	s30 =	sld [smem:$0x0];
	_ =	sdelay $0x2  }
0xc1: {  	s31 =	sshll.u32 s1, $0xD;
	s1 =	sshrl.u32 s1, $0x2  }
0xc2: {  	s3 =	sand.u32 $0x4000, s31;
	s1 =	sadd.s32 s1, s30  }
0xc3: {  	s0 =	sor.u32 s3, s0;
	s1 =	sshll.u32 s1, $0x11  }
0xc4: {  	s0 =	sor.u32 s1, s0  }
0xc5: {  	s0 =	sadd.s32 $0x8F2B, s0  }
0xc6: {  	[sflag:s0] =	ssyncadd.remote.s32 $0x1  }
0xc7: {  	_ =	sfence.sel $0xFFFF  }
0xc8: {  	[dreg:$0x0] =	wrdreg $0xFFFFFFFF;
	(pc) =	sbr.abs _section_cstart, $3  }
0xc9: {  	[dreg:$0x1] =	wrdreg $0xFFFFFFFF  }
0xca: {  	_ =	task.clear_ibuf [dreg:s9], $0x2FFFF;
	_ =	strace $0x9FFFFFFF  }
0xcb: {  	(tm) =	ssettm $0x7FFFFFFF  }
tec
execute0_lowered:
.L_overlay_start_1:
0x0: {  	(tag) =	ssettag $0x1  }
0x1: {  	s1 =	srdreg.scid;
	s23 =	stileid.u32  }
0x2: {  	s2 =	sand.u32 $0x1, s1;
	s5 =	sshll.u32 s23, $0x3;
	s13 =	smul.u32 $0x14000, s23  }
0x3: {  	s3 =	rddreg [dreg:$0x3];
	s10 =	sor.u32 $0x1, s5;
	s12 =	smul.u32 $0x138800, s2  }
0x4: {  	s8 =	sadd.s32 $0x2600, s3;
	s11 =	sor.u32 $0x2, s5;
	s14 =	smul.u32 $0x2800, s10  }
0x5: {  	s9 =	sadd.s32 $0x50800, s3;
	s7 =	sor.u32 $0x3, s5;
	s15 =	smul.u32 $0x2800, s11  }
0x6: {  	s6 =	sshllo.u32 s23, $0x3;
	s3 =	sor.u32 $0x4, s5;
	s16 =	smul.u32 $0x2800, s7  }
0x7: {  	s0 =	simm.s32 $0x0;
	s6 =	smin.u32 s6, $0x7C;
	s22 =	smul.u32 $0x2800, s3  }
0x8: {  	s28 =	simm.s32 $0x9;
	s29 =	simm.s32 $0x0;
	s20 =	smul.u32 $0x2800, s6  }
0x9: {  	[smem:$0x7FF] =	sst s0;
	s1 =	ssub.s32 $0x2, s2;
	s7 =	smul.u32 $0xA000, s7  }
0xa: {  	s21 =	sor.u32 $0x5, s5;
	s5 =	sor.u32 $0x6, s5;
	s3 =	smul.u32 $0xA000, s3  }
0xb: {  	s4 =	sshrl.u32 s1, $0x1;
	s5 =	smin.u32 s5, $0x7C;
	s6 =	smul.u32 $0xA000, s6  }
0xc: {  	s1 =	ssub.s32 s1, s4;
	s13 =	sadd.s32 s13, s12;
	s19 =	smul.u32 $0x2800, s5  }
0xd: {  	s4 =	smin.u32 s21, $0x7C;
	s5 =	smul.u32 $0xA000, s5;
	s13 =	sshrl.u32 s13, $0x3  }
0xe: {  	s14 =	sadd.s32 s12, s14;
	s15 =	sadd.s32 s12, s15;
	s24 =	smul.u32 $0x2800, s4  }
0xf: {  	s16 =	sadd.s32 s12, s16;
	s4 =	smul.u32 $0xA000, s4;
	s7 =	sshrl.u32 s7, $0x2  }
0x10: {  	s3 =	sshrl.u32 s3, $0x2;
	s1 =	smax.u32 s1, $0x1;
	s17 =	sadd.s32 s8, s13  }
0x11: {  	s14 =	sshrl.u32 s14, $0x3;
	s13 =	sadd.s32 s9, s13;
	[dreg:$0x6] =	wrdreg s17  }
0x12: {  	s15 =	sshrl.u32 s15, $0x3;
	s18 =	sadd.s32 s8, s14;
	[dreg:$0xe] =	wrdreg s13  }
0x13: {  	s16 =	sshrl.u32 s16, $0x3;
	s21 =	sadd.s32 s8, s15;
	[dreg:$0x7] =	wrdreg s18  }
0x14: {  	s19 =	sadd.s32 s12, s19;
	s25 =	sadd.s32 s8, s16;
	[dreg:$0x8] =	wrdreg s21  }
0x15: {  	s17 =	sadd.s32 s12, s22;
	s14 =	sadd.s32 s9, s14;
	[dreg:$0x9] =	wrdreg s25  }
0x16: {  	s19 =	sshrl.u32 s19, $0x3;
	s15 =	sadd.s32 s9, s15;
	[dreg:$0xf] =	wrdreg s14  }
0x17: {  	s16 =	sadd.s32 s9, s16;
	s4 =	sshrl.u32 s4, $0x2;
	[dreg:$0x10] =	wrdreg s15  }
0x18: {  	s17 =	sshrl.u32 s17, $0x3;
	s18 =	sadd.s32 s12, s24;
	[dreg:$0x11] =	wrdreg s16  }
0x19: {  	s12 =	sadd.s32 s12, s20;
	s14 =	rddreg [dreg:$0x0];
	s20 =	smul.u32 $0x27100, s2  }
0x1a: {  	s31 =	sadd.s32 s8, s19;
	s16 =	rddreg [dreg:$0x1];
	s24 =	smul.u32 $0x2710, s23  }
0x1b: {  	s22 =	sadd.s32 s9, s19;
	s25 =	smul.u32 $0xA000, s10;
	s21 =	rddreg [dreg:$0x2]  }
0x1c: {  	s2 =	sshll.u32 s2, $0x4;
	s10 =	sshrl.u32 s5, $0x2;
	[dreg:$0xc] =	wrdreg s31  }
0x1d: {  	s5 =	simm.s32 $0x2B00;
	s26 =	sadd.s32 s8, s17;
	[dreg:$0x14] =	wrdreg s22  }
0x1e: {  	s18 =	sshrl.u32 s18, $0x3;
	s12 =	sshrl.u32 s12, $0x3;
	s22 =	rddreg [dreg:$0x4]  }
0x1f: {  	s17 =	sadd.s32 s9, s17;
	s2 =	sor.u32 s23, s2;
	[dreg:$0xa] =	wrdreg s26  }
0x20: {  	s30 =	sadd.s32 s8, s18;
	s8 =	sadd.s32 s8, s12;
	[dreg:$0x12] =	wrdreg s17  }
0x21: {  	s18 =	sadd.s32 s9, s18;
	s9 =	sadd.s32 s9, s12;
	[dreg:$0xb] =	wrdreg s30  }
0x22: {  	s26 =	smul.u32 $0xA000, s11;
	s7 =	sadd.s32 s7, s22;
	[dreg:$0xd] =	wrdreg s8  }
0x23: {  	s2 =	smul.u32 $0x2710, s2;
	s3 =	sadd.s32 s3, s22;
	[dreg:$0x13] =	wrdreg s18  }
0x24: {  	[dreg:$0x15] =	wrdreg s9;
	s8 =	sadd.s32 s24, s20;
	s30 =	smul.u32 $0x50000, s23  }
0x25: {  	s9 =	sshrl.u32 s25, $0x2;
	_ =	strace $0x80000047;
	[dreg:$0x19] =	wrdreg s7  }
0x26: {  	s9 =	sadd.s32 s9, s22;
	s31 =	sshrl.u32 s26, $0x2;
	[dreg:$0x1a] =	wrdreg s3  }
0x27: {  	s3 =	sadd.s32 s10, s22;
	s2 =	sshrl.u32 s2, $0x3;
	[smem:$0x7FC] =	sst s1  }
0x28: {  	s26 =	sadd.s32 $0x230, s8;
	s10 =	simm.s32 $0x50;
	s1 =	simm.s32 $0x100  }
0x29: {  	s7 =	simm.s32 $0x5;
	s11 =	sshrl.u32 s30, $0x2;
	[dreg:$0x17] =	wrdreg s9  }
0x2a: {  	s9 =	sadd.s32 s31, s22;
	[dreg:$0x1c] =	wrdreg s3;
	s12 =	sadd.s32 $0xA, s2  }
0x2b: {  	s13 =	sadd.s32 $0x14, s2;
	s19 =	sadd.s32 s14, s2;
	[dreg:$0x18] =	wrdreg s9  }
0x2c: {  	s20 =	sadd.s32 $0x1E, s2;
	s23 =	sadd.s32 s16, s2;
	[smem:$0x7F6] =	sst s19  }
0x2d: {  	s2 =	sadd.s32 $0x28, s2;
	s11 =	sadd.s32 s11, s22;
	[smem:$0x7F7] =	sst s23  }
0x2e: {  	s30 =	sadd.s32 $0x1E0, s8;
	s9 =	sadd.s32 s4, s22;
	[dreg:$0x16] =	wrdreg s11  }
0x2f: {  	s31 =	sadd.s32 $0x190, s8;
	s15 =	sadd.s32 s14, s12;
	[dreg:$0x1b] =	wrdreg s9  }
0x30: {  	s8 =	simm.s32 $0x1;
	s17 =	sadd.s32 s14, s13;
	[dreg:$0x1e] =	wrdreg s15  }
0x31: {  	s18 =	sadd.s32 s16, s13;
	s24 =	sadd.s32 s14, s20;
	[smem:$0x7F4] =	sst s17  }
0x32: {  	s25 =	sadd.s32 s14, s2;
	s2 =	sadd.s32 s16, s2;
	[smem:$0x7F5] =	sst s18  }
0x33: {  	s13 =	sshrl.u32 s31, $0x3;
	s19 =	simm.s32 $0x300;
	[smem:$0x7F8] =	sst s24  }
0x34: {  	s4 =	simm.s32 $0x80;
	s23 =	simm.s32 $0x3;
	[smem:$0x7FA] =	sst s25  }
0x35: {  	s11 =	sshrl.u32 s6, $0x2;
	[smem:$0x7FB] =	sst s2;
	s17 =	sadd.s32 s13, s16  }
0x36: {  	s2 =	simm.s32 $0x180;
	s6 =	simm.s32 $0x200;
	s18 =	simm.s32 $0x280  }
0x37: {  	s9 =	simm.s32 $0x7;
	s24 =	simm.s32 $0x5300;
	s25 =	simm.s32 $0x6  }
0x38: {  	s3 =	sadd.s32 s11, s22;
	s11 =	sshrl.u32 s26, $0x3;
	s26 =	simm.s32 $0x8  }
0x39: {  	[dreg:$0x1d] =	wrdreg s3;
	s3 =	sadd.s32 s16, s12;
	s12 =	sshrl.u32 s30, $0x3  }
0x3a: {  	s31 =	sadd.s32 s11, s16;
	[dreg:$0x1f] =	wrdreg s3;
	s3 =	sadd.s32 s16, s20  }
0x3b: {  	s15 =	sadd.s32 s12, s16;
	s20 =	simm.s32 $0xA;
	[smem:$0x7FD] =	sst s31  }
0x3c: {  	v0 =	vimm.f32 $0.0e+00;
	v1 =	vimm.f32 $1.000000000e+00;
	s16 =	simm.s32 $0x4;
	[smem:$0x7F9] =	sst s3;
	s3 =	simm.s32 $0x2  }
.LBB2_1:
0x3d: {  	s14 =	sand.u32 $0xFE00, s0  }
0x3e: {  	[smem:$0x7F3] =	sst s29;
	s30 =	sand.u32 $0x70, s0;
	s14 =	sshrl.u32 s14, $0x2  }
0x3f: {  	s29 =	simm.s32 $0x40;
	s14 =	sor.u32 s30, s14;
	s30 =	simm.s32 $0x0  }
.LBB2_2:
0x40: {  	p0 =	sne.s32 s29, $0x9FC0  }
0x41: {  	[tilespmem:s14+$0x300] =	vst v0;
	s30 =	sadd.s32 $0x10, s30;
	s14 =	smov.u32 s29;
	s29 =	sadd.s32 $0x40, s29  }
.Ltmp0:
0x42: {  	(pc) =	sbr.rel @p0 .LBB2_2-.Ltmp0, $4  }
0x43: {  	_ = 	snop  }
0x44: {  	s14 =	sand.u32 $0xFE00, s14  }
0x45: {  	s31 =	sand.u32 $0x70, s30;
	s14 =	sshrl.u32 s14, $0x2  }
0x46: {  	s14 =	sor.u32 s31, s14  }
0x47: {  	[tilespmem:s14+$0x300] =	vst v0;
	s14 =	rddreg [dreg:$0x16]  }
0x48: {  	[spmem:s14] =	stream.linear.scatter [tilespmem:s19], [sflag:$0xA], $0x2800, $0x38;
	[tilespmem:$0x1B380] =	vst v63  }
0x49: {  	s14 =	rddreg [dreg:$0x17]  }
0x4a: {  	[spmem:s14] =	stream.linear.scatter [tilespmem:s19], [sflag:$0xA], $0x2800, $0x38;
	[tilespmem:$0x1B380] =	vst v63  }
0x4b: {  	s14 =	rddreg [dreg:$0x18]  }
0x4c: {  	[spmem:s14] =	stream.linear.scatter [tilespmem:s19], [sflag:$0xA], $0x2800, $0x38;
	[tilespmem:$0x1B380] =	vst v63  }
0x4d: {  	s14 =	rddreg [dreg:$0x19]  }
0x4e: {  	[spmem:s14] =	stream.linear.scatter [tilespmem:s19], [sflag:$0xA], $0x2800, $0x38;
	[tilespmem:$0x1B380] =	vst v63  }
0x4f: {  	s14 =	rddreg [dreg:$0x1a]  }
0x50: {  	[spmem:s14] =	stream.linear.scatter [tilespmem:s19], [sflag:$0xA], $0x2800, $0x38;
	[tilespmem:$0x1B380] =	vst v63  }
0x51: {  	s14 =	rddreg [dreg:$0x1b]  }
0x52: {  	[spmem:s14] =	stream.linear.scatter [tilespmem:s19], [sflag:$0xA], $0x2800, $0x38;
	[tilespmem:$0x1B380] =	vst v63  }
0x53: {  	s14 =	rddreg [dreg:$0x1c]  }
0x54: {  	[spmem:s14] =	stream.linear.scatter [tilespmem:s19], [sflag:$0xA], $0x2800, $0x38;
	[tilespmem:$0x1B380] =	vst v63  }
0x55: {  	s14 =	rddreg [dreg:$0x1d]  }
0x56: {  	[spmem:s14] =	stream.linear.scatter [tilespmem:s19], [sflag:$0xA], $0x2800, $0x38;
	[tilespmem:$0x1B380] =	vst v63  }
0x57: {  	_ =	swait.ge [sflag:s20], $0x2800  }
0x58: {  	[sflag:s20] =	ssyncset.done $0x0  }
0x59: {  	[sflag:s20] =	ssyncadd.s32 $0xFFFFD800  }
0x5a: {  	_ =	swait.ge [sflag:s20], $0x2800  }
0x5b: {  	[sflag:s20] =	ssyncset.done $0x0  }
0x5c: {  	[sflag:s20] =	ssyncadd.s32 $0xFFFFD800  }
0x5d: {  	_ =	swait.ge [sflag:s20], $0x2800  }
0x5e: {  	[sflag:s20] =	ssyncset.done $0x0  }
0x5f: {  	[sflag:s20] =	ssyncadd.s32 $0xFFFFD800  }
0x60: {  	_ =	swait.ge [sflag:s20], $0x2800  }
0x61: {  	[sflag:s20] =	ssyncset.done $0x0  }
0x62: {  	[sflag:s20] =	ssyncadd.s32 $0xFFFFD800  }
0x63: {  	_ =	swait.ge [sflag:s20], $0x2800  }
0x64: {  	[sflag:s20] =	ssyncset.done $0x0  }
0x65: {  	[sflag:s20] =	ssyncadd.s32 $0xFFFFD800  }
0x66: {  	_ =	swait.ge [sflag:s20], $0x2800  }
0x67: {  	[sflag:s20] =	ssyncset.done $0x0  }
0x68: {  	[sflag:s20] =	ssyncadd.s32 $0xFFFFD800  }
0x69: {  	_ =	swait.ge [sflag:s20], $0x2800  }
0x6a: {  	[sflag:s20] =	ssyncset.done $0x0  }
0x6b: {  	[sflag:s20] =	ssyncadd.s32 $0xFFFFD800  }
0x6c: {  	_ =	swait.ge [sflag:s20], $0x2800  }
0x6d: {  	[sflag:s20] =	ssyncset.done $0x0  }
0x6e: {  	[sflag:s20] =	ssyncadd.s32 $0xFFFFD800  }
0x6f: {  	[bflag:$0x0] =	sbarrier.arrive $0xFFFF  }
0x70: {  	s14 =	sld [smem:$0x7F6];
	_ =	sdelay $0x2  }
0x71: {  	[tilespmem:s0], [sflag:$0x1] =	stream.linear.gather [hbm4b:s14+s0], $0x50, $0x38;
	[tilespmem:$0x1B380] =	vst v63  }
0x72: {  	s14 =	sld [smem:$0x7F7];
	_ =	sdelay $0x2  }
0x73: {  	[tilespmem:s2], [sflag:$0x4] =	stream.linear.gather [hbm4b:s14+s0], $0x50, $0x38;
	[tilespmem:$0x1B380] =	vst v63  }
0x74: {  	s14 =	rddreg [dreg:$0x1e]  }
0x75: {  	[tilespmem:s4], [sflag:$0x2] =	stream.linear.gather [hbm4b:s14+s0], $0x50, $0x38;
	[tilespmem:$0x1B380] =	vst v63  }
0x76: {  	s14 =	rddreg [dreg:$0x1f]  }
0x77: {  	[tilespmem:s6], [sflag:$0x5] =	stream.linear.gather [hbm4b:s14+s0], $0x50, $0x38;
	[tilespmem:$0x1B380] =	vst v63  }
0x78: {  	_ =	swait.ge [sflag:s8], $0x50  }
0x79: {  	[sflag:s8] =	ssyncset.done $0x0  }
0x7a: {  	[sflag:s8] =	ssyncadd.s32 $0xFFFFFFB0  }
0x7b: {  	[tilespmem:s19], [sflag:$0xA] =	stream.indirect.gather [hbm4b:s21+s10], $0x80, s0, s10, $0xb8;
	[tilespmem:$0x1B380] =	vst v63  }
0x7c: {  	_ =	swait.ge [sflag:s20], $0x2800  }
0x7d: {  	[sflag:s20] =	ssyncset.done $0x0  }
0x7e: {  	[sflag:s20] =	ssyncadd.s32 $0xFFFFD800  }
0x7f: {  	_ =	swait.ge [sflag:s16], $0x50  }
0x80: {  	[sflag:s16] =	ssyncset.done $0x0  }
0x81: {  	s14 =	sld [smem:$0x7F4];
	[sflag:s16] =	ssyncadd.s32 $0xFFFFFFB0  }
0x82: {  	[spmem:s22] =	stream.indirect.scatter.add.f32 [tilespmem:s19], [sflag:$0x7], $0x80, s2, s10, $0xb8;
	[tilespmem:$0x1B380] =	vst v63  }
0x83: {  	_ = 	snop  }
0x84: {  	[tilespmem:s1], [sflag:$0x3] =	stream.linear.gather [hbm4b:s14+s0], $0x50, $0x38;
	[tilespmem:$0x1B380] =	vst v63  }
0x85: {  	s14 =	sld [smem:$0x7F5];
	_ =	sdelay $0x2  }
0x86: {  	[tilespmem:s18], [sflag:$0x6] =	stream.linear.gather [hbm4b:s14+s0], $0x50, $0x38;
	[tilespmem:$0x1B380] =	vst v63  }
0x87: {  	_ =	swait.ge [sflag:s3], $0x50  }
0x88: {  	[sflag:s3] =	ssyncset.done $0x0  }
0x89: {  	[sflag:s3] =	ssyncadd.s32 $0xFFFFFFB0  }
0x8a: {  	[tilespmem:s5], [sflag:$0xA] =	stream.indirect.gather [hbm4b:s21+s10], $0x80, s4, s10, $0xb8;
	[tilespmem:$0x1B380] =	vst v63  }
0x8b: {  	_ =	swait.ge [sflag:s20], $0x2800  }
0x8c: {  	[sflag:s20] =	ssyncset.done $0x0  }
0x8d: {  	[sflag:s20] =	ssyncadd.s32 $0xFFFFD800  }
0x8e: {  	_ =	swait.ge [sflag:s7], $0x50  }
0x8f: {  	[sflag:s7] =	ssyncset.done $0x0  }
0x90: {  	[sflag:s7] =	ssyncadd.s32 $0xFFFFFFB0  }
0x91: {  	[spmem:s22] =	stream.indirect.scatter.add.f32 [tilespmem:s5], [sflag:$0x8], $0x80, s6, s10, $0xb8;
	[tilespmem:$0x1B380] =	vst v63  }
0x92: {  	_ =	swait.ge [sflag:s9], $0x2800  }
0x93: {  	s14 =	sld [smem:$0x7F8]  }
0x94: {  	[sflag:s9] =	ssyncset.done $0x0  }
0x95: {  	[sflag:s9] =	ssyncadd.s32 $0xFFFFD800  }
0x96: {  	[tilespmem:s0], [sflag:$0x1] =	stream.linear.gather [hbm4b:s14+s0], $0x50, $0x38;
	[tilespmem:$0x1B380] =	vst v63  }
0x97: {  	s14 =	sld [smem:$0x7F9];
	_ =	sdelay $0x2  }
0x98: {  	[tilespmem:s2], [sflag:$0x4] =	stream.linear.gather [hbm4b:s14+s0], $0x50, $0x38;
	[tilespmem:$0x1B380] =	vst v63  }
0x99: {  	_ =	swait.ge [sflag:s23], $0x50  }
0x9a: {  	[sflag:s23] =	ssyncset.done $0x0  }
0x9b: {  	[sflag:s23] =	ssyncadd.s32 $0xFFFFFFB0  }
0x9c: {  	[tilespmem:s24], [sflag:$0xA] =	stream.indirect.gather [hbm4b:s21+s10], $0x80, s1, s10, $0xb8;
	[tilespmem:$0x1B380] =	vst v63  }
0x9d: {  	_ =	swait.ge [sflag:s20], $0x2800  }
0x9e: {  	[sflag:s20] =	ssyncset.done $0x0  }
0x9f: {  	[sflag:s20] =	ssyncadd.s32 $0xFFFFD800  }
0xa0: {  	_ =	swait.ge [sflag:s25], $0x50  }
0xa1: {  	[sflag:s25] =	ssyncset.done $0x0  }
0xa2: {  	[sflag:s25] =	ssyncadd.s32 $0xFFFFFFB0  }
0xa3: {  	[spmem:s22] =	stream.indirect.scatter.add.f32 [tilespmem:s24], [sflag:$0x9], $0x80, s18, s10, $0xb8;
	[tilespmem:$0x1B380] =	vst v63  }
0xa4: {  	_ =	swait.ge [sflag:s26], $0x2800  }
0xa5: {  	s14 =	sld [smem:$0x7FA]  }
0xa6: {  	[sflag:s26] =	ssyncset.done $0x0  }
0xa7: {  	[sflag:s26] =	ssyncadd.s32 $0xFFFFD800  }
0xa8: {  	[tilespmem:s4], [sflag:$0x2] =	stream.linear.gather [hbm4b:s14+s0], $0x50, $0x38;
	[tilespmem:$0x1B380] =	vst v63  }
0xa9: {  	s14 =	sld [smem:$0x7FB];
	_ =	sdelay $0x2  }
0xaa: {  	[tilespmem:s6], [sflag:$0x5] =	stream.linear.gather [hbm4b:s14+s0], $0x50, $0x38;
	[tilespmem:$0x1B380] =	vst v63  }
0xab: {  	_ =	swait.ge [sflag:s8], $0x50  }
0xac: {  	[sflag:s8] =	ssyncset.done $0x0  }
0xad: {  	[sflag:s8] =	ssyncadd.s32 $0xFFFFFFB0  }
0xae: {  	[tilespmem:s19], [sflag:$0xA] =	stream.indirect.gather [hbm4b:s21+s10], $0x80, s0, s10, $0xb8;
	[tilespmem:$0x1B380] =	vst v63  }
0xaf: {  	_ =	swait.ge [sflag:s20], $0x2800  }
0xb0: {  	[sflag:s20] =	ssyncset.done $0x0  }
0xb1: {  	[sflag:s20] =	ssyncadd.s32 $0xFFFFD800  }
0xb2: {  	_ =	swait.ge [sflag:s16], $0x50  }
0xb3: {  	[sflag:s16] =	ssyncset.done $0x0  }
0xb4: {  	[sflag:s16] =	ssyncadd.s32 $0xFFFFFFB0  }
0xb5: {  	[spmem:s22] =	stream.indirect.scatter.add.f32 [tilespmem:s19], [sflag:$0x7], $0x80, s2, s10, $0xb8;
	[tilespmem:$0x1B380] =	vst v63  }
0xb6: {  	_ =	swait.ge [sflag:s28], $0x2800  }
0xb7: {  	[sflag:s28] =	ssyncset.done $0x0  }
0xb8: {  	[sflag:s28] =	ssyncadd.s32 $0xFFFFD800  }
0xb9: {  	s29 =	rddreg [dreg:$0x0]  }
0xba: {  	s31 =	rddreg [dreg:$0x1];
	s14 =	sadd.s32 s29, s13  }
0xbb: {  	[tilespmem:s1], [sflag:$0x3] =	stream.linear.gather [hbm4b:s14+s0], $0x50, $0x38;
	[tilespmem:$0x1B380] =	vst v63  }
0xbc: {  	s14 =	sadd.s32 s31, s13  }
0xbd: {  	[tilespmem:s18], [sflag:$0x6] =	stream.linear.gather [hbm4b:s14+s0], $0x50, $0x38;
	[tilespmem:$0x1B380] =	vst v63  }
0xbe: {  	_ =	swait.ge [sflag:s3], $0x50  }
0xbf: {  	[sflag:s3] =	ssyncset.done $0x0  }
0xc0: {  	[sflag:s3] =	ssyncadd.s32 $0xFFFFFFB0  }
0xc1: {  	[tilespmem:s5], [sflag:$0xA] =	stream.indirect.gather [hbm4b:s21+s10], $0x80, s4, s10, $0xb8;
	[tilespmem:$0x1B380] =	vst v63  }
0xc2: {  	_ =	swait.ge [sflag:s20], $0x2800  }
0xc3: {  	[sflag:s20] =	ssyncset.done $0x0  }
0xc4: {  	[sflag:s20] =	ssyncadd.s32 $0xFFFFD800  }
0xc5: {  	_ =	swait.ge [sflag:s7], $0x50  }
0xc6: {  	[sflag:s7] =	ssyncset.done $0x0  }
0xc7: {  	[sflag:s7] =	ssyncadd.s32 $0xFFFFFFB0  }
0xc8: {  	[spmem:s22] =	stream.indirect.scatter.add.f32 [tilespmem:s5], [sflag:$0x8], $0x80, s6, s10, $0xb8;
	[tilespmem:$0x1B380] =	vst v63  }
0xc9: {  	_ =	swait.ge [sflag:s9], $0x2800  }
0xca: {  	[sflag:s9] =	ssyncset.done $0x0  }
0xcb: {  	s14 =	sadd.s32 s29, s12;
	[sflag:s9] =	ssyncadd.s32 $0xFFFFD800  }
0xcc: {  	[tilespmem:s0], [sflag:$0x1] =	stream.linear.gather [hbm4b:s14+s0], $0x50, $0x38;
	[tilespmem:$0x1B380] =	vst v63  }
0xcd: {  	s14 =	sadd.s32 s31, s12  }
0xce: {  	[tilespmem:s2], [sflag:$0x4] =	stream.linear.gather [hbm4b:s14+s0], $0x50, $0x38;
	[tilespmem:$0x1B380] =	vst v63  }
0xcf: {  	_ =	swait.ge [sflag:s23], $0x50  }
0xd0: {  	[sflag:s23] =	ssyncset.done $0x0  }
0xd1: {  	[sflag:s23] =	ssyncadd.s32 $0xFFFFFFB0  }
0xd2: {  	[tilespmem:s24], [sflag:$0xA] =	stream.indirect.gather [hbm4b:s21+s10], $0x80, s1, s10, $0xb8;
	[tilespmem:$0x1B380] =	vst v63  }
0xd3: {  	_ =	swait.ge [sflag:s20], $0x2800  }
0xd4: {  	[sflag:s20] =	ssyncset.done $0x0  }
0xd5: {  	[sflag:s20] =	ssyncadd.s32 $0xFFFFD800  }
0xd6: {  	_ =	swait.ge [sflag:s25], $0x50  }
0xd7: {  	[sflag:s25] =	ssyncset.done $0x0  }
0xd8: {  	[sflag:s25] =	ssyncadd.s32 $0xFFFFFFB0  }
0xd9: {  	[spmem:s22] =	stream.indirect.scatter.add.f32 [tilespmem:s24], [sflag:$0x9], $0x80, s18, s10, $0xb8;
	[tilespmem:$0x1B380] =	vst v63  }
0xda: {  	_ =	swait.ge [sflag:s26], $0x2800  }
0xdb: {  	[sflag:s26] =	ssyncset.done $0x0  }
0xdc: {  	s30 =	simm.s32 $0x27;
	s14 =	sadd.s32 s29, s11;
	[sflag:s26] =	ssyncadd.s32 $0xFFFFD800  }
0xdd: {  	[tilespmem:s4], [sflag:$0x2] =	stream.linear.gather [hbm4b:s14+s0], $0x50, $0x38;
	[tilespmem:$0x1B380] =	vst v63  }
0xde: {  	s29 =	sadd.s32 $0x1E, s29;
	s14 =	sadd.s32 s31, s11;
	s31 =	sadd.s32 $0x1E, s31  }
.LBB2_4:
0xdf: {  	[tilespmem:s6], [sflag:$0x5] =	stream.linear.gather [hbm4b:s14+s0], $0x50, $0x38;
	[tilespmem:$0x1B380] =	vst v63  }
0xe0: {  	p0 =	sne.s32 s30, $0x1;
	s30 =	sadd.s32 $0xFFFFFFFF, s30;
	_ =	swait.ge [sflag:s8], $0x50  }
0xe1: {  	[sflag:s8] =	ssyncset.done $0x0  }
0xe2: {  	[sflag:s8] =	ssyncadd.s32 $0xFFFFFFB0  }
0xe3: {  	[tilespmem:s19], [sflag:$0xA] =	stream.indirect.gather [hbm4b:s21+s10], $0x80, s0, s10, $0xb8;
	[tilespmem:$0x1B380] =	vst v63  }
0xe4: {  	_ =	swait.ge [sflag:s20], $0x2800  }
0xe5: {  	[sflag:s20] =	ssyncset.done $0x0  }
0xe6: {  	[sflag:s20] =	ssyncadd.s32 $0xFFFFD800  }
0xe7: {  	_ =	swait.ge [sflag:s16], $0x50  }
0xe8: {  	[sflag:s16] =	ssyncset.done $0x0  }
0xe9: {  	[sflag:s16] =	ssyncadd.s32 $0xFFFFFFB0  }
0xea: {  	[spmem:s22] =	stream.indirect.scatter.add.f32 [tilespmem:s19], [sflag:$0x7], $0x80, s2, s10, $0xb8;
	[tilespmem:$0x1B380] =	vst v63  }
0xeb: {  	_ =	swait.ge [sflag:s28], $0x2800  }
0xec: {  	[sflag:s28] =	ssyncset.done $0x0  }
0xed: {  	s14 =	sadd.s32 s29, s13;
	[sflag:s28] =	ssyncadd.s32 $0xFFFFD800  }
0xee: {  	[tilespmem:s1], [sflag:$0x3] =	stream.linear.gather [hbm4b:s14+s0], $0x50, $0x38;
	[tilespmem:$0x1B380] =	vst v63  }
0xef: {  	s14 =	sadd.s32 s31, s13  }
0xf0: {  	[tilespmem:s18], [sflag:$0x6] =	stream.linear.gather [hbm4b:s14+s0], $0x50, $0x38;
	[tilespmem:$0x1B380] =	vst v63  }
0xf1: {  	_ =	swait.ge [sflag:s3], $0x50  }
0xf2: {  	[sflag:s3] =	ssyncset.done $0x0  }
0xf3: {  	[sflag:s3] =	ssyncadd.s32 $0xFFFFFFB0  }
0xf4: {  	[tilespmem:s5], [sflag:$0xA] =	stream.indirect.gather [hbm4b:s21+s10], $0x80, s4, s10, $0xb8;
	[tilespmem:$0x1B380] =	vst v63  }
0xf5: {  	_ =	swait.ge [sflag:s20], $0x2800  }
0xf6: {  	[sflag:s20] =	ssyncset.done $0x0  }
0xf7: {  	[sflag:s20] =	ssyncadd.s32 $0xFFFFD800  }
0xf8: {  	_ =	swait.ge [sflag:s7], $0x50  }
0xf9: {  	[sflag:s7] =	ssyncset.done $0x0  }
0xfa: {  	[sflag:s7] =	ssyncadd.s32 $0xFFFFFFB0  }
0xfb: {  	[spmem:s22] =	stream.indirect.scatter.add.f32 [tilespmem:s5], [sflag:$0x8], $0x80, s6, s10, $0xb8;
	[tilespmem:$0x1B380] =	vst v63  }
0xfc: {  	_ =	swait.ge [sflag:s9], $0x2800  }
0xfd: {  	[sflag:s9] =	ssyncset.done $0x0  }
0xfe: {  	s14 =	sadd.s32 s29, s12;
	[sflag:s9] =	ssyncadd.s32 $0xFFFFD800  }
0xff: {  	[tilespmem:s0], [sflag:$0x1] =	stream.linear.gather [hbm4b:s14+s0], $0x50, $0x38;
	[tilespmem:$0x1B380] =	vst v63  }
0x100: {  	s14 =	sadd.s32 s31, s12  }
0x101: {  	[tilespmem:s2], [sflag:$0x4] =	stream.linear.gather [hbm4b:s14+s0], $0x50, $0x38;
	[tilespmem:$0x1B380] =	vst v63  }
0x102: {  	_ =	swait.ge [sflag:s23], $0x50  }
0x103: {  	[sflag:s23] =	ssyncset.done $0x0  }
0x104: {  	[sflag:s23] =	ssyncadd.s32 $0xFFFFFFB0  }
0x105: {  	[tilespmem:s24], [sflag:$0xA] =	stream.indirect.gather [hbm4b:s21+s10], $0x80, s1, s10, $0xb8;
	[tilespmem:$0x1B380] =	vst v63  }
0x106: {  	_ =	swait.ge [sflag:s20], $0x2800  }
0x107: {  	[sflag:s20] =	ssyncset.done $0x0  }
0x108: {  	[sflag:s20] =	ssyncadd.s32 $0xFFFFD800  }
0x109: {  	_ =	swait.ge [sflag:s25], $0x50  }
0x10a: {  	[sflag:s25] =	ssyncset.done $0x0  }
0x10b: {  	[sflag:s25] =	ssyncadd.s32 $0xFFFFFFB0  }
0x10c: {  	[spmem:s22] =	stream.indirect.scatter.add.f32 [tilespmem:s24], [sflag:$0x9], $0x80, s18, s10, $0xb8;
	[tilespmem:$0x1B380] =	vst v63  }
.Ltmp1:
0x10d: {  	_ =	swait.ge [sflag:s26], $0x2800;
	(pc) =	sbr.rel @p0 .LBB2_4-.Ltmp1, $4  }
0x10e: {  	[sflag:s26] =	ssyncset.done $0x0  }
0x10f: {  	s14 =	sadd.s32 s29, s11;
	[sflag:s26] =	ssyncadd.s32 $0xFFFFD800  }
0x110: {  	[tilespmem:s4], [sflag:$0x2] =	stream.linear.gather [hbm4b:s14+s0], $0x50, $0x38;
	[tilespmem:$0x1B380] =	vst v63  }
0x111: {  	s29 =	sadd.s32 $0x1E, s29;
	s14 =	sadd.s32 s31, s11;
	s31 =	sadd.s32 $0x1E, s31  }
0x112: {  	[tilespmem:s6], [sflag:$0x5] =	stream.linear.gather [hbm4b:s14+s0], $0x50, $0x38;
	[tilespmem:$0x1B380] =	vst v63  }
0x113: {  	_ =	swait.ge [sflag:s8], $0x50  }
0x114: {  	[sflag:s8] =	ssyncset.done $0x0  }
0x115: {  	s30 =	simm.s32 $0x0;
	[sflag:s8] =	ssyncadd.s32 $0xFFFFFFB0  }
0x116: {  	[tilespmem:s19], [sflag:$0xA] =	stream.indirect.gather [hbm4b:s21+s10], $0x80, s30, s10, $0xb8;
	[tilespmem:$0x1B380] =	vst v63  }
0x117: {  	_ =	swait.ge [sflag:s20], $0x2800  }
0x118: {  	[sflag:s20] =	ssyncset.done $0x0  }
0x119: {  	[sflag:s20] =	ssyncadd.s32 $0xFFFFD800  }
0x11a: {  	_ =	swait.ge [sflag:s16], $0x50  }
0x11b: {  	[sflag:s16] =	ssyncset.done $0x0  }
0x11c: {  	[sflag:s16] =	ssyncadd.s32 $0xFFFFFFB0  }
0x11d: {  	[spmem:s22] =	stream.indirect.scatter.add.f32 [tilespmem:s19], [sflag:$0x7], $0x80, s2, s10, $0xb8;
	[tilespmem:$0x1B380] =	vst v63  }
0x11e: {  	_ =	swait.ge [sflag:s3], $0x50  }
0x11f: {  	[sflag:s3] =	ssyncset.done $0x0  }
0x120: {  	[sflag:s3] =	ssyncadd.s32 $0xFFFFFFB0  }
0x121: {  	[tilespmem:s5], [sflag:$0xA] =	stream.indirect.gather [hbm4b:s21+s10], $0x80, s4, s10, $0xb8;
	[tilespmem:$0x1B380] =	vst v63  }
0x122: {  	_ =	swait.ge [sflag:s20], $0x2800  }
0x123: {  	[sflag:s20] =	ssyncset.done $0x0  }
0x124: {  	[sflag:s20] =	ssyncadd.s32 $0xFFFFD800  }
0x125: {  	_ =	swait.ge [sflag:s7], $0x50  }
0x126: {  	[sflag:s7] =	ssyncset.done $0x0  }
0x127: {  	[sflag:s7] =	ssyncadd.s32 $0xFFFFFFB0  }
0x128: {  	[spmem:s22] =	stream.indirect.scatter.add.f32 [tilespmem:s5], [sflag:$0x8], $0x80, s6, s10, $0xb8;
	[tilespmem:$0x1B380] =	vst v63  }
0x129: {  	_ =	swait.ge [sflag:s28], $0x2800  }
0x12a: {  	[sflag:s28] =	ssyncset.done $0x0  }
0x12b: {  	[sflag:s28] =	ssyncadd.s32 $0xFFFFD800  }
0x12c: {  	_ =	swait.ge [sflag:s9], $0x2800  }
0x12d: {  	[sflag:s9] =	ssyncset.done $0x0  }
0x12e: {  	[sflag:s9] =	ssyncadd.s32 $0xFFFFD800  }
0x12f: {  	_ =	swait.ge [sflag:s26], $0x2800  }
0x130: {  	[sflag:s26] =	ssyncset.done $0x0  }
0x131: {  	[sflag:s26] =	ssyncadd.s32 $0xFFFFD800  }
0x132: {  	[bflag:$0x0] =	sbarrier.arrive $0xFFFF  }
0x133: {  	s31 =	rddreg [dreg:$0x16]  }
0x134: {  	[tilespmem:s19], [sflag:$0xA] =	stream.linear.gather [spmem:s31], $0x2800, $0x38;
	[tilespmem:$0x1B380] =	vst v63  }
0x135: {  	s31 =	rddreg [dreg:$0x17]  }
0x136: {  	[tilespmem:s5], [sflag:$0x7] =	stream.linear.gather [spmem:s31], $0x2800, $0x38;
	[tilespmem:$0x1B380] =	vst v63  }
0x137: {  	_ =	swait.ge [sflag:s20], $0x2800  }
0x138: {  	[sflag:s20] =	ssyncset.done $0x0  }
0x139: {  	s31 =	rddreg [dreg:$0x6];
	[sflag:s20] =	ssyncadd.s32 $0xFFFFD800  }
0x13a: {  	[hbm4b:s31+s30] =	stream.linear.scatter [tilespmem:s19], [sflag:$0xA], $0x2800, $0x38;
	[tilespmem:$0x1B380] =	vst v63  }
0x13b: {  	_ =	swait.ge [sflag:s20], $0x2800  }
0x13c: {  	[sflag:s20] =	ssyncset.done $0x0  }
0x13d: {  	s31 =	rddreg [dreg:$0x18];
	[sflag:s20] =	ssyncadd.s32 $0xFFFFD800  }
0x13e: {  	[tilespmem:s19], [sflag:$0xA] =	stream.linear.gather [spmem:s31], $0x2800, $0x38;
	[tilespmem:$0x1B380] =	vst v63  }
0x13f: {  	_ =	swait.ge [sflag:s9], $0x2800  }
0x140: {  	[sflag:s9] =	ssyncset.done $0x0  }
0x141: {  	s31 =	rddreg [dreg:$0x7];
	[sflag:s9] =	ssyncadd.s32 $0xFFFFD800  }
0x142: {  	[hbm4b:s31+s30] =	stream.linear.scatter [tilespmem:s5], [sflag:$0x7], $0x2800, $0x38;
	[tilespmem:$0x1B380] =	vst v63  }
0x143: {  	_ =	swait.ge [sflag:s9], $0x2800  }
0x144: {  	[sflag:s9] =	ssyncset.done $0x0  }
0x145: {  	s31 =	rddreg [dreg:$0x19];
	[sflag:s9] =	ssyncadd.s32 $0xFFFFD800  }
0x146: {  	[tilespmem:s5], [sflag:$0x7] =	stream.linear.gather [spmem:s31], $0x2800, $0x38;
	[tilespmem:$0x1B380] =	vst v63  }
0x147: {  	_ =	swait.ge [sflag:s20], $0x2800  }
0x148: {  	[sflag:s20] =	ssyncset.done $0x0  }
0x149: {  	s31 =	rddreg [dreg:$0x8];
	[sflag:s20] =	ssyncadd.s32 $0xFFFFD800  }
0x14a: {  	[hbm4b:s31+s30] =	stream.linear.scatter [tilespmem:s19], [sflag:$0xA], $0x2800, $0x38;
	[tilespmem:$0x1B380] =	vst v63  }
0x14b: {  	_ =	swait.ge [sflag:s20], $0x2800  }
0x14c: {  	[sflag:s20] =	ssyncset.done $0x0  }
0x14d: {  	s31 =	rddreg [dreg:$0x1a];
	[sflag:s20] =	ssyncadd.s32 $0xFFFFD800  }
0x14e: {  	[tilespmem:s19], [sflag:$0xA] =	stream.linear.gather [spmem:s31], $0x2800, $0x38;
	[tilespmem:$0x1B380] =	vst v63  }
0x14f: {  	_ =	swait.ge [sflag:s9], $0x2800  }
0x150: {  	[sflag:s9] =	ssyncset.done $0x0  }
0x151: {  	s31 =	rddreg [dreg:$0x9];
	[sflag:s9] =	ssyncadd.s32 $0xFFFFD800  }
0x152: {  	[hbm4b:s31+s30] =	stream.linear.scatter [tilespmem:s5], [sflag:$0x7], $0x2800, $0x38;
	[tilespmem:$0x1B380] =	vst v63  }
0x153: {  	_ =	swait.ge [sflag:s9], $0x2800  }
0x154: {  	[sflag:s9] =	ssyncset.done $0x0  }
0x155: {  	s31 =	rddreg [dreg:$0x1b];
	[sflag:s9] =	ssyncadd.s32 $0xFFFFD800  }
0x156: {  	[tilespmem:s5], [sflag:$0x7] =	stream.linear.gather [spmem:s31], $0x2800, $0x38;
	[tilespmem:$0x1B380] =	vst v63  }
0x157: {  	_ =	swait.ge [sflag:s20], $0x2800  }
0x158: {  	[sflag:s20] =	ssyncset.done $0x0  }
0x159: {  	s31 =	rddreg [dreg:$0xa];
	[sflag:s20] =	ssyncadd.s32 $0xFFFFD800  }
0x15a: {  	[hbm4b:s31+s30] =	stream.linear.scatter [tilespmem:s19], [sflag:$0xA], $0x2800, $0x38;
	[tilespmem:$0x1B380] =	vst v63  }
0x15b: {  	_ =	swait.ge [sflag:s20], $0x2800  }
0x15c: {  	[sflag:s20] =	ssyncset.done $0x0  }
0x15d: {  	s31 =	rddreg [dreg:$0x1c];
	[sflag:s20] =	ssyncadd.s32 $0xFFFFD800  }
0x15e: {  	[tilespmem:s19], [sflag:$0xA] =	stream.linear.gather [spmem:s31], $0x2800, $0x38;
	[tilespmem:$0x1B380] =	vst v63  }
0x15f: {  	_ =	swait.ge [sflag:s9], $0x2800  }
0x160: {  	[sflag:s9] =	ssyncset.done $0x0  }
0x161: {  	s31 =	rddreg [dreg:$0xb];
	[sflag:s9] =	ssyncadd.s32 $0xFFFFD800  }
0x162: {  	[hbm4b:s31+s30] =	stream.linear.scatter [tilespmem:s5], [sflag:$0x7], $0x2800, $0x38;
	[tilespmem:$0x1B380] =	vst v63  }
0x163: {  	_ =	swait.ge [sflag:s9], $0x2800  }
0x164: {  	[sflag:s9] =	ssyncset.done $0x0  }
0x165: {  	s31 =	rddreg [dreg:$0x1d];
	[sflag:s9] =	ssyncadd.s32 $0xFFFFD800  }
0x166: {  	[tilespmem:s5], [sflag:$0x7] =	stream.linear.gather [spmem:s31], $0x2800, $0x38;
	[tilespmem:$0x1B380] =	vst v63  }
0x167: {  	_ =	swait.ge [sflag:s20], $0x2800  }
0x168: {  	[sflag:s20] =	ssyncset.done $0x0  }
0x169: {  	s31 =	rddreg [dreg:$0xc];
	[sflag:s20] =	ssyncadd.s32 $0xFFFFD800  }
0x16a: {  	[hbm4b:s31+s30] =	stream.linear.scatter [tilespmem:s19], [sflag:$0xA], $0x2800, $0x38;
	[tilespmem:$0x1B380] =	vst v63  }
0x16b: {  	_ =	swait.ge [sflag:s9], $0x2800  }
0x16c: {  	[sflag:s9] =	ssyncset.done $0x0  }
0x16d: {  	s31 =	rddreg [dreg:$0xd];
	[sflag:s9] =	ssyncadd.s32 $0xFFFFD800  }
0x16e: {  	[hbm4b:s31+s30] =	stream.linear.scatter [tilespmem:s5], [sflag:$0x7], $0x2800, $0x38;
	[tilespmem:$0x1B380] =	vst v63  }
0x16f: {  	_ =	swait.ge [sflag:s20], $0x2800  }
0x170: {  	[sflag:s20] =	ssyncset.done $0x0  }
0x171: {  	[sflag:s20] =	ssyncadd.s32 $0xFFFFD800  }
0x172: {  	_ =	swait.ge [sflag:s9], $0x2800  }
0x173: {  	s31 =	sand.u32 $0xFE00, s30;
	[sflag:s9] =	ssyncset.done $0x0  }
0x174: {  	s29 =	sand.u32 $0x70, s30;
	s14 =	sshrl.u32 s31, $0x2;
	[sflag:s9] =	ssyncadd.s32 $0xFFFFD800  }
0x175: {  	s14 =	sor.u32 s29, s14;
	s29 =	simm.s32 $0x40;
	[bflag:$0x0] =	sbarrier.arrive $0xFFFF  }
.LBB2_6:
0x176: {  	p0 =	sne.s32 s29, $0x9FC0  }
0x177: {  	[tilespmem:s14+$0x300] =	vst v0;
	s30 =	sadd.s32 $0x10, s30;
	s14 =	smov.u32 s29;
	s29 =	sadd.s32 $0x40, s29  }
.Ltmp2:
0x178: {  	(pc) =	sbr.rel @p0 .LBB2_6-.Ltmp2, $4  }
0x179: {  	_ = 	snop  }
0x17a: {  	s14 =	sand.u32 $0xFE00, s14  }
0x17b: {  	s31 =	sand.u32 $0x70, s30;
	s14 =	sshrl.u32 s14, $0x2  }
0x17c: {  	s14 =	sor.u32 s31, s14  }
0x17d: {  	[tilespmem:s14+$0x300] =	vst v0;
	s31 =	rddreg [dreg:$0x16]  }
0x17e: {  	[spmem:s31] =	stream.linear.scatter [tilespmem:s19], [sflag:$0xA], $0x2800, $0x38;
	[tilespmem:$0x1B380] =	vst v63  }
0x17f: {  	s31 =	rddreg [dreg:$0x17]  }
0x180: {  	[spmem:s31] =	stream.linear.scatter [tilespmem:s19], [sflag:$0xA], $0x2800, $0x38;
	[tilespmem:$0x1B380] =	vst v63  }
0x181: {  	s31 =	rddreg [dreg:$0x18]  }
0x182: {  	[spmem:s31] =	stream.linear.scatter [tilespmem:s19], [sflag:$0xA], $0x2800, $0x38;
	[tilespmem:$0x1B380] =	vst v63  }
0x183: {  	s31 =	rddreg [dreg:$0x19]  }
0x184: {  	[spmem:s31] =	stream.linear.scatter [tilespmem:s19], [sflag:$0xA], $0x2800, $0x38;
	[tilespmem:$0x1B380] =	vst v63  }
0x185: {  	s31 =	rddreg [dreg:$0x1a]  }
0x186: {  	[spmem:s31] =	stream.linear.scatter [tilespmem:s19], [sflag:$0xA], $0x2800, $0x38;
	[tilespmem:$0x1B380] =	vst v63  }
0x187: {  	s31 =	rddreg [dreg:$0x1b]  }
0x188: {  	[spmem:s31] =	stream.linear.scatter [tilespmem:s19], [sflag:$0xA], $0x2800, $0x38;
	[tilespmem:$0x1B380] =	vst v63  }
0x189: {  	s31 =	rddreg [dreg:$0x1c]  }
0x18a: {  	[spmem:s31] =	stream.linear.scatter [tilespmem:s19], [sflag:$0xA], $0x2800, $0x38;
	[tilespmem:$0x1B380] =	vst v63  }
0x18b: {  	s31 =	rddreg [dreg:$0x1d]  }
0x18c: {  	[spmem:s31] =	stream.linear.scatter [tilespmem:s19], [sflag:$0xA], $0x2800, $0x38;
	[tilespmem:$0x1B380] =	vst v63  }
0x18d: {  	_ =	swait.ge [sflag:s20], $0x2800  }
0x18e: {  	[sflag:s20] =	ssyncset.done $0x0  }
0x18f: {  	[sflag:s20] =	ssyncadd.s32 $0xFFFFD800  }
0x190: {  	_ =	swait.ge [sflag:s20], $0x2800  }
0x191: {  	[sflag:s20] =	ssyncset.done $0x0  }
0x192: {  	[sflag:s20] =	ssyncadd.s32 $0xFFFFD800  }
0x193: {  	_ =	swait.ge [sflag:s20], $0x2800  }
0x194: {  	[sflag:s20] =	ssyncset.done $0x0  }
0x195: {  	[sflag:s20] =	ssyncadd.s32 $0xFFFFD800  }
0x196: {  	_ =	swait.ge [sflag:s20], $0x2800  }
0x197: {  	[sflag:s20] =	ssyncset.done $0x0  }
0x198: {  	[sflag:s20] =	ssyncadd.s32 $0xFFFFD800  }
0x199: {  	_ =	swait.ge [sflag:s20], $0x2800  }
0x19a: {  	[sflag:s20] =	ssyncset.done $0x0  }
0x19b: {  	[sflag:s20] =	ssyncadd.s32 $0xFFFFD800  }
0x19c: {  	_ =	swait.ge [sflag:s20], $0x2800  }
0x19d: {  	[sflag:s20] =	ssyncset.done $0x0  }
0x19e: {  	[sflag:s20] =	ssyncadd.s32 $0xFFFFD800  }
0x19f: {  	_ =	swait.ge [sflag:s20], $0x2800  }
0x1a0: {  	[sflag:s20] =	ssyncset.done $0x0  }
0x1a1: {  	[sflag:s20] =	ssyncadd.s32 $0xFFFFD800  }
0x1a2: {  	s29 =	simm.s32 $0x0;
	_ =	swait.ge [sflag:s20], $0x2800  }
0x1a3: {  	s14 =	sand.u32 $0xFE00, s29;
	[sflag:s20] =	ssyncset.done $0x0  }
0x1a4: {  	s14 =	sshrl.u32 s14, $0x2;
	s31 =	sand.u32 $0x70, s29;
	[sflag:s20] =	ssyncadd.s32 $0xFFFFD800  }
0x1a5: {  	s30 =	simm.s32 $0x40;
	s14 =	sor.u32 s31, s14;
	[bflag:$0x0] =	sbarrier.arrive $0xFFFF  }
.LBB2_8:
0x1a6: {  	p0 =	sne.s32 s30, $0x9FC0  }
0x1a7: {  	[tilespmem:s14+$0x300] =	vst v1;
	s29 =	sadd.s32 $0x10, s29;
	s14 =	smov.u32 s30;
	s30 =	sadd.s32 $0x40, s30  }
.Ltmp3:
0x1a8: {  	(pc) =	sbr.rel @p0 .LBB2_8-.Ltmp3, $4  }
0x1a9: {  	_ = 	snop  }
0x1aa: {  	s14 =	sand.u32 $0xFE00, s14  }
0x1ab: {  	s31 =	sand.u32 $0x70, s29;
	s14 =	sshrl.u32 s14, $0x2  }
0x1ac: {  	s14 =	sor.u32 s31, s14  }
0x1ad: {  	s29 =	sld [smem:$0x7F7];
	_ =	sdelay $0x1  }
0x1ae: {  	[tilespmem:s14+$0x300] =	vst v1;
	s30 =	simm.s32 $0x0  }
0x1af: {  	[tilespmem:s2], [sflag:$0x4] =	stream.linear.gather [hbm4b:s29+s30], $0x50, $0x38;
	[tilespmem:$0x1B380] =	vst v63  }
0x1b0: {  	s29 =	rddreg [dreg:$0x1f]  }
0x1b1: {  	[tilespmem:s6], [sflag:$0x5] =	stream.linear.gather [hbm4b:s29+s30], $0x50, $0x38;
	[tilespmem:$0x1B380] =	vst v63  }
0x1b2: {  	_ =	swait.ge [sflag:s16], $0x50  }
0x1b3: {  	[sflag:s16] =	ssyncset.done $0x0  }
0x1b4: {  	s29 =	sld [smem:$0x7F5];
	[sflag:s16] =	ssyncadd.s32 $0xFFFFFFB0  }
0x1b5: {  	[spmem:s22] =	stream.indirect.scatter.add.f32 [tilespmem:s19], [sflag:$0x7], $0x80, s2, s10, $0xb8;
	[tilespmem:$0x1B380] =	vst v63  }
0x1b6: {  	_ = 	snop  }
0x1b7: {  	[tilespmem:s18], [sflag:$0x6] =	stream.linear.gather [hbm4b:s29+s30], $0x50, $0x38;
	[tilespmem:$0x1B380] =	vst v63  }
0x1b8: {  	_ =	swait.ge [sflag:s7], $0x50  }
0x1b9: {  	[sflag:s7] =	ssyncset.done $0x0  }
0x1ba: {  	[sflag:s7] =	ssyncadd.s32 $0xFFFFFFB0  }
0x1bb: {  	[spmem:s22] =	stream.indirect.scatter.add.f32 [tilespmem:s19], [sflag:$0x8], $0x80, s6, s10, $0xb8;
	[tilespmem:$0x1B380] =	vst v63  }
0x1bc: {  	_ =	swait.ge [sflag:s9], $0x2800  }
0x1bd: {  	s29 =	sld [smem:$0x7F9]  }
0x1be: {  	[sflag:s9] =	ssyncset.done $0x0  }
0x1bf: {  	[sflag:s9] =	ssyncadd.s32 $0xFFFFD800  }
0x1c0: {  	[tilespmem:s2], [sflag:$0x4] =	stream.linear.gather [hbm4b:s29+s30], $0x50, $0x38;
	[tilespmem:$0x1B380] =	vst v63  }
0x1c1: {  	_ =	swait.ge [sflag:s25], $0x50  }
0x1c2: {  	[sflag:s25] =	ssyncset.done $0x0  }
0x1c3: {  	[sflag:s25] =	ssyncadd.s32 $0xFFFFFFB0  }
0x1c4: {  	[spmem:s22] =	stream.indirect.scatter.add.f32 [tilespmem:s19], [sflag:$0x9], $0x80, s18, s10, $0xb8;
	[tilespmem:$0x1B380] =	vst v63  }
0x1c5: {  	_ =	swait.ge [sflag:s26], $0x2800  }
0x1c6: {  	s29 =	sld [smem:$0x7FB]  }
0x1c7: {  	[sflag:s26] =	ssyncset.done $0x0  }
0x1c8: {  	[sflag:s26] =	ssyncadd.s32 $0xFFFFD800  }
0x1c9: {  	[tilespmem:s6], [sflag:$0x5] =	stream.linear.gather [hbm4b:s29+s30], $0x50, $0x38;
	[tilespmem:$0x1B380] =	vst v63  }
0x1ca: {  	_ =	swait.ge [sflag:s16], $0x50  }
0x1cb: {  	[sflag:s16] =	ssyncset.done $0x0  }
0x1cc: {  	[sflag:s16] =	ssyncadd.s32 $0xFFFFFFB0  }
0x1cd: {  	[spmem:s22] =	stream.indirect.scatter.add.f32 [tilespmem:s19], [sflag:$0x7], $0x80, s2, s10, $0xb8;
	[tilespmem:$0x1B380] =	vst v63  }
0x1ce: {  	_ =	swait.ge [sflag:s28], $0x2800  }
0x1cf: {  	[sflag:s28] =	ssyncset.done $0x0  }
0x1d0: {  	s30 =	sadd.s32 $0x0, s17;
	[sflag:s28] =	ssyncadd.s32 $0xFFFFD800  }
0x1d1: {  	[tilespmem:s18], [sflag:$0x6] =	stream.linear.gather [hbm4b:s30+s0], $0x50, $0x38;
	[tilespmem:$0x1B380] =	vst v63  }
0x1d2: {  	_ =	swait.ge [sflag:s7], $0x50  }
0x1d3: {  	[sflag:s7] =	ssyncset.done $0x0  }
0x1d4: {  	[sflag:s7] =	ssyncadd.s32 $0xFFFFFFB0  }
0x1d5: {  	[spmem:s22] =	stream.indirect.scatter.add.f32 [tilespmem:s19], [sflag:$0x8], $0x80, s6, s10, $0xb8;
	[tilespmem:$0x1B380] =	vst v63  }
0x1d6: {  	_ =	swait.ge [sflag:s9], $0x2800  }
0x1d7: {  	[sflag:s9] =	ssyncset.done $0x0  }
0x1d8: {  	s30 =	sadd.s32 $0x0, s15;
	[sflag:s9] =	ssyncadd.s32 $0xFFFFD800  }
0x1d9: {  	[tilespmem:s2], [sflag:$0x4] =	stream.linear.gather [hbm4b:s30+s0], $0x50, $0x38;
	[tilespmem:$0x1B380] =	vst v63  }
0x1da: {  	_ =	swait.ge [sflag:s25], $0x50  }
0x1db: {  	[sflag:s25] =	ssyncset.done $0x0  }
0x1dc: {  	[sflag:s25] =	ssyncadd.s32 $0xFFFFFFB0  }
0x1dd: {  	[spmem:s22] =	stream.indirect.scatter.add.f32 [tilespmem:s19], [sflag:$0x9], $0x80, s18, s10, $0xb8;
	[tilespmem:$0x1B380] =	vst v63  }
0x1de: {  	_ =	swait.ge [sflag:s26], $0x2800  }
0x1df: {  	s31 =	sld [smem:$0x7FD];
	_ =	sdelay $0x1  }
0x1e0: {  	[sflag:s26] =	ssyncset.done $0x0  }
0x1e1: {  	s29 =	simm.s32 $0x1E;
	[sflag:s26] =	ssyncadd.s32 $0xFFFFD800;
	s14 =	sadd.s32 $0x0, s31  }
.LBB2_10:
0x1e2: {  	[tilespmem:s6], [sflag:$0x5] =	stream.linear.gather [hbm4b:s14+s0], $0x50, $0x38;
	[tilespmem:$0x1B380] =	vst v63  }
0x1e3: {  	s14 =	smov.u32 s29  }
0x1e4: {  	p0 =	sne.s32 s29, $0x492;
	s29 =	sadd.s32 $0x1E, s29;
	_ =	swait.ge [sflag:s16], $0x50  }
0x1e5: {  	[sflag:s16] =	ssyncset.done $0x0  }
0x1e6: {  	[sflag:s16] =	ssyncadd.s32 $0xFFFFFFB0  }
0x1e7: {  	[spmem:s22] =	stream.indirect.scatter.add.f32 [tilespmem:s19], [sflag:$0x7], $0x80, s2, s10, $0xb8;
	[tilespmem:$0x1B380] =	vst v63  }
0x1e8: {  	_ =	swait.ge [sflag:s28], $0x2800  }
0x1e9: {  	[sflag:s28] =	ssyncset.done $0x0  }
0x1ea: {  	s30 =	sadd.s32 s14, s17;
	[sflag:s28] =	ssyncadd.s32 $0xFFFFD800  }
0x1eb: {  	[tilespmem:s18], [sflag:$0x6] =	stream.linear.gather [hbm4b:s30+s0], $0x50, $0x38;
	[tilespmem:$0x1B380] =	vst v63  }
0x1ec: {  	_ =	swait.ge [sflag:s7], $0x50  }
0x1ed: {  	[sflag:s7] =	ssyncset.done $0x0  }
0x1ee: {  	[sflag:s7] =	ssyncadd.s32 $0xFFFFFFB0  }
0x1ef: {  	[spmem:s22] =	stream.indirect.scatter.add.f32 [tilespmem:s19], [sflag:$0x8], $0x80, s6, s10, $0xb8;
	[tilespmem:$0x1B380] =	vst v63  }
0x1f0: {  	_ =	swait.ge [sflag:s9], $0x2800  }
0x1f1: {  	[sflag:s9] =	ssyncset.done $0x0  }
0x1f2: {  	s30 =	sadd.s32 s14, s15;
	[sflag:s9] =	ssyncadd.s32 $0xFFFFD800  }
0x1f3: {  	[tilespmem:s2], [sflag:$0x4] =	stream.linear.gather [hbm4b:s30+s0], $0x50, $0x38;
	[tilespmem:$0x1B380] =	vst v63  }
0x1f4: {  	_ =	swait.ge [sflag:s25], $0x50  }
0x1f5: {  	[sflag:s25] =	ssyncset.done $0x0  }
.Ltmp4:
0x1f6: {  	[sflag:s25] =	ssyncadd.s32 $0xFFFFFFB0;
	(pc) =	sbr.rel @p0 .LBB2_10-.Ltmp4, $4  }
0x1f7: {  	[spmem:s22] =	stream.indirect.scatter.add.f32 [tilespmem:s19], [sflag:$0x9], $0x80, s18, s10, $0xb8;
	[tilespmem:$0x1B380] =	vst v63  }
0x1f8: {  	_ =	swait.ge [sflag:s26], $0x2800  }
0x1f9: {  	[sflag:s26] =	ssyncset.done $0x0  }
0x1fa: {  	s14 =	sadd.s32 s14, s31;
	[sflag:s26] =	ssyncadd.s32 $0xFFFFD800  }
0x1fb: {  	[tilespmem:s6], [sflag:$0x5] =	stream.linear.gather [hbm4b:s14+s0], $0x50, $0x38;
	[tilespmem:$0x1B380] =	vst v63  }
0x1fc: {  	_ =	swait.ge [sflag:s16], $0x50  }
0x1fd: {  	[sflag:s16] =	ssyncset.done $0x0  }
0x1fe: {  	[sflag:s16] =	ssyncadd.s32 $0xFFFFFFB0  }
0x1ff: {  	[spmem:s22] =	stream.indirect.scatter.add.f32 [tilespmem:s19], [sflag:$0x7], $0x80, s2, s10, $0xb8;
	[tilespmem:$0x1B380] =	vst v63  }
0x200: {  	_ =	swait.ge [sflag:s7], $0x50  }
0x201: {  	[sflag:s7] =	ssyncset.done $0x0  }
0x202: {  	[sflag:s7] =	ssyncadd.s32 $0xFFFFFFB0  }
0x203: {  	[spmem:s22] =	stream.indirect.scatter.add.f32 [tilespmem:s19], [sflag:$0x8], $0x80, s6, s10, $0xb8;
	[tilespmem:$0x1B380] =	vst v63  }
0x204: {  	_ =	swait.ge [sflag:s28], $0x2800  }
0x205: {  	[sflag:s28] =	ssyncset.done $0x0  }
0x206: {  	[sflag:s28] =	ssyncadd.s32 $0xFFFFD800  }
0x207: {  	_ =	swait.ge [sflag:s9], $0x2800  }
0x208: {  	[sflag:s9] =	ssyncset.done $0x0  }
0x209: {  	[sflag:s9] =	ssyncadd.s32 $0xFFFFD800  }
0x20a: {  	_ =	swait.ge [sflag:s26], $0x2800  }
0x20b: {  	[sflag:s26] =	ssyncset.done $0x0  }
0x20c: {  	[sflag:s26] =	ssyncadd.s32 $0xFFFFD800  }
0x20d: {  	[bflag:$0x0] =	sbarrier.arrive $0xFFFF  }
0x20e: {  	s31 =	rddreg [dreg:$0x16]  }
0x20f: {  	[tilespmem:s5], [sflag:$0xA] =	stream.linear.gather [spmem:s31], $0x2800, $0x38;
	[tilespmem:$0x1B380] =	vst v63  }
0x210: {  	s30 =	rddreg [dreg:$0x17]  }
0x211: {  	[tilespmem:s24], [sflag:$0x7] =	stream.linear.gather [spmem:s30], $0x2800, $0x38;
	[tilespmem:$0x1B380] =	vst v63  }
0x212: {  	_ =	swait.ge [sflag:s20], $0x2800  }
0x213: {  	[sflag:s20] =	ssyncset.done $0x0  }
0x214: {  	s31 =	rddreg [dreg:$0xe];
	[sflag:s20] =	ssyncadd.s32 $0xFFFFD800  }
0x215: {  	[hbm4b:s31+s0] =	stream.linear.scatter [tilespmem:s5], [sflag:$0xA], $0x2800, $0x38;
	[tilespmem:$0x1B380] =	vst v63  }
0x216: {  	_ =	swait.ge [sflag:s20], $0x2800  }
0x217: {  	[sflag:s20] =	ssyncset.done $0x0  }
0x218: {  	s30 =	rddreg [dreg:$0x18];
	[sflag:s20] =	ssyncadd.s32 $0xFFFFD800  }
0x219: {  	[tilespmem:s5], [sflag:$0xA] =	stream.linear.gather [spmem:s30], $0x2800, $0x38;
	[tilespmem:$0x1B380] =	vst v63  }
0x21a: {  	_ =	swait.ge [sflag:s9], $0x2800  }
0x21b: {  	[sflag:s9] =	ssyncset.done $0x0  }
0x21c: {  	s31 =	rddreg [dreg:$0xf];
	[sflag:s9] =	ssyncadd.s32 $0xFFFFD800  }
0x21d: {  	[hbm4b:s31+s0] =	stream.linear.scatter [tilespmem:s24], [sflag:$0x7], $0x2800, $0x38;
	[tilespmem:$0x1B380] =	vst v63  }
0x21e: {  	_ =	swait.ge [sflag:s9], $0x2800  }
0x21f: {  	[sflag:s9] =	ssyncset.done $0x0  }
0x220: {  	s30 =	rddreg [dreg:$0x19];
	[sflag:s9] =	ssyncadd.s32 $0xFFFFD800  }
0x221: {  	[tilespmem:s24], [sflag:$0x7] =	stream.linear.gather [spmem:s30], $0x2800, $0x38;
	[tilespmem:$0x1B380] =	vst v63  }
0x222: {  	_ =	swait.ge [sflag:s20], $0x2800  }
0x223: {  	[sflag:s20] =	ssyncset.done $0x0  }
0x224: {  	s31 =	rddreg [dreg:$0x10];
	[sflag:s20] =	ssyncadd.s32 $0xFFFFD800  }
0x225: {  	[hbm4b:s31+s0] =	stream.linear.scatter [tilespmem:s5], [sflag:$0xA], $0x2800, $0x38;
	[tilespmem:$0x1B380] =	vst v63  }
0x226: {  	_ =	swait.ge [sflag:s20], $0x2800  }
0x227: {  	[sflag:s20] =	ssyncset.done $0x0  }
0x228: {  	s30 =	rddreg [dreg:$0x1a];
	[sflag:s20] =	ssyncadd.s32 $0xFFFFD800  }
0x229: {  	[tilespmem:s5], [sflag:$0xA] =	stream.linear.gather [spmem:s30], $0x2800, $0x38;
	[tilespmem:$0x1B380] =	vst v63  }
0x22a: {  	_ =	swait.ge [sflag:s9], $0x2800  }
0x22b: {  	[sflag:s9] =	ssyncset.done $0x0  }
0x22c: {  	s31 =	rddreg [dreg:$0x11];
	[sflag:s9] =	ssyncadd.s32 $0xFFFFD800  }
0x22d: {  	[hbm4b:s31+s0] =	stream.linear.scatter [tilespmem:s24], [sflag:$0x7], $0x2800, $0x38;
	[tilespmem:$0x1B380] =	vst v63  }
0x22e: {  	_ =	swait.ge [sflag:s9], $0x2800  }
0x22f: {  	[sflag:s9] =	ssyncset.done $0x0  }
0x230: {  	s30 =	rddreg [dreg:$0x1b];
	[sflag:s9] =	ssyncadd.s32 $0xFFFFD800  }
0x231: {  	[tilespmem:s24], [sflag:$0x7] =	stream.linear.gather [spmem:s30], $0x2800, $0x38;
	[tilespmem:$0x1B380] =	vst v63  }
0x232: {  	_ =	swait.ge [sflag:s20], $0x2800  }
0x233: {  	[sflag:s20] =	ssyncset.done $0x0  }
0x234: {  	s31 =	rddreg [dreg:$0x12];
	[sflag:s20] =	ssyncadd.s32 $0xFFFFD800  }
0x235: {  	[hbm4b:s31+s0] =	stream.linear.scatter [tilespmem:s5], [sflag:$0xA], $0x2800, $0x38;
	[tilespmem:$0x1B380] =	vst v63  }
0x236: {  	_ =	swait.ge [sflag:s20], $0x2800  }
0x237: {  	[sflag:s20] =	ssyncset.done $0x0  }
0x238: {  	s30 =	rddreg [dreg:$0x1c];
	[sflag:s20] =	ssyncadd.s32 $0xFFFFD800  }
0x239: {  	[tilespmem:s5], [sflag:$0xA] =	stream.linear.gather [spmem:s30], $0x2800, $0x38;
	[tilespmem:$0x1B380] =	vst v63  }
0x23a: {  	_ =	swait.ge [sflag:s9], $0x2800  }
0x23b: {  	[sflag:s9] =	ssyncset.done $0x0  }
0x23c: {  	s31 =	rddreg [dreg:$0x13];
	[sflag:s9] =	ssyncadd.s32 $0xFFFFD800  }
0x23d: {  	[hbm4b:s31+s0] =	stream.linear.scatter [tilespmem:s24], [sflag:$0x7], $0x2800, $0x38;
	[tilespmem:$0x1B380] =	vst v63  }
0x23e: {  	_ =	swait.ge [sflag:s9], $0x2800  }
0x23f: {  	[sflag:s9] =	ssyncset.done $0x0  }
0x240: {  	s30 =	rddreg [dreg:$0x1d];
	[sflag:s9] =	ssyncadd.s32 $0xFFFFD800  }
0x241: {  	[tilespmem:s24], [sflag:$0x7] =	stream.linear.gather [spmem:s30], $0x2800, $0x38;
	[tilespmem:$0x1B380] =	vst v63  }
0x242: {  	_ =	swait.ge [sflag:s20], $0x2800  }
0x243: {  	[sflag:s20] =	ssyncset.done $0x0  }
0x244: {  	s31 =	rddreg [dreg:$0x14];
	[sflag:s20] =	ssyncadd.s32 $0xFFFFD800  }
0x245: {  	[hbm4b:s31+s0] =	stream.linear.scatter [tilespmem:s5], [sflag:$0xA], $0x2800, $0x38;
	[tilespmem:$0x1B380] =	vst v63  }
0x246: {  	_ =	swait.ge [sflag:s9], $0x2800  }
0x247: {  	[sflag:s9] =	ssyncset.done $0x0  }
0x248: {  	s30 =	rddreg [dreg:$0x15];
	[sflag:s9] =	ssyncadd.s32 $0xFFFFD800  }
0x249: {  	[hbm4b:s30+s0] =	stream.linear.scatter [tilespmem:s24], [sflag:$0x7], $0x2800, $0x38;
	[tilespmem:$0x1B380] =	vst v63  }
0x24a: {  	_ =	swait.ge [sflag:s20], $0x2800  }
0x24b: {  	[sflag:s20] =	ssyncset.done $0x0  }
0x24c: {  	[sflag:s20] =	ssyncadd.s32 $0xFFFFD800  }
0x24d: {  	_ =	swait.ge [sflag:s9], $0x2800  }
0x24e: {  	s29 =	sld [smem:$0x7F3]  }
0x24f: {  	s31 =	sld [smem:$0x7FC];
	_ =	sdelay $0x1  }
0x250: {  	s29 =	sadd.s32 $0x1, s29  }
0x251: {  	p0 =	sne.s32 s29, s31  }
.Ltmp5:
0x252: {  	_ = 	snop;
	(pc) =	sbr.rel @p0 .LBB2_1-.Ltmp5, $3  }
0x253: {  	_ =	sdelay $0x1  }
0x254: {  	[sflag:s9] =	ssyncset.done $0x0  }
0x255: {  	[sflag:s9] =	ssyncadd.s32 $0xFFFFD800  }
0x256: {  	_ =	sfence.sel $0x180000  }
0x257: {  	[bflag:$0x0] =	sbarrier.arrive $0xFFFF  }
0x258: {  	_ =	strace $0x90000047  }
0x259: {  	s0 =	stileid.u32;
	[bflag:$0x2] =	sbarrier.arrive $0xFFFF  }
0x25a: {  	p0 =	sne.s32 s0, $0x0;
	s0 =	rddreg [dreg:$0x5]  }
0x25b: {  	s0 =	sadd.s32 @!p0 $0x100000, s0  }
0x25c: {  	[sflag:s0] =	ssyncadd.tile.s32 @!p0 $0x1;
	_ =	shalt  }
.Lfunc_end2:
_tile_overlayer_lowered:
.L_overlay_start_2:
0x25d: {  	(tag) =	ssettag $0x2  }
0x25e: {  	s0 =	rddreg [dreg:$0x0];
	s2 =	stileid.u32  }
0x25f: {  	s1 =	rddreg [dreg:$0x1];
	p0 =	sne.s32 s2, $0x0  }
0x260: {  	s3 =	rddreg [dreg:$0x2];
	[bflag:$0x3] =	sbarrier.arrive $0xFFFF;
	s2 =	simm.s32 @!p0 $0x1C0B  }
0x261: {  	[timem:s3], [sflag:s2] =	dma.local @!p0 [hbm:s0], s1  }
0x262: {  	s0 =	simm.s32 @!p0 $0xB  }
0x263: {  	_ =	swait.ge @!p0 [sflag:s0], s1  }
0x264: {  	s1 =	ssub.s32 @!p0 $0x0, s1;
	[sflag:s0] =	ssyncset.done @!p0 $0x0  }
0x265: {  	[sflag:s0] =	ssyncadd.s32 @!p0 s1  }
0x266: {  	[bflag:$0x3] =	sbarrier.arrive $0xFFFF  }
0x267: {  	_ =	shalt  }

// kernel: kernel.9.cloned.1.call-start
scs
__scs_entry_jumppad:
0x0: {  	(pc) =	sbr.rel $0x88, $3  }
0x1: {  	(tag) =	ssettag $0x0;
	lr =	simm.s32 $0x1  }
0x2: {  	[smem:$0x3F97] =	sst lr;
	_ =	strace $0xD0000000  }
0x3: {  	_ = 	snop  }
0x4: {  	_ = 	snop  }
0x5: {  	_ = 	snop  }
0x6: {  	_ = 	snop  }
0x7: {  	_ = 	snop  }
__scs_overlays_trampoline_lowered:
0x8: {  	[smem:$0x3FA6] =	sst s0  }
0x9: {  	[smem:$0x3FA7] =	sst s1  }
0xa: {  	[smem:$0x3FA8] =	sst s2  }
0xb: {  	[smem:$0x3FA9] =	sst s3  }
0xc: {  	[smem:$0x3FAA] =	sst s4  }
0xd: {  	[smem:$0x3FAB] =	sst s5  }
0xe: {  	[smem:$0x3FAC] =	sst s6  }
0xf: {  	[smem:$0x3FAD] =	sst s7  }
0x10: {  	[smem:$0x3FAE] =	sst s8  }
0x11: {  	[smem:$0x3FAF] =	sst s9;
	s0 =	simm.s32 @!p0 $0x0  }
0x12: {  	s1 =	sld [smem:$0x3F95];
	s0 =	simm.s32 @p0 $0x1  }
0x13: {  	[smem:$0x3FB0] =	sst s0;
	s0 =	simm.s32 @!p1 $0x0  }
0x14: {  	s2 =	sld [smem:$0x3F94];
	s0 =	simm.s32 @p1 $0x1  }
0x15: {  	[smem:$0x3FB1] =	sst s0;
	s0 =	simm.s32 @!p2 $0x0  }
0x16: {  	s3 =	sld [smem:$0x3FDB];
	s0 =	simm.s32 @p2 $0x1  }
0x17: {  	s4 =	simm.s32 $0x1BF5;
	[smem:$0x3FB3] =	sst s0  }
0x18: {  	s0 =	sld [smem:$0x3F96];
	_ =	swait.ge [sflag:s4], $0x0  }
0x19: {  	s7 =	sld [smem:$0x3F97]  }
0x1a: {  	s8 =	sadd.s32 $0xFFFFE003, lr  }
0x1b: {  	s9 =	sadd.s32 $0xFFFFFEF7, lr;
	s5 =	simm.s32 $0xFFFFFFFF;
	p2 =	slt.u32 s8, $0xFFFFF086  }
0x1c: {  	p1 =	slt.u32 s9, $0xF7A;
	s5 =	simm.s32 @!p2 $0x0  }
0x1d: {  	s5 =	simm.s32 @p1 $0x1;
	p0 =	seq.s32 s7, s2  }
0x1e: {  	s7 =	smul.u32 @!p0 $0xF7A, s2;
	p2 =	seq.s32 @!p0 s5, $0x0  }
0x1f: {  	s9 =	smul.u32 $0xF7A, s1;
	s8 =	simm.s32 @!p0 $0x1BF5;
	p2 =	por !p2, p0  }
0x20: {  	[sflag:s8] =	ssyncset.s32 @!p0 $0xFFFFF086;
	s6 =	sadd.s32 @!p0 s3, s7;
	s7 =	simm.s32 @!p0 $0x108  }
0x21: {  	s3 =	sadd.s32 s3, s9;
	s6 =	sadd.s32 @!p0 $0x88, s6;
	s7 =	simm.s32 @p2 $0x1082  }
0x22: {  	[simem:s7], [sflag:s8] =	dma.local @!p0 [hbm:s6], $0xF7A  }
0x23: {  	s9 =	sor.u32 $0xD0000000, s2;
	s6 =	simm.s32 $0x108;
	_ =	swait.ge @!p0 [sflag:s8], $0x0  }
0x24: {  	s3 =	sadd.s32 $0x88, s3;
	s6 =	simm.s32 @!p1 $0x1082;
	[sflag:s4] =	ssyncset.s32 $0xFFFFF086  }
0x25: {  	[simem:s6], [sflag:s4] =	dma.local [hbm:s3], $0xF7A  }
0x26: {  	[smem:$0x3F97] =	sst s1;
	(tag) =	ssettag s2;
	_ =	strace s9  }
0x27: {  	s1 =	sld [smem:$0x3FA7]  }
0x28: {  	s2 =	sld [smem:$0x3FA8]  }
0x29: {  	s4 =	sld [smem:$0x3FAA]  }
0x2a: {  	p0 =	seq.s32 s5, $0x0;
	s5 =	sld [smem:$0x3FAB]  }
0x2b: {  	s6 =	sld [smem:$0x3FAC]  }
0x2c: {  	s7 =	sld [smem:$0x3FAD]  }
0x2d: {  	s3 =	simm.s32 $0x108;
	s8 =	sld [smem:$0x3FAE]  }
0x2e: {  	s3 =	simm.s32 @!p0 $0x1082;
	s9 =	sld [smem:$0x3FAF]  }
0x2f: {  	lr =	sadd.s32 s0, s3;
	s0 =	sld [smem:$0x3FA6]  }
0x30: {  	s3 =	sld [smem:$0x3FA9]  }
0x31: {  	[smem:$0x3FB2] =	sst s10  }
0x32: {  	s10 =	sld [smem:$0x3FB0];
	_ =	sdelay $0x3  }
0x33: {  	p0 =	seq.s32 s10, $0x1;
	s10 =	sld [smem:$0x3FB2];
	_ =	sdelay $0x3  }
0x34: {  	[smem:$0x3FB2] =	sst s10  }
0x35: {  	s10 =	sld [smem:$0x3FB1];
	_ =	sdelay $0x3  }
0x36: {  	p1 =	seq.s32 s10, $0x1;
	s10 =	sld [smem:$0x3FB2];
	_ =	sdelay $0x3  }
0x37: {  	[smem:$0x3FB2] =	sst s10  }
0x38: {  	s10 =	sld [smem:$0x3FB3]  }
0x39: {  	_ = 	snop;
	(pc) =	sbr.ind lr, $3  }
0x3a: {  	_ = 	snop  }
0x3b: {  	_ = 	snop  }
0x3c: {  	p2 =	seq.s32 s10, $0x1;
	s10 =	sld [smem:$0x3FB2]  }
0x3d: {  	_ =	shalt  }
0x3e: {  	_ =	shalt  }
0x3f: {  	_ =	shalt  }
0x40: {  	_ =	shalt  }
0x41: {  	_ =	shalt  }
0x42: {  	_ =	shalt  }
0x43: {  	_ =	shalt  }
0x44: {  	_ =	shalt  }
0x45: {  	_ =	shalt  }
0x46: {  	_ =	shalt  }
0x47: {  	_ =	shalt  }
0x48: {  	_ =	shalt  }
0x49: {  	_ =	shalt  }
0x4a: {  	_ =	shalt  }
0x4b: {  	_ =	shalt  }
0x4c: {  	_ =	shalt  }
0x4d: {  	_ =	shalt  }
0x4e: {  	_ =	shalt  }
0x4f: {  	_ =	shalt  }
0x50: {  	_ =	shalt  }
0x51: {  	_ =	shalt  }
0x52: {  	_ =	shalt  }
0x53: {  	_ =	shalt  }
0x54: {  	_ =	shalt  }
0x55: {  	_ =	shalt  }
0x56: {  	_ =	shalt  }
0x57: {  	_ =	shalt  }
0x58: {  	_ =	shalt  }
0x59: {  	_ =	shalt  }
0x5a: {  	_ =	shalt  }
0x5b: {  	_ =	shalt  }
0x5c: {  	_ =	shalt  }
0x5d: {  	_ =	shalt  }
0x5e: {  	_ =	shalt  }
0x5f: {  	_ =	shalt  }
0x60: {  	_ =	shalt  }
0x61: {  	_ =	shalt  }
0x62: {  	_ =	shalt  }
0x63: {  	_ =	shalt  }
0x64: {  	_ =	shalt  }
0x65: {  	_ =	shalt  }
0x66: {  	_ =	shalt  }
0x67: {  	_ =	shalt  }
0x68: {  	_ =	shalt  }
0x69: {  	_ =	shalt  }
0x6a: {  	_ =	shalt  }
0x6b: {  	_ =	shalt  }
0x6c: {  	_ =	shalt  }
0x6d: {  	_ =	shalt  }
0x6e: {  	_ =	shalt  }
0x6f: {  	_ =	shalt  }
0x70: {  	_ =	shalt  }
0x71: {  	_ =	shalt  }
0x72: {  	_ =	shalt  }
0x73: {  	_ =	shalt  }
0x74: {  	_ =	shalt  }
0x75: {  	_ =	shalt  }
0x76: {  	_ =	shalt  }
0x77: {  	_ =	shalt  }
0x78: {  	_ =	shalt  }
0x79: {  	_ =	shalt  }
0x7a: {  	_ =	shalt  }
0x7b: {  	_ =	shalt  }
0x7c: {  	_ =	shalt  }
0x7d: {  	_ =	shalt  }
0x7e: {  	_ =	shalt  }
0x7f: {  	_ =	shalt  }
0x80: {  	_ =	shalt  }
0x81: {  	_ =	shalt  }
0x82: {  	_ =	shalt  }
0x83: {  	_ =	shalt  }
0x84: {  	_ =	shalt  }
0x85: {  	_ =	shalt  }
0x86: {  	_ =	shalt  }
0x87: {  	_ =	shalt  }
.Lfunc_end0:
.L_simem_size_0:
called_computation.1_lowered:
.L_overlay_start_0:
0x88: {  	s2 =	sld [smem:$0x3FD9]  }
0x89: {  	s3 =	sld [smem:$0x3FFE];
	_ =	sdelay $0x1  }
0x8a: {  	s1 =	srdreg.scid  }
0x8b: {  	s0 =	sand.u32 $0x1, s1  }
0x8c: {  	s14 =	sshll.u32 s0, $0xA;
	s2 =	sadd.s32 s3, s2  }
0x8d: {  	s2 =	sadd.s32 s2, s14  }
0x8e: {  	[smem:$0x3FBE] =	sst s2  }
0x8f: {  	_ = 	snop  }
0x90: {  	s2 =	sld [smem:$0x3FD0];
	_ =	sdelay $0x2  }
0x91: {  	s15 =	simm.s32 $0xA;
	s4 =	simm.s32 $0x10  }
0x92: {  	[smem:s4], [sflag:s15] =	dma.local [hbm:s2], $0x1  }
0x93: {  	_ =	swait.eq [sflag:s15], $0x1  }
0x94: {  	[sflag:s15] =	ssyncset.done $0x0  }
0x95: {  	s16 =	sld [smem:$0x10];
	[sflag:s15] =	ssyncadd.s32 $0xFFFFFFFF  }
0x96: {  	s17 =	sld [smem:$0x11];
	(tm) =	ssettm $0x1  }
0x97: {  	s18 =	sld [smem:$0x3FFB];
	_ =	sdelay $0x3  }
0x98: {  	_ =	strace s18  }
0x99: {  	s4 =	sld [smem:$0x3FFC];
	_ =	sdelay $0x3  }
0x9a: {  	_ =	strace s4  }
0x9b: {  	s4 =	sld [smem:$0x3FFD];
	_ =	sdelay $0x3  }
0x9c: {  	_ =	strace s4  }
0x9d: {  	_ =	strace $0x8FFFFFFF  }
0x9e: {  	s19 =	sld [smem:$0x3FDB];
	_ =	sdelay $0x1  }
0x9f: {  	s5 =	simm.s32 $_scs_section_size  }
0xa0: {  	s6 =	simm.s32 $_size__tile_overlayer_lowered;
	s7 =	simm.s32 $_tile_overlayer_lowered  }
0xa1: {  	s22 =	simm.s32 $0x1BFF;
	s21 =	sshll.u32 s7, $0x1;
	s4 =	sadd.s32 s5, s19  }
0xa2: {  	s8 =	simm.s32 $0x0;
	s20 =	sshll.u32 s6, $0x1;
	s6 =	sadd.s32 s21, s4  }
0xa3: {  	[timem:s8], [sflag:s22] =	dma.local [hbm:s6], s20  }
0xa4: {  	_ =	swait.ge [sflag:s22], s20  }
0xa5: {  	s5 =	ssub.s32 $0x0, s20;
	[sflag:s22] =	ssyncset.done $0x0  }
0xa6: {  	[sflag:s22] =	ssyncadd.s32 s5;
	_ =	sdelay $0x1  }
0xa7: {  	s23 =	simm.s32 $0x1B8B  }
0xa8: {  	_ =	swait.ge [sflag:s23], $0x1  }
0xa9: {  	[sflag:s23] =	ssyncset.done $0x0  }
0xaa: {  	s25 =	simm.s32 $0x1B8E;
	s24 =	sld [smem:$0x3FFE];
	[sflag:s23] =	ssyncadd.s32 $0xFFFFFFFF  }
0xab: {  	s26 =	simm.s32 $execute0_lowered;
	[smem:$0x3FD2] =	sst s25  }
0xac: {  	s6 =	sshll.u32 s26, $0x1;
	_ =	strace $0x80000049;
	[dreg:$0x1] =	wrdreg $0xFFFFFFFF  }
0xad: {  	s28 =	simm.s32 $_size_execute0_lowered;
	s4 =	sadd.s32 s4, s6;
	[dreg:$0x0] =	wrdreg $0x0  }
0xae: {  	s6 =	sshll.u32 s28, $0x1;
	[dreg:$0x2] =	wrdreg s4  }
0xaf: {  	[dreg:$0x3] =	wrdreg s6  }
0xb0: {  	[dreg:$0x4] =	wrdreg $0xC0  }
0xb1: {  	_ =	task [dreg:s8], $0x5FFFF  }
0xb2: {  	[dreg:$0x1] =	wrdreg $0xFFFFFFFF  }
0xb3: {  	[dreg:$0x0] =	wrdreg $0x60  }
0xb4: {  	[dreg:$0x2] =	wrdreg s16  }
0xb5: {  	[dreg:$0x3] =	wrdreg s17  }
0xb6: {  	[dreg:$0x4] =	wrdreg s24  }
0xb7: {  	[dreg:$0x5] =	wrdreg $0x7B000  }
0xb8: {  	[dreg:$0x6] =	wrdreg $0x9  }
0xb9: {  	_ =	task.clear_ibuf [dreg:s8], $0x7FFFF;
	_ =	strace $0x90000049  }
0xba: {  	s29 =	simm.s32 $0x9;
	_ =	strace $0x8000004B  }
0xbb: {  	_ =	swait.ge [sflag:s29], $0x1  }
0xbc: {  	[sflag:s29] =	ssyncadd.s32 $0xFFFFFFFF  }
0xbd: {  	_ =	strace $0x9000004B  }
0xbe: {  	_ =	sfence  }
0xbf: {  	s30 =	sld [smem:$0x0];
	_ =	sdelay $0x2  }
0xc0: {  	s31 =	sshll.u32 s1, $0xD;
	s1 =	sshrl.u32 s1, $0x2  }
0xc1: {  	s3 =	sand.u32 $0x4000, s31;
	s1 =	sadd.s32 s1, s30  }
0xc2: {  	s0 =	sor.u32 s3, s0;
	s1 =	sshll.u32 s1, $0x11  }
0xc3: {  	s0 =	sor.u32 s1, s0  }
0xc4: {  	s0 =	sadd.s32 $0x8F2B, s0  }
0xc5: {  	[sflag:s0] =	ssyncadd.remote.s32 $0x1  }
0xc6: {  	_ =	sfence.sel $0xFFFF  }
0xc7: {  	[dreg:$0x0] =	wrdreg $0xFFFFFFFF;
	(pc) =	sbr.abs _section_cstart, $3  }
0xc8: {  	[dreg:$0x1] =	wrdreg $0xFFFFFFFF  }
0xc9: {  	_ =	task.clear_ibuf [dreg:s8], $0x2FFFF;
	_ =	strace $0x9FFFFFFF  }
0xca: {  	(tm) =	ssettm $0x7FFFFFFF  }
0xcb: {  	_ =	shalt  }
tec
execute0_lowered:
.L_overlay_start_1:
0x0: {  	(tag) =	ssettag $0x1  }
0x1: {  	s18 =	rddreg [dreg:$0x0]  }
0x2: {  	s19 =	rddreg [dreg:$0x1]  }
0x3: {  	s1 =	rddreg [dreg:$0x2];
	s0 =	srdreg.scid  }
0x4: {  	s4 =	rddreg [dreg:$0x3];
	s20 =	stileid.u32;
	s28 =	simm.s32 $0x100  }
0x5: {  	s29 =	simm.s32 $0x280;
	s30 =	simm.s32 $0x2;
	s31 =	simm.s32 $0x2B00  }
0x6: {  	s2 =	sand.u32 $0x1, s0;
	s6 =	sshll.u32 s20, $0x3;
	s12 =	smul.u32 $0x14000, s20  }
0x7: {  	s3 =	sadd.s32 $0xECC00, s1;
	s7 =	sor.u32 $0x2, s6;
	s10 =	smul.u32 $0x138800, s2  }
0x8: {  	s14 =	sshllo.u32 s20, $0x3;
	s8 =	sor.u32 $0x3, s6;
	s15 =	smul.u32 $0x2800, s7  }
0x9: {  	s0 =	ssub.s32 $0x2, s2;
	s9 =	sor.u32 $0x4, s6;
	s16 =	smul.u32 $0x2800, s8  }
0xa: {  	s11 =	sor.u32 $0x5, s6;
	s17 =	smin.u32 s14, $0x7C;
	s25 =	smul.u32 $0x2800, s9  }
0xb: {  	s5 =	sshrl.u32 s0, $0x1;
	s11 =	smin.u32 s11, $0x7C;
	s7 =	smul.u32 $0xA000, s7  }
0xc: {  	s0 =	ssub.s32 s0, s5;
	s5 =	sor.u32 $0x1, s6;
	s26 =	smul.u32 $0x2800, s11  }
0xd: {  	s6 =	sor.u32 $0x6, s6;
	s12 =	sadd.s32 s12, s10;
	s13 =	smul.u32 $0x2800, s5  }
0xe: {  	s23 =	sadd.s32 s10, s15;
	s15 =	sadd.s32 s10, s25;
	s25 =	smul.u32 $0x27100, s2  }
0xf: {  	s6 =	smin.u32 s6, $0x7C;
	s12 =	sshrl.u32 s12, $0x3;
	s5 =	smul.u32 $0xA000, s5  }
0x10: {  	s24 =	sadd.s32 s10, s16;
	s2 =	sshll.u32 s2, $0x4;
	s21 =	smul.u32 $0x2800, s6  }
0x11: {  	s0 =	smax.u32 s0, $0x1;
	s16 =	sadd.s32 s10, s26;
	s26 =	smul.u32 $0x2710, s20  }
0x12: {  	s12 =	sadd.s32 s3, s12;
	s14 =	sshrl.u32 s24, $0x3;
	s6 =	smul.u32 $0xA000, s6  }
0x13: {  	s13 =	sadd.s32 s10, s13;
	[dreg:$0x5] =	wrdreg s12;
	s14 =	sadd.s32 s3, s14  }
0x14: {  	s5 =	sshrl.u32 s5, $0x2;
	s22 =	sshrl.u32 s13, $0x3;
	s13 =	sshrl.u32 s23, $0x3  }
0x15: {  	[dreg:$0x8] =	wrdreg s14;
	s24 =	sadd.s32 s10, s21;
	s12 =	sadd.s32 s3, s22  }
0x16: {  	s21 =	smul.u32 $0xA000, s9;
	s13 =	sadd.s32 s3, s13;
	[dreg:$0x6] =	wrdreg s12  }
0x17: {  	s14 =	sadd.s32 $0x2600, s1;
	s22 =	smul.u32 $0x2800, s17;
	[dreg:$0x7] =	wrdreg s13  }
0x18: {  	s12 =	sshrl.u32 s15, $0x3;
	s13 =	sshrl.u32 s16, $0x3;
	s15 =	smul.u32 $0x50000, s20  }
0x19: {  	s16 =	sor.u32 s20, s2;
	s20 =	smul.u32 $0xA000, s8;
	s12 =	sadd.s32 s3, s12  }
0x1a: {  	s23 =	sadd.s32 s3, s13;
	s10 =	sadd.s32 s10, s22;
	s13 =	simm.s32 $0x0  }
0x1b: {  	s22 =	sadd.s32 s5, s4;
	s1 =	smul.u32 $0x2710, s16;
	[dreg:$0x9] =	wrdreg s12  }
0x1c: {  	[dreg:$0xa] =	wrdreg s23;
	s12 =	sshrl.u32 s24, $0x3;
	s10 =	sshrl.u32 s10, $0x3  }
0x1d: {  	[smem:$0x7FF] =	sst s13;
	s23 =	smul.u32 $0xA000, s11;
	s24 =	sshrl.u32 s7, $0x2  }
0x1e: {  	s2 =	sshrl.u32 s20, $0x2;
	s7 =	sshrl.u32 s6, $0x2;
	s12 =	sadd.s32 s3, s12  }
0x1f: {  	s3 =	sadd.s32 s3, s10;
	s10 =	sadd.s32 s26, s25;
	s5 =	sadd.s32 s24, s4  }
0x20: {  	s2 =	sadd.s32 s2, s4;
	s25 =	smul.u32 $0xA000, s17;
	[dreg:$0xb] =	wrdreg s12  }
0x21: {  	s26 =	sshrl.u32 s21, $0x2;
	s1 =	sshrl.u32 s1, $0x3;
	[dreg:$0xc] =	wrdreg s3  }
0x22: {  	s3 =	sshrl.u32 s15, $0x2;
	s8 =	sadd.s32 $0xA, s1;
	s9 =	sadd.s32 $0x14, s1  }
0x23: {  	s16 =	sadd.s32 s18, s1;
	_ =	strace $0x8000004A;
	[dreg:$0xe] =	wrdreg s22  }
0x24: {  	s17 =	sadd.s32 $0x1E, s1;
	s20 =	sadd.s32 s19, s1;
	[dreg:$0xf] =	wrdreg s5  }
0x25: {  	s1 =	sadd.s32 $0x28, s1;
	s24 =	sadd.s32 $0x230, s10;
	[dreg:$0x10] =	wrdreg s2  }
0x26: {  	s3 =	sadd.s32 s3, s4;
	s5 =	sadd.s32 s26, s4;
	[dreg:$0x18] =	wrdreg s16  }
0x27: {  	s2 =	sshrl.u32 s25, $0x2;
	s11 =	sadd.s32 s18, s8;
	[dreg:$0x19] =	wrdreg s20  }
0x28: {  	s12 =	sadd.s32 s18, s9;
	s15 =	sadd.s32 s19, s9;
	[dreg:$0x1e] =	wrdreg s0  }
0x29: {  	s21 =	sadd.s32 s18, s17;
	s25 =	sadd.s32 $0x1E0, s10;
	[dreg:$0xd] =	wrdreg s3  }
0x2a: {  	s6 =	sshrl.u32 s24, $0x3;
	s26 =	sadd.s32 $0x190, s10;
	[dreg:$0x11] =	wrdreg s5  }
0x2b: {  	s9 =	simm.s32 $0x300;
	s10 =	simm.s32 $0xA;
	[dreg:$0x14] =	wrdreg s11  }
0x2c: {  	s24 =	simm.s32 $0x1;
	s0 =	simm.s32 $0x5;
	[dreg:$0x16] =	wrdreg s12  }
0x2d: {  	s16 =	simm.s32 $0x9;
	s3 =	sshrl.u32 s23, $0x2;
	[dreg:$0x17] =	wrdreg s15  }
0x2e: {  	s22 =	sadd.s32 s2, s4;
	s2 =	sadd.s32 s19, s8;
	[dreg:$0x1a] =	wrdreg s21  }
0x2f: {  	s23 =	sadd.s32 s18, s1;
	s1 =	sadd.s32 s19, s1;
	s8 =	sshrl.u32 s26, $0x3  }
0x30: {  	s11 =	simm.s32 $0x180;
	s12 =	simm.s32 $0x80;
	s26 =	simm.s32 $0x4  }
0x31: {  	s5 =	simm.s32 $0x3;
	s15 =	simm.s32 $0x8;
	[dreg:$0x15] =	wrdreg s2  }
0x32: {  	s3 =	sadd.s32 s3, s4;
	s2 =	sadd.s32 s19, s17;
	[dreg:$0x1c] =	wrdreg s23  }
0x33: {  	[dreg:$0x1d] =	wrdreg s1;
	s23 =	simm.s32 $0x200;
	s1 =	simm.s32 $0x5300  }
0x34: {  	s17 =	simm.s32 $0x0;
	[dreg:$0x12] =	wrdreg s3;
	s3 =	sadd.s32 s7, s4  }
0x35: {  	[dreg:$0x1b] =	wrdreg s2;
	s7 =	sshrl.u32 s25, $0x3;
	s25 =	simm.s32 $0x50  }
0x36: {  	v0 =	vimm.f32 $0.0e+00;
	s2 =	simm.s32 $0x6;
	[dreg:$0x13] =	wrdreg s3;
	s3 =	simm.s32 $0x7  }
.LBB2_1:
0x37: {  	s18 =	sand.u32 $0xFE00, s13  }
0x38: {  	s19 =	sand.u32 $0x70, s13;
	s20 =	sshrl.u32 s18, $0x2  }
0x39: {  	s18 =	simm.s32 $0x40;
	s20 =	sor.u32 s19, s20;
	s19 =	simm.s32 $0x0  }
.LBB2_2:
0x3a: {  	p0 =	sne.s32 s18, $0x9FC0  }
0x3b: {  	[tilespmem:s20+$0x300] =	vst v0;
	s19 =	sadd.s32 $0x10, s19;
	s20 =	smov.u32 s18;
	s18 =	sadd.s32 $0x40, s18  }
.Ltmp0:
0x3c: {  	(pc) =	sbr.rel @p0 .LBB2_2-.Ltmp0, $4  }
0x3d: {  	_ = 	snop  }
0x3e: {  	s20 =	sand.u32 $0xFE00, s20  }
0x3f: {  	s21 =	sand.u32 $0x70, s19;
	s20 =	sshrl.u32 s20, $0x2  }
0x40: {  	s20 =	sor.u32 s21, s20  }
0x41: {  	[tilespmem:s20+$0x300] =	vst v0;
	s18 =	rddreg [dreg:$0xd]  }
0x42: {  	[spmem:s18] =	stream.linear.scatter [tilespmem:s9], [sflag:$0xA], $0x2800, $0x38;
	[tilespmem:$0x1B380] =	vst v63  }
0x43: {  	s21 =	rddreg [dreg:$0xe]  }
0x44: {  	[spmem:s21] =	stream.linear.scatter [tilespmem:s9], [sflag:$0xA], $0x2800, $0x38;
	[tilespmem:$0x1B380] =	vst v63  }
0x45: {  	s19 =	rddreg [dreg:$0xf]  }
0x46: {  	[spmem:s19] =	stream.linear.scatter [tilespmem:s9], [sflag:$0xA], $0x2800, $0x38;
	[tilespmem:$0x1B380] =	vst v63  }
0x47: {  	s20 =	rddreg [dreg:$0x10]  }
0x48: {  	[spmem:s20] =	stream.linear.scatter [tilespmem:s9], [sflag:$0xA], $0x2800, $0x38;
	[tilespmem:$0x1B380] =	vst v63  }
0x49: {  	s21 =	rddreg [dreg:$0x11]  }
0x4a: {  	[spmem:s21] =	stream.linear.scatter [tilespmem:s9], [sflag:$0xA], $0x2800, $0x38;
	[tilespmem:$0x1B380] =	vst v63  }
0x4b: {  	s19 =	rddreg [dreg:$0x12]  }
0x4c: {  	[spmem:s19] =	stream.linear.scatter [tilespmem:s9], [sflag:$0xA], $0x2800, $0x38;
	[tilespmem:$0x1B380] =	vst v63  }
0x4d: {  	s20 =	rddreg [dreg:$0x13]  }
0x4e: {  	[spmem:s20] =	stream.linear.scatter [tilespmem:s9], [sflag:$0xA], $0x2800, $0x38;
	[tilespmem:$0x1B380] =	vst v63  }
0x4f: {  	_ = 	snop  }
0x50: {  	[spmem:s22] =	stream.linear.scatter [tilespmem:s9], [sflag:$0xA], $0x2800, $0x38;
	[tilespmem:$0x1B380] =	vst v63  }
0x51: {  	_ =	swait.ge [sflag:s10], $0x2800  }
0x52: {  	[sflag:s10] =	ssyncset.done $0x0  }
0x53: {  	[sflag:s10] =	ssyncadd.s32 $0xFFFFD800  }
0x54: {  	_ =	swait.ge [sflag:s10], $0x2800  }
0x55: {  	[sflag:s10] =	ssyncset.done $0x0  }
0x56: {  	[sflag:s10] =	ssyncadd.s32 $0xFFFFD800  }
0x57: {  	_ =	swait.ge [sflag:s10], $0x2800  }
0x58: {  	[sflag:s10] =	ssyncset.done $0x0  }
0x59: {  	[sflag:s10] =	ssyncadd.s32 $0xFFFFD800  }
0x5a: {  	_ =	swait.ge [sflag:s10], $0x2800  }
0x5b: {  	[sflag:s10] =	ssyncset.done $0x0  }
0x5c: {  	[sflag:s10] =	ssyncadd.s32 $0xFFFFD800  }
0x5d: {  	_ =	swait.ge [sflag:s10], $0x2800  }
0x5e: {  	[sflag:s10] =	ssyncset.done $0x0  }
0x5f: {  	[sflag:s10] =	ssyncadd.s32 $0xFFFFD800  }
0x60: {  	_ =	swait.ge [sflag:s10], $0x2800  }
0x61: {  	[sflag:s10] =	ssyncset.done $0x0  }
0x62: {  	[sflag:s10] =	ssyncadd.s32 $0xFFFFD800  }
0x63: {  	_ =	swait.ge [sflag:s10], $0x2800  }
0x64: {  	[sflag:s10] =	ssyncset.done $0x0  }
0x65: {  	[sflag:s10] =	ssyncadd.s32 $0xFFFFD800  }
0x66: {  	_ =	swait.ge [sflag:s10], $0x2800  }
0x67: {  	[sflag:s10] =	ssyncset.done $0x0  }
0x68: {  	[sflag:s10] =	ssyncadd.s32 $0xFFFFD800  }
0x69: {  	[bflag:$0x0] =	sbarrier.arrive $0xFFFF  }
0x6a: {  	s21 =	rddreg [dreg:$0x18]  }
0x6b: {  	[tilespmem:s13], [sflag:$0x1] =	stream.linear.gather [hbm4b:s21+s13], $0x50, $0x38;
	[tilespmem:$0x1B380] =	vst v63  }
0x6c: {  	s19 =	rddreg [dreg:$0x19]  }
0x6d: {  	[tilespmem:s11], [sflag:$0x4] =	stream.linear.gather [hbm4b:s19+s13], $0x50, $0x38;
	[tilespmem:$0x1B380] =	vst v63  }
0x6e: {  	s20 =	rddreg [dreg:$0x14]  }
0x6f: {  	[tilespmem:s12], [sflag:$0x2] =	stream.linear.gather [hbm4b:s20+s13], $0x50, $0x38;
	[tilespmem:$0x1B380] =	vst v63  }
0x70: {  	s21 =	rddreg [dreg:$0x15]  }
0x71: {  	[tilespmem:s23], [sflag:$0x5] =	stream.linear.gather [hbm4b:s21+s13], $0x50, $0x38;
	[tilespmem:$0x1B380] =	vst v63  }
0x72: {  	_ =	swait.ge [sflag:s24], $0x50  }
0x73: {  	[sflag:s24] =	ssyncset.done $0x0  }
0x74: {  	[sflag:s24] =	ssyncadd.s32 $0xFFFFFFB0  }
0x75: {  	[tilespmem:s9], [sflag:$0xA] =	stream.indirect.gather [hbm4b:s14+s25], $0x80, s13, s25, $0xb8;
	[tilespmem:$0x1B380] =	vst v63  }
0x76: {  	_ =	swait.ge [sflag:s10], $0x2800  }
0x77: {  	[sflag:s10] =	ssyncset.done $0x0  }
0x78: {  	[sflag:s10] =	ssyncadd.s32 $0xFFFFD800  }
0x79: {  	_ =	swait.ge [sflag:s26], $0x50  }
0x7a: {  	[sflag:s26] =	ssyncset.done $0x0  }
0x7b: {  	[sflag:s26] =	ssyncadd.s32 $0xFFFFFFB0  }
0x7c: {  	[spmem:s4] =	stream.indirect.scatter.add.f32 [tilespmem:s9], [sflag:$0x7], $0x80, s11, s25, $0xb8;
	[tilespmem:$0x1B380] =	vst v63  }
0x7d: {  	s19 =	rddreg [dreg:$0x16]  }
0x7e: {  	[tilespmem:s28], [sflag:$0x3] =	stream.linear.gather [hbm4b:s19+s13], $0x50, $0x38;
	[tilespmem:$0x1B380] =	vst v63  }
0x7f: {  	s20 =	rddreg [dreg:$0x17]  }
0x80: {  	[tilespmem:s29], [sflag:$0x6] =	stream.linear.gather [hbm4b:s20+s13], $0x50, $0x38;
	[tilespmem:$0x1B380] =	vst v63  }
0x81: {  	_ =	swait.ge [sflag:s30], $0x50  }
0x82: {  	[sflag:s30] =	ssyncset.done $0x0  }
0x83: {  	[sflag:s30] =	ssyncadd.s32 $0xFFFFFFB0  }
0x84: {  	[tilespmem:s31], [sflag:$0xA] =	stream.indirect.gather [hbm4b:s14+s25], $0x80, s12, s25, $0xb8;
	[tilespmem:$0x1B380] =	vst v63  }
0x85: {  	_ =	swait.ge [sflag:s10], $0x2800  }
0x86: {  	[sflag:s10] =	ssyncset.done $0x0  }
0x87: {  	[sflag:s10] =	ssyncadd.s32 $0xFFFFD800  }
0x88: {  	_ =	swait.ge [sflag:s0], $0x50  }
0x89: {  	[sflag:s0] =	ssyncset.done $0x0  }
0x8a: {  	[sflag:s0] =	ssyncadd.s32 $0xFFFFFFB0  }
0x8b: {  	[spmem:s4] =	stream.indirect.scatter.add.f32 [tilespmem:s31], [sflag:$0x8], $0x80, s23, s25, $0xb8;
	[tilespmem:$0x1B380] =	vst v63  }
0x8c: {  	_ =	swait.ge [sflag:s3], $0x2800  }
0x8d: {  	[sflag:s3] =	ssyncset.done $0x0  }
0x8e: {  	s21 =	rddreg [dreg:$0x1a];
	[sflag:s3] =	ssyncadd.s32 $0xFFFFD800  }
0x8f: {  	[tilespmem:s13], [sflag:$0x1] =	stream.linear.gather [hbm4b:s21+s13], $0x50, $0x38;
	[tilespmem:$0x1B380] =	vst v63  }
0x90: {  	s19 =	rddreg [dreg:$0x1b]  }
0x91: {  	[tilespmem:s11], [sflag:$0x4] =	stream.linear.gather [hbm4b:s19+s13], $0x50, $0x38;
	[tilespmem:$0x1B380] =	vst v63  }
0x92: {  	_ =	swait.ge [sflag:s5], $0x50  }
0x93: {  	[sflag:s5] =	ssyncset.done $0x0  }
0x94: {  	[sflag:s5] =	ssyncadd.s32 $0xFFFFFFB0  }
0x95: {  	[tilespmem:s1], [sflag:$0xA] =	stream.indirect.gather [hbm4b:s14+s25], $0x80, s28, s25, $0xb8;
	[tilespmem:$0x1B380] =	vst v63  }
0x96: {  	_ =	swait.ge [sflag:s10], $0x2800  }
0x97: {  	[sflag:s10] =	ssyncset.done $0x0  }
0x98: {  	[sflag:s10] =	ssyncadd.s32 $0xFFFFD800  }
0x99: {  	_ =	swait.ge [sflag:s2], $0x50  }
0x9a: {  	[sflag:s2] =	ssyncset.done $0x0  }
0x9b: {  	[sflag:s2] =	ssyncadd.s32 $0xFFFFFFB0  }
0x9c: {  	[spmem:s4] =	stream.indirect.scatter.add.f32 [tilespmem:s1], [sflag:$0x9], $0x80, s29, s25, $0xb8;
	[tilespmem:$0x1B380] =	vst v63  }
0x9d: {  	_ =	swait.ge [sflag:s15], $0x2800  }
0x9e: {  	[sflag:s15] =	ssyncset.done $0x0  }
0x9f: {  	s20 =	rddreg [dreg:$0x1c];
	[sflag:s15] =	ssyncadd.s32 $0xFFFFD800  }
0xa0: {  	[tilespmem:s12], [sflag:$0x2] =	stream.linear.gather [hbm4b:s20+s13], $0x50, $0x38;
	[tilespmem:$0x1B380] =	vst v63  }
0xa1: {  	s21 =	rddreg [dreg:$0x1d]  }
0xa2: {  	[tilespmem:s23], [sflag:$0x5] =	stream.linear.gather [hbm4b:s21+s13], $0x50, $0x38;
	[tilespmem:$0x1B380] =	vst v63  }
0xa3: {  	_ =	swait.ge [sflag:s24], $0x50  }
0xa4: {  	[sflag:s24] =	ssyncset.done $0x0  }
0xa5: {  	[sflag:s24] =	ssyncadd.s32 $0xFFFFFFB0  }
0xa6: {  	[tilespmem:s9], [sflag:$0xA] =	stream.indirect.gather [hbm4b:s14+s25], $0x80, s13, s25, $0xb8;
	[tilespmem:$0x1B380] =	vst v63  }
0xa7: {  	_ =	swait.ge [sflag:s10], $0x2800  }
0xa8: {  	[sflag:s10] =	ssyncset.done $0x0  }
0xa9: {  	[sflag:s10] =	ssyncadd.s32 $0xFFFFD800  }
0xaa: {  	_ =	swait.ge [sflag:s26], $0x50  }
0xab: {  	[sflag:s26] =	ssyncset.done $0x0  }
0xac: {  	[sflag:s26] =	ssyncadd.s32 $0xFFFFFFB0  }
0xad: {  	[spmem:s4] =	stream.indirect.scatter.add.f32 [tilespmem:s9], [sflag:$0x7], $0x80, s11, s25, $0xb8;
	[tilespmem:$0x1B380] =	vst v63  }
0xae: {  	_ =	swait.ge [sflag:s16], $0x2800  }
0xaf: {  	[sflag:s16] =	ssyncset.done $0x0  }
0xb0: {  	[sflag:s16] =	ssyncadd.s32 $0xFFFFD800  }
0xb1: {  	s20 =	rddreg [dreg:$0x0]  }
0xb2: {  	s19 =	sadd.s32 s20, s8  }
0xb3: {  	[tilespmem:s28], [sflag:$0x3] =	stream.linear.gather [hbm4b:s19+s13], $0x50, $0x38;
	[tilespmem:$0x1B380] =	vst v63  }
0xb4: {  	s19 =	rddreg [dreg:$0x1]  }
0xb5: {  	s21 =	sadd.s32 s19, s8  }
0xb6: {  	[tilespmem:s29], [sflag:$0x6] =	stream.linear.gather [hbm4b:s21+s13], $0x50, $0x38;
	[tilespmem:$0x1B380] =	vst v63  }
0xb7: {  	_ =	swait.ge [sflag:s30], $0x50  }
0xb8: {  	[sflag:s30] =	ssyncset.done $0x0  }
0xb9: {  	[sflag:s30] =	ssyncadd.s32 $0xFFFFFFB0  }
0xba: {  	[tilespmem:s31], [sflag:$0xA] =	stream.indirect.gather [hbm4b:s14+s25], $0x80, s12, s25, $0xb8;
	[tilespmem:$0x1B380] =	vst v63  }
0xbb: {  	_ =	swait.ge [sflag:s10], $0x2800  }
0xbc: {  	[sflag:s10] =	ssyncset.done $0x0  }
0xbd: {  	[sflag:s10] =	ssyncadd.s32 $0xFFFFD800  }
0xbe: {  	_ =	swait.ge [sflag:s0], $0x50  }
0xbf: {  	[sflag:s0] =	ssyncset.done $0x0  }
0xc0: {  	[sflag:s0] =	ssyncadd.s32 $0xFFFFFFB0  }
0xc1: {  	[spmem:s4] =	stream.indirect.scatter.add.f32 [tilespmem:s31], [sflag:$0x8], $0x80, s23, s25, $0xb8;
	[tilespmem:$0x1B380] =	vst v63  }
0xc2: {  	_ =	swait.ge [sflag:s3], $0x2800  }
0xc3: {  	[sflag:s3] =	ssyncset.done $0x0  }
0xc4: {  	s21 =	sadd.s32 s20, s7;
	[sflag:s3] =	ssyncadd.s32 $0xFFFFD800  }
0xc5: {  	[tilespmem:s13], [sflag:$0x1] =	stream.linear.gather [hbm4b:s21+s13], $0x50, $0x38;
	[tilespmem:$0x1B380] =	vst v63  }
0xc6: {  	s21 =	sadd.s32 s19, s7  }
0xc7: {  	[tilespmem:s11], [sflag:$0x4] =	stream.linear.gather [hbm4b:s21+s13], $0x50, $0x38;
	[tilespmem:$0x1B380] =	vst v63  }
0xc8: {  	_ =	swait.ge [sflag:s5], $0x50  }
0xc9: {  	[sflag:s5] =	ssyncset.done $0x0  }
0xca: {  	[sflag:s5] =	ssyncadd.s32 $0xFFFFFFB0  }
0xcb: {  	[tilespmem:s1], [sflag:$0xA] =	stream.indirect.gather [hbm4b:s14+s25], $0x80, s28, s25, $0xb8;
	[tilespmem:$0x1B380] =	vst v63  }
0xcc: {  	_ =	swait.ge [sflag:s10], $0x2800  }
0xcd: {  	[sflag:s10] =	ssyncset.done $0x0  }
0xce: {  	[sflag:s10] =	ssyncadd.s32 $0xFFFFD800  }
0xcf: {  	_ =	swait.ge [sflag:s2], $0x50  }
0xd0: {  	[sflag:s2] =	ssyncset.done $0x0  }
0xd1: {  	[sflag:s2] =	ssyncadd.s32 $0xFFFFFFB0  }
0xd2: {  	[spmem:s4] =	stream.indirect.scatter.add.f32 [tilespmem:s1], [sflag:$0x9], $0x80, s29, s25, $0xb8;
	[tilespmem:$0x1B380] =	vst v63  }
0xd3: {  	_ =	swait.ge [sflag:s15], $0x2800  }
0xd4: {  	[sflag:s15] =	ssyncset.done $0x0  }
0xd5: {  	s18 =	simm.s32 $0x27;
	s21 =	sadd.s32 s20, s6;
	[sflag:s15] =	ssyncadd.s32 $0xFFFFD800  }
0xd6: {  	[tilespmem:s12], [sflag:$0x2] =	stream.linear.gather [hbm4b:s21+s13], $0x50, $0x38;
	[tilespmem:$0x1B380] =	vst v63  }
0xd7: {  	s20 =	sadd.s32 $0x1E, s20;
	s21 =	sadd.s32 s19, s6;
	s19 =	sadd.s32 $0x1E, s19  }
.LBB2_4:
0xd8: {  	[tilespmem:s23], [sflag:$0x5] =	stream.linear.gather [hbm4b:s21+s13], $0x50, $0x38;
	[tilespmem:$0x1B380] =	vst v63  }
0xd9: {  	p0 =	sne.s32 s18, $0x1;
	s18 =	sadd.s32 $0xFFFFFFFF, s18;
	_ =	swait.ge [sflag:s24], $0x50  }
0xda: {  	[sflag:s24] =	ssyncset.done $0x0  }
0xdb: {  	[sflag:s24] =	ssyncadd.s32 $0xFFFFFFB0  }
0xdc: {  	[tilespmem:s9], [sflag:$0xA] =	stream.indirect.gather [hbm4b:s14+s25], $0x80, s13, s25, $0xb8;
	[tilespmem:$0x1B380] =	vst v63  }
0xdd: {  	_ =	swait.ge [sflag:s10], $0x2800  }
0xde: {  	[sflag:s10] =	ssyncset.done $0x0  }
0xdf: {  	[sflag:s10] =	ssyncadd.s32 $0xFFFFD800  }
0xe0: {  	_ =	swait.ge [sflag:s26], $0x50  }
0xe1: {  	[sflag:s26] =	ssyncset.done $0x0  }
0xe2: {  	[sflag:s26] =	ssyncadd.s32 $0xFFFFFFB0  }
0xe3: {  	[spmem:s4] =	stream.indirect.scatter.add.f32 [tilespmem:s9], [sflag:$0x7], $0x80, s11, s25, $0xb8;
	[tilespmem:$0x1B380] =	vst v63  }
0xe4: {  	_ =	swait.ge [sflag:s16], $0x2800  }
0xe5: {  	[sflag:s16] =	ssyncset.done $0x0  }
0xe6: {  	s21 =	sadd.s32 s20, s8;
	[sflag:s16] =	ssyncadd.s32 $0xFFFFD800  }
0xe7: {  	[tilespmem:s28], [sflag:$0x3] =	stream.linear.gather [hbm4b:s21+s13], $0x50, $0x38;
	[tilespmem:$0x1B380] =	vst v63  }
0xe8: {  	s21 =	sadd.s32 s19, s8  }
0xe9: {  	[tilespmem:s29], [sflag:$0x6] =	stream.linear.gather [hbm4b:s21+s13], $0x50, $0x38;
	[tilespmem:$0x1B380] =	vst v63  }
0xea: {  	_ =	swait.ge [sflag:s30], $0x50  }
0xeb: {  	[sflag:s30] =	ssyncset.done $0x0  }
0xec: {  	[sflag:s30] =	ssyncadd.s32 $0xFFFFFFB0  }
0xed: {  	[tilespmem:s31], [sflag:$0xA] =	stream.indirect.gather [hbm4b:s14+s25], $0x80, s12, s25, $0xb8;
	[tilespmem:$0x1B380] =	vst v63  }
0xee: {  	_ =	swait.ge [sflag:s10], $0x2800  }
0xef: {  	[sflag:s10] =	ssyncset.done $0x0  }
0xf0: {  	[sflag:s10] =	ssyncadd.s32 $0xFFFFD800  }
0xf1: {  	_ =	swait.ge [sflag:s0], $0x50  }
0xf2: {  	[sflag:s0] =	ssyncset.done $0x0  }
0xf3: {  	[sflag:s0] =	ssyncadd.s32 $0xFFFFFFB0  }
0xf4: {  	[spmem:s4] =	stream.indirect.scatter.add.f32 [tilespmem:s31], [sflag:$0x8], $0x80, s23, s25, $0xb8;
	[tilespmem:$0x1B380] =	vst v63  }
0xf5: {  	_ =	swait.ge [sflag:s3], $0x2800  }
0xf6: {  	[sflag:s3] =	ssyncset.done $0x0  }
0xf7: {  	s21 =	sadd.s32 s20, s7;
	[sflag:s3] =	ssyncadd.s32 $0xFFFFD800  }
0xf8: {  	[tilespmem:s13], [sflag:$0x1] =	stream.linear.gather [hbm4b:s21+s13], $0x50, $0x38;
	[tilespmem:$0x1B380] =	vst v63  }
0xf9: {  	s21 =	sadd.s32 s19, s7  }
0xfa: {  	[tilespmem:s11], [sflag:$0x4] =	stream.linear.gather [hbm4b:s21+s13], $0x50, $0x38;
	[tilespmem:$0x1B380] =	vst v63  }
0xfb: {  	_ =	swait.ge [sflag:s5], $0x50  }
0xfc: {  	[sflag:s5] =	ssyncset.done $0x0  }
0xfd: {  	[sflag:s5] =	ssyncadd.s32 $0xFFFFFFB0  }
0xfe: {  	[tilespmem:s1], [sflag:$0xA] =	stream.indirect.gather [hbm4b:s14+s25], $0x80, s28, s25, $0xb8;
	[tilespmem:$0x1B380] =	vst v63  }
0xff: {  	_ =	swait.ge [sflag:s10], $0x2800  }
0x100: {  	[sflag:s10] =	ssyncset.done $0x0  }
0x101: {  	[sflag:s10] =	ssyncadd.s32 $0xFFFFD800  }
0x102: {  	_ =	swait.ge [sflag:s2], $0x50  }
0x103: {  	[sflag:s2] =	ssyncset.done $0x0  }
0x104: {  	[sflag:s2] =	ssyncadd.s32 $0xFFFFFFB0  }
0x105: {  	[spmem:s4] =	stream.indirect.scatter.add.f32 [tilespmem:s1], [sflag:$0x9], $0x80, s29, s25, $0xb8;
	[tilespmem:$0x1B380] =	vst v63  }
.Ltmp1:
0x106: {  	_ =	swait.ge [sflag:s15], $0x2800;
	(pc) =	sbr.rel @p0 .LBB2_4-.Ltmp1, $4  }
0x107: {  	[sflag:s15] =	ssyncset.done $0x0  }
0x108: {  	s21 =	sadd.s32 s20, s6;
	[sflag:s15] =	ssyncadd.s32 $0xFFFFD800  }
0x109: {  	[tilespmem:s12], [sflag:$0x2] =	stream.linear.gather [hbm4b:s21+s13], $0x50, $0x38;
	[tilespmem:$0x1B380] =	vst v63  }
0x10a: {  	s20 =	sadd.s32 $0x1E, s20;
	s21 =	sadd.s32 s19, s6;
	s19 =	sadd.s32 $0x1E, s19  }
0x10b: {  	[tilespmem:s23], [sflag:$0x5] =	stream.linear.gather [hbm4b:s21+s13], $0x50, $0x38;
	[tilespmem:$0x1B380] =	vst v63  }
0x10c: {  	_ =	swait.ge [sflag:s24], $0x50  }
0x10d: {  	[sflag:s24] =	ssyncset.done $0x0  }
0x10e: {  	[sflag:s24] =	ssyncadd.s32 $0xFFFFFFB0  }
0x10f: {  	[tilespmem:s9], [sflag:$0xA] =	stream.indirect.gather [hbm4b:s14+s25], $0x80, s13, s25, $0xb8;
	[tilespmem:$0x1B380] =	vst v63  }
0x110: {  	_ =	swait.ge [sflag:s10], $0x2800  }
0x111: {  	[sflag:s10] =	ssyncset.done $0x0  }
0x112: {  	[sflag:s10] =	ssyncadd.s32 $0xFFFFD800  }
0x113: {  	_ =	swait.ge [sflag:s26], $0x50  }
0x114: {  	[sflag:s26] =	ssyncset.done $0x0  }
0x115: {  	[sflag:s26] =	ssyncadd.s32 $0xFFFFFFB0  }
0x116: {  	[spmem:s4] =	stream.indirect.scatter.add.f32 [tilespmem:s9], [sflag:$0x7], $0x80, s11, s25, $0xb8;
	[tilespmem:$0x1B380] =	vst v63  }
0x117: {  	_ =	swait.ge [sflag:s30], $0x50  }
0x118: {  	[sflag:s30] =	ssyncset.done $0x0  }
0x119: {  	[sflag:s30] =	ssyncadd.s32 $0xFFFFFFB0  }
0x11a: {  	[tilespmem:s31], [sflag:$0xA] =	stream.indirect.gather [hbm4b:s14+s25], $0x80, s12, s25, $0xb8;
	[tilespmem:$0x1B380] =	vst v63  }
0x11b: {  	_ =	swait.ge [sflag:s10], $0x2800  }
0x11c: {  	[sflag:s10] =	ssyncset.done $0x0  }
0x11d: {  	[sflag:s10] =	ssyncadd.s32 $0xFFFFD800  }
0x11e: {  	_ =	swait.ge [sflag:s0], $0x50  }
0x11f: {  	[sflag:s0] =	ssyncset.done $0x0  }
0x120: {  	[sflag:s0] =	ssyncadd.s32 $0xFFFFFFB0  }
0x121: {  	[spmem:s4] =	stream.indirect.scatter.add.f32 [tilespmem:s31], [sflag:$0x8], $0x80, s23, s25, $0xb8;
	[tilespmem:$0x1B380] =	vst v63  }
0x122: {  	_ =	swait.ge [sflag:s16], $0x2800  }
0x123: {  	[sflag:s16] =	ssyncset.done $0x0  }
0x124: {  	[sflag:s16] =	ssyncadd.s32 $0xFFFFD800  }
0x125: {  	_ =	swait.ge [sflag:s3], $0x2800  }
0x126: {  	[sflag:s3] =	ssyncset.done $0x0  }
0x127: {  	[sflag:s3] =	ssyncadd.s32 $0xFFFFD800  }
0x128: {  	_ =	swait.ge [sflag:s15], $0x2800  }
0x129: {  	[sflag:s15] =	ssyncset.done $0x0  }
0x12a: {  	[sflag:s15] =	ssyncadd.s32 $0xFFFFD800  }
0x12b: {  	[bflag:$0x0] =	sbarrier.arrive $0xFFFF  }
0x12c: {  	s18 =	rddreg [dreg:$0xd]  }
0x12d: {  	[tilespmem:s9], [sflag:$0xA] =	stream.linear.gather [spmem:s18], $0x2800, $0x38;
	[tilespmem:$0x1B380] =	vst v63  }
0x12e: {  	s19 =	rddreg [dreg:$0xe]  }
0x12f: {  	[tilespmem:s31], [sflag:$0x7] =	stream.linear.gather [spmem:s19], $0x2800, $0x38;
	[tilespmem:$0x1B380] =	vst v63  }
0x130: {  	_ =	swait.ge [sflag:s10], $0x2800  }
0x131: {  	[sflag:s10] =	ssyncset.done $0x0  }
0x132: {  	s20 =	rddreg [dreg:$0x5];
	[sflag:s10] =	ssyncadd.s32 $0xFFFFD800  }
0x133: {  	[hbm4b:s20+s13] =	stream.linear.scatter [tilespmem:s9], [sflag:$0xA], $0x2800, $0x38;
	[tilespmem:$0x1B380] =	vst v63  }
0x134: {  	_ =	swait.ge [sflag:s10], $0x2800  }
0x135: {  	[sflag:s10] =	ssyncset.done $0x0  }
0x136: {  	s21 =	rddreg [dreg:$0xf];
	[sflag:s10] =	ssyncadd.s32 $0xFFFFD800  }
0x137: {  	[tilespmem:s9], [sflag:$0xA] =	stream.linear.gather [spmem:s21], $0x2800, $0x38;
	[tilespmem:$0x1B380] =	vst v63  }
0x138: {  	_ =	swait.ge [sflag:s3], $0x2800  }
0x139: {  	[sflag:s3] =	ssyncset.done $0x0  }
0x13a: {  	s19 =	rddreg [dreg:$0x6];
	[sflag:s3] =	ssyncadd.s32 $0xFFFFD800  }
0x13b: {  	[hbm4b:s19+s13] =	stream.linear.scatter [tilespmem:s31], [sflag:$0x7], $0x2800, $0x38;
	[tilespmem:$0x1B380] =	vst v63  }
0x13c: {  	_ =	swait.ge [sflag:s3], $0x2800  }
0x13d: {  	[sflag:s3] =	ssyncset.done $0x0  }
0x13e: {  	s20 =	rddreg [dreg:$0x10];
	[sflag:s3] =	ssyncadd.s32 $0xFFFFD800  }
0x13f: {  	[tilespmem:s31], [sflag:$0x7] =	stream.linear.gather [spmem:s20], $0x2800, $0x38;
	[tilespmem:$0x1B380] =	vst v63  }
0x140: {  	_ =	swait.ge [sflag:s10], $0x2800  }
0x141: {  	[sflag:s10] =	ssyncset.done $0x0  }
0x142: {  	s21 =	rddreg [dreg:$0x7];
	[sflag:s10] =	ssyncadd.s32 $0xFFFFD800  }
0x143: {  	[hbm4b:s21+s13] =	stream.linear.scatter [tilespmem:s9], [sflag:$0xA], $0x2800, $0x38;
	[tilespmem:$0x1B380] =	vst v63  }
0x144: {  	_ =	swait.ge [sflag:s10], $0x2800  }
0x145: {  	[sflag:s10] =	ssyncset.done $0x0  }
0x146: {  	s19 =	rddreg [dreg:$0x11];
	[sflag:s10] =	ssyncadd.s32 $0xFFFFD800  }
0x147: {  	[tilespmem:s9], [sflag:$0xA] =	stream.linear.gather [spmem:s19], $0x2800, $0x38;
	[tilespmem:$0x1B380] =	vst v63  }
0x148: {  	_ =	swait.ge [sflag:s3], $0x2800  }
0x149: {  	[sflag:s3] =	ssyncset.done $0x0  }
0x14a: {  	s20 =	rddreg [dreg:$0x8];
	[sflag:s3] =	ssyncadd.s32 $0xFFFFD800  }
0x14b: {  	[hbm4b:s20+s13] =	stream.linear.scatter [tilespmem:s31], [sflag:$0x7], $0x2800, $0x38;
	[tilespmem:$0x1B380] =	vst v63  }
0x14c: {  	_ =	swait.ge [sflag:s3], $0x2800  }
0x14d: {  	[sflag:s3] =	ssyncset.done $0x0  }
0x14e: {  	s21 =	rddreg [dreg:$0x12];
	[sflag:s3] =	ssyncadd.s32 $0xFFFFD800  }
0x14f: {  	[tilespmem:s31], [sflag:$0x7] =	stream.linear.gather [spmem:s21], $0x2800, $0x38;
	[tilespmem:$0x1B380] =	vst v63  }
0x150: {  	_ =	swait.ge [sflag:s10], $0x2800  }
0x151: {  	[sflag:s10] =	ssyncset.done $0x0  }
0x152: {  	s19 =	rddreg [dreg:$0x9];
	[sflag:s10] =	ssyncadd.s32 $0xFFFFD800  }
0x153: {  	[hbm4b:s19+s13] =	stream.linear.scatter [tilespmem:s9], [sflag:$0xA], $0x2800, $0x38;
	[tilespmem:$0x1B380] =	vst v63  }
0x154: {  	_ =	swait.ge [sflag:s10], $0x2800  }
0x155: {  	[sflag:s10] =	ssyncset.done $0x0  }
0x156: {  	s20 =	rddreg [dreg:$0x13];
	[sflag:s10] =	ssyncadd.s32 $0xFFFFD800  }
0x157: {  	[tilespmem:s9], [sflag:$0xA] =	stream.linear.gather [spmem:s20], $0x2800, $0x38;
	[tilespmem:$0x1B380] =	vst v63  }
0x158: {  	_ =	swait.ge [sflag:s3], $0x2800  }
0x159: {  	[sflag:s3] =	ssyncset.done $0x0  }
0x15a: {  	s21 =	rddreg [dreg:$0xa];
	[sflag:s3] =	ssyncadd.s32 $0xFFFFD800  }
0x15b: {  	[hbm4b:s21+s13] =	stream.linear.scatter [tilespmem:s31], [sflag:$0x7], $0x2800, $0x38;
	[tilespmem:$0x1B380] =	vst v63  }
0x15c: {  	_ =	swait.ge [sflag:s3], $0x2800  }
0x15d: {  	[sflag:s3] =	ssyncset.done $0x0  }
0x15e: {  	[sflag:s3] =	ssyncadd.s32 $0xFFFFD800  }
0x15f: {  	[tilespmem:s31], [sflag:$0x7] =	stream.linear.gather [spmem:s22], $0x2800, $0x38;
	[tilespmem:$0x1B380] =	vst v63  }
0x160: {  	_ =	swait.ge [sflag:s10], $0x2800  }
0x161: {  	[sflag:s10] =	ssyncset.done $0x0  }
0x162: {  	s19 =	rddreg [dreg:$0xb];
	[sflag:s10] =	ssyncadd.s32 $0xFFFFD800  }
0x163: {  	[hbm4b:s19+s13] =	stream.linear.scatter [tilespmem:s9], [sflag:$0xA], $0x2800, $0x38;
	[tilespmem:$0x1B380] =	vst v63  }
0x164: {  	_ =	swait.ge [sflag:s3], $0x2800  }
0x165: {  	[sflag:s3] =	ssyncset.done $0x0  }
0x166: {  	s20 =	rddreg [dreg:$0xc];
	[sflag:s3] =	ssyncadd.s32 $0xFFFFD800  }
0x167: {  	[hbm4b:s20+s13] =	stream.linear.scatter [tilespmem:s31], [sflag:$0x7], $0x2800, $0x38;
	[tilespmem:$0x1B380] =	vst v63  }
0x168: {  	_ =	swait.ge [sflag:s10], $0x2800  }
0x169: {  	[sflag:s10] =	ssyncset.done $0x0  }
0x16a: {  	[sflag:s10] =	ssyncadd.s32 $0xFFFFD800  }
0x16b: {  	_ =	swait.ge [sflag:s3], $0x2800  }
0x16c: {  	s17 =	sadd.s32 $0x1, s17;
	s21 =	rddreg [dreg:$0x1e]  }
0x16d: {  	p0 =	sne.s32 s17, s21  }
.Ltmp2:
0x16e: {  	_ = 	snop;
	(pc) =	sbr.rel @p0 .LBB2_1-.Ltmp2, $3  }
0x16f: {  	_ =	sdelay $0x1  }
0x170: {  	[sflag:s3] =	ssyncset.done $0x0  }
0x171: {  	[sflag:s3] =	ssyncadd.s32 $0xFFFFD800  }
0x172: {  	_ =	sfence.sel $0x180000  }
0x173: {  	[bflag:$0x0] =	sbarrier.arrive $0xFFFF  }
0x174: {  	_ =	strace $0x9000004A  }
0x175: {  	s0 =	stileid.u32;
	[bflag:$0x2] =	sbarrier.arrive $0xFFFF  }
0x176: {  	p0 =	sne.s32 s0, $0x0;
	s0 =	rddreg [dreg:$0x4]  }
0x177: {  	s0 =	sadd.s32 @!p0 $0x100000, s0  }
0x178: {  	[sflag:s0] =	ssyncadd.tile.s32 @!p0 $0x1;
	_ =	shalt  }
.Lfunc_end2:
_tile_overlayer_lowered:
.L_overlay_start_2:
0x179: {  	(tag) =	ssettag $0x2  }
0x17a: {  	s0 =	rddreg [dreg:$0x0];
	s2 =	stileid.u32  }
0x17b: {  	s1 =	rddreg [dreg:$0x1];
	p0 =	sne.s32 s2, $0x0  }
0x17c: {  	s3 =	rddreg [dreg:$0x2];
	[bflag:$0x3] =	sbarrier.arrive $0xFFFF;
	s2 =	simm.s32 @!p0 $0x1C0B  }
0x17d: {  	[timem:s3], [sflag:s2] =	dma.local @!p0 [hbm:s0], s1  }
0x17e: {  	s0 =	simm.s32 @!p0 $0xB  }
0x17f: {  	_ =	swait.ge @!p0 [sflag:s0], s1  }
0x180: {  	s1 =	ssub.s32 @!p0 $0x0, s1;
	[sflag:s0] =	ssyncset.done @!p0 $0x0  }
0x181: {  	[sflag:s0] =	ssyncadd.s32 @!p0 s1  }
0x182: {  	[bflag:$0x3] =	sbarrier.arrive $0xFFFF  }
0x183: {  	_ =	shalt  }

</sc_bundles>
